<compile_context>
chip_gen: v7x
topology: tpu7x:2x2x1
jax: 0.10.2.dev20260603
libtpu: 0.0.44.dev20260713+nightly
codegen_flags: <defaults>
</compile_context>

<pallas_src>
import functools

import jax
import jax.numpy as jnp
from jax import lax
from jax.experimental import pallas as pl
from jax.experimental.pallas import tpu as pltpu
from jax.experimental.pallas import tpu_sc as plsc

N_NODES = 10000
N_EDGES = 320000
D = 128

NP = 10240
NDUMP = 128
NROWS = NP + NDUMP
NTILES = 32
EPW = 10240
EP = NTILES * EPW
CHUNK = 128
NCHUNK = EPW // CHUNK
SUP = 40
ZROWS = NROWS // 16
OROWS = NP // 16

_mesh = plsc.VectorSubcoreMesh(core_axis_name="c", subcore_axis_name="s")



@functools.partial(
    pl.kernel,
    mesh=_mesh,
    out_type=[
        jax.ShapeDtypeStruct((2 * NP,), jnp.float32),
        jax.ShapeDtypeStruct((2 * NP,), jnp.float32),
    ],
    scratch_types=[
        pltpu.VMEM((NCHUNK, CHUNK), jnp.int32),
        pltpu.VMEM((NCHUNK, CHUNK), jnp.int32),
        pltpu.VMEM((CHUNK,), jnp.float32),
        pltpu.VMEM_SHARED((NROWS,), jnp.float32),
        pltpu.VMEM_SHARED((NROWS,), jnp.float32),
        pltpu.SemaphoreType.DMA,
    ],
)
def _hist_kernel(src_hbm, dst_hbm, ones_hbm, z1_hbm,
                 dego_hbm, degi_hbm, srcb, dstb, ones_v, acco, acci, hsem):
    c = lax.axis_index("c")
    s = lax.axis_index("s")
    gid = c * 16 + s
    pltpu.sync_copy(z1_hbm.at[pl.ds(0, OROWS)], acco.at[pl.ds(s * OROWS, OROWS)])
    pltpu.sync_copy(z1_hbm.at[pl.ds(0, OROWS)], acci.at[pl.ds(s * OROWS, OROWS)])

    @pl.when(s == 0)
    def _():
        pltpu.sync_copy(z1_hbm.at[pl.ds(0, NDUMP)], acco.at[pl.ds(NP, NDUMP)])
        pltpu.sync_copy(z1_hbm.at[pl.ds(0, NDUMP)], acci.at[pl.ds(NP, NDUMP)])

    pltpu.sync_copy(src_hbm.at[pl.ds(gid * NCHUNK, NCHUNK)], srcb)
    pltpu.sync_copy(dst_hbm.at[pl.ds(gid * NCHUNK, NCHUNK)], dstb)
    pltpu.sync_copy(ones_hbm, ones_v)
    plsc.subcore_barrier()

    def issue(j, carry):
        pltpu.async_copy(ones_v, acco.at[srcb.at[j]], hsem, add=True)
        pltpu.async_copy(ones_v, acci.at[dstb.at[j]], hsem, add=True)
        return carry

    def drain(j, carry):
        pltpu.make_async_copy(ones_v, acco.at[srcb.at[0]], hsem).wait()
        pltpu.make_async_copy(ones_v, acci.at[dstb.at[0]], hsem).wait()
        return carry

    lax.fori_loop(0, NCHUNK, issue, 0)
    lax.fori_loop(0, NCHUNK, drain, 0)
    plsc.subcore_barrier()
    pltpu.sync_copy(acco.at[pl.ds(s * OROWS, OROWS)],
                    dego_hbm.at[pl.ds(c * NP + s * OROWS, OROWS)])
    pltpu.sync_copy(acci.at[pl.ds(s * OROWS, OROWS)],
                    degi_hbm.at[pl.ds(c * NP + s * OROWS, OROWS)])


@functools.partial(
    pl.kernel,
    mesh=_mesh,
    out_type=jax.ShapeDtypeStruct((2, NP, D), jnp.float32),
    scratch_types=[
        pltpu.VMEM((SUP, CHUNK), jnp.int32),
        pltpu.VMEM((SUP, CHUNK), jnp.int32),
        pltpu.VMEM((CHUNK, D), jnp.float32),
        pltpu.VMEM((CHUNK, D), jnp.float32),
        pltpu.VMEM_SHARED((NROWS, D), jnp.float32),
        pltpu.SemaphoreType.DMA,
        pltpu.SemaphoreType.DMA,
        pltpu.SemaphoreType.DMA,
        pltpu.SemaphoreType.DMA,
    ],
)
def _agg_kernel(m_hbm, src_hbm, dst_hbm, zrow_hbm, out_hbm,
                srcb, dstb, buf0, buf1, acc, gsA, gsB, ssA, ssB):
    c = lax.axis_index("c")
    s = lax.axis_index("s")
    gid = c * 16 + s
    pltpu.sync_copy(zrow_hbm, acc.at[pl.ds(s * ZROWS, ZROWS)])
    plsc.subcore_barrier()

    def gather(j, buf, sem):
        pltpu.async_copy(m_hbm.at[srcb.at[j]], buf, sem)

    def wait_g(buf, sem):
        pltpu.make_async_copy(m_hbm.at[srcb.at[0]], buf, sem).wait()

    for t in range(NCHUNK // SUP):
        pltpu.sync_copy(src_hbm.at[pl.ds(gid * NCHUNK + t * SUP, SUP)], srcb)
        pltpu.sync_copy(dst_hbm.at[pl.ds(gid * NCHUNK + t * SUP, SUP)], dstb)
        gather(0, buf0, gsA)

        def body(i, carry):
            j = 2 * i
            gather(j + 1, buf1, gsB)
            wait_g(buf0, gsA)
            pltpu.sync_copy(buf0, acc.at[dstb.at[j]], add=True)

            @pl.when(i < SUP // 2 - 1)
            def _():
                gather(j + 2, buf0, gsA)

            wait_g(buf1, gsB)
            pltpu.sync_copy(buf1, acc.at[dstb.at[j + 1]], add=True)
            return carry

        lax.fori_loop(0, SUP // 2, body, 0)
    plsc.subcore_barrier()
    pltpu.sync_copy(acc.at[pl.ds(s * OROWS, OROWS)],
                    out_hbm.at[c, pl.ds(s * OROWS, OROWS)])



def _prep_body(x_ref, do_ref, di_ref, m0_ref, ns_ref, nd_ref):
    dgo = do_ref[0] + do_ref[1]
    dgi = di_ref[0] + di_ref[1]
    ns = lax.rsqrt(jnp.maximum(dgo, 1.0))
    nd = lax.rsqrt(jnp.maximum(dgi, 1.0))
    ns_ref[...] = jnp.broadcast_to(ns[:, None], (128, 16))
    nd_ref[...] = jnp.broadcast_to(nd[:, None], (128, 16))
    m0_ref[...] = x_ref[...] * ns[:, None]


GRID = NP // 128


def _tc_prep(x_p, dego, degi):
    return pl.pallas_call(
        _prep_body,
        grid=(GRID,),
        in_specs=[
            pl.BlockSpec((128, D), lambda i: (i, 0)),
            pl.BlockSpec((2, 128), lambda i: (0, i)),
            pl.BlockSpec((2, 128), lambda i: (0, i)),
        ],
        out_specs=[
            pl.BlockSpec((128, D), lambda i: (i, 0)),
            pl.BlockSpec((128, 16), lambda i: (i, 0)),
            pl.BlockSpec((128, 16), lambda i: (i, 0)),
        ],
        out_shape=[
            jax.ShapeDtypeStruct((NP, D), jnp.float32),
            jax.ShapeDtypeStruct((NP, 16), jnp.float32),
            jax.ShapeDtypeStruct((NP, 16), jnp.float32),
        ],
    )(x_p, dego, degi)


def _layer_body(last, part_ref, nd_ref, ns_ref, w_ref, b_ref, out_ref):
    agg = part_ref[0] + part_ref[1]
    t = agg * nd_ref[:, 0:1]
    t = lax.dot_general(t, w_ref[...], (((1,), (0,)), ((), ())),
                        preferred_element_type=jnp.float32,
                        precision=lax.Precision.HIGHEST)
    t = jnp.maximum(t + b_ref[...], 0.0)
    if not last:
        t = t * ns_ref[:, 0:1]
    out_ref[...] = t


def _tc_layer(part, nd, ns, w, b2d, last):
    return pl.pallas_call(
        functools.partial(_layer_body, last),
        grid=(GRID,),
        in_specs=[
            pl.BlockSpec((2, 128, D), lambda i: (0, i, 0)),
            pl.BlockSpec((128, 16), lambda i: (i, 0)),
            pl.BlockSpec((128, 16), lambda i: (i, 0)),
            pl.BlockSpec((D, D), lambda i: (0, 0)),
            pl.BlockSpec((1, D), lambda i: (0, 0)),
        ],
        out_specs=pl.BlockSpec((128, D), lambda i: (i, 0)),
        out_shape=jax.ShapeDtypeStruct((NP, D), jnp.float32),
    )(part, nd, ns, w, b2d)



def kernel(x, edge_index, W0, b0, W1, b1, W2, b2, W3, b3, W4, b4):
    src = edge_index[0].astype(jnp.int32)
    dst = edge_index[1].astype(jnp.int32)
    pad = EP - N_EDGES
    src_g = jnp.concatenate([src, jnp.zeros((pad,), jnp.int32)])
    dump = NP + (jnp.arange(pad, dtype=jnp.int32) % NDUMP)
    src_d = jnp.concatenate([src, dump]).reshape(EP // CHUNK, CHUNK)
    dst_p = jnp.concatenate([dst, dump]).reshape(EP // CHUNK, CHUNK)
    src_g = src_g.reshape(EP // CHUNK, CHUNK)

    x_p = jnp.pad(x, ((0, NP - N_NODES), (0, 0)))
    zrow = jnp.zeros((ZROWS, D), jnp.float32)
    z1 = jnp.zeros((OROWS,), jnp.float32)
    ones1 = jnp.ones((CHUNK,), jnp.float32)

    dego1, degi1 = _hist_kernel(src_d, dst_p, ones1, z1)
    dego = dego1.reshape(2, NP)
    degi = degi1.reshape(2, NP)
    m, ns, nd = _tc_prep(x_p, dego, degi)

    Ws = [W0, W1, W2, W3, W4]
    bs = [b0, b1, b2, b3, b4]
    for i in range(5):
        part = _agg_kernel(m, src_g, dst_p, zrow)
        m = _tc_layer(part, nd, ns, Ws[i], bs[i].reshape(1, D), last=i == 4)
    return m[:N_NODES]

# --- scband reference (transcript-rebuilt; emitter-appended) ---
"""Pipeline reference for scband-gcngnn-6614249636268 (READ-ONLY COPY).

The authoritative reference and input builder live on the scoring server;
editing this copy changes nothing except your own understanding.
"""

import jax, jax.numpy as jnp
import numpy as np

N_NODES = 10000
N_EDGES = 320000
D_FEAT = 128
HIDDEN = 128
DEPTH = 5


def setup_inputs(seed: int = 0) -> dict:
    key = jax.random.key(seed)
    ks = jax.random.split(key, 2 + 2 * DEPTH)
    x = jax.random.normal(ks[0], (N_NODES, D_FEAT), dtype=jnp.float32)
    edge_index = jax.random.randint(ks[1], (2, N_EDGES), 0, N_NODES, dtype=jnp.int64)
    inp = {"x": x, "edge_index": edge_index}
    dims = [D_FEAT] + [HIDDEN] * DEPTH
    for i in range(DEPTH):
        fan_in = dims[i]
        inp[f"W{i}"] = jax.random.normal(ks[2 + 2 * i], (dims[i], dims[i + 1]), dtype=jnp.float32) / np.sqrt(fan_in)
        inp[f"b{i}"] = jnp.zeros((dims[i + 1],), dtype=jnp.float32)
    return inp


def _gcn_forward(x, edge_index, Ws, bs):
    # DGL GraphConv with norm='both': h' = D_in^{-1/2} A D_out^{-1/2} h W + b
    src = edge_index[0]
    dst = edge_index[1]
    n = x.shape[0]
    ones = jnp.ones((src.shape[0],), dtype=jnp.float32)
    deg_out = jnp.zeros((n,), dtype=jnp.float32).at[src].add(ones)
    deg_in = jnp.zeros((n,), dtype=jnp.float32).at[dst].add(ones)
    norm_src = 1.0 / jnp.sqrt(jnp.clip(deg_out, 1.0))
    norm_dst = 1.0 / jnp.sqrt(jnp.clip(deg_in, 1.0))
    h = x
    for W, b in zip(Ws, bs):
        m = h * norm_src[:, None]
        gathered = jnp.take(m, src, axis=0)
        agg = jnp.zeros((n, h.shape[1]), dtype=h.dtype).at[dst].add(gathered)
        agg = agg * norm_dst[:, None]
        h = jax.nn.relu(agg @ W + b)
    return h


def reference(x, edge_index, W0, b0, W1, b1, W2, b2, W3, b3, W4, b4):
    Ws = [W0, W1, W2, W3, W4]
    bs = [b0, b1, b2, b3, b4]
    return _gcn_forward(x, edge_index, Ws, bs)

if __name__ == "__main__":
    import jax
    _d = setup_inputs()
    print(jax.jit(kernel)(*tuple(_d.values())))

</pallas_src>

<mosaic_0001>
#map = affine_map<(d0, d1) -> (0, 0)>
#map1 = affine_map<(d0, d1) -> (0)>
module attributes {stable_mosaic.version = 14 : i64} {
  func.func @_hist_kernel(%arg0: i32, %arg1: i32, %arg2: memref<2560x128xi32, #tpu.memory_space<hbm>>, %arg3: memref<2560x128xi32, #tpu.memory_space<hbm>>, %arg4: memref<128xf32, #tpu.memory_space<hbm>>, %arg5: memref<640xf32, #tpu.memory_space<hbm>>, %arg6: memref<20480xf32, #tpu.memory_space<hbm>>, %arg7: memref<20480xf32, #tpu.memory_space<hbm>>, %arg8: memref<80x128xi32, #tpu.memory_space<vmem>>, %arg9: memref<80x128xi32, #tpu.memory_space<vmem>>, %arg10: memref<128xf32, #tpu.memory_space<vmem>>, %arg11: memref<10368xf32, #tpu.memory_space<vmem_shared>>, %arg12: memref<10368xf32, #tpu.memory_space<vmem_shared>>, %arg13: memref<!tpu.dma_semaphore, #tpu.memory_space<semaphore_mem>>) attributes {dimension_semantics = [#tpu.dimension_semantics<core_parallel>, #tpu.dimension_semantics<subcore_parallel>], iteration_bounds = array<i64: 2, 16>, scalar_prefetch = 0 : i64, scratch_operands = 6 : i64, tpu.core_type = #tpu.core_type<sc_vector_subcore>, window_params = [{transform_indices = #map}, {transform_indices = #map}, {transform_indices = #map1}, {transform_indices = #map1}, {transform_indices = #map1}, {transform_indices = #map1}]} {
    %mul3A = arith.constant 16 : i32
    %mul3A_0 = arith.muli %arg0, %mul3A : i32
    %add3A = arith.addi %mul3A_0, %arg1 : i32
    %mul3A_1 = arith.constant 640 : i32
    %mul3A_2 = arith.muli %arg1, %mul3A_1 : i32
    "tpu.region"() ({
      %run_scoped3A = tpu.sem_alloc : memref<!tpu.dma_semaphore, #tpu.memory_space<semaphore_mem>>
      %dma_start3A = tpu.memref_slice %arg11[%mul3A_2] : memref<10368xf32, #tpu.memory_space<vmem_shared>> -> memref<640xf32, #tpu.memory_space<vmem_shared>>
      %dma_start3A_37 = arith.constant 0 : i32
      %dma_start3A_38 = tpu.memref_slice %arg5[%dma_start3A_37] : memref<640xf32, #tpu.memory_space<hbm>> -> memref<640xf32, #tpu.memory_space<hbm>>
      tpu.enqueue_dma source(%dma_start3A_38 : memref<640xf32, #tpu.memory_space<hbm>>) target(%dma_start3A : memref<640xf32, #tpu.memory_space<vmem_shared>>) target_semaphore(%run_scoped3A : memref<!tpu.dma_semaphore, #tpu.memory_space<semaphore_mem>>)
      %dma_wait3A = tpu.memref_slice %arg11[%mul3A_2] : memref<10368xf32, #tpu.memory_space<vmem_shared>> -> memref<640xf32, #tpu.memory_space<vmem_shared>>
      %dma_wait3A_39 = arith.constant 0 : i32
      %dma_wait3A_40 = tpu.memref_slice %arg5[%dma_wait3A_39] : memref<640xf32, #tpu.memory_space<hbm>> -> memref<640xf32, #tpu.memory_space<hbm>>
      tpu.wait_dma2 semaphore(%run_scoped3A : memref<!tpu.dma_semaphore, #tpu.memory_space<semaphore_mem>>) src(%dma_wait3A_40 : memref<640xf32, #tpu.memory_space<hbm>>) dst(%dma_wait3A : memref<640xf32, #tpu.memory_space<vmem_shared>>)
      tpu.yield
    }) : () -> ()
    %mul3A_3 = arith.constant 640 : i32
    %mul3A_4 = arith.muli %arg1, %mul3A_3 : i32
    "tpu.region"() ({
      %run_scoped3A = tpu.sem_alloc : memref<!tpu.dma_semaphore, #tpu.memory_space<semaphore_mem>>
      %dma_start3A = tpu.memref_slice %arg12[%mul3A_4] : memref<10368xf32, #tpu.memory_space<vmem_shared>> -> memref<640xf32, #tpu.memory_space<vmem_shared>>
      %dma_start3A_37 = arith.constant 0 : i32
      %dma_start3A_38 = tpu.memref_slice %arg5[%dma_start3A_37] : memref<640xf32, #tpu.memory_space<hbm>> -> memref<640xf32, #tpu.memory_space<hbm>>
      tpu.enqueue_dma source(%dma_start3A_38 : memref<640xf32, #tpu.memory_space<hbm>>) target(%dma_start3A : memref<640xf32, #tpu.memory_space<vmem_shared>>) target_semaphore(%run_scoped3A : memref<!tpu.dma_semaphore, #tpu.memory_space<semaphore_mem>>)
      %dma_wait3A = tpu.memref_slice %arg12[%mul3A_4] : memref<10368xf32, #tpu.memory_space<vmem_shared>> -> memref<640xf32, #tpu.memory_space<vmem_shared>>
      %dma_wait3A_39 = arith.constant 0 : i32
      %dma_wait3A_40 = tpu.memref_slice %arg5[%dma_wait3A_39] : memref<640xf32, #tpu.memory_space<hbm>> -> memref<640xf32, #tpu.memory_space<hbm>>
      tpu.wait_dma2 semaphore(%run_scoped3A : memref<!tpu.dma_semaphore, #tpu.memory_space<semaphore_mem>>) src(%dma_wait3A_40 : memref<640xf32, #tpu.memory_space<hbm>>) dst(%dma_wait3A : memref<640xf32, #tpu.memory_space<vmem_shared>>)
      tpu.yield
    }) : () -> ()
    %eq3A = arith.constant 0 : i32
    %eq3A_5 = arith.cmpi eq, %arg1, %eq3A : i32
    %convert_element_type3A = arith.extui %eq3A_5 : i1 to i32
    %cond3A = arith.constant 0 : i32
    %cond3A_6 = arith.cmpi ne, %convert_element_type3A, %cond3A : i32
    scf.if %cond3A_6 {
      "tpu.region"() ({
        %run_scoped3A = tpu.sem_alloc : memref<!tpu.dma_semaphore, #tpu.memory_space<semaphore_mem>>
        %dma_start3A = arith.constant 10240 : i32
        %dma_start3A_37 = tpu.memref_slice %arg11[%dma_start3A] : memref<10368xf32, #tpu.memory_space<vmem_shared>> -> memref<128xf32, #tpu.memory_space<vmem_shared>>
        %dma_start3A_38 = arith.constant 0 : i32
        %dma_start3A_39 = tpu.memref_slice %arg5[%dma_start3A_38] : memref<640xf32, #tpu.memory_space<hbm>> -> memref<128xf32, #tpu.memory_space<hbm>>
        tpu.enqueue_dma source(%dma_start3A_39 : memref<128xf32, #tpu.memory_space<hbm>>) target(%dma_start3A_37 : memref<128xf32, #tpu.memory_space<vmem_shared>>) target_semaphore(%run_scoped3A : memref<!tpu.dma_semaphore, #tpu.memory_space<semaphore_mem>>)
        %dma_wait3A = arith.constant 10240 : i32
        %dma_wait3A_40 = tpu.memref_slice %arg11[%dma_wait3A] : memref<10368xf32, #tpu.memory_space<vmem_shared>> -> memref<128xf32, #tpu.memory_space<vmem_shared>>
        %dma_wait3A_41 = arith.constant 0 : i32
        %dma_wait3A_42 = tpu.memref_slice %arg5[%dma_wait3A_41] : memref<640xf32, #tpu.memory_space<hbm>> -> memref<128xf32, #tpu.memory_space<hbm>>
        tpu.wait_dma2 semaphore(%run_scoped3A : memref<!tpu.dma_semaphore, #tpu.memory_space<semaphore_mem>>) src(%dma_wait3A_42 : memref<128xf32, #tpu.memory_space<hbm>>) dst(%dma_wait3A_40 : memref<128xf32, #tpu.memory_space<vmem_shared>>)
        tpu.yield
      }) : () -> ()
      "tpu.region"() ({
        %run_scoped3A = tpu.sem_alloc : memref<!tpu.dma_semaphore, #tpu.memory_space<semaphore_mem>>
        %dma_start3A = arith.constant 10240 : i32
        %dma_start3A_37 = tpu.memref_slice %arg12[%dma_start3A] : memref<10368xf32, #tpu.memory_space<vmem_shared>> -> memref<128xf32, #tpu.memory_space<vmem_shared>>
        %dma_start3A_38 = arith.constant 0 : i32
        %dma_start3A_39 = tpu.memref_slice %arg5[%dma_start3A_38] : memref<640xf32, #tpu.memory_space<hbm>> -> memref<128xf32, #tpu.memory_space<hbm>>
        tpu.enqueue_dma source(%dma_start3A_39 : memref<128xf32, #tpu.memory_space<hbm>>) target(%dma_start3A_37 : memref<128xf32, #tpu.memory_space<vmem_shared>>) target_semaphore(%run_scoped3A : memref<!tpu.dma_semaphore, #tpu.memory_space<semaphore_mem>>)
        %dma_wait3A = arith.constant 10240 : i32
        %dma_wait3A_40 = tpu.memref_slice %arg12[%dma_wait3A] : memref<10368xf32, #tpu.memory_space<vmem_shared>> -> memref<128xf32, #tpu.memory_space<vmem_shared>>
        %dma_wait3A_41 = arith.constant 0 : i32
        %dma_wait3A_42 = tpu.memref_slice %arg5[%dma_wait3A_41] : memref<640xf32, #tpu.memory_space<hbm>> -> memref<128xf32, #tpu.memory_space<hbm>>
        tpu.wait_dma2 semaphore(%run_scoped3A : memref<!tpu.dma_semaphore, #tpu.memory_space<semaphore_mem>>) src(%dma_wait3A_42 : memref<128xf32, #tpu.memory_space<hbm>>) dst(%dma_wait3A_40 : memref<128xf32, #tpu.memory_space<vmem_shared>>)
        tpu.yield
      }) : () -> ()
    } else {
    }
    %mul3A_7 = arith.constant 80 : i32
    %mul3A_8 = arith.muli %add3A, %mul3A_7 : i32
    "tpu.region"() ({
      %run_scoped3A = tpu.sem_alloc : memref<!tpu.dma_semaphore, #tpu.memory_space<semaphore_mem>>
      %dma_start3A = arith.constant 0 : i32
      %dma_start3A_37 = tpu.memref_slice %arg2[%mul3A_8, %dma_start3A] : memref<2560x128xi32, #tpu.memory_space<hbm>> -> memref<80x128xi32, #tpu.memory_space<hbm>>
      %dma_start3A_38 = arith.constant 0 : i32
      %dma_start3A_39 = tpu.memref_slice %arg2[%mul3A_8, %dma_start3A_38] : memref<2560x128xi32, #tpu.memory_space<hbm>> -> memref<80x128xi32, #tpu.memory_space<hbm>>
      tpu.enqueue_dma source(%dma_start3A_39 : memref<80x128xi32, #tpu.memory_space<hbm>>) target(%arg8 : memref<80x128xi32, #tpu.memory_space<vmem>>) target_semaphore(%run_scoped3A : memref<!tpu.dma_semaphore, #tpu.memory_space<semaphore_mem>>)
      %dma_wait3A = arith.constant 0 : i32
      %dma_wait3A_40 = tpu.memref_slice %arg2[%mul3A_8, %dma_wait3A] : memref<2560x128xi32, #tpu.memory_space<hbm>> -> memref<80x128xi32, #tpu.memory_space<hbm>>
      %dma_wait3A_41 = arith.constant 0 : i32
      %dma_wait3A_42 = tpu.memref_slice %arg2[%mul3A_8, %dma_wait3A_41] : memref<2560x128xi32, #tpu.memory_space<hbm>> -> memref<80x128xi32, #tpu.memory_space<hbm>>
      tpu.wait_dma2 semaphore(%run_scoped3A : memref<!tpu.dma_semaphore, #tpu.memory_space<semaphore_mem>>) src(%dma_wait3A_42 : memref<80x128xi32, #tpu.memory_space<hbm>>) dst(%arg8 : memref<80x128xi32, #tpu.memory_space<vmem>>)
      tpu.yield
    }) : () -> ()
    %mul3A_9 = arith.constant 80 : i32
    %mul3A_10 = arith.muli %add3A, %mul3A_9 : i32
    "tpu.region"() ({
      %run_scoped3A = tpu.sem_alloc : memref<!tpu.dma_semaphore, #tpu.memory_space<semaphore_mem>>
      %dma_start3A = arith.constant 0 : i32
      %dma_start3A_37 = tpu.memref_slice %arg3[%mul3A_10, %dma_start3A] : memref<2560x128xi32, #tpu.memory_space<hbm>> -> memref<80x128xi32, #tpu.memory_space<hbm>>
      %dma_start3A_38 = arith.constant 0 : i32
      %dma_start3A_39 = tpu.memref_slice %arg3[%mul3A_10, %dma_start3A_38] : memref<2560x128xi32, #tpu.memory_space<hbm>> -> memref<80x128xi32, #tpu.memory_space<hbm>>
      tpu.enqueue_dma source(%dma_start3A_39 : memref<80x128xi32, #tpu.memory_space<hbm>>) target(%arg9 : memref<80x128xi32, #tpu.memory_space<vmem>>) target_semaphore(%run_scoped3A : memref<!tpu.dma_semaphore, #tpu.memory_space<semaphore_mem>>)
      %dma_wait3A = arith.constant 0 : i32
      %dma_wait3A_40 = tpu.memref_slice %arg3[%mul3A_10, %dma_wait3A] : memref<2560x128xi32, #tpu.memory_space<hbm>> -> memref<80x128xi32, #tpu.memory_space<hbm>>
      %dma_wait3A_41 = arith.constant 0 : i32
      %dma_wait3A_42 = tpu.memref_slice %arg3[%mul3A_10, %dma_wait3A_41] : memref<2560x128xi32, #tpu.memory_space<hbm>> -> memref<80x128xi32, #tpu.memory_space<hbm>>
      tpu.wait_dma2 semaphore(%run_scoped3A : memref<!tpu.dma_semaphore, #tpu.memory_space<semaphore_mem>>) src(%dma_wait3A_42 : memref<80x128xi32, #tpu.memory_space<hbm>>) dst(%arg9 : memref<80x128xi32, #tpu.memory_space<vmem>>)
      tpu.yield
    }) : () -> ()
    "tpu.region"() ({
      %run_scoped3A = tpu.sem_alloc : memref<!tpu.dma_semaphore, #tpu.memory_space<semaphore_mem>>
      tpu.enqueue_dma source(%arg4 : memref<128xf32, #tpu.memory_space<hbm>>) target(%arg10 : memref<128xf32, #tpu.memory_space<vmem>>) target_semaphore(%run_scoped3A : memref<!tpu.dma_semaphore, #tpu.memory_space<semaphore_mem>>)
      tpu.wait_dma2 semaphore(%run_scoped3A : memref<!tpu.dma_semaphore, #tpu.memory_space<semaphore_mem>>) src(%arg4 : memref<128xf32, #tpu.memory_space<hbm>>) dst(%arg10 : memref<128xf32, #tpu.memory_space<vmem>>)
      tpu.yield
    }) : () -> ()
    %barrier3A = arith.constant 0 : index
    tpu.barrier barrier_id(%barrier3A)
    %scan3A = arith.constant 0 : i32
    %scan3A_11 = arith.constant 0 : i32
    %scan3A_12 = arith.constant 80 : i32
    %scan3A_13 = arith.addi %scan3A_11, %scan3A_12 : i32
    %scan3A_14 = arith.constant 1 : i32
    scf.for %scan3A_37 = %scan3A_11 to %scan3A_13 step %scan3A_14  : i32 {
      %dma_start3A = arith.constant 0 : i32
      %dma_start3A_38 = tpu.memref_slice %arg8[%scan3A_37, %dma_start3A] : memref<80x128xi32, #tpu.memory_space<vmem>> -> memref<1x128xi32, #tpu.memory_space<vmem>>
      %dma_start3A_39 = tpu.memref_squeeze %dma_start3A_38 : memref<1x128xi32, #tpu.memory_space<vmem>> -> memref<128xi32, #tpu.memory_space<vmem>>
      %dma_start3A_40 = arith.constant 0 : i32
      %dma_start3A_41 = tpu.memref_slice %arg11[%dma_start3A_40] : memref<10368xf32, #tpu.memory_space<vmem_shared>> -> memref<10368xf32, #tpu.memory_space<vmem_shared>>
      tpu.enqueue_indirect_dma source(%arg10 : memref<128xf32, #tpu.memory_space<vmem>>) target(%dma_start3A_41 : memref<10368xf32, #tpu.memory_space<vmem_shared>>) offsets(%dma_start3A_39 : memref<128xi32, #tpu.memory_space<vmem>>) semaphore(%arg13 : memref<!tpu.dma_semaphore, #tpu.memory_space<semaphore_mem>>) {add = true}
      %dma_start3A_42 = arith.constant 0 : i32
      %dma_start3A_43 = tpu.memref_slice %arg9[%scan3A_37, %dma_start3A_42] : memref<80x128xi32, #tpu.memory_space<vmem>> -> memref<1x128xi32, #tpu.memory_space<vmem>>
      %dma_start3A_44 = tpu.memref_squeeze %dma_start3A_43 : memref<1x128xi32, #tpu.memory_space<vmem>> -> memref<128xi32, #tpu.memory_space<vmem>>
      %dma_start3A_45 = arith.constant 0 : i32
      %dma_start3A_46 = tpu.memref_slice %arg12[%dma_start3A_45] : memref<10368xf32, #tpu.memory_space<vmem_shared>> -> memref<10368xf32, #tpu.memory_space<vmem_shared>>
      tpu.enqueue_indirect_dma source(%arg10 : memref<128xf32, #tpu.memory_space<vmem>>) target(%dma_start3A_46 : memref<10368xf32, #tpu.memory_space<vmem_shared>>) offsets(%dma_start3A_44 : memref<128xi32, #tpu.memory_space<vmem>>) semaphore(%arg13 : memref<!tpu.dma_semaphore, #tpu.memory_space<semaphore_mem>>) {add = true}
    }
    %scan3A_15 = arith.constant 80 : i32
    %scan3A_16 = arith.constant 0 : i32
    %scan3A_17 = arith.constant 0 : i32
    %scan3A_18 = arith.constant 80 : i32
    %scan3A_19 = arith.addi %scan3A_17, %scan3A_18 : i32
    %scan3A_20 = arith.constant 1 : i32
    scf.for %scan3A_37 = %scan3A_17 to %scan3A_19 step %scan3A_20  : i32 {
      %dma_wait3A = arith.constant 0 : i32
      %dma_wait3A_38 = arith.constant 0 : i32
      %dma_wait3A_39 = tpu.memref_slice %arg8[%dma_wait3A, %dma_wait3A_38] : memref<80x128xi32, #tpu.memory_space<vmem>> -> memref<1x128xi32, #tpu.memory_space<vmem>>
      %dma_wait3A_40 = tpu.memref_squeeze %dma_wait3A_39 : memref<1x128xi32, #tpu.memory_space<vmem>> -> memref<128xi32, #tpu.memory_space<vmem>>
      %dma_wait3A_41 = arith.constant 0 : i32
      %dma_wait3A_42 = tpu.memref_slice %arg11[%dma_wait3A_41] : memref<10368xf32, #tpu.memory_space<vmem_shared>> -> memref<10368xf32, #tpu.memory_space<vmem_shared>>
      tpu.wait_indirect_dma semaphore(%arg13 : memref<!tpu.dma_semaphore, #tpu.memory_space<semaphore_mem>>) src(%arg10 : memref<128xf32, #tpu.memory_space<vmem>>) dst(%dma_wait3A_42 : memref<10368xf32, #tpu.memory_space<vmem_shared>>)
      %dma_wait3A_43 = arith.constant 0 : i32
      %dma_wait3A_44 = arith.constant 0 : i32
      %dma_wait3A_45 = tpu.memref_slice %arg9[%dma_wait3A_43, %dma_wait3A_44] : memref<80x128xi32, #tpu.memory_space<vmem>> -> memref<1x128xi32, #tpu.memory_space<vmem>>
      %dma_wait3A_46 = tpu.memref_squeeze %dma_wait3A_45 : memref<1x128xi32, #tpu.memory_space<vmem>> -> memref<128xi32, #tpu.memory_space<vmem>>
      %dma_wait3A_47 = arith.constant 0 : i32
      %dma_wait3A_48 = tpu.memref_slice %arg12[%dma_wait3A_47] : memref<10368xf32, #tpu.memory_space<vmem_shared>> -> memref<10368xf32, #tpu.memory_space<vmem_shared>>
      tpu.wait_indirect_dma semaphore(%arg13 : memref<!tpu.dma_semaphore, #tpu.memory_space<semaphore_mem>>) src(%arg10 : memref<128xf32, #tpu.memory_space<vmem>>) dst(%dma_wait3A_48 : memref<10368xf32, #tpu.memory_space<vmem_shared>>)
    }
    %scan3A_21 = arith.constant 80 : i32
    %barrier3A_22 = arith.constant 0 : index
    tpu.barrier barrier_id(%barrier3A_22)
    %mul3A_23 = arith.constant 640 : i32
    %mul3A_24 = arith.muli %arg1, %mul3A_23 : i32
    %mul3A_25 = arith.constant 10240 : i32
    %mul3A_26 = arith.muli %arg0, %mul3A_25 : i32
    %mul3A_27 = arith.constant 640 : i32
    %mul3A_28 = arith.muli %arg1, %mul3A_27 : i32
    %add3A_29 = arith.addi %mul3A_26, %mul3A_28 : i32
    "tpu.region"() ({
      %run_scoped3A = tpu.sem_alloc : memref<!tpu.dma_semaphore, #tpu.memory_space<semaphore_mem>>
      %dma_start3A = tpu.memref_slice %arg6[%add3A_29] : memref<20480xf32, #tpu.memory_space<hbm>> -> memref<640xf32, #tpu.memory_space<hbm>>
      %dma_start3A_37 = tpu.memref_slice %arg11[%mul3A_24] : memref<10368xf32, #tpu.memory_space<vmem_shared>> -> memref<640xf32, #tpu.memory_space<vmem_shared>>
      tpu.enqueue_dma source(%dma_start3A_37 : memref<640xf32, #tpu.memory_space<vmem_shared>>) target(%dma_start3A : memref<640xf32, #tpu.memory_space<hbm>>) target_semaphore(%run_scoped3A : memref<!tpu.dma_semaphore, #tpu.memory_space<semaphore_mem>>)
      %dma_wait3A = tpu.memref_slice %arg6[%add3A_29] : memref<20480xf32, #tpu.memory_space<hbm>> -> memref<640xf32, #tpu.memory_space<hbm>>
      %dma_wait3A_38 = tpu.memref_slice %arg11[%mul3A_24] : memref<10368xf32, #tpu.memory_space<vmem_shared>> -> memref<640xf32, #tpu.memory_space<vmem_shared>>
      tpu.wait_dma2 semaphore(%run_scoped3A : memref<!tpu.dma_semaphore, #tpu.memory_space<semaphore_mem>>) src(%dma_wait3A_38 : memref<640xf32, #tpu.memory_space<vmem_shared>>) dst(%dma_wait3A : memref<640xf32, #tpu.memory_space<hbm>>)
      tpu.yield
    }) : () -> ()
    %mul3A_30 = arith.constant 640 : i32
    %mul3A_31 = arith.muli %arg1, %mul3A_30 : i32
    %mul3A_32 = arith.constant 10240 : i32
    %mul3A_33 = arith.muli %arg0, %mul3A_32 : i32
    %mul3A_34 = arith.constant 640 : i32
    %mul3A_35 = arith.muli %arg1, %mul3A_34 : i32
    %add3A_36 = arith.addi %mul3A_33, %mul3A_35 : i32
    "tpu.region"() ({
      %run_scoped3A = tpu.sem_alloc : memref<!tpu.dma_semaphore, #tpu.memory_space<semaphore_mem>>
      %dma_start3A = tpu.memref_slice %arg7[%add3A_36] : memref<20480xf32, #tpu.memory_space<hbm>> -> memref<640xf32, #tpu.memory_space<hbm>>
      %dma_start3A_37 = tpu.memref_slice %arg12[%mul3A_31] : memref<10368xf32, #tpu.memory_space<vmem_shared>> -> memref<640xf32, #tpu.memory_space<vmem_shared>>
      tpu.enqueue_dma source(%dma_start3A_37 : memref<640xf32, #tpu.memory_space<vmem_shared>>) target(%dma_start3A : memref<640xf32, #tpu.memory_space<hbm>>) target_semaphore(%run_scoped3A : memref<!tpu.dma_semaphore, #tpu.memory_space<semaphore_mem>>)
      %dma_wait3A = tpu.memref_slice %arg7[%add3A_36] : memref<20480xf32, #tpu.memory_space<hbm>> -> memref<640xf32, #tpu.memory_space<hbm>>
      %dma_wait3A_38 = tpu.memref_slice %arg12[%mul3A_31] : memref<10368xf32, #tpu.memory_space<vmem_shared>> -> memref<640xf32, #tpu.memory_space<vmem_shared>>
      tpu.wait_dma2 semaphore(%run_scoped3A : memref<!tpu.dma_semaphore, #tpu.memory_space<semaphore_mem>>) src(%dma_wait3A_38 : memref<640xf32, #tpu.memory_space<vmem_shared>>) dst(%dma_wait3A : memref<640xf32, #tpu.memory_space<hbm>>)
      tpu.yield
    }) : () -> ()
    return
  }
}

#map = affine_map<(d0, d1) -> (0, 0)>
#map1 = affine_map<(d0, d1) -> (0, 0, 0)>
module attributes {stable_mosaic.version = 14 : i64} {
  func.func @_agg_kernel(%arg0: i32, %arg1: i32, %arg2: memref<10240x128xf32, #tpu.memory_space<hbm>>, %arg3: memref<2560x128xi32, #tpu.memory_space<hbm>>, %arg4: memref<2560x128xi32, #tpu.memory_space<hbm>>, %arg5: memref<648x128xf32, #tpu.memory_space<hbm>>, %arg6: memref<2x10240x128xf32, #tpu.memory_space<hbm>>, %arg7: memref<40x128xi32, #tpu.memory_space<vmem>>, %arg8: memref<40x128xi32, #tpu.memory_space<vmem>>, %arg9: memref<128x128xf32, #tpu.memory_space<vmem>>, %arg10: memref<128x128xf32, #tpu.memory_space<vmem>>, %arg11: memref<10368x128xf32, #tpu.memory_space<vmem_shared>>, %arg12: memref<!tpu.dma_semaphore, #tpu.memory_space<semaphore_mem>>, %arg13: memref<!tpu.dma_semaphore, #tpu.memory_space<semaphore_mem>>, %arg14: memref<!tpu.dma_semaphore, #tpu.memory_space<semaphore_mem>>, %arg15: memref<!tpu.dma_semaphore, #tpu.memory_space<semaphore_mem>>) attributes {dimension_semantics = [#tpu.dimension_semantics<core_parallel>, #tpu.dimension_semantics<subcore_parallel>], iteration_bounds = array<i64: 2, 16>, scalar_prefetch = 0 : i64, scratch_operands = 9 : i64, tpu.core_type = #tpu.core_type<sc_vector_subcore>, window_params = [{transform_indices = #map}, {transform_indices = #map}, {transform_indices = #map}, {transform_indices = #map}, {transform_indices = #map1}]} {
    %mul3A = arith.constant 16 : i32
    %mul3A_0 = arith.muli %arg0, %mul3A : i32
    %add3A = arith.addi %mul3A_0, %arg1 : i32
    %mul3A_1 = arith.constant 648 : i32
    %mul3A_2 = arith.muli %arg1, %mul3A_1 : i32
    "tpu.region"() ({
      %run_scoped3A = tpu.sem_alloc : memref<!tpu.dma_semaphore, #tpu.memory_space<semaphore_mem>>
      %dma_start3A_48 = arith.constant 0 : i32
      %dma_start3A_49 = tpu.memref_slice %arg11[%mul3A_2, %dma_start3A_48] : memref<10368x128xf32, #tpu.memory_space<vmem_shared>> -> memref<648x128xf32, #tpu.memory_space<vmem_shared>>
      tpu.enqueue_dma source(%arg5 : memref<648x128xf32, #tpu.memory_space<hbm>>) target(%dma_start3A_49 : memref<648x128xf32, #tpu.memory_space<vmem_shared>>) target_semaphore(%run_scoped3A : memref<!tpu.dma_semaphore, #tpu.memory_space<semaphore_mem>>)
      %dma_wait3A = arith.constant 0 : i32
      %dma_wait3A_50 = tpu.memref_slice %arg11[%mul3A_2, %dma_wait3A] : memref<10368x128xf32, #tpu.memory_space<vmem_shared>> -> memref<648x128xf32, #tpu.memory_space<vmem_shared>>
      tpu.wait_dma2 semaphore(%run_scoped3A : memref<!tpu.dma_semaphore, #tpu.memory_space<semaphore_mem>>) src(%arg5 : memref<648x128xf32, #tpu.memory_space<hbm>>) dst(%dma_wait3A_50 : memref<648x128xf32, #tpu.memory_space<vmem_shared>>)
      tpu.yield
    }) : () -> ()
    %barrier3A = arith.constant 0 : index
    tpu.barrier barrier_id(%barrier3A)
    %mul3A_3 = arith.constant 80 : i32
    %mul3A_4 = arith.muli %add3A, %mul3A_3 : i32
    %add3A_5 = arith.constant 0 : i32
    %add3A_6 = arith.addi %mul3A_4, %add3A_5 : i32
    "tpu.region"() ({
      %run_scoped3A = tpu.sem_alloc : memref<!tpu.dma_semaphore, #tpu.memory_space<semaphore_mem>>
      %dma_start3A_48 = arith.constant 0 : i32
      %dma_start3A_49 = tpu.memref_slice %arg3[%add3A_6, %dma_start3A_48] : memref<2560x128xi32, #tpu.memory_space<hbm>> -> memref<40x128xi32, #tpu.memory_space<hbm>>
      %dma_start3A_50 = arith.constant 0 : i32
      %dma_start3A_51 = tpu.memref_slice %arg3[%add3A_6, %dma_start3A_50] : memref<2560x128xi32, #tpu.memory_space<hbm>> -> memref<40x128xi32, #tpu.memory_space<hbm>>
      tpu.enqueue_dma source(%dma_start3A_51 : memref<40x128xi32, #tpu.memory_space<hbm>>) target(%arg7 : memref<40x128xi32, #tpu.memory_space<vmem>>) target_semaphore(%run_scoped3A : memref<!tpu.dma_semaphore, #tpu.memory_space<semaphore_mem>>)
      %dma_wait3A = arith.constant 0 : i32
      %dma_wait3A_52 = tpu.memref_slice %arg3[%add3A_6, %dma_wait3A] : memref<2560x128xi32, #tpu.memory_space<hbm>> -> memref<40x128xi32, #tpu.memory_space<hbm>>
      %dma_wait3A_53 = arith.constant 0 : i32
      %dma_wait3A_54 = tpu.memref_slice %arg3[%add3A_6, %dma_wait3A_53] : memref<2560x128xi32, #tpu.memory_space<hbm>> -> memref<40x128xi32, #tpu.memory_space<hbm>>
      tpu.wait_dma2 semaphore(%run_scoped3A : memref<!tpu.dma_semaphore, #tpu.memory_space<semaphore_mem>>) src(%dma_wait3A_54 : memref<40x128xi32, #tpu.memory_space<hbm>>) dst(%arg7 : memref<40x128xi32, #tpu.memory_space<vmem>>)
      tpu.yield
    }) : () -> ()
    %mul3A_7 = arith.constant 80 : i32
    %mul3A_8 = arith.muli %add3A, %mul3A_7 : i32
    %add3A_9 = arith.constant 0 : i32
    %add3A_10 = arith.addi %mul3A_8, %add3A_9 : i32
    "tpu.region"() ({
      %run_scoped3A = tpu.sem_alloc : memref<!tpu.dma_semaphore, #tpu.memory_space<semaphore_mem>>
      %dma_start3A_48 = arith.constant 0 : i32
      %dma_start3A_49 = tpu.memref_slice %arg4[%add3A_10, %dma_start3A_48] : memref<2560x128xi32, #tpu.memory_space<hbm>> -> memref<40x128xi32, #tpu.memory_space<hbm>>
      %dma_start3A_50 = arith.constant 0 : i32
      %dma_start3A_51 = tpu.memref_slice %arg4[%add3A_10, %dma_start3A_50] : memref<2560x128xi32, #tpu.memory_space<hbm>> -> memref<40x128xi32, #tpu.memory_space<hbm>>
      tpu.enqueue_dma source(%dma_start3A_51 : memref<40x128xi32, #tpu.memory_space<hbm>>) target(%arg8 : memref<40x128xi32, #tpu.memory_space<vmem>>) target_semaphore(%run_scoped3A : memref<!tpu.dma_semaphore, #tpu.memory_space<semaphore_mem>>)
      %dma_wait3A = arith.constant 0 : i32
      %dma_wait3A_52 = tpu.memref_slice %arg4[%add3A_10, %dma_wait3A] : memref<2560x128xi32, #tpu.memory_space<hbm>> -> memref<40x128xi32, #tpu.memory_space<hbm>>
      %dma_wait3A_53 = arith.constant 0 : i32
      %dma_wait3A_54 = tpu.memref_slice %arg4[%add3A_10, %dma_wait3A_53] : memref<2560x128xi32, #tpu.memory_space<hbm>> -> memref<40x128xi32, #tpu.memory_space<hbm>>
      tpu.wait_dma2 semaphore(%run_scoped3A : memref<!tpu.dma_semaphore, #tpu.memory_space<semaphore_mem>>) src(%dma_wait3A_54 : memref<40x128xi32, #tpu.memory_space<hbm>>) dst(%arg8 : memref<40x128xi32, #tpu.memory_space<vmem>>)
      tpu.yield
    }) : () -> ()
    %dma_start3A = arith.constant 0 : i32
    %dma_start3A_11 = arith.constant 0 : i32
    %dma_start3A_12 = tpu.memref_slice %arg7[%dma_start3A, %dma_start3A_11] : memref<40x128xi32, #tpu.memory_space<vmem>> -> memref<1x128xi32, #tpu.memory_space<vmem>>
    %dma_start3A_13 = tpu.memref_squeeze %dma_start3A_12 : memref<1x128xi32, #tpu.memory_space<vmem>> -> memref<128xi32, #tpu.memory_space<vmem>>
    %dma_start3A_14 = arith.constant 0 : i32
    %dma_start3A_15 = arith.constant 0 : i32
    %dma_start3A_16 = tpu.memref_slice %arg2[%dma_start3A_14, %dma_start3A_15] : memref<10240x128xf32, #tpu.memory_space<hbm>> -> memref<10240x128xf32, #tpu.memory_space<hbm>>
    tpu.enqueue_indirect_dma source(%dma_start3A_16 : memref<10240x128xf32, #tpu.memory_space<hbm>>) target(%arg9 : memref<128x128xf32, #tpu.memory_space<vmem>>) offsets(%dma_start3A_13 : memref<128xi32, #tpu.memory_space<vmem>>) semaphore(%arg12 : memref<!tpu.dma_semaphore, #tpu.memory_space<semaphore_mem>>)
    %scan3A = arith.constant 0 : i32
    %scan3A_17 = arith.constant 0 : i32
    %scan3A_18 = arith.constant 20 : i32
    %scan3A_19 = arith.addi %scan3A_17, %scan3A_18 : i32
    %scan3A_20 = arith.constant 1 : i32
    scf.for %scan3A_48 = %scan3A_17 to %scan3A_19 step %scan3A_20  : i32 {
      %mul3A_49 = arith.constant 2 : i32
      %mul3A_50 = arith.muli %mul3A_49, %scan3A_48 : i32
      %add3A_51 = arith.constant 1 : i32
      %add3A_52 = arith.addi %mul3A_50, %add3A_51 : i32
      %dma_start3A_53 = arith.constant 0 : i32
      %dma_start3A_54 = tpu.memref_slice %arg7[%add3A_52, %dma_start3A_53] : memref<40x128xi32, #tpu.memory_space<vmem>> -> memref<1x128xi32, #tpu.memory_space<vmem>>
      %dma_start3A_55 = tpu.memref_squeeze %dma_start3A_54 : memref<1x128xi32, #tpu.memory_space<vmem>> -> memref<128xi32, #tpu.memory_space<vmem>>
      %dma_start3A_56 = arith.constant 0 : i32
      %dma_start3A_57 = arith.constant 0 : i32
      %dma_start3A_58 = tpu.memref_slice %arg2[%dma_start3A_56, %dma_start3A_57] : memref<10240x128xf32, #tpu.memory_space<hbm>> -> memref<10240x128xf32, #tpu.memory_space<hbm>>
      tpu.enqueue_indirect_dma source(%dma_start3A_58 : memref<10240x128xf32, #tpu.memory_space<hbm>>) target(%arg10 : memref<128x128xf32, #tpu.memory_space<vmem>>) offsets(%dma_start3A_55 : memref<128xi32, #tpu.memory_space<vmem>>) semaphore(%arg13 : memref<!tpu.dma_semaphore, #tpu.memory_space<semaphore_mem>>)
      %dma_wait3A = arith.constant 0 : i32
      %dma_wait3A_59 = arith.constant 0 : i32
      %dma_wait3A_60 = tpu.memref_slice %arg7[%dma_wait3A, %dma_wait3A_59] : memref<40x128xi32, #tpu.memory_space<vmem>> -> memref<1x128xi32, #tpu.memory_space<vmem>>
      %dma_wait3A_61 = tpu.memref_squeeze %dma_wait3A_60 : memref<1x128xi32, #tpu.memory_space<vmem>> -> memref<128xi32, #tpu.memory_space<vmem>>
      %dma_wait3A_62 = arith.constant 0 : i32
      %dma_wait3A_63 = arith.constant 0 : i32
      %dma_wait3A_64 = tpu.memref_slice %arg2[%dma_wait3A_62, %dma_wait3A_63] : memref<10240x128xf32, #tpu.memory_space<hbm>> -> memref<10240x128xf32, #tpu.memory_space<hbm>>
      tpu.wait_indirect_dma semaphore(%arg12 : memref<!tpu.dma_semaphore, #tpu.memory_space<semaphore_mem>>) src(%dma_wait3A_64 : memref<10240x128xf32, #tpu.memory_space<hbm>>) dst(%arg9 : memref<128x128xf32, #tpu.memory_space<vmem>>)
      "tpu.region"() ({
        %run_scoped3A = tpu.sem_alloc : memref<!tpu.dma_semaphore, #tpu.memory_space<semaphore_mem>>
        %dma_start3A_76 = arith.constant 0 : i32
        %dma_start3A_77 = tpu.memref_slice %arg8[%mul3A_50, %dma_start3A_76] : memref<40x128xi32, #tpu.memory_space<vmem>> -> memref<1x128xi32, #tpu.memory_space<vmem>>
        %dma_start3A_78 = tpu.memref_squeeze %dma_start3A_77 : memref<1x128xi32, #tpu.memory_space<vmem>> -> memref<128xi32, #tpu.memory_space<vmem>>
        %dma_start3A_79 = arith.constant 0 : i32
        %dma_start3A_80 = arith.constant 0 : i32
        %dma_start3A_81 = tpu.memref_slice %arg11[%dma_start3A_79, %dma_start3A_80] : memref<10368x128xf32, #tpu.memory_space<vmem_shared>> -> memref<10368x128xf32, #tpu.memory_space<vmem_shared>>
        tpu.enqueue_indirect_dma source(%arg9 : memref<128x128xf32, #tpu.memory_space<vmem>>) target(%dma_start3A_81 : memref<10368x128xf32, #tpu.memory_space<vmem_shared>>) offsets(%dma_start3A_78 : memref<128xi32, #tpu.memory_space<vmem>>) semaphore(%run_scoped3A : memref<!tpu.dma_semaphore, #tpu.memory_space<semaphore_mem>>) {add = true}
        %dma_wait3A_82 = arith.constant 0 : i32
        %dma_wait3A_83 = tpu.memref_slice %arg8[%mul3A_50, %dma_wait3A_82] : memref<40x128xi32, #tpu.memory_space<vmem>> -> memref<1x128xi32, #tpu.memory_space<vmem>>
        %dma_wait3A_84 = tpu.memref_squeeze %dma_wait3A_83 : memref<1x128xi32, #tpu.memory_space<vmem>> -> memref<128xi32, #tpu.memory_space<vmem>>
        %dma_wait3A_85 = arith.constant 0 : i32
        %dma_wait3A_86 = arith.constant 0 : i32
        %dma_wait3A_87 = tpu.memref_slice %arg11[%dma_wait3A_85, %dma_wait3A_86] : memref<10368x128xf32, #tpu.memory_space<vmem_shared>> -> memref<10368x128xf32, #tpu.memory_space<vmem_shared>>
        tpu.wait_indirect_dma semaphore(%run_scoped3A : memref<!tpu.dma_semaphore, #tpu.memory_space<semaphore_mem>>) src(%arg9 : memref<128x128xf32, #tpu.memory_space<vmem>>) dst(%dma_wait3A_87 : memref<10368x128xf32, #tpu.memory_space<vmem_shared>>)
        tpu.yield
      }) : () -> ()
      %lt3A = arith.constant 19 : i32
      %lt3A_65 = arith.cmpi slt, %scan3A_48, %lt3A : i32
      %convert_element_type3A = arith.extui %lt3A_65 : i1 to i32
      %cond3A = arith.constant 0 : i32
      %cond3A_66 = arith.cmpi ne, %convert_element_type3A, %cond3A : i32
      scf.if %cond3A_66 {
        %add3A_76 = arith.constant 2 : i32
        %add3A_77 = arith.addi %mul3A_50, %add3A_76 : i32
        %dma_start3A_78 = arith.constant 0 : i32
        %dma_start3A_79 = tpu.memref_slice %arg7[%add3A_77, %dma_start3A_78] : memref<40x128xi32, #tpu.memory_space<vmem>> -> memref<1x128xi32, #tpu.memory_space<vmem>>
        %dma_start3A_80 = tpu.memref_squeeze %dma_start3A_79 : memref<1x128xi32, #tpu.memory_space<vmem>> -> memref<128xi32, #tpu.memory_space<vmem>>
        %dma_start3A_81 = arith.constant 0 : i32
        %dma_start3A_82 = arith.constant 0 : i32
        %dma_start3A_83 = tpu.memref_slice %arg2[%dma_start3A_81, %dma_start3A_82] : memref<10240x128xf32, #tpu.memory_space<hbm>> -> memref<10240x128xf32, #tpu.memory_space<hbm>>
        tpu.enqueue_indirect_dma source(%dma_start3A_83 : memref<10240x128xf32, #tpu.memory_space<hbm>>) target(%arg9 : memref<128x128xf32, #tpu.memory_space<vmem>>) offsets(%dma_start3A_80 : memref<128xi32, #tpu.memory_space<vmem>>) semaphore(%arg12 : memref<!tpu.dma_semaphore, #tpu.memory_space<semaphore_mem>>)
      } else {
      }
      %dma_wait3A_67 = arith.constant 0 : i32
      %dma_wait3A_68 = arith.constant 0 : i32
      %dma_wait3A_69 = tpu.memref_slice %arg7[%dma_wait3A_67, %dma_wait3A_68] : memref<40x128xi32, #tpu.memory_space<vmem>> -> memref<1x128xi32, #tpu.memory_space<vmem>>
      %dma_wait3A_70 = tpu.memref_squeeze %dma_wait3A_69 : memref<1x128xi32, #tpu.memory_space<vmem>> -> memref<128xi32, #tpu.memory_space<vmem>>
      %dma_wait3A_71 = arith.constant 0 : i32
      %dma_wait3A_72 = arith.constant 0 : i32
      %dma_wait3A_73 = tpu.memref_slice %arg2[%dma_wait3A_71, %dma_wait3A_72] : memref<10240x128xf32, #tpu.memory_space<hbm>> -> memref<10240x128xf32, #tpu.memory_space<hbm>>
      tpu.wait_indirect_dma semaphore(%arg13 : memref<!tpu.dma_semaphore, #tpu.memory_space<semaphore_mem>>) src(%dma_wait3A_73 : memref<10240x128xf32, #tpu.memory_space<hbm>>) dst(%arg10 : memref<128x128xf32, #tpu.memory_space<vmem>>)
      %add3A_74 = arith.constant 1 : i32
      %add3A_75 = arith.addi %mul3A_50, %add3A_74 : i32
      "tpu.region"() ({
        %run_scoped3A = tpu.sem_alloc : memref<!tpu.dma_semaphore, #tpu.memory_space<semaphore_mem>>
        %dma_start3A_76 = arith.constant 0 : i32
        %dma_start3A_77 = tpu.memref_slice %arg8[%add3A_75, %dma_start3A_76] : memref<40x128xi32, #tpu.memory_space<vmem>> -> memref<1x128xi32, #tpu.memory_space<vmem>>
        %dma_start3A_78 = tpu.memref_squeeze %dma_start3A_77 : memref<1x128xi32, #tpu.memory_space<vmem>> -> memref<128xi32, #tpu.memory_space<vmem>>
        %dma_start3A_79 = arith.constant 0 : i32
        %dma_start3A_80 = arith.constant 0 : i32
        %dma_start3A_81 = tpu.memref_slice %arg11[%dma_start3A_79, %dma_start3A_80] : memref<10368x128xf32, #tpu.memory_space<vmem_shared>> -> memref<10368x128xf32, #tpu.memory_space<vmem_shared>>
        tpu.enqueue_indirect_dma source(%arg10 : memref<128x128xf32, #tpu.memory_space<vmem>>) target(%dma_start3A_81 : memref<10368x128xf32, #tpu.memory_space<vmem_shared>>) offsets(%dma_start3A_78 : memref<128xi32, #tpu.memory_space<vmem>>) semaphore(%run_scoped3A : memref<!tpu.dma_semaphore, #tpu.memory_space<semaphore_mem>>) {add = true}
        %dma_wait3A_82 = arith.constant 0 : i32
        %dma_wait3A_83 = tpu.memref_slice %arg8[%add3A_75, %dma_wait3A_82] : memref<40x128xi32, #tpu.memory_space<vmem>> -> memref<1x128xi32, #tpu.memory_space<vmem>>
        %dma_wait3A_84 = tpu.memref_squeeze %dma_wait3A_83 : memref<1x128xi32, #tpu.memory_space<vmem>> -> memref<128xi32, #tpu.memory_space<vmem>>
        %dma_wait3A_85 = arith.constant 0 : i32
        %dma_wait3A_86 = arith.constant 0 : i32
        %dma_wait3A_87 = tpu.memref_slice %arg11[%dma_wait3A_85, %dma_wait3A_86] : memref<10368x128xf32, #tpu.memory_space<vmem_shared>> -> memref<10368x128xf32, #tpu.memory_space<vmem_shared>>
        tpu.wait_indirect_dma semaphore(%run_scoped3A : memref<!tpu.dma_semaphore, #tpu.memory_space<semaphore_mem>>) src(%arg10 : memref<128x128xf32, #tpu.memory_space<vmem>>) dst(%dma_wait3A_87 : memref<10368x128xf32, #tpu.memory_space<vmem_shared>>)
        tpu.yield
      }) : () -> ()
    }
    %scan3A_21 = arith.constant 20 : i32
    %mul3A_22 = arith.constant 80 : i32
    %mul3A_23 = arith.muli %add3A, %mul3A_22 : i32
    %add3A_24 = arith.constant 40 : i32
    %add3A_25 = arith.addi %mul3A_23, %add3A_24 : i32
    "tpu.region"() ({
      %run_scoped3A = tpu.sem_alloc : memref<!tpu.dma_semaphore, #tpu.memory_space<semaphore_mem>>
      %dma_start3A_48 = arith.constant 0 : i32
      %dma_start3A_49 = tpu.memref_slice %arg3[%add3A_25, %dma_start3A_48] : memref<2560x128xi32, #tpu.memory_space<hbm>> -> memref<40x128xi32, #tpu.memory_space<hbm>>
      %dma_start3A_50 = arith.constant 0 : i32
      %dma_start3A_51 = tpu.memref_slice %arg3[%add3A_25, %dma_start3A_50] : memref<2560x128xi32, #tpu.memory_space<hbm>> -> memref<40x128xi32, #tpu.memory_space<hbm>>
      tpu.enqueue_dma source(%dma_start3A_51 : memref<40x128xi32, #tpu.memory_space<hbm>>) target(%arg7 : memref<40x128xi32, #tpu.memory_space<vmem>>) target_semaphore(%run_scoped3A : memref<!tpu.dma_semaphore, #tpu.memory_space<semaphore_mem>>)
      %dma_wait3A = arith.constant 0 : i32
      %dma_wait3A_52 = tpu.memref_slice %arg3[%add3A_25, %dma_wait3A] : memref<2560x128xi32, #tpu.memory_space<hbm>> -> memref<40x128xi32, #tpu.memory_space<hbm>>
      %dma_wait3A_53 = arith.constant 0 : i32
      %dma_wait3A_54 = tpu.memref_slice %arg3[%add3A_25, %dma_wait3A_53] : memref<2560x128xi32, #tpu.memory_space<hbm>> -> memref<40x128xi32, #tpu.memory_space<hbm>>
      tpu.wait_dma2 semaphore(%run_scoped3A : memref<!tpu.dma_semaphore, #tpu.memory_space<semaphore_mem>>) src(%dma_wait3A_54 : memref<40x128xi32, #tpu.memory_space<hbm>>) dst(%arg7 : memref<40x128xi32, #tpu.memory_space<vmem>>)
      tpu.yield
    }) : () -> ()
    %mul3A_26 = arith.constant 80 : i32
    %mul3A_27 = arith.muli %add3A, %mul3A_26 : i32
    %add3A_28 = arith.constant 40 : i32
    %add3A_29 = arith.addi %mul3A_27, %add3A_28 : i32
    "tpu.region"() ({
      %run_scoped3A = tpu.sem_alloc : memref<!tpu.dma_semaphore, #tpu.memory_space<semaphore_mem>>
      %dma_start3A_48 = arith.constant 0 : i32
      %dma_start3A_49 = tpu.memref_slice %arg4[%add3A_29, %dma_start3A_48] : memref<2560x128xi32, #tpu.memory_space<hbm>> -> memref<40x128xi32, #tpu.memory_space<hbm>>
      %dma_start3A_50 = arith.constant 0 : i32
      %dma_start3A_51 = tpu.memref_slice %arg4[%add3A_29, %dma_start3A_50] : memref<2560x128xi32, #tpu.memory_space<hbm>> -> memref<40x128xi32, #tpu.memory_space<hbm>>
      tpu.enqueue_dma source(%dma_start3A_51 : memref<40x128xi32, #tpu.memory_space<hbm>>) target(%arg8 : memref<40x128xi32, #tpu.memory_space<vmem>>) target_semaphore(%run_scoped3A : memref<!tpu.dma_semaphore, #tpu.memory_space<semaphore_mem>>)
      %dma_wait3A = arith.constant 0 : i32
      %dma_wait3A_52 = tpu.memref_slice %arg4[%add3A_29, %dma_wait3A] : memref<2560x128xi32, #tpu.memory_space<hbm>> -> memref<40x128xi32, #tpu.memory_space<hbm>>
      %dma_wait3A_53 = arith.constant 0 : i32
      %dma_wait3A_54 = tpu.memref_slice %arg4[%add3A_29, %dma_wait3A_53] : memref<2560x128xi32, #tpu.memory_space<hbm>> -> memref<40x128xi32, #tpu.memory_space<hbm>>
      tpu.wait_dma2 semaphore(%run_scoped3A : memref<!tpu.dma_semaphore, #tpu.memory_space<semaphore_mem>>) src(%dma_wait3A_54 : memref<40x128xi32, #tpu.memory_space<hbm>>) dst(%arg8 : memref<40x128xi32, #tpu.memory_space<vmem>>)
      tpu.yield
    }) : () -> ()
    %dma_start3A_30 = arith.constant 0 : i32
    %dma_start3A_31 = arith.constant 0 : i32
    %dma_start3A_32 = tpu.memref_slice %arg7[%dma_start3A_30, %dma_start3A_31] : memref<40x128xi32, #tpu.memory_space<vmem>> -> memref<1x128xi32, #tpu.memory_space<vmem>>
    %dma_start3A_33 = tpu.memref_squeeze %dma_start3A_32 : memref<1x128xi32, #tpu.memory_space<vmem>> -> memref<128xi32, #tpu.memory_space<vmem>>
    %dma_start3A_34 = arith.constant 0 : i32
    %dma_start3A_35 = arith.constant 0 : i32
    %dma_start3A_36 = tpu.memref_slice %arg2[%dma_start3A_34, %dma_start3A_35] : memref<10240x128xf32, #tpu.memory_space<hbm>> -> memref<10240x128xf32, #tpu.memory_space<hbm>>
    tpu.enqueue_indirect_dma source(%dma_start3A_36 : memref<10240x128xf32, #tpu.memory_space<hbm>>) target(%arg9 : memref<128x128xf32, #tpu.memory_space<vmem>>) offsets(%dma_start3A_33 : memref<128xi32, #tpu.memory_space<vmem>>) semaphore(%arg12 : memref<!tpu.dma_semaphore, #tpu.memory_space<semaphore_mem>>)
    %scan3A_37 = arith.constant 0 : i32
    %scan3A_38 = arith.constant 0 : i32
    %scan3A_39 = arith.constant 20 : i32
    %scan3A_40 = arith.addi %scan3A_38, %scan3A_39 : i32
    %scan3A_41 = arith.constant 1 : i32
    scf.for %scan3A_48 = %scan3A_38 to %scan3A_40 step %scan3A_41  : i32 {
      %mul3A_49 = arith.constant 2 : i32
      %mul3A_50 = arith.muli %mul3A_49, %scan3A_48 : i32
      %add3A_51 = arith.constant 1 : i32
      %add3A_52 = arith.addi %mul3A_50, %add3A_51 : i32
      %dma_start3A_53 = arith.constant 0 : i32
      %dma_start3A_54 = tpu.memref_slice %arg7[%add3A_52, %dma_start3A_53] : memref<40x128xi32, #tpu.memory_space<vmem>> -> memref<1x128xi32, #tpu.memory_space<vmem>>
      %dma_start3A_55 = tpu.memref_squeeze %dma_start3A_54 : memref<1x128xi32, #tpu.memory_space<vmem>> -> memref<128xi32, #tpu.memory_space<vmem>>
      %dma_start3A_56 = arith.constant 0 : i32
      %dma_start3A_57 = arith.constant 0 : i32
      %dma_start3A_58 = tpu.memref_slice %arg2[%dma_start3A_56, %dma_start3A_57] : memref<10240x128xf32, #tpu.memory_space<hbm>> -> memref<10240x128xf32, #tpu.memory_space<hbm>>
      tpu.enqueue_indirect_dma source(%dma_start3A_58 : memref<10240x128xf32, #tpu.memory_space<hbm>>) target(%arg10 : memref<128x128xf32, #tpu.memory_space<vmem>>) offsets(%dma_start3A_55 : memref<128xi32, #tpu.memory_space<vmem>>) semaphore(%arg13 : memref<!tpu.dma_semaphore, #tpu.memory_space<semaphore_mem>>)
      %dma_wait3A = arith.constant 0 : i32
      %dma_wait3A_59 = arith.constant 0 : i32
      %dma_wait3A_60 = tpu.memref_slice %arg7[%dma_wait3A, %dma_wait3A_59] : memref<40x128xi32, #tpu.memory_space<vmem>> -> memref<1x128xi32, #tpu.memory_space<vmem>>
      %dma_wait3A_61 = tpu.memref_squeeze %dma_wait3A_60 : memref<1x128xi32, #tpu.memory_space<vmem>> -> memref<128xi32, #tpu.memory_space<vmem>>
      %dma_wait3A_62 = arith.constant 0 : i32
      %dma_wait3A_63 = arith.constant 0 : i32
      %dma_wait3A_64 = tpu.memref_slice %arg2[%dma_wait3A_62, %dma_wait3A_63] : memref<10240x128xf32, #tpu.memory_space<hbm>> -> memref<10240x128xf32, #tpu.memory_space<hbm>>
      tpu.wait_indirect_dma semaphore(%arg12 : memref<!tpu.dma_semaphore, #tpu.memory_space<semaphore_mem>>) src(%dma_wait3A_64 : memref<10240x128xf32, #tpu.memory_space<hbm>>) dst(%arg9 : memref<128x128xf32, #tpu.memory_space<vmem>>)
      "tpu.region"() ({
        %run_scoped3A = tpu.sem_alloc : memref<!tpu.dma_semaphore, #tpu.memory_space<semaphore_mem>>
        %dma_start3A_76 = arith.constant 0 : i32
        %dma_start3A_77 = tpu.memref_slice %arg8[%mul3A_50, %dma_start3A_76] : memref<40x128xi32, #tpu.memory_space<vmem>> -> memref<1x128xi32, #tpu.memory_space<vmem>>
        %dma_start3A_78 = tpu.memref_squeeze %dma_start3A_77 : memref<1x128xi32, #tpu.memory_space<vmem>> -> memref<128xi32, #tpu.memory_space<vmem>>
        %dma_start3A_79 = arith.constant 0 : i32
        %dma_start3A_80 = arith.constant 0 : i32
        %dma_start3A_81 = tpu.memref_slice %arg11[%dma_start3A_79, %dma_start3A_80] : memref<10368x128xf32, #tpu.memory_space<vmem_shared>> -> memref<10368x128xf32, #tpu.memory_space<vmem_shared>>
        tpu.enqueue_indirect_dma source(%arg9 : memref<128x128xf32, #tpu.memory_space<vmem>>) target(%dma_start3A_81 : memref<10368x128xf32, #tpu.memory_space<vmem_shared>>) offsets(%dma_start3A_78 : memref<128xi32, #tpu.memory_space<vmem>>) semaphore(%run_scoped3A : memref<!tpu.dma_semaphore, #tpu.memory_space<semaphore_mem>>) {add = true}
        %dma_wait3A_82 = arith.constant 0 : i32
        %dma_wait3A_83 = tpu.memref_slice %arg8[%mul3A_50, %dma_wait3A_82] : memref<40x128xi32, #tpu.memory_space<vmem>> -> memref<1x128xi32, #tpu.memory_space<vmem>>
        %dma_wait3A_84 = tpu.memref_squeeze %dma_wait3A_83 : memref<1x128xi32, #tpu.memory_space<vmem>> -> memref<128xi32, #tpu.memory_space<vmem>>
        %dma_wait3A_85 = arith.constant 0 : i32
        %dma_wait3A_86 = arith.constant 0 : i32
        %dma_wait3A_87 = tpu.memref_slice %arg11[%dma_wait3A_85, %dma_wait3A_86] : memref<10368x128xf32, #tpu.memory_space<vmem_shared>> -> memref<10368x128xf32, #tpu.memory_space<vmem_shared>>
        tpu.wait_indirect_dma semaphore(%run_scoped3A : memref<!tpu.dma_semaphore, #tpu.memory_space<semaphore_mem>>) src(%arg9 : memref<128x128xf32, #tpu.memory_space<vmem>>) dst(%dma_wait3A_87 : memref<10368x128xf32, #tpu.memory_space<vmem_shared>>)
        tpu.yield
      }) : () -> ()
      %lt3A = arith.constant 19 : i32
      %lt3A_65 = arith.cmpi slt, %scan3A_48, %lt3A : i32
      %convert_element_type3A = arith.extui %lt3A_65 : i1 to i32
      %cond3A = arith.constant 0 : i32
      %cond3A_66 = arith.cmpi ne, %convert_element_type3A, %cond3A : i32
      scf.if %cond3A_66 {
        %add3A_76 = arith.constant 2 : i32
        %add3A_77 = arith.addi %mul3A_50, %add3A_76 : i32
        %dma_start3A_78 = arith.constant 0 : i32
        %dma_start3A_79 = tpu.memref_slice %arg7[%add3A_77, %dma_start3A_78] : memref<40x128xi32, #tpu.memory_space<vmem>> -> memref<1x128xi32, #tpu.memory_space<vmem>>
        %dma_start3A_80 = tpu.memref_squeeze %dma_start3A_79 : memref<1x128xi32, #tpu.memory_space<vmem>> -> memref<128xi32, #tpu.memory_space<vmem>>
        %dma_start3A_81 = arith.constant 0 : i32
        %dma_start3A_82 = arith.constant 0 : i32
        %dma_start3A_83 = tpu.memref_slice %arg2[%dma_start3A_81, %dma_start3A_82] : memref<10240x128xf32, #tpu.memory_space<hbm>> -> memref<10240x128xf32, #tpu.memory_space<hbm>>
        tpu.enqueue_indirect_dma source(%dma_start3A_83 : memref<10240x128xf32, #tpu.memory_space<hbm>>) target(%arg9 : memref<128x128xf32, #tpu.memory_space<vmem>>) offsets(%dma_start3A_80 : memref<128xi32, #tpu.memory_space<vmem>>) semaphore(%arg12 : memref<!tpu.dma_semaphore, #tpu.memory_space<semaphore_mem>>)
      } else {
      }
      %dma_wait3A_67 = arith.constant 0 : i32
      %dma_wait3A_68 = arith.constant 0 : i32
      %dma_wait3A_69 = tpu.memref_slice %arg7[%dma_wait3A_67, %dma_wait3A_68] : memref<40x128xi32, #tpu.memory_space<vmem>> -> memref<1x128xi32, #tpu.memory_space<vmem>>
      %dma_wait3A_70 = tpu.memref_squeeze %dma_wait3A_69 : memref<1x128xi32, #tpu.memory_space<vmem>> -> memref<128xi32, #tpu.memory_space<vmem>>
      %dma_wait3A_71 = arith.constant 0 : i32
      %dma_wait3A_72 = arith.constant 0 : i32
      %dma_wait3A_73 = tpu.memref_slice %arg2[%dma_wait3A_71, %dma_wait3A_72] : memref<10240x128xf32, #tpu.memory_space<hbm>> -> memref<10240x128xf32, #tpu.memory_space<hbm>>
      tpu.wait_indirect_dma semaphore(%arg13 : memref<!tpu.dma_semaphore, #tpu.memory_space<semaphore_mem>>) src(%dma_wait3A_73 : memref<10240x128xf32, #tpu.memory_space<hbm>>) dst(%arg10 : memref<128x128xf32, #tpu.memory_space<vmem>>)
      %add3A_74 = arith.constant 1 : i32
      %add3A_75 = arith.addi %mul3A_50, %add3A_74 : i32
      "tpu.region"() ({
        %run_scoped3A = tpu.sem_alloc : memref<!tpu.dma_semaphore, #tpu.memory_space<semaphore_mem>>
        %dma_start3A_76 = arith.constant 0 : i32
        %dma_start3A_77 = tpu.memref_slice %arg8[%add3A_75, %dma_start3A_76] : memref<40x128xi32, #tpu.memory_space<vmem>> -> memref<1x128xi32, #tpu.memory_space<vmem>>
        %dma_start3A_78 = tpu.memref_squeeze %dma_start3A_77 : memref<1x128xi32, #tpu.memory_space<vmem>> -> memref<128xi32, #tpu.memory_space<vmem>>
        %dma_start3A_79 = arith.constant 0 : i32
        %dma_start3A_80 = arith.constant 0 : i32
        %dma_start3A_81 = tpu.memref_slice %arg11[%dma_start3A_79, %dma_start3A_80] : memref<10368x128xf32, #tpu.memory_space<vmem_shared>> -> memref<10368x128xf32, #tpu.memory_space<vmem_shared>>
        tpu.enqueue_indirect_dma source(%arg10 : memref<128x128xf32, #tpu.memory_space<vmem>>) target(%dma_start3A_81 : memref<10368x128xf32, #tpu.memory_space<vmem_shared>>) offsets(%dma_start3A_78 : memref<128xi32, #tpu.memory_space<vmem>>) semaphore(%run_scoped3A : memref<!tpu.dma_semaphore, #tpu.memory_space<semaphore_mem>>) {add = true}
        %dma_wait3A_82 = arith.constant 0 : i32
        %dma_wait3A_83 = tpu.memref_slice %arg8[%add3A_75, %dma_wait3A_82] : memref<40x128xi32, #tpu.memory_space<vmem>> -> memref<1x128xi32, #tpu.memory_space<vmem>>
        %dma_wait3A_84 = tpu.memref_squeeze %dma_wait3A_83 : memref<1x128xi32, #tpu.memory_space<vmem>> -> memref<128xi32, #tpu.memory_space<vmem>>
        %dma_wait3A_85 = arith.constant 0 : i32
        %dma_wait3A_86 = arith.constant 0 : i32
        %dma_wait3A_87 = tpu.memref_slice %arg11[%dma_wait3A_85, %dma_wait3A_86] : memref<10368x128xf32, #tpu.memory_space<vmem_shared>> -> memref<10368x128xf32, #tpu.memory_space<vmem_shared>>
        tpu.wait_indirect_dma semaphore(%run_scoped3A : memref<!tpu.dma_semaphore, #tpu.memory_space<semaphore_mem>>) src(%arg10 : memref<128x128xf32, #tpu.memory_space<vmem>>) dst(%dma_wait3A_87 : memref<10368x128xf32, #tpu.memory_space<vmem_shared>>)
        tpu.yield
      }) : () -> ()
    }
    %scan3A_42 = arith.constant 20 : i32
    %barrier3A_43 = arith.constant 0 : index
    tpu.barrier barrier_id(%barrier3A_43)
    %mul3A_44 = arith.constant 640 : i32
    %mul3A_45 = arith.muli %arg1, %mul3A_44 : i32
    %mul3A_46 = arith.constant 640 : i32
    %mul3A_47 = arith.muli %arg1, %mul3A_46 : i32
    "tpu.region"() ({
      %run_scoped3A = tpu.sem_alloc : memref<!tpu.dma_semaphore, #tpu.memory_space<semaphore_mem>>
      %dma_start3A_48 = arith.constant 0 : i32
      %dma_start3A_49 = tpu.memref_slice %arg6[%arg0, %mul3A_47, %dma_start3A_48] : memref<2x10240x128xf32, #tpu.memory_space<hbm>> -> memref<1x640x128xf32, #tpu.memory_space<hbm>>
      %dma_start3A_50 = tpu.memref_squeeze %dma_start3A_49 : memref<1x640x128xf32, #tpu.memory_space<hbm>> -> memref<640x128xf32, #tpu.memory_space<hbm>>
      %dma_start3A_51 = arith.constant 0 : i32
      %dma_start3A_52 = tpu.memref_slice %arg11[%mul3A_45, %dma_start3A_51] : memref<10368x128xf32, #tpu.memory_space<vmem_shared>> -> memref<640x128xf32, #tpu.memory_space<vmem_shared>>
      tpu.enqueue_dma source(%dma_start3A_52 : memref<640x128xf32, #tpu.memory_space<vmem_shared>>) target(%dma_start3A_50 : memref<640x128xf32, #tpu.memory_space<hbm>>) target_semaphore(%run_scoped3A : memref<!tpu.dma_semaphore, #tpu.memory_space<semaphore_mem>>)
      %dma_wait3A = arith.constant 0 : i32
      %dma_wait3A_53 = tpu.memref_slice %arg6[%arg0, %mul3A_47, %dma_wait3A] : memref<2x10240x128xf32, #tpu.memory_space<hbm>> -> memref<1x640x128xf32, #tpu.memory_space<hbm>>
      %dma_wait3A_54 = tpu.memref_squeeze %dma_wait3A_53 : memref<1x640x128xf32, #tpu.memory_space<hbm>> -> memref<640x128xf32, #tpu.memory_space<hbm>>
      %dma_wait3A_55 = arith.constant 0 : i32
      %dma_wait3A_56 = tpu.memref_slice %arg11[%mul3A_45, %dma_wait3A_55] : memref<10368x128xf32, #tpu.memory_space<vmem_shared>> -> memref<640x128xf32, #tpu.memory_space<vmem_shared>>
      tpu.wait_dma2 semaphore(%run_scoped3A : memref<!tpu.dma_semaphore, #tpu.memory_space<semaphore_mem>>) src(%dma_wait3A_56 : memref<640x128xf32, #tpu.memory_space<vmem_shared>>) dst(%dma_wait3A_54 : memref<640x128xf32, #tpu.memory_space<hbm>>)
      tpu.yield
    }) : () -> ()
    return
  }
}

#map = affine_map<(d0, d1) -> (0, 0)>
#map1 = affine_map<(d0, d1) -> (0, 0, 0)>
module attributes {stable_mosaic.version = 14 : i64} {
  func.func @_agg_kernel(%arg0: i32, %arg1: i32, %arg2: memref<10240x128xf32, #tpu.memory_space<hbm>>, %arg3: memref<2560x128xi32, #tpu.memory_space<hbm>>, %arg4: memref<2560x128xi32, #tpu.memory_space<hbm>>, %arg5: memref<648x128xf32, #tpu.memory_space<hbm>>, %arg6: memref<2x10240x128xf32, #tpu.memory_space<hbm>>, %arg7: memref<40x128xi32, #tpu.memory_space<vmem>>, %arg8: memref<40x128xi32, #tpu.memory_space<vmem>>, %arg9: memref<128x128xf32, #tpu.memory_space<vmem>>, %arg10: memref<128x128xf32, #tpu.memory_space<vmem>>, %arg11: memref<10368x128xf32, #tpu.memory_space<vmem_shared>>, %arg12: memref<!tpu.dma_semaphore, #tpu.memory_space<semaphore_mem>>, %arg13: memref<!tpu.dma_semaphore, #tpu.memory_space<semaphore_mem>>, %arg14: memref<!tpu.dma_semaphore, #tpu.memory_space<semaphore_mem>>, %arg15: memref<!tpu.dma_semaphore, #tpu.memory_space<semaphore_mem>>) attributes {dimension_semantics = [#tpu.dimension_semantics<core_parallel>, #tpu.dimension_semantics<subcore_parallel>], iteration_bounds = array<i64: 2, 16>, scalar_prefetch = 0 : i64, scratch_operands = 9 : i64, tpu.core_type = #tpu.core_type<sc_vector_subcore>, window_params = [{transform_indices = #map}, {transform_indices = #map}, {transform_indices = #map}, {transform_indices = #map}, {transform_indices = #map1}]} {
    %mul3A = arith.constant 16 : i32
    %mul3A_0 = arith.muli %arg0, %mul3A : i32
    %add3A = arith.addi %mul3A_0, %arg1 : i32
    %mul3A_1 = arith.constant 648 : i32
    %mul3A_2 = arith.muli %arg1, %mul3A_1 : i32
    "tpu.region"() ({
      %run_scoped3A = tpu.sem_alloc : memref<!tpu.dma_semaphore, #tpu.memory_space<semaphore_mem>>
      %dma_start3A_48 = arith.constant 0 : i32
      %dma_start3A_49 = tpu.memref_slice %arg11[%mul3A_2, %dma_start3A_48] : memref<10368x128xf32, #tpu.memory_space<vmem_shared>> -> memref<648x128xf32, #tpu.memory_space<vmem_shared>>
      tpu.enqueue_dma source(%arg5 : memref<648x128xf32, #tpu.memory_space<hbm>>) target(%dma_start3A_49 : memref<648x128xf32, #tpu.memory_space<vmem_shared>>) target_semaphore(%run_scoped3A : memref<!tpu.dma_semaphore, #tpu.memory_space<semaphore_mem>>)
      %dma_wait3A = arith.constant 0 : i32
      %dma_wait3A_50 = tpu.memref_slice %arg11[%mul3A_2, %dma_wait3A] : memref<10368x128xf32, #tpu.memory_space<vmem_shared>> -> memref<648x128xf32, #tpu.memory_space<vmem_shared>>
      tpu.wait_dma2 semaphore(%run_scoped3A : memref<!tpu.dma_semaphore, #tpu.memory_space<semaphore_mem>>) src(%arg5 : memref<648x128xf32, #tpu.memory_space<hbm>>) dst(%dma_wait3A_50 : memref<648x128xf32, #tpu.memory_space<vmem_shared>>)
      tpu.yield
    }) : () -> ()
    %barrier3A = arith.constant 0 : index
    tpu.barrier barrier_id(%barrier3A)
    %mul3A_3 = arith.constant 80 : i32
    %mul3A_4 = arith.muli %add3A, %mul3A_3 : i32
    %add3A_5 = arith.constant 0 : i32
    %add3A_6 = arith.addi %mul3A_4, %add3A_5 : i32
    "tpu.region"() ({
      %run_scoped3A = tpu.sem_alloc : memref<!tpu.dma_semaphore, #tpu.memory_space<semaphore_mem>>
      %dma_start3A_48 = arith.constant 0 : i32
      %dma_start3A_49 = tpu.memref_slice %arg3[%add3A_6, %dma_start3A_48] : memref<2560x128xi32, #tpu.memory_space<hbm>> -> memref<40x128xi32, #tpu.memory_space<hbm>>
      %dma_start3A_50 = arith.constant 0 : i32
      %dma_start3A_51 = tpu.memref_slice %arg3[%add3A_6, %dma_start3A_50] : memref<2560x128xi32, #tpu.memory_space<hbm>> -> memref<40x128xi32, #tpu.memory_space<hbm>>
      tpu.enqueue_dma source(%dma_start3A_51 : memref<40x128xi32, #tpu.memory_space<hbm>>) target(%arg7 : memref<40x128xi32, #tpu.memory_space<vmem>>) target_semaphore(%run_scoped3A : memref<!tpu.dma_semaphore, #tpu.memory_space<semaphore_mem>>)
      %dma_wait3A = arith.constant 0 : i32
      %dma_wait3A_52 = tpu.memref_slice %arg3[%add3A_6, %dma_wait3A] : memref<2560x128xi32, #tpu.memory_space<hbm>> -> memref<40x128xi32, #tpu.memory_space<hbm>>
      %dma_wait3A_53 = arith.constant 0 : i32
      %dma_wait3A_54 = tpu.memref_slice %arg3[%add3A_6, %dma_wait3A_53] : memref<2560x128xi32, #tpu.memory_space<hbm>> -> memref<40x128xi32, #tpu.memory_space<hbm>>
      tpu.wait_dma2 semaphore(%run_scoped3A : memref<!tpu.dma_semaphore, #tpu.memory_space<semaphore_mem>>) src(%dma_wait3A_54 : memref<40x128xi32, #tpu.memory_space<hbm>>) dst(%arg7 : memref<40x128xi32, #tpu.memory_space<vmem>>)
      tpu.yield
    }) : () -> ()
    %mul3A_7 = arith.constant 80 : i32
    %mul3A_8 = arith.muli %add3A, %mul3A_7 : i32
    %add3A_9 = arith.constant 0 : i32
    %add3A_10 = arith.addi %mul3A_8, %add3A_9 : i32
    "tpu.region"() ({
      %run_scoped3A = tpu.sem_alloc : memref<!tpu.dma_semaphore, #tpu.memory_space<semaphore_mem>>
      %dma_start3A_48 = arith.constant 0 : i32
      %dma_start3A_49 = tpu.memref_slice %arg4[%add3A_10, %dma_start3A_48] : memref<2560x128xi32, #tpu.memory_space<hbm>> -> memref<40x128xi32, #tpu.memory_space<hbm>>
      %dma_start3A_50 = arith.constant 0 : i32
      %dma_start3A_51 = tpu.memref_slice %arg4[%add3A_10, %dma_start3A_50] : memref<2560x128xi32, #tpu.memory_space<hbm>> -> memref<40x128xi32, #tpu.memory_space<hbm>>
      tpu.enqueue_dma source(%dma_start3A_51 : memref<40x128xi32, #tpu.memory_space<hbm>>) target(%arg8 : memref<40x128xi32, #tpu.memory_space<vmem>>) target_semaphore(%run_scoped3A : memref<!tpu.dma_semaphore, #tpu.memory_space<semaphore_mem>>)
      %dma_wait3A = arith.constant 0 : i32
      %dma_wait3A_52 = tpu.memref_slice %arg4[%add3A_10, %dma_wait3A] : memref<2560x128xi32, #tpu.memory_space<hbm>> -> memref<40x128xi32, #tpu.memory_space<hbm>>
      %dma_wait3A_53 = arith.constant 0 : i32
      %dma_wait3A_54 = tpu.memref_slice %arg4[%add3A_10, %dma_wait3A_53] : memref<2560x128xi32, #tpu.memory_space<hbm>> -> memref<40x128xi32, #tpu.memory_space<hbm>>
      tpu.wait_dma2 semaphore(%run_scoped3A : memref<!tpu.dma_semaphore, #tpu.memory_space<semaphore_mem>>) src(%dma_wait3A_54 : memref<40x128xi32, #tpu.memory_space<hbm>>) dst(%arg8 : memref<40x128xi32, #tpu.memory_space<vmem>>)
      tpu.yield
    }) : () -> ()
    %dma_start3A = arith.constant 0 : i32
    %dma_start3A_11 = arith.constant 0 : i32
    %dma_start3A_12 = tpu.memref_slice %arg7[%dma_start3A, %dma_start3A_11] : memref<40x128xi32, #tpu.memory_space<vmem>> -> memref<1x128xi32, #tpu.memory_space<vmem>>
    %dma_start3A_13 = tpu.memref_squeeze %dma_start3A_12 : memref<1x128xi32, #tpu.memory_space<vmem>> -> memref<128xi32, #tpu.memory_space<vmem>>
    %dma_start3A_14 = arith.constant 0 : i32
    %dma_start3A_15 = arith.constant 0 : i32
    %dma_start3A_16 = tpu.memref_slice %arg2[%dma_start3A_14, %dma_start3A_15] : memref<10240x128xf32, #tpu.memory_space<hbm>> -> memref<10240x128xf32, #tpu.memory_space<hbm>>
    tpu.enqueue_indirect_dma source(%dma_start3A_16 : memref<10240x128xf32, #tpu.memory_space<hbm>>) target(%arg9 : memref<128x128xf32, #tpu.memory_space<vmem>>) offsets(%dma_start3A_13 : memref<128xi32, #tpu.memory_space<vmem>>) semaphore(%arg12 : memref<!tpu.dma_semaphore, #tpu.memory_space<semaphore_mem>>)
    %scan3A = arith.constant 0 : i32
    %scan3A_17 = arith.constant 0 : i32
    %scan3A_18 = arith.constant 20 : i32
    %scan3A_19 = arith.addi %scan3A_17, %scan3A_18 : i32
    %scan3A_20 = arith.constant 1 : i32
    scf.for %scan3A_48 = %scan3A_17 to %scan3A_19 step %scan3A_20  : i32 {
      %mul3A_49 = arith.constant 2 : i32
      %mul3A_50 = arith.muli %mul3A_49, %scan3A_48 : i32
      %add3A_51 = arith.constant 1 : i32
      %add3A_52 = arith.addi %mul3A_50, %add3A_51 : i32
      %dma_start3A_53 = arith.constant 0 : i32
      %dma_start3A_54 = tpu.memref_slice %arg7[%add3A_52, %dma_start3A_53] : memref<40x128xi32, #tpu.memory_space<vmem>> -> memref<1x128xi32, #tpu.memory_space<vmem>>
      %dma_start3A_55 = tpu.memref_squeeze %dma_start3A_54 : memref<1x128xi32, #tpu.memory_space<vmem>> -> memref<128xi32, #tpu.memory_space<vmem>>
      %dma_start3A_56 = arith.constant 0 : i32
      %dma_start3A_57 = arith.constant 0 : i32
      %dma_start3A_58 = tpu.memref_slice %arg2[%dma_start3A_56, %dma_start3A_57] : memref<10240x128xf32, #tpu.memory_space<hbm>> -> memref<10240x128xf32, #tpu.memory_space<hbm>>
      tpu.enqueue_indirect_dma source(%dma_start3A_58 : memref<10240x128xf32, #tpu.memory_space<hbm>>) target(%arg10 : memref<128x128xf32, #tpu.memory_space<vmem>>) offsets(%dma_start3A_55 : memref<128xi32, #tpu.memory_space<vmem>>) semaphore(%arg13 : memref<!tpu.dma_semaphore, #tpu.memory_space<semaphore_mem>>)
      %dma_wait3A = arith.constant 0 : i32
      %dma_wait3A_59 = arith.constant 0 : i32
      %dma_wait3A_60 = tpu.memref_slice %arg7[%dma_wait3A, %dma_wait3A_59] : memref<40x128xi32, #tpu.memory_space<vmem>> -> memref<1x128xi32, #tpu.memory_space<vmem>>
      %dma_wait3A_61 = tpu.memref_squeeze %dma_wait3A_60 : memref<1x128xi32, #tpu.memory_space<vmem>> -> memref<128xi32, #tpu.memory_space<vmem>>
      %dma_wait3A_62 = arith.constant 0 : i32
      %dma_wait3A_63 = arith.constant 0 : i32
      %dma_wait3A_64 = tpu.memref_slice %arg2[%dma_wait3A_62, %dma_wait3A_63] : memref<10240x128xf32, #tpu.memory_space<hbm>> -> memref<10240x128xf32, #tpu.memory_space<hbm>>
      tpu.wait_indirect_dma semaphore(%arg12 : memref<!tpu.dma_semaphore, #tpu.memory_space<semaphore_mem>>) src(%dma_wait3A_64 : memref<10240x128xf32, #tpu.memory_space<hbm>>) dst(%arg9 : memref<128x128xf32, #tpu.memory_space<vmem>>)
      "tpu.region"() ({
        %run_scoped3A = tpu.sem_alloc : memref<!tpu.dma_semaphore, #tpu.memory_space<semaphore_mem>>
        %dma_start3A_76 = arith.constant 0 : i32
        %dma_start3A_77 = tpu.memref_slice %arg8[%mul3A_50, %dma_start3A_76] : memref<40x128xi32, #tpu.memory_space<vmem>> -> memref<1x128xi32, #tpu.memory_space<vmem>>
        %dma_start3A_78 = tpu.memref_squeeze %dma_start3A_77 : memref<1x128xi32, #tpu.memory_space<vmem>> -> memref<128xi32, #tpu.memory_space<vmem>>
        %dma_start3A_79 = arith.constant 0 : i32
        %dma_start3A_80 = arith.constant 0 : i32
        %dma_start3A_81 = tpu.memref_slice %arg11[%dma_start3A_79, %dma_start3A_80] : memref<10368x128xf32, #tpu.memory_space<vmem_shared>> -> memref<10368x128xf32, #tpu.memory_space<vmem_shared>>
        tpu.enqueue_indirect_dma source(%arg9 : memref<128x128xf32, #tpu.memory_space<vmem>>) target(%dma_start3A_81 : memref<10368x128xf32, #tpu.memory_space<vmem_shared>>) offsets(%dma_start3A_78 : memref<128xi32, #tpu.memory_space<vmem>>) semaphore(%run_scoped3A : memref<!tpu.dma_semaphore, #tpu.memory_space<semaphore_mem>>) {add = true}
        %dma_wait3A_82 = arith.constant 0 : i32
        %dma_wait3A_83 = tpu.memref_slice %arg8[%mul3A_50, %dma_wait3A_82] : memref<40x128xi32, #tpu.memory_space<vmem>> -> memref<1x128xi32, #tpu.memory_space<vmem>>
        %dma_wait3A_84 = tpu.memref_squeeze %dma_wait3A_83 : memref<1x128xi32, #tpu.memory_space<vmem>> -> memref<128xi32, #tpu.memory_space<vmem>>
        %dma_wait3A_85 = arith.constant 0 : i32
        %dma_wait3A_86 = arith.constant 0 : i32
        %dma_wait3A_87 = tpu.memref_slice %arg11[%dma_wait3A_85, %dma_wait3A_86] : memref<10368x128xf32, #tpu.memory_space<vmem_shared>> -> memref<10368x128xf32, #tpu.memory_space<vmem_shared>>
        tpu.wait_indirect_dma semaphore(%run_scoped3A : memref<!tpu.dma_semaphore, #tpu.memory_space<semaphore_mem>>) src(%arg9 : memref<128x128xf32, #tpu.memory_space<vmem>>) dst(%dma_wait3A_87 : memref<10368x128xf32, #tpu.memory_space<vmem_shared>>)
        tpu.yield
      }) : () -> ()
      %lt3A = arith.constant 19 : i32
      %lt3A_65 = arith.cmpi slt, %scan3A_48, %lt3A : i32
      %convert_element_type3A = arith.extui %lt3A_65 : i1 to i32
      %cond3A = arith.constant 0 : i32
      %cond3A_66 = arith.cmpi ne, %convert_element_type3A, %cond3A : i32
      scf.if %cond3A_66 {
        %add3A_76 = arith.constant 2 : i32
        %add3A_77 = arith.addi %mul3A_50, %add3A_76 : i32
        %dma_start3A_78 = arith.constant 0 : i32
        %dma_start3A_79 = tpu.memref_slice %arg7[%add3A_77, %dma_start3A_78] : memref<40x128xi32, #tpu.memory_space<vmem>> -> memref<1x128xi32, #tpu.memory_space<vmem>>
        %dma_start3A_80 = tpu.memref_squeeze %dma_start3A_79 : memref<1x128xi32, #tpu.memory_space<vmem>> -> memref<128xi32, #tpu.memory_space<vmem>>
        %dma_start3A_81 = arith.constant 0 : i32
        %dma_start3A_82 = arith.constant 0 : i32
        %dma_start3A_83 = tpu.memref_slice %arg2[%dma_start3A_81, %dma_start3A_82] : memref<10240x128xf32, #tpu.memory_space<hbm>> -> memref<10240x128xf32, #tpu.memory_space<hbm>>
        tpu.enqueue_indirect_dma source(%dma_start3A_83 : memref<10240x128xf32, #tpu.memory_space<hbm>>) target(%arg9 : memref<128x128xf32, #tpu.memory_space<vmem>>) offsets(%dma_start3A_80 : memref<128xi32, #tpu.memory_space<vmem>>) semaphore(%arg12 : memref<!tpu.dma_semaphore, #tpu.memory_space<semaphore_mem>>)
      } else {
      }
      %dma_wait3A_67 = arith.constant 0 : i32
      %dma_wait3A_68 = arith.constant 0 : i32
      %dma_wait3A_69 = tpu.memref_slice %arg7[%dma_wait3A_67, %dma_wait3A_68] : memref<40x128xi32, #tpu.memory_space<vmem>> -> memref<1x128xi32, #tpu.memory_space<vmem>>
      %dma_wait3A_70 = tpu.memref_squeeze %dma_wait3A_69 : memref<1x128xi32, #tpu.memory_space<vmem>> -> memref<128xi32, #tpu.memory_space<vmem>>
      %dma_wait3A_71 = arith.constant 0 : i32
      %dma_wait3A_72 = arith.constant 0 : i32
      %dma_wait3A_73 = tpu.memref_slice %arg2[%dma_wait3A_71, %dma_wait3A_72] : memref<10240x128xf32, #tpu.memory_space<hbm>> -> memref<10240x128xf32, #tpu.memory_space<hbm>>
      tpu.wait_indirect_dma semaphore(%arg13 : memref<!tpu.dma_semaphore, #tpu.memory_space<semaphore_mem>>) src(%dma_wait3A_73 : memref<10240x128xf32, #tpu.memory_space<hbm>>) dst(%arg10 : memref<128x128xf32, #tpu.memory_space<vmem>>)
      %add3A_74 = arith.constant 1 : i32
      %add3A_75 = arith.addi %mul3A_50, %add3A_74 : i32
      "tpu.region"() ({
        %run_scoped3A = tpu.sem_alloc : memref<!tpu.dma_semaphore, #tpu.memory_space<semaphore_mem>>
        %dma_start3A_76 = arith.constant 0 : i32
        %dma_start3A_77 = tpu.memref_slice %arg8[%add3A_75, %dma_start3A_76] : memref<40x128xi32, #tpu.memory_space<vmem>> -> memref<1x128xi32, #tpu.memory_space<vmem>>
        %dma_start3A_78 = tpu.memref_squeeze %dma_start3A_77 : memref<1x128xi32, #tpu.memory_space<vmem>> -> memref<128xi32, #tpu.memory_space<vmem>>
        %dma_start3A_79 = arith.constant 0 : i32
        %dma_start3A_80 = arith.constant 0 : i32
        %dma_start3A_81 = tpu.memref_slice %arg11[%dma_start3A_79, %dma_start3A_80] : memref<10368x128xf32, #tpu.memory_space<vmem_shared>> -> memref<10368x128xf32, #tpu.memory_space<vmem_shared>>
        tpu.enqueue_indirect_dma source(%arg10 : memref<128x128xf32, #tpu.memory_space<vmem>>) target(%dma_start3A_81 : memref<10368x128xf32, #tpu.memory_space<vmem_shared>>) offsets(%dma_start3A_78 : memref<128xi32, #tpu.memory_space<vmem>>) semaphore(%run_scoped3A : memref<!tpu.dma_semaphore, #tpu.memory_space<semaphore_mem>>) {add = true}
        %dma_wait3A_82 = arith.constant 0 : i32
        %dma_wait3A_83 = tpu.memref_slice %arg8[%add3A_75, %dma_wait3A_82] : memref<40x128xi32, #tpu.memory_space<vmem>> -> memref<1x128xi32, #tpu.memory_space<vmem>>
        %dma_wait3A_84 = tpu.memref_squeeze %dma_wait3A_83 : memref<1x128xi32, #tpu.memory_space<vmem>> -> memref<128xi32, #tpu.memory_space<vmem>>
        %dma_wait3A_85 = arith.constant 0 : i32
        %dma_wait3A_86 = arith.constant 0 : i32
        %dma_wait3A_87 = tpu.memref_slice %arg11[%dma_wait3A_85, %dma_wait3A_86] : memref<10368x128xf32, #tpu.memory_space<vmem_shared>> -> memref<10368x128xf32, #tpu.memory_space<vmem_shared>>
        tpu.wait_indirect_dma semaphore(%run_scoped3A : memref<!tpu.dma_semaphore, #tpu.memory_space<semaphore_mem>>) src(%arg10 : memref<128x128xf32, #tpu.memory_space<vmem>>) dst(%dma_wait3A_87 : memref<10368x128xf32, #tpu.memory_space<vmem_shared>>)
        tpu.yield
      }) : () -> ()
    }
    %scan3A_21 = arith.constant 20 : i32
    %mul3A_22 = arith.constant 80 : i32
    %mul3A_23 = arith.muli %add3A, %mul3A_22 : i32
    %add3A_24 = arith.constant 40 : i32
    %add3A_25 = arith.addi %mul3A_23, %add3A_24 : i32
    "tpu.region"() ({
      %run_scoped3A = tpu.sem_alloc : memref<!tpu.dma_semaphore, #tpu.memory_space<semaphore_mem>>
      %dma_start3A_48 = arith.constant 0 : i32
      %dma_start3A_49 = tpu.memref_slice %arg3[%add3A_25, %dma_start3A_48] : memref<2560x128xi32, #tpu.memory_space<hbm>> -> memref<40x128xi32, #tpu.memory_space<hbm>>
      %dma_start3A_50 = arith.constant 0 : i32
      %dma_start3A_51 = tpu.memref_slice %arg3[%add3A_25, %dma_start3A_50] : memref<2560x128xi32, #tpu.memory_space<hbm>> -> memref<40x128xi32, #tpu.memory_space<hbm>>
      tpu.enqueue_dma source(%dma_start3A_51 : memref<40x128xi32, #tpu.memory_space<hbm>>) target(%arg7 : memref<40x128xi32, #tpu.memory_space<vmem>>) target_semaphore(%run_scoped3A : memref<!tpu.dma_semaphore, #tpu.memory_space<semaphore_mem>>)
      %dma_wait3A = arith.constant 0 : i32
      %dma_wait3A_52 = tpu.memref_slice %arg3[%add3A_25, %dma_wait3A] : memref<2560x128xi32, #tpu.memory_space<hbm>> -> memref<40x128xi32, #tpu.memory_space<hbm>>
      %dma_wait3A_53 = arith.constant 0 : i32
      %dma_wait3A_54 = tpu.memref_slice %arg3[%add3A_25, %dma_wait3A_53] : memref<2560x128xi32, #tpu.memory_space<hbm>> -> memref<40x128xi32, #tpu.memory_space<hbm>>
      tpu.wait_dma2 semaphore(%run_scoped3A : memref<!tpu.dma_semaphore, #tpu.memory_space<semaphore_mem>>) src(%dma_wait3A_54 : memref<40x128xi32, #tpu.memory_space<hbm>>) dst(%arg7 : memref<40x128xi32, #tpu.memory_space<vmem>>)
      tpu.yield
    }) : () -> ()
    %mul3A_26 = arith.constant 80 : i32
    %mul3A_27 = arith.muli %add3A, %mul3A_26 : i32
    %add3A_28 = arith.constant 40 : i32
    %add3A_29 = arith.addi %mul3A_27, %add3A_28 : i32
    "tpu.region"() ({
      %run_scoped3A = tpu.sem_alloc : memref<!tpu.dma_semaphore, #tpu.memory_space<semaphore_mem>>
      %dma_start3A_48 = arith.constant 0 : i32
      %dma_start3A_49 = tpu.memref_slice %arg4[%add3A_29, %dma_start3A_48] : memref<2560x128xi32, #tpu.memory_space<hbm>> -> memref<40x128xi32, #tpu.memory_space<hbm>>
      %dma_start3A_50 = arith.constant 0 : i32
      %dma_start3A_51 = tpu.memref_slice %arg4[%add3A_29, %dma_start3A_50] : memref<2560x128xi32, #tpu.memory_space<hbm>> -> memref<40x128xi32, #tpu.memory_space<hbm>>
      tpu.enqueue_dma source(%dma_start3A_51 : memref<40x128xi32, #tpu.memory_space<hbm>>) target(%arg8 : memref<40x128xi32, #tpu.memory_space<vmem>>) target_semaphore(%run_scoped3A : memref<!tpu.dma_semaphore, #tpu.memory_space<semaphore_mem>>)
      %dma_wait3A = arith.constant 0 : i32
      %dma_wait3A_52 = tpu.memref_slice %arg4[%add3A_29, %dma_wait3A] : memref<2560x128xi32, #tpu.memory_space<hbm>> -> memref<40x128xi32, #tpu.memory_space<hbm>>
      %dma_wait3A_53 = arith.constant 0 : i32
      %dma_wait3A_54 = tpu.memref_slice %arg4[%add3A_29, %dma_wait3A_53] : memref<2560x128xi32, #tpu.memory_space<hbm>> -> memref<40x128xi32, #tpu.memory_space<hbm>>
      tpu.wait_dma2 semaphore(%run_scoped3A : memref<!tpu.dma_semaphore, #tpu.memory_space<semaphore_mem>>) src(%dma_wait3A_54 : memref<40x128xi32, #tpu.memory_space<hbm>>) dst(%arg8 : memref<40x128xi32, #tpu.memory_space<vmem>>)
      tpu.yield
    }) : () -> ()
    %dma_start3A_30 = arith.constant 0 : i32
    %dma_start3A_31 = arith.constant 0 : i32
    %dma_start3A_32 = tpu.memref_slice %arg7[%dma_start3A_30, %dma_start3A_31] : memref<40x128xi32, #tpu.memory_space<vmem>> -> memref<1x128xi32, #tpu.memory_space<vmem>>
    %dma_start3A_33 = tpu.memref_squeeze %dma_start3A_32 : memref<1x128xi32, #tpu.memory_space<vmem>> -> memref<128xi32, #tpu.memory_space<vmem>>
    %dma_start3A_34 = arith.constant 0 : i32
    %dma_start3A_35 = arith.constant 0 : i32
    %dma_start3A_36 = tpu.memref_slice %arg2[%dma_start3A_34, %dma_start3A_35] : memref<10240x128xf32, #tpu.memory_space<hbm>> -> memref<10240x128xf32, #tpu.memory_space<hbm>>
    tpu.enqueue_indirect_dma source(%dma_start3A_36 : memref<10240x128xf32, #tpu.memory_space<hbm>>) target(%arg9 : memref<128x128xf32, #tpu.memory_space<vmem>>) offsets(%dma_start3A_33 : memref<128xi32, #tpu.memory_space<vmem>>) semaphore(%arg12 : memref<!tpu.dma_semaphore, #tpu.memory_space<semaphore_mem>>)
    %scan3A_37 = arith.constant 0 : i32
    %scan3A_38 = arith.constant 0 : i32
    %scan3A_39 = arith.constant 20 : i32
    %scan3A_40 = arith.addi %scan3A_38, %scan3A_39 : i32
    %scan3A_41 = arith.constant 1 : i32
    scf.for %scan3A_48 = %scan3A_38 to %scan3A_40 step %scan3A_41  : i32 {
      %mul3A_49 = arith.constant 2 : i32
      %mul3A_50 = arith.muli %mul3A_49, %scan3A_48 : i32
      %add3A_51 = arith.constant 1 : i32
      %add3A_52 = arith.addi %mul3A_50, %add3A_51 : i32
      %dma_start3A_53 = arith.constant 0 : i32
      %dma_start3A_54 = tpu.memref_slice %arg7[%add3A_52, %dma_start3A_53] : memref<40x128xi32, #tpu.memory_space<vmem>> -> memref<1x128xi32, #tpu.memory_space<vmem>>
      %dma_start3A_55 = tpu.memref_squeeze %dma_start3A_54 : memref<1x128xi32, #tpu.memory_space<vmem>> -> memref<128xi32, #tpu.memory_space<vmem>>
      %dma_start3A_56 = arith.constant 0 : i32
      %dma_start3A_57 = arith.constant 0 : i32
      %dma_start3A_58 = tpu.memref_slice %arg2[%dma_start3A_56, %dma_start3A_57] : memref<10240x128xf32, #tpu.memory_space<hbm>> -> memref<10240x128xf32, #tpu.memory_space<hbm>>
      tpu.enqueue_indirect_dma source(%dma_start3A_58 : memref<10240x128xf32, #tpu.memory_space<hbm>>) target(%arg10 : memref<128x128xf32, #tpu.memory_space<vmem>>) offsets(%dma_start3A_55 : memref<128xi32, #tpu.memory_space<vmem>>) semaphore(%arg13 : memref<!tpu.dma_semaphore, #tpu.memory_space<semaphore_mem>>)
      %dma_wait3A = arith.constant 0 : i32
      %dma_wait3A_59 = arith.constant 0 : i32
      %dma_wait3A_60 = tpu.memref_slice %arg7[%dma_wait3A, %dma_wait3A_59] : memref<40x128xi32, #tpu.memory_space<vmem>> -> memref<1x128xi32, #tpu.memory_space<vmem>>
      %dma_wait3A_61 = tpu.memref_squeeze %dma_wait3A_60 : memref<1x128xi32, #tpu.memory_space<vmem>> -> memref<128xi32, #tpu.memory_space<vmem>>
      %dma_wait3A_62 = arith.constant 0 : i32
      %dma_wait3A_63 = arith.constant 0 : i32
      %dma_wait3A_64 = tpu.memref_slice %arg2[%dma_wait3A_62, %dma_wait3A_63] : memref<10240x128xf32, #tpu.memory_space<hbm>> -> memref<10240x128xf32, #tpu.memory_space<hbm>>
      tpu.wait_indirect_dma semaphore(%arg12 : memref<!tpu.dma_semaphore, #tpu.memory_space<semaphore_mem>>) src(%dma_wait3A_64 : memref<10240x128xf32, #tpu.memory_space<hbm>>) dst(%arg9 : memref<128x128xf32, #tpu.memory_space<vmem>>)
      "tpu.region"() ({
        %run_scoped3A = tpu.sem_alloc : memref<!tpu.dma_semaphore, #tpu.memory_space<semaphore_mem>>
        %dma_start3A_76 = arith.constant 0 : i32
        %dma_start3A_77 = tpu.memref_slice %arg8[%mul3A_50, %dma_start3A_76] : memref<40x128xi32, #tpu.memory_space<vmem>> -> memref<1x128xi32, #tpu.memory_space<vmem>>
        %dma_start3A_78 = tpu.memref_squeeze %dma_start3A_77 : memref<1x128xi32, #tpu.memory_space<vmem>> -> memref<128xi32, #tpu.memory_space<vmem>>
        %dma_start3A_79 = arith.constant 0 : i32
        %dma_start3A_80 = arith.constant 0 : i32
        %dma_start3A_81 = tpu.memref_slice %arg11[%dma_start3A_79, %dma_start3A_80] : memref<10368x128xf32, #tpu.memory_space<vmem_shared>> -> memref<10368x128xf32, #tpu.memory_space<vmem_shared>>
        tpu.enqueue_indirect_dma source(%arg9 : memref<128x128xf32, #tpu.memory_space<vmem>>) target(%dma_start3A_81 : memref<10368x128xf32, #tpu.memory_space<vmem_shared>>) offsets(%dma_start3A_78 : memref<128xi32, #tpu.memory_space<vmem>>) semaphore(%run_scoped3A : memref<!tpu.dma_semaphore, #tpu.memory_space<semaphore_mem>>) {add = true}
        %dma_wait3A_82 = arith.constant 0 : i32
        %dma_wait3A_83 = tpu.memref_slice %arg8[%mul3A_50, %dma_wait3A_82] : memref<40x128xi32, #tpu.memory_space<vmem>> -> memref<1x128xi32, #tpu.memory_space<vmem>>
        %dma_wait3A_84 = tpu.memref_squeeze %dma_wait3A_83 : memref<1x128xi32, #tpu.memory_space<vmem>> -> memref<128xi32, #tpu.memory_space<vmem>>
        %dma_wait3A_85 = arith.constant 0 : i32
        %dma_wait3A_86 = arith.constant 0 : i32
        %dma_wait3A_87 = tpu.memref_slice %arg11[%dma_wait3A_85, %dma_wait3A_86] : memref<10368x128xf32, #tpu.memory_space<vmem_shared>> -> memref<10368x128xf32, #tpu.memory_space<vmem_shared>>
        tpu.wait_indirect_dma semaphore(%run_scoped3A : memref<!tpu.dma_semaphore, #tpu.memory_space<semaphore_mem>>) src(%arg9 : memref<128x128xf32, #tpu.memory_space<vmem>>) dst(%dma_wait3A_87 : memref<10368x128xf32, #tpu.memory_space<vmem_shared>>)
        tpu.yield
      }) : () -> ()
      %lt3A = arith.constant 19 : i32
      %lt3A_65 = arith.cmpi slt, %scan3A_48, %lt3A : i32
      %convert_element_type3A = arith.extui %lt3A_65 : i1 to i32
      %cond3A = arith.constant 0 : i32
      %cond3A_66 = arith.cmpi ne, %convert_element_type3A, %cond3A : i32
      scf.if %cond3A_66 {
        %add3A_76 = arith.constant 2 : i32
        %add3A_77 = arith.addi %mul3A_50, %add3A_76 : i32
        %dma_start3A_78 = arith.constant 0 : i32
        %dma_start3A_79 = tpu.memref_slice %arg7[%add3A_77, %dma_start3A_78] : memref<40x128xi32, #tpu.memory_space<vmem>> -> memref<1x128xi32, #tpu.memory_space<vmem>>
        %dma_start3A_80 = tpu.memref_squeeze %dma_start3A_79 : memref<1x128xi32, #tpu.memory_space<vmem>> -> memref<128xi32, #tpu.memory_space<vmem>>
        %dma_start3A_81 = arith.constant 0 : i32
        %dma_start3A_82 = arith.constant 0 : i32
        %dma_start3A_83 = tpu.memref_slice %arg2[%dma_start3A_81, %dma_start3A_82] : memref<10240x128xf32, #tpu.memory_space<hbm>> -> memref<10240x128xf32, #tpu.memory_space<hbm>>
        tpu.enqueue_indirect_dma source(%dma_start3A_83 : memref<10240x128xf32, #tpu.memory_space<hbm>>) target(%arg9 : memref<128x128xf32, #tpu.memory_space<vmem>>) offsets(%dma_start3A_80 : memref<128xi32, #tpu.memory_space<vmem>>) semaphore(%arg12 : memref<!tpu.dma_semaphore, #tpu.memory_space<semaphore_mem>>)
      } else {
      }
      %dma_wait3A_67 = arith.constant 0 : i32
      %dma_wait3A_68 = arith.constant 0 : i32
      %dma_wait3A_69 = tpu.memref_slice %arg7[%dma_wait3A_67, %dma_wait3A_68] : memref<40x128xi32, #tpu.memory_space<vmem>> -> memref<1x128xi32, #tpu.memory_space<vmem>>
      %dma_wait3A_70 = tpu.memref_squeeze %dma_wait3A_69 : memref<1x128xi32, #tpu.memory_space<vmem>> -> memref<128xi32, #tpu.memory_space<vmem>>
      %dma_wait3A_71 = arith.constant 0 : i32
      %dma_wait3A_72 = arith.constant 0 : i32
      %dma_wait3A_73 = tpu.memref_slice %arg2[%dma_wait3A_71, %dma_wait3A_72] : memref<10240x128xf32, #tpu.memory_space<hbm>> -> memref<10240x128xf32, #tpu.memory_space<hbm>>
      tpu.wait_indirect_dma semaphore(%arg13 : memref<!tpu.dma_semaphore, #tpu.memory_space<semaphore_mem>>) src(%dma_wait3A_73 : memref<10240x128xf32, #tpu.memory_space<hbm>>) dst(%arg10 : memref<128x128xf32, #tpu.memory_space<vmem>>)
      %add3A_74 = arith.constant 1 : i32
      %add3A_75 = arith.addi %mul3A_50, %add3A_74 : i32
      "tpu.region"() ({
        %run_scoped3A = tpu.sem_alloc : memref<!tpu.dma_semaphore, #tpu.memory_space<semaphore_mem>>
        %dma_start3A_76 = arith.constant 0 : i32
        %dma_start3A_77 = tpu.memref_slice %arg8[%add3A_75, %dma_start3A_76] : memref<40x128xi32, #tpu.memory_space<vmem>> -> memref<1x128xi32, #tpu.memory_space<vmem>>
        %dma_start3A_78 = tpu.memref_squeeze %dma_start3A_77 : memref<1x128xi32, #tpu.memory_space<vmem>> -> memref<128xi32, #tpu.memory_space<vmem>>
        %dma_start3A_79 = arith.constant 0 : i32
        %dma_start3A_80 = arith.constant 0 : i32
        %dma_start3A_81 = tpu.memref_slice %arg11[%dma_start3A_79, %dma_start3A_80] : memref<10368x128xf32, #tpu.memory_space<vmem_shared>> -> memref<10368x128xf32, #tpu.memory_space<vmem_shared>>
        tpu.enqueue_indirect_dma source(%arg10 : memref<128x128xf32, #tpu.memory_space<vmem>>) target(%dma_start3A_81 : memref<10368x128xf32, #tpu.memory_space<vmem_shared>>) offsets(%dma_start3A_78 : memref<128xi32, #tpu.memory_space<vmem>>) semaphore(%run_scoped3A : memref<!tpu.dma_semaphore, #tpu.memory_space<semaphore_mem>>) {add = true}
        %dma_wait3A_82 = arith.constant 0 : i32
        %dma_wait3A_83 = tpu.memref_slice %arg8[%add3A_75, %dma_wait3A_82] : memref<40x128xi32, #tpu.memory_space<vmem>> -> memref<1x128xi32, #tpu.memory_space<vmem>>
        %dma_wait3A_84 = tpu.memref_squeeze %dma_wait3A_83 : memref<1x128xi32, #tpu.memory_space<vmem>> -> memref<128xi32, #tpu.memory_space<vmem>>
        %dma_wait3A_85 = arith.constant 0 : i32
        %dma_wait3A_86 = arith.constant 0 : i32
        %dma_wait3A_87 = tpu.memref_slice %arg11[%dma_wait3A_85, %dma_wait3A_86] : memref<10368x128xf32, #tpu.memory_space<vmem_shared>> -> memref<10368x128xf32, #tpu.memory_space<vmem_shared>>
        tpu.wait_indirect_dma semaphore(%run_scoped3A : memref<!tpu.dma_semaphore, #tpu.memory_space<semaphore_mem>>) src(%arg10 : memref<128x128xf32, #tpu.memory_space<vmem>>) dst(%dma_wait3A_87 : memref<10368x128xf32, #tpu.memory_space<vmem_shared>>)
        tpu.yield
      }) : () -> ()
    }
    %scan3A_42 = arith.constant 20 : i32
    %barrier3A_43 = arith.constant 0 : index
    tpu.barrier barrier_id(%barrier3A_43)
    %mul3A_44 = arith.constant 640 : i32
    %mul3A_45 = arith.muli %arg1, %mul3A_44 : i32
    %mul3A_46 = arith.constant 640 : i32
    %mul3A_47 = arith.muli %arg1, %mul3A_46 : i32
    "tpu.region"() ({
      %run_scoped3A = tpu.sem_alloc : memref<!tpu.dma_semaphore, #tpu.memory_space<semaphore_mem>>
      %dma_start3A_48 = arith.constant 0 : i32
      %dma_start3A_49 = tpu.memref_slice %arg6[%arg0, %mul3A_47, %dma_start3A_48] : memref<2x10240x128xf32, #tpu.memory_space<hbm>> -> memref<1x640x128xf32, #tpu.memory_space<hbm>>
      %dma_start3A_50 = tpu.memref_squeeze %dma_start3A_49 : memref<1x640x128xf32, #tpu.memory_space<hbm>> -> memref<640x128xf32, #tpu.memory_space<hbm>>
      %dma_start3A_51 = arith.constant 0 : i32
      %dma_start3A_52 = tpu.memref_slice %arg11[%mul3A_45, %dma_start3A_51] : memref<10368x128xf32, #tpu.memory_space<vmem_shared>> -> memref<640x128xf32, #tpu.memory_space<vmem_shared>>
      tpu.enqueue_dma source(%dma_start3A_52 : memref<640x128xf32, #tpu.memory_space<vmem_shared>>) target(%dma_start3A_50 : memref<640x128xf32, #tpu.memory_space<hbm>>) target_semaphore(%run_scoped3A : memref<!tpu.dma_semaphore, #tpu.memory_space<semaphore_mem>>)
      %dma_wait3A = arith.constant 0 : i32
      %dma_wait3A_53 = tpu.memref_slice %arg6[%arg0, %mul3A_47, %dma_wait3A] : memref<2x10240x128xf32, #tpu.memory_space<hbm>> -> memref<1x640x128xf32, #tpu.memory_space<hbm>>
      %dma_wait3A_54 = tpu.memref_squeeze %dma_wait3A_53 : memref<1x640x128xf32, #tpu.memory_space<hbm>> -> memref<640x128xf32, #tpu.memory_space<hbm>>
      %dma_wait3A_55 = arith.constant 0 : i32
      %dma_wait3A_56 = tpu.memref_slice %arg11[%mul3A_45, %dma_wait3A_55] : memref<10368x128xf32, #tpu.memory_space<vmem_shared>> -> memref<640x128xf32, #tpu.memory_space<vmem_shared>>
      tpu.wait_dma2 semaphore(%run_scoped3A : memref<!tpu.dma_semaphore, #tpu.memory_space<semaphore_mem>>) src(%dma_wait3A_56 : memref<640x128xf32, #tpu.memory_space<vmem_shared>>) dst(%dma_wait3A_54 : memref<640x128xf32, #tpu.memory_space<hbm>>)
      tpu.yield
    }) : () -> ()
    return
  }
}

#map = affine_map<(d0, d1) -> (0, 0)>
#map1 = affine_map<(d0, d1) -> (0, 0, 0)>
module attributes {stable_mosaic.version = 14 : i64} {
  func.func @_agg_kernel(%arg0: i32, %arg1: i32, %arg2: memref<10240x128xf32, #tpu.memory_space<hbm>>, %arg3: memref<2560x128xi32, #tpu.memory_space<hbm>>, %arg4: memref<2560x128xi32, #tpu.memory_space<hbm>>, %arg5: memref<648x128xf32, #tpu.memory_space<hbm>>, %arg6: memref<2x10240x128xf32, #tpu.memory_space<hbm>>, %arg7: memref<40x128xi32, #tpu.memory_space<vmem>>, %arg8: memref<40x128xi32, #tpu.memory_space<vmem>>, %arg9: memref<128x128xf32, #tpu.memory_space<vmem>>, %arg10: memref<128x128xf32, #tpu.memory_space<vmem>>, %arg11: memref<10368x128xf32, #tpu.memory_space<vmem_shared>>, %arg12: memref<!tpu.dma_semaphore, #tpu.memory_space<semaphore_mem>>, %arg13: memref<!tpu.dma_semaphore, #tpu.memory_space<semaphore_mem>>, %arg14: memref<!tpu.dma_semaphore, #tpu.memory_space<semaphore_mem>>, %arg15: memref<!tpu.dma_semaphore, #tpu.memory_space<semaphore_mem>>) attributes {dimension_semantics = [#tpu.dimension_semantics<core_parallel>, #tpu.dimension_semantics<subcore_parallel>], iteration_bounds = array<i64: 2, 16>, scalar_prefetch = 0 : i64, scratch_operands = 9 : i64, tpu.core_type = #tpu.core_type<sc_vector_subcore>, window_params = [{transform_indices = #map}, {transform_indices = #map}, {transform_indices = #map}, {transform_indices = #map}, {transform_indices = #map1}]} {
    %mul3A = arith.constant 16 : i32
    %mul3A_0 = arith.muli %arg0, %mul3A : i32
    %add3A = arith.addi %mul3A_0, %arg1 : i32
    %mul3A_1 = arith.constant 648 : i32
    %mul3A_2 = arith.muli %arg1, %mul3A_1 : i32
    "tpu.region"() ({
      %run_scoped3A = tpu.sem_alloc : memref<!tpu.dma_semaphore, #tpu.memory_space<semaphore_mem>>
      %dma_start3A_48 = arith.constant 0 : i32
      %dma_start3A_49 = tpu.memref_slice %arg11[%mul3A_2, %dma_start3A_48] : memref<10368x128xf32, #tpu.memory_space<vmem_shared>> -> memref<648x128xf32, #tpu.memory_space<vmem_shared>>
      tpu.enqueue_dma source(%arg5 : memref<648x128xf32, #tpu.memory_space<hbm>>) target(%dma_start3A_49 : memref<648x128xf32, #tpu.memory_space<vmem_shared>>) target_semaphore(%run_scoped3A : memref<!tpu.dma_semaphore, #tpu.memory_space<semaphore_mem>>)
      %dma_wait3A = arith.constant 0 : i32
      %dma_wait3A_50 = tpu.memref_slice %arg11[%mul3A_2, %dma_wait3A] : memref<10368x128xf32, #tpu.memory_space<vmem_shared>> -> memref<648x128xf32, #tpu.memory_space<vmem_shared>>
      tpu.wait_dma2 semaphore(%run_scoped3A : memref<!tpu.dma_semaphore, #tpu.memory_space<semaphore_mem>>) src(%arg5 : memref<648x128xf32, #tpu.memory_space<hbm>>) dst(%dma_wait3A_50 : memref<648x128xf32, #tpu.memory_space<vmem_shared>>)
      tpu.yield
    }) : () -> ()
    %barrier3A = arith.constant 0 : index
    tpu.barrier barrier_id(%barrier3A)
    %mul3A_3 = arith.constant 80 : i32
    %mul3A_4 = arith.muli %add3A, %mul3A_3 : i32
    %add3A_5 = arith.constant 0 : i32
    %add3A_6 = arith.addi %mul3A_4, %add3A_5 : i32
    "tpu.region"() ({
      %run_scoped3A = tpu.sem_alloc : memref<!tpu.dma_semaphore, #tpu.memory_space<semaphore_mem>>
      %dma_start3A_48 = arith.constant 0 : i32
      %dma_start3A_49 = tpu.memref_slice %arg3[%add3A_6, %dma_start3A_48] : memref<2560x128xi32, #tpu.memory_space<hbm>> -> memref<40x128xi32, #tpu.memory_space<hbm>>
      %dma_start3A_50 = arith.constant 0 : i32
      %dma_start3A_51 = tpu.memref_slice %arg3[%add3A_6, %dma_start3A_50] : memref<2560x128xi32, #tpu.memory_space<hbm>> -> memref<40x128xi32, #tpu.memory_space<hbm>>
      tpu.enqueue_dma source(%dma_start3A_51 : memref<40x128xi32, #tpu.memory_space<hbm>>) target(%arg7 : memref<40x128xi32, #tpu.memory_space<vmem>>) target_semaphore(%run_scoped3A : memref<!tpu.dma_semaphore, #tpu.memory_space<semaphore_mem>>)
      %dma_wait3A = arith.constant 0 : i32
      %dma_wait3A_52 = tpu.memref_slice %arg3[%add3A_6, %dma_wait3A] : memref<2560x128xi32, #tpu.memory_space<hbm>> -> memref<40x128xi32, #tpu.memory_space<hbm>>
      %dma_wait3A_53 = arith.constant 0 : i32
      %dma_wait3A_54 = tpu.memref_slice %arg3[%add3A_6, %dma_wait3A_53] : memref<2560x128xi32, #tpu.memory_space<hbm>> -> memref<40x128xi32, #tpu.memory_space<hbm>>
      tpu.wait_dma2 semaphore(%run_scoped3A : memref<!tpu.dma_semaphore, #tpu.memory_space<semaphore_mem>>) src(%dma_wait3A_54 : memref<40x128xi32, #tpu.memory_space<hbm>>) dst(%arg7 : memref<40x128xi32, #tpu.memory_space<vmem>>)
      tpu.yield
    }) : () -> ()
    %mul3A_7 = arith.constant 80 : i32
    %mul3A_8 = arith.muli %add3A, %mul3A_7 : i32
    %add3A_9 = arith.constant 0 : i32
    %add3A_10 = arith.addi %mul3A_8, %add3A_9 : i32
    "tpu.region"() ({
      %run_scoped3A = tpu.sem_alloc : memref<!tpu.dma_semaphore, #tpu.memory_space<semaphore_mem>>
      %dma_start3A_48 = arith.constant 0 : i32
      %dma_start3A_49 = tpu.memref_slice %arg4[%add3A_10, %dma_start3A_48] : memref<2560x128xi32, #tpu.memory_space<hbm>> -> memref<40x128xi32, #tpu.memory_space<hbm>>
      %dma_start3A_50 = arith.constant 0 : i32
      %dma_start3A_51 = tpu.memref_slice %arg4[%add3A_10, %dma_start3A_50] : memref<2560x128xi32, #tpu.memory_space<hbm>> -> memref<40x128xi32, #tpu.memory_space<hbm>>
      tpu.enqueue_dma source(%dma_start3A_51 : memref<40x128xi32, #tpu.memory_space<hbm>>) target(%arg8 : memref<40x128xi32, #tpu.memory_space<vmem>>) target_semaphore(%run_scoped3A : memref<!tpu.dma_semaphore, #tpu.memory_space<semaphore_mem>>)
      %dma_wait3A = arith.constant 0 : i32
      %dma_wait3A_52 = tpu.memref_slice %arg4[%add3A_10, %dma_wait3A] : memref<2560x128xi32, #tpu.memory_space<hbm>> -> memref<40x128xi32, #tpu.memory_space<hbm>>
      %dma_wait3A_53 = arith.constant 0 : i32
      %dma_wait3A_54 = tpu.memref_slice %arg4[%add3A_10, %dma_wait3A_53] : memref<2560x128xi32, #tpu.memory_space<hbm>> -> memref<40x128xi32, #tpu.memory_space<hbm>>
      tpu.wait_dma2 semaphore(%run_scoped3A : memref<!tpu.dma_semaphore, #tpu.memory_space<semaphore_mem>>) src(%dma_wait3A_54 : memref<40x128xi32, #tpu.memory_space<hbm>>) dst(%arg8 : memref<40x128xi32, #tpu.memory_space<vmem>>)
      tpu.yield
    }) : () -> ()
    %dma_start3A = arith.constant 0 : i32
    %dma_start3A_11 = arith.constant 0 : i32
    %dma_start3A_12 = tpu.memref_slice %arg7[%dma_start3A, %dma_start3A_11] : memref<40x128xi32, #tpu.memory_space<vmem>> -> memref<1x128xi32, #tpu.memory_space<vmem>>
    %dma_start3A_13 = tpu.memref_squeeze %dma_start3A_12 : memref<1x128xi32, #tpu.memory_space<vmem>> -> memref<128xi32, #tpu.memory_space<vmem>>
    %dma_start3A_14 = arith.constant 0 : i32
    %dma_start3A_15 = arith.constant 0 : i32
    %dma_start3A_16 = tpu.memref_slice %arg2[%dma_start3A_14, %dma_start3A_15] : memref<10240x128xf32, #tpu.memory_space<hbm>> -> memref<10240x128xf32, #tpu.memory_space<hbm>>
    tpu.enqueue_indirect_dma source(%dma_start3A_16 : memref<10240x128xf32, #tpu.memory_space<hbm>>) target(%arg9 : memref<128x128xf32, #tpu.memory_space<vmem>>) offsets(%dma_start3A_13 : memref<128xi32, #tpu.memory_space<vmem>>) semaphore(%arg12 : memref<!tpu.dma_semaphore, #tpu.memory_space<semaphore_mem>>)
    %scan3A = arith.constant 0 : i32
    %scan3A_17 = arith.constant 0 : i32
    %scan3A_18 = arith.constant 20 : i32
    %scan3A_19 = arith.addi %scan3A_17, %scan3A_18 : i32
    %scan3A_20 = arith.constant 1 : i32
    scf.for %scan3A_48 = %scan3A_17 to %scan3A_19 step %scan3A_20  : i32 {
      %mul3A_49 = arith.constant 2 : i32
      %mul3A_50 = arith.muli %mul3A_49, %scan3A_48 : i32
      %add3A_51 = arith.constant 1 : i32
      %add3A_52 = arith.addi %mul3A_50, %add3A_51 : i32
      %dma_start3A_53 = arith.constant 0 : i32
      %dma_start3A_54 = tpu.memref_slice %arg7[%add3A_52, %dma_start3A_53] : memref<40x128xi32, #tpu.memory_space<vmem>> -> memref<1x128xi32, #tpu.memory_space<vmem>>
      %dma_start3A_55 = tpu.memref_squeeze %dma_start3A_54 : memref<1x128xi32, #tpu.memory_space<vmem>> -> memref<128xi32, #tpu.memory_space<vmem>>
      %dma_start3A_56 = arith.constant 0 : i32
      %dma_start3A_57 = arith.constant 0 : i32
      %dma_start3A_58 = tpu.memref_slice %arg2[%dma_start3A_56, %dma_start3A_57] : memref<10240x128xf32, #tpu.memory_space<hbm>> -> memref<10240x128xf32, #tpu.memory_space<hbm>>
      tpu.enqueue_indirect_dma source(%dma_start3A_58 : memref<10240x128xf32, #tpu.memory_space<hbm>>) target(%arg10 : memref<128x128xf32, #tpu.memory_space<vmem>>) offsets(%dma_start3A_55 : memref<128xi32, #tpu.memory_space<vmem>>) semaphore(%arg13 : memref<!tpu.dma_semaphore, #tpu.memory_space<semaphore_mem>>)
      %dma_wait3A = arith.constant 0 : i32
      %dma_wait3A_59 = arith.constant 0 : i32
      %dma_wait3A_60 = tpu.memref_slice %arg7[%dma_wait3A, %dma_wait3A_59] : memref<40x128xi32, #tpu.memory_space<vmem>> -> memref<1x128xi32, #tpu.memory_space<vmem>>
      %dma_wait3A_61 = tpu.memref_squeeze %dma_wait3A_60 : memref<1x128xi32, #tpu.memory_space<vmem>> -> memref<128xi32, #tpu.memory_space<vmem>>
      %dma_wait3A_62 = arith.constant 0 : i32
      %dma_wait3A_63 = arith.constant 0 : i32
      %dma_wait3A_64 = tpu.memref_slice %arg2[%dma_wait3A_62, %dma_wait3A_63] : memref<10240x128xf32, #tpu.memory_space<hbm>> -> memref<10240x128xf32, #tpu.memory_space<hbm>>
      tpu.wait_indirect_dma semaphore(%arg12 : memref<!tpu.dma_semaphore, #tpu.memory_space<semaphore_mem>>) src(%dma_wait3A_64 : memref<10240x128xf32, #tpu.memory_space<hbm>>) dst(%arg9 : memref<128x128xf32, #tpu.memory_space<vmem>>)
      "tpu.region"() ({
        %run_scoped3A = tpu.sem_alloc : memref<!tpu.dma_semaphore, #tpu.memory_space<semaphore_mem>>
        %dma_start3A_76 = arith.constant 0 : i32
        %dma_start3A_77 = tpu.memref_slice %arg8[%mul3A_50, %dma_start3A_76] : memref<40x128xi32, #tpu.memory_space<vmem>> -> memref<1x128xi32, #tpu.memory_space<vmem>>
        %dma_start3A_78 = tpu.memref_squeeze %dma_start3A_77 : memref<1x128xi32, #tpu.memory_space<vmem>> -> memref<128xi32, #tpu.memory_space<vmem>>
        %dma_start3A_79 = arith.constant 0 : i32
        %dma_start3A_80 = arith.constant 0 : i32
        %dma_start3A_81 = tpu.memref_slice %arg11[%dma_start3A_79, %dma_start3A_80] : memref<10368x128xf32, #tpu.memory_space<vmem_shared>> -> memref<10368x128xf32, #tpu.memory_space<vmem_shared>>
        tpu.enqueue_indirect_dma source(%arg9 : memref<128x128xf32, #tpu.memory_space<vmem>>) target(%dma_start3A_81 : memref<10368x128xf32, #tpu.memory_space<vmem_shared>>) offsets(%dma_start3A_78 : memref<128xi32, #tpu.memory_space<vmem>>) semaphore(%run_scoped3A : memref<!tpu.dma_semaphore, #tpu.memory_space<semaphore_mem>>) {add = true}
        %dma_wait3A_82 = arith.constant 0 : i32
        %dma_wait3A_83 = tpu.memref_slice %arg8[%mul3A_50, %dma_wait3A_82] : memref<40x128xi32, #tpu.memory_space<vmem>> -> memref<1x128xi32, #tpu.memory_space<vmem>>
        %dma_wait3A_84 = tpu.memref_squeeze %dma_wait3A_83 : memref<1x128xi32, #tpu.memory_space<vmem>> -> memref<128xi32, #tpu.memory_space<vmem>>
        %dma_wait3A_85 = arith.constant 0 : i32
        %dma_wait3A_86 = arith.constant 0 : i32
        %dma_wait3A_87 = tpu.memref_slice %arg11[%dma_wait3A_85, %dma_wait3A_86] : memref<10368x128xf32, #tpu.memory_space<vmem_shared>> -> memref<10368x128xf32, #tpu.memory_space<vmem_shared>>
        tpu.wait_indirect_dma semaphore(%run_scoped3A : memref<!tpu.dma_semaphore, #tpu.memory_space<semaphore_mem>>) src(%arg9 : memref<128x128xf32, #tpu.memory_space<vmem>>) dst(%dma_wait3A_87 : memref<10368x128xf32, #tpu.memory_space<vmem_shared>>)
        tpu.yield
      }) : () -> ()
      %lt3A = arith.constant 19 : i32
      %lt3A_65 = arith.cmpi slt, %scan3A_48, %lt3A : i32
      %convert_element_type3A = arith.extui %lt3A_65 : i1 to i32
      %cond3A = arith.constant 0 : i32
      %cond3A_66 = arith.cmpi ne, %convert_element_type3A, %cond3A : i32
      scf.if %cond3A_66 {
        %add3A_76 = arith.constant 2 : i32
        %add3A_77 = arith.addi %mul3A_50, %add3A_76 : i32
        %dma_start3A_78 = arith.constant 0 : i32
        %dma_start3A_79 = tpu.memref_slice %arg7[%add3A_77, %dma_start3A_78] : memref<40x128xi32, #tpu.memory_space<vmem>> -> memref<1x128xi32, #tpu.memory_space<vmem>>
        %dma_start3A_80 = tpu.memref_squeeze %dma_start3A_79 : memref<1x128xi32, #tpu.memory_space<vmem>> -> memref<128xi32, #tpu.memory_space<vmem>>
        %dma_start3A_81 = arith.constant 0 : i32
        %dma_start3A_82 = arith.constant 0 : i32
        %dma_start3A_83 = tpu.memref_slice %arg2[%dma_start3A_81, %dma_start3A_82] : memref<10240x128xf32, #tpu.memory_space<hbm>> -> memref<10240x128xf32, #tpu.memory_space<hbm>>
        tpu.enqueue_indirect_dma source(%dma_start3A_83 : memref<10240x128xf32, #tpu.memory_space<hbm>>) target(%arg9 : memref<128x128xf32, #tpu.memory_space<vmem>>) offsets(%dma_start3A_80 : memref<128xi32, #tpu.memory_space<vmem>>) semaphore(%arg12 : memref<!tpu.dma_semaphore, #tpu.memory_space<semaphore_mem>>)
      } else {
      }
      %dma_wait3A_67 = arith.constant 0 : i32
      %dma_wait3A_68 = arith.constant 0 : i32
      %dma_wait3A_69 = tpu.memref_slice %arg7[%dma_wait3A_67, %dma_wait3A_68] : memref<40x128xi32, #tpu.memory_space<vmem>> -> memref<1x128xi32, #tpu.memory_space<vmem>>
      %dma_wait3A_70 = tpu.memref_squeeze %dma_wait3A_69 : memref<1x128xi32, #tpu.memory_space<vmem>> -> memref<128xi32, #tpu.memory_space<vmem>>
      %dma_wait3A_71 = arith.constant 0 : i32
      %dma_wait3A_72 = arith.constant 0 : i32
      %dma_wait3A_73 = tpu.memref_slice %arg2[%dma_wait3A_71, %dma_wait3A_72] : memref<10240x128xf32, #tpu.memory_space<hbm>> -> memref<10240x128xf32, #tpu.memory_space<hbm>>
      tpu.wait_indirect_dma semaphore(%arg13 : memref<!tpu.dma_semaphore, #tpu.memory_space<semaphore_mem>>) src(%dma_wait3A_73 : memref<10240x128xf32, #tpu.memory_space<hbm>>) dst(%arg10 : memref<128x128xf32, #tpu.memory_space<vmem>>)
      %add3A_74 = arith.constant 1 : i32
      %add3A_75 = arith.addi %mul3A_50, %add3A_74 : i32
      "tpu.region"() ({
        %run_scoped3A = tpu.sem_alloc : memref<!tpu.dma_semaphore, #tpu.memory_space<semaphore_mem>>
        %dma_start3A_76 = arith.constant 0 : i32
        %dma_start3A_77 = tpu.memref_slice %arg8[%add3A_75, %dma_start3A_76] : memref<40x128xi32, #tpu.memory_space<vmem>> -> memref<1x128xi32, #tpu.memory_space<vmem>>
        %dma_start3A_78 = tpu.memref_squeeze %dma_start3A_77 : memref<1x128xi32, #tpu.memory_space<vmem>> -> memref<128xi32, #tpu.memory_space<vmem>>
        %dma_start3A_79 = arith.constant 0 : i32
        %dma_start3A_80 = arith.constant 0 : i32
        %dma_start3A_81 = tpu.memref_slice %arg11[%dma_start3A_79, %dma_start3A_80] : memref<10368x128xf32, #tpu.memory_space<vmem_shared>> -> memref<10368x128xf32, #tpu.memory_space<vmem_shared>>
        tpu.enqueue_indirect_dma source(%arg10 : memref<128x128xf32, #tpu.memory_space<vmem>>) target(%dma_start3A_81 : memref<10368x128xf32, #tpu.memory_space<vmem_shared>>) offsets(%dma_start3A_78 : memref<128xi32, #tpu.memory_space<vmem>>) semaphore(%run_scoped3A : memref<!tpu.dma_semaphore, #tpu.memory_space<semaphore_mem>>) {add = true}
        %dma_wait3A_82 = arith.constant 0 : i32
        %dma_wait3A_83 = tpu.memref_slice %arg8[%add3A_75, %dma_wait3A_82] : memref<40x128xi32, #tpu.memory_space<vmem>> -> memref<1x128xi32, #tpu.memory_space<vmem>>
        %dma_wait3A_84 = tpu.memref_squeeze %dma_wait3A_83 : memref<1x128xi32, #tpu.memory_space<vmem>> -> memref<128xi32, #tpu.memory_space<vmem>>
        %dma_wait3A_85 = arith.constant 0 : i32
        %dma_wait3A_86 = arith.constant 0 : i32
        %dma_wait3A_87 = tpu.memref_slice %arg11[%dma_wait3A_85, %dma_wait3A_86] : memref<10368x128xf32, #tpu.memory_space<vmem_shared>> -> memref<10368x128xf32, #tpu.memory_space<vmem_shared>>
        tpu.wait_indirect_dma semaphore(%run_scoped3A : memref<!tpu.dma_semaphore, #tpu.memory_space<semaphore_mem>>) src(%arg10 : memref<128x128xf32, #tpu.memory_space<vmem>>) dst(%dma_wait3A_87 : memref<10368x128xf32, #tpu.memory_space<vmem_shared>>)
        tpu.yield
      }) : () -> ()
    }
    %scan3A_21 = arith.constant 20 : i32
    %mul3A_22 = arith.constant 80 : i32
    %mul3A_23 = arith.muli %add3A, %mul3A_22 : i32
    %add3A_24 = arith.constant 40 : i32
    %add3A_25 = arith.addi %mul3A_23, %add3A_24 : i32
    "tpu.region"() ({
      %run_scoped3A = tpu.sem_alloc : memref<!tpu.dma_semaphore, #tpu.memory_space<semaphore_mem>>
      %dma_start3A_48 = arith.constant 0 : i32
      %dma_start3A_49 = tpu.memref_slice %arg3[%add3A_25, %dma_start3A_48] : memref<2560x128xi32, #tpu.memory_space<hbm>> -> memref<40x128xi32, #tpu.memory_space<hbm>>
      %dma_start3A_50 = arith.constant 0 : i32
      %dma_start3A_51 = tpu.memref_slice %arg3[%add3A_25, %dma_start3A_50] : memref<2560x128xi32, #tpu.memory_space<hbm>> -> memref<40x128xi32, #tpu.memory_space<hbm>>
      tpu.enqueue_dma source(%dma_start3A_51 : memref<40x128xi32, #tpu.memory_space<hbm>>) target(%arg7 : memref<40x128xi32, #tpu.memory_space<vmem>>) target_semaphore(%run_scoped3A : memref<!tpu.dma_semaphore, #tpu.memory_space<semaphore_mem>>)
      %dma_wait3A = arith.constant 0 : i32
      %dma_wait3A_52 = tpu.memref_slice %arg3[%add3A_25, %dma_wait3A] : memref<2560x128xi32, #tpu.memory_space<hbm>> -> memref<40x128xi32, #tpu.memory_space<hbm>>
      %dma_wait3A_53 = arith.constant 0 : i32
      %dma_wait3A_54 = tpu.memref_slice %arg3[%add3A_25, %dma_wait3A_53] : memref<2560x128xi32, #tpu.memory_space<hbm>> -> memref<40x128xi32, #tpu.memory_space<hbm>>
      tpu.wait_dma2 semaphore(%run_scoped3A : memref<!tpu.dma_semaphore, #tpu.memory_space<semaphore_mem>>) src(%dma_wait3A_54 : memref<40x128xi32, #tpu.memory_space<hbm>>) dst(%arg7 : memref<40x128xi32, #tpu.memory_space<vmem>>)
      tpu.yield
    }) : () -> ()
    %mul3A_26 = arith.constant 80 : i32
    %mul3A_27 = arith.muli %add3A, %mul3A_26 : i32
    %add3A_28 = arith.constant 40 : i32
    %add3A_29 = arith.addi %mul3A_27, %add3A_28 : i32
    "tpu.region"() ({
      %run_scoped3A = tpu.sem_alloc : memref<!tpu.dma_semaphore, #tpu.memory_space<semaphore_mem>>
      %dma_start3A_48 = arith.constant 0 : i32
      %dma_start3A_49 = tpu.memref_slice %arg4[%add3A_29, %dma_start3A_48] : memref<2560x128xi32, #tpu.memory_space<hbm>> -> memref<40x128xi32, #tpu.memory_space<hbm>>
      %dma_start3A_50 = arith.constant 0 : i32
      %dma_start3A_51 = tpu.memref_slice %arg4[%add3A_29, %dma_start3A_50] : memref<2560x128xi32, #tpu.memory_space<hbm>> -> memref<40x128xi32, #tpu.memory_space<hbm>>
      tpu.enqueue_dma source(%dma_start3A_51 : memref<40x128xi32, #tpu.memory_space<hbm>>) target(%arg8 : memref<40x128xi32, #tpu.memory_space<vmem>>) target_semaphore(%run_scoped3A : memref<!tpu.dma_semaphore, #tpu.memory_space<semaphore_mem>>)
      %dma_wait3A = arith.constant 0 : i32
      %dma_wait3A_52 = tpu.memref_slice %arg4[%add3A_29, %dma_wait3A] : memref<2560x128xi32, #tpu.memory_space<hbm>> -> memref<40x128xi32, #tpu.memory_space<hbm>>
      %dma_wait3A_53 = arith.constant 0 : i32
      %dma_wait3A_54 = tpu.memref_slice %arg4[%add3A_29, %dma_wait3A_53] : memref<2560x128xi32, #tpu.memory_space<hbm>> -> memref<40x128xi32, #tpu.memory_space<hbm>>
      tpu.wait_dma2 semaphore(%run_scoped3A : memref<!tpu.dma_semaphore, #tpu.memory_space<semaphore_mem>>) src(%dma_wait3A_54 : memref<40x128xi32, #tpu.memory_space<hbm>>) dst(%arg8 : memref<40x128xi32, #tpu.memory_space<vmem>>)
      tpu.yield
    }) : () -> ()
    %dma_start3A_30 = arith.constant 0 : i32
    %dma_start3A_31 = arith.constant 0 : i32
    %dma_start3A_32 = tpu.memref_slice %arg7[%dma_start3A_30, %dma_start3A_31] : memref<40x128xi32, #tpu.memory_space<vmem>> -> memref<1x128xi32, #tpu.memory_space<vmem>>
    %dma_start3A_33 = tpu.memref_squeeze %dma_start3A_32 : memref<1x128xi32, #tpu.memory_space<vmem>> -> memref<128xi32, #tpu.memory_space<vmem>>
    %dma_start3A_34 = arith.constant 0 : i32
    %dma_start3A_35 = arith.constant 0 : i32
    %dma_start3A_36 = tpu.memref_slice %arg2[%dma_start3A_34, %dma_start3A_35] : memref<10240x128xf32, #tpu.memory_space<hbm>> -> memref<10240x128xf32, #tpu.memory_space<hbm>>
    tpu.enqueue_indirect_dma source(%dma_start3A_36 : memref<10240x128xf32, #tpu.memory_space<hbm>>) target(%arg9 : memref<128x128xf32, #tpu.memory_space<vmem>>) offsets(%dma_start3A_33 : memref<128xi32, #tpu.memory_space<vmem>>) semaphore(%arg12 : memref<!tpu.dma_semaphore, #tpu.memory_space<semaphore_mem>>)
    %scan3A_37 = arith.constant 0 : i32
    %scan3A_38 = arith.constant 0 : i32
    %scan3A_39 = arith.constant 20 : i32
    %scan3A_40 = arith.addi %scan3A_38, %scan3A_39 : i32
    %scan3A_41 = arith.constant 1 : i32
    scf.for %scan3A_48 = %scan3A_38 to %scan3A_40 step %scan3A_41  : i32 {
      %mul3A_49 = arith.constant 2 : i32
      %mul3A_50 = arith.muli %mul3A_49, %scan3A_48 : i32
      %add3A_51 = arith.constant 1 : i32
      %add3A_52 = arith.addi %mul3A_50, %add3A_51 : i32
      %dma_start3A_53 = arith.constant 0 : i32
      %dma_start3A_54 = tpu.memref_slice %arg7[%add3A_52, %dma_start3A_53] : memref<40x128xi32, #tpu.memory_space<vmem>> -> memref<1x128xi32, #tpu.memory_space<vmem>>
      %dma_start3A_55 = tpu.memref_squeeze %dma_start3A_54 : memref<1x128xi32, #tpu.memory_space<vmem>> -> memref<128xi32, #tpu.memory_space<vmem>>
      %dma_start3A_56 = arith.constant 0 : i32
      %dma_start3A_57 = arith.constant 0 : i32
      %dma_start3A_58 = tpu.memref_slice %arg2[%dma_start3A_56, %dma_start3A_57] : memref<10240x128xf32, #tpu.memory_space<hbm>> -> memref<10240x128xf32, #tpu.memory_space<hbm>>
      tpu.enqueue_indirect_dma source(%dma_start3A_58 : memref<10240x128xf32, #tpu.memory_space<hbm>>) target(%arg10 : memref<128x128xf32, #tpu.memory_space<vmem>>) offsets(%dma_start3A_55 : memref<128xi32, #tpu.memory_space<vmem>>) semaphore(%arg13 : memref<!tpu.dma_semaphore, #tpu.memory_space<semaphore_mem>>)
      %dma_wait3A = arith.constant 0 : i32
      %dma_wait3A_59 = arith.constant 0 : i32
      %dma_wait3A_60 = tpu.memref_slice %arg7[%dma_wait3A, %dma_wait3A_59] : memref<40x128xi32, #tpu.memory_space<vmem>> -> memref<1x128xi32, #tpu.memory_space<vmem>>
      %dma_wait3A_61 = tpu.memref_squeeze %dma_wait3A_60 : memref<1x128xi32, #tpu.memory_space<vmem>> -> memref<128xi32, #tpu.memory_space<vmem>>
      %dma_wait3A_62 = arith.constant 0 : i32
      %dma_wait3A_63 = arith.constant 0 : i32
      %dma_wait3A_64 = tpu.memref_slice %arg2[%dma_wait3A_62, %dma_wait3A_63] : memref<10240x128xf32, #tpu.memory_space<hbm>> -> memref<10240x128xf32, #tpu.memory_space<hbm>>
      tpu.wait_indirect_dma semaphore(%arg12 : memref<!tpu.dma_semaphore, #tpu.memory_space<semaphore_mem>>) src(%dma_wait3A_64 : memref<10240x128xf32, #tpu.memory_space<hbm>>) dst(%arg9 : memref<128x128xf32, #tpu.memory_space<vmem>>)
      "tpu.region"() ({
        %run_scoped3A = tpu.sem_alloc : memref<!tpu.dma_semaphore, #tpu.memory_space<semaphore_mem>>
        %dma_start3A_76 = arith.constant 0 : i32
        %dma_start3A_77 = tpu.memref_slice %arg8[%mul3A_50, %dma_start3A_76] : memref<40x128xi32, #tpu.memory_space<vmem>> -> memref<1x128xi32, #tpu.memory_space<vmem>>
        %dma_start3A_78 = tpu.memref_squeeze %dma_start3A_77 : memref<1x128xi32, #tpu.memory_space<vmem>> -> memref<128xi32, #tpu.memory_space<vmem>>
        %dma_start3A_79 = arith.constant 0 : i32
        %dma_start3A_80 = arith.constant 0 : i32
        %dma_start3A_81 = tpu.memref_slice %arg11[%dma_start3A_79, %dma_start3A_80] : memref<10368x128xf32, #tpu.memory_space<vmem_shared>> -> memref<10368x128xf32, #tpu.memory_space<vmem_shared>>
        tpu.enqueue_indirect_dma source(%arg9 : memref<128x128xf32, #tpu.memory_space<vmem>>) target(%dma_start3A_81 : memref<10368x128xf32, #tpu.memory_space<vmem_shared>>) offsets(%dma_start3A_78 : memref<128xi32, #tpu.memory_space<vmem>>) semaphore(%run_scoped3A : memref<!tpu.dma_semaphore, #tpu.memory_space<semaphore_mem>>) {add = true}
        %dma_wait3A_82 = arith.constant 0 : i32
        %dma_wait3A_83 = tpu.memref_slice %arg8[%mul3A_50, %dma_wait3A_82] : memref<40x128xi32, #tpu.memory_space<vmem>> -> memref<1x128xi32, #tpu.memory_space<vmem>>
        %dma_wait3A_84 = tpu.memref_squeeze %dma_wait3A_83 : memref<1x128xi32, #tpu.memory_space<vmem>> -> memref<128xi32, #tpu.memory_space<vmem>>
        %dma_wait3A_85 = arith.constant 0 : i32
        %dma_wait3A_86 = arith.constant 0 : i32
        %dma_wait3A_87 = tpu.memref_slice %arg11[%dma_wait3A_85, %dma_wait3A_86] : memref<10368x128xf32, #tpu.memory_space<vmem_shared>> -> memref<10368x128xf32, #tpu.memory_space<vmem_shared>>
        tpu.wait_indirect_dma semaphore(%run_scoped3A : memref<!tpu.dma_semaphore, #tpu.memory_space<semaphore_mem>>) src(%arg9 : memref<128x128xf32, #tpu.memory_space<vmem>>) dst(%dma_wait3A_87 : memref<10368x128xf32, #tpu.memory_space<vmem_shared>>)
        tpu.yield
      }) : () -> ()
      %lt3A = arith.constant 19 : i32
      %lt3A_65 = arith.cmpi slt, %scan3A_48, %lt3A : i32
      %convert_element_type3A = arith.extui %lt3A_65 : i1 to i32
      %cond3A = arith.constant 0 : i32
      %cond3A_66 = arith.cmpi ne, %convert_element_type3A, %cond3A : i32
      scf.if %cond3A_66 {
        %add3A_76 = arith.constant 2 : i32
        %add3A_77 = arith.addi %mul3A_50, %add3A_76 : i32
        %dma_start3A_78 = arith.constant 0 : i32
        %dma_start3A_79 = tpu.memref_slice %arg7[%add3A_77, %dma_start3A_78] : memref<40x128xi32, #tpu.memory_space<vmem>> -> memref<1x128xi32, #tpu.memory_space<vmem>>
        %dma_start3A_80 = tpu.memref_squeeze %dma_start3A_79 : memref<1x128xi32, #tpu.memory_space<vmem>> -> memref<128xi32, #tpu.memory_space<vmem>>
        %dma_start3A_81 = arith.constant 0 : i32
        %dma_start3A_82 = arith.constant 0 : i32
        %dma_start3A_83 = tpu.memref_slice %arg2[%dma_start3A_81, %dma_start3A_82] : memref<10240x128xf32, #tpu.memory_space<hbm>> -> memref<10240x128xf32, #tpu.memory_space<hbm>>
        tpu.enqueue_indirect_dma source(%dma_start3A_83 : memref<10240x128xf32, #tpu.memory_space<hbm>>) target(%arg9 : memref<128x128xf32, #tpu.memory_space<vmem>>) offsets(%dma_start3A_80 : memref<128xi32, #tpu.memory_space<vmem>>) semaphore(%arg12 : memref<!tpu.dma_semaphore, #tpu.memory_space<semaphore_mem>>)
      } else {
      }
      %dma_wait3A_67 = arith.constant 0 : i32
      %dma_wait3A_68 = arith.constant 0 : i32
      %dma_wait3A_69 = tpu.memref_slice %arg7[%dma_wait3A_67, %dma_wait3A_68] : memref<40x128xi32, #tpu.memory_space<vmem>> -> memref<1x128xi32, #tpu.memory_space<vmem>>
      %dma_wait3A_70 = tpu.memref_squeeze %dma_wait3A_69 : memref<1x128xi32, #tpu.memory_space<vmem>> -> memref<128xi32, #tpu.memory_space<vmem>>
      %dma_wait3A_71 = arith.constant 0 : i32
      %dma_wait3A_72 = arith.constant 0 : i32
      %dma_wait3A_73 = tpu.memref_slice %arg2[%dma_wait3A_71, %dma_wait3A_72] : memref<10240x128xf32, #tpu.memory_space<hbm>> -> memref<10240x128xf32, #tpu.memory_space<hbm>>
      tpu.wait_indirect_dma semaphore(%arg13 : memref<!tpu.dma_semaphore, #tpu.memory_space<semaphore_mem>>) src(%dma_wait3A_73 : memref<10240x128xf32, #tpu.memory_space<hbm>>) dst(%arg10 : memref<128x128xf32, #tpu.memory_space<vmem>>)
      %add3A_74 = arith.constant 1 : i32
      %add3A_75 = arith.addi %mul3A_50, %add3A_74 : i32
      "tpu.region"() ({
        %run_scoped3A = tpu.sem_alloc : memref<!tpu.dma_semaphore, #tpu.memory_space<semaphore_mem>>
        %dma_start3A_76 = arith.constant 0 : i32
        %dma_start3A_77 = tpu.memref_slice %arg8[%add3A_75, %dma_start3A_76] : memref<40x128xi32, #tpu.memory_space<vmem>> -> memref<1x128xi32, #tpu.memory_space<vmem>>
        %dma_start3A_78 = tpu.memref_squeeze %dma_start3A_77 : memref<1x128xi32, #tpu.memory_space<vmem>> -> memref<128xi32, #tpu.memory_space<vmem>>
        %dma_start3A_79 = arith.constant 0 : i32
        %dma_start3A_80 = arith.constant 0 : i32
        %dma_start3A_81 = tpu.memref_slice %arg11[%dma_start3A_79, %dma_start3A_80] : memref<10368x128xf32, #tpu.memory_space<vmem_shared>> -> memref<10368x128xf32, #tpu.memory_space<vmem_shared>>
        tpu.enqueue_indirect_dma source(%arg10 : memref<128x128xf32, #tpu.memory_space<vmem>>) target(%dma_start3A_81 : memref<10368x128xf32, #tpu.memory_space<vmem_shared>>) offsets(%dma_start3A_78 : memref<128xi32, #tpu.memory_space<vmem>>) semaphore(%run_scoped3A : memref<!tpu.dma_semaphore, #tpu.memory_space<semaphore_mem>>) {add = true}
        %dma_wait3A_82 = arith.constant 0 : i32
        %dma_wait3A_83 = tpu.memref_slice %arg8[%add3A_75, %dma_wait3A_82] : memref<40x128xi32, #tpu.memory_space<vmem>> -> memref<1x128xi32, #tpu.memory_space<vmem>>
        %dma_wait3A_84 = tpu.memref_squeeze %dma_wait3A_83 : memref<1x128xi32, #tpu.memory_space<vmem>> -> memref<128xi32, #tpu.memory_space<vmem>>
        %dma_wait3A_85 = arith.constant 0 : i32
        %dma_wait3A_86 = arith.constant 0 : i32
        %dma_wait3A_87 = tpu.memref_slice %arg11[%dma_wait3A_85, %dma_wait3A_86] : memref<10368x128xf32, #tpu.memory_space<vmem_shared>> -> memref<10368x128xf32, #tpu.memory_space<vmem_shared>>
        tpu.wait_indirect_dma semaphore(%run_scoped3A : memref<!tpu.dma_semaphore, #tpu.memory_space<semaphore_mem>>) src(%arg10 : memref<128x128xf32, #tpu.memory_space<vmem>>) dst(%dma_wait3A_87 : memref<10368x128xf32, #tpu.memory_space<vmem_shared>>)
        tpu.yield
      }) : () -> ()
    }
    %scan3A_42 = arith.constant 20 : i32
    %barrier3A_43 = arith.constant 0 : index
    tpu.barrier barrier_id(%barrier3A_43)
    %mul3A_44 = arith.constant 640 : i32
    %mul3A_45 = arith.muli %arg1, %mul3A_44 : i32
    %mul3A_46 = arith.constant 640 : i32
    %mul3A_47 = arith.muli %arg1, %mul3A_46 : i32
    "tpu.region"() ({
      %run_scoped3A = tpu.sem_alloc : memref<!tpu.dma_semaphore, #tpu.memory_space<semaphore_mem>>
      %dma_start3A_48 = arith.constant 0 : i32
      %dma_start3A_49 = tpu.memref_slice %arg6[%arg0, %mul3A_47, %dma_start3A_48] : memref<2x10240x128xf32, #tpu.memory_space<hbm>> -> memref<1x640x128xf32, #tpu.memory_space<hbm>>
      %dma_start3A_50 = tpu.memref_squeeze %dma_start3A_49 : memref<1x640x128xf32, #tpu.memory_space<hbm>> -> memref<640x128xf32, #tpu.memory_space<hbm>>
      %dma_start3A_51 = arith.constant 0 : i32
      %dma_start3A_52 = tpu.memref_slice %arg11[%mul3A_45, %dma_start3A_51] : memref<10368x128xf32, #tpu.memory_space<vmem_shared>> -> memref<640x128xf32, #tpu.memory_space<vmem_shared>>
      tpu.enqueue_dma source(%dma_start3A_52 : memref<640x128xf32, #tpu.memory_space<vmem_shared>>) target(%dma_start3A_50 : memref<640x128xf32, #tpu.memory_space<hbm>>) target_semaphore(%run_scoped3A : memref<!tpu.dma_semaphore, #tpu.memory_space<semaphore_mem>>)
      %dma_wait3A = arith.constant 0 : i32
      %dma_wait3A_53 = tpu.memref_slice %arg6[%arg0, %mul3A_47, %dma_wait3A] : memref<2x10240x128xf32, #tpu.memory_space<hbm>> -> memref<1x640x128xf32, #tpu.memory_space<hbm>>
      %dma_wait3A_54 = tpu.memref_squeeze %dma_wait3A_53 : memref<1x640x128xf32, #tpu.memory_space<hbm>> -> memref<640x128xf32, #tpu.memory_space<hbm>>
      %dma_wait3A_55 = arith.constant 0 : i32
      %dma_wait3A_56 = tpu.memref_slice %arg11[%mul3A_45, %dma_wait3A_55] : memref<10368x128xf32, #tpu.memory_space<vmem_shared>> -> memref<640x128xf32, #tpu.memory_space<vmem_shared>>
      tpu.wait_dma2 semaphore(%run_scoped3A : memref<!tpu.dma_semaphore, #tpu.memory_space<semaphore_mem>>) src(%dma_wait3A_56 : memref<640x128xf32, #tpu.memory_space<vmem_shared>>) dst(%dma_wait3A_54 : memref<640x128xf32, #tpu.memory_space<hbm>>)
      tpu.yield
    }) : () -> ()
    return
  }
}

#map = affine_map<(d0, d1) -> (0, 0)>
#map1 = affine_map<(d0, d1) -> (0, 0, 0)>
module attributes {stable_mosaic.version = 14 : i64} {
  func.func @_agg_kernel(%arg0: i32, %arg1: i32, %arg2: memref<10240x128xf32, #tpu.memory_space<hbm>>, %arg3: memref<2560x128xi32, #tpu.memory_space<hbm>>, %arg4: memref<2560x128xi32, #tpu.memory_space<hbm>>, %arg5: memref<648x128xf32, #tpu.memory_space<hbm>>, %arg6: memref<2x10240x128xf32, #tpu.memory_space<hbm>>, %arg7: memref<40x128xi32, #tpu.memory_space<vmem>>, %arg8: memref<40x128xi32, #tpu.memory_space<vmem>>, %arg9: memref<128x128xf32, #tpu.memory_space<vmem>>, %arg10: memref<128x128xf32, #tpu.memory_space<vmem>>, %arg11: memref<10368x128xf32, #tpu.memory_space<vmem_shared>>, %arg12: memref<!tpu.dma_semaphore, #tpu.memory_space<semaphore_mem>>, %arg13: memref<!tpu.dma_semaphore, #tpu.memory_space<semaphore_mem>>, %arg14: memref<!tpu.dma_semaphore, #tpu.memory_space<semaphore_mem>>, %arg15: memref<!tpu.dma_semaphore, #tpu.memory_space<semaphore_mem>>) attributes {dimension_semantics = [#tpu.dimension_semantics<core_parallel>, #tpu.dimension_semantics<subcore_parallel>], iteration_bounds = array<i64: 2, 16>, scalar_prefetch = 0 : i64, scratch_operands = 9 : i64, tpu.core_type = #tpu.core_type<sc_vector_subcore>, window_params = [{transform_indices = #map}, {transform_indices = #map}, {transform_indices = #map}, {transform_indices = #map}, {transform_indices = #map1}]} {
    %mul3A = arith.constant 16 : i32
    %mul3A_0 = arith.muli %arg0, %mul3A : i32
    %add3A = arith.addi %mul3A_0, %arg1 : i32
    %mul3A_1 = arith.constant 648 : i32
    %mul3A_2 = arith.muli %arg1, %mul3A_1 : i32
    "tpu.region"() ({
      %run_scoped3A = tpu.sem_alloc : memref<!tpu.dma_semaphore, #tpu.memory_space<semaphore_mem>>
      %dma_start3A_48 = arith.constant 0 : i32
      %dma_start3A_49 = tpu.memref_slice %arg11[%mul3A_2, %dma_start3A_48] : memref<10368x128xf32, #tpu.memory_space<vmem_shared>> -> memref<648x128xf32, #tpu.memory_space<vmem_shared>>
      tpu.enqueue_dma source(%arg5 : memref<648x128xf32, #tpu.memory_space<hbm>>) target(%dma_start3A_49 : memref<648x128xf32, #tpu.memory_space<vmem_shared>>) target_semaphore(%run_scoped3A : memref<!tpu.dma_semaphore, #tpu.memory_space<semaphore_mem>>)
      %dma_wait3A = arith.constant 0 : i32
      %dma_wait3A_50 = tpu.memref_slice %arg11[%mul3A_2, %dma_wait3A] : memref<10368x128xf32, #tpu.memory_space<vmem_shared>> -> memref<648x128xf32, #tpu.memory_space<vmem_shared>>
      tpu.wait_dma2 semaphore(%run_scoped3A : memref<!tpu.dma_semaphore, #tpu.memory_space<semaphore_mem>>) src(%arg5 : memref<648x128xf32, #tpu.memory_space<hbm>>) dst(%dma_wait3A_50 : memref<648x128xf32, #tpu.memory_space<vmem_shared>>)
      tpu.yield
    }) : () -> ()
    %barrier3A = arith.constant 0 : index
    tpu.barrier barrier_id(%barrier3A)
    %mul3A_3 = arith.constant 80 : i32
    %mul3A_4 = arith.muli %add3A, %mul3A_3 : i32
    %add3A_5 = arith.constant 0 : i32
    %add3A_6 = arith.addi %mul3A_4, %add3A_5 : i32
    "tpu.region"() ({
      %run_scoped3A = tpu.sem_alloc : memref<!tpu.dma_semaphore, #tpu.memory_space<semaphore_mem>>
      %dma_start3A_48 = arith.constant 0 : i32
      %dma_start3A_49 = tpu.memref_slice %arg3[%add3A_6, %dma_start3A_48] : memref<2560x128xi32, #tpu.memory_space<hbm>> -> memref<40x128xi32, #tpu.memory_space<hbm>>
      %dma_start3A_50 = arith.constant 0 : i32
      %dma_start3A_51 = tpu.memref_slice %arg3[%add3A_6, %dma_start3A_50] : memref<2560x128xi32, #tpu.memory_space<hbm>> -> memref<40x128xi32, #tpu.memory_space<hbm>>
      tpu.enqueue_dma source(%dma_start3A_51 : memref<40x128xi32, #tpu.memory_space<hbm>>) target(%arg7 : memref<40x128xi32, #tpu.memory_space<vmem>>) target_semaphore(%run_scoped3A : memref<!tpu.dma_semaphore, #tpu.memory_space<semaphore_mem>>)
      %dma_wait3A = arith.constant 0 : i32
      %dma_wait3A_52 = tpu.memref_slice %arg3[%add3A_6, %dma_wait3A] : memref<2560x128xi32, #tpu.memory_space<hbm>> -> memref<40x128xi32, #tpu.memory_space<hbm>>
      %dma_wait3A_53 = arith.constant 0 : i32
      %dma_wait3A_54 = tpu.memref_slice %arg3[%add3A_6, %dma_wait3A_53] : memref<2560x128xi32, #tpu.memory_space<hbm>> -> memref<40x128xi32, #tpu.memory_space<hbm>>
      tpu.wait_dma2 semaphore(%run_scoped3A : memref<!tpu.dma_semaphore, #tpu.memory_space<semaphore_mem>>) src(%dma_wait3A_54 : memref<40x128xi32, #tpu.memory_space<hbm>>) dst(%arg7 : memref<40x128xi32, #tpu.memory_space<vmem>>)
      tpu.yield
    }) : () -> ()
    %mul3A_7 = arith.constant 80 : i32
    %mul3A_8 = arith.muli %add3A, %mul3A_7 : i32
    %add3A_9 = arith.constant 0 : i32
    %add3A_10 = arith.addi %mul3A_8, %add3A_9 : i32
    "tpu.region"() ({
      %run_scoped3A = tpu.sem_alloc : memref<!tpu.dma_semaphore, #tpu.memory_space<semaphore_mem>>
      %dma_start3A_48 = arith.constant 0 : i32
      %dma_start3A_49 = tpu.memref_slice %arg4[%add3A_10, %dma_start3A_48] : memref<2560x128xi32, #tpu.memory_space<hbm>> -> memref<40x128xi32, #tpu.memory_space<hbm>>
      %dma_start3A_50 = arith.constant 0 : i32
      %dma_start3A_51 = tpu.memref_slice %arg4[%add3A_10, %dma_start3A_50] : memref<2560x128xi32, #tpu.memory_space<hbm>> -> memref<40x128xi32, #tpu.memory_space<hbm>>
      tpu.enqueue_dma source(%dma_start3A_51 : memref<40x128xi32, #tpu.memory_space<hbm>>) target(%arg8 : memref<40x128xi32, #tpu.memory_space<vmem>>) target_semaphore(%run_scoped3A : memref<!tpu.dma_semaphore, #tpu.memory_space<semaphore_mem>>)
      %dma_wait3A = arith.constant 0 : i32
      %dma_wait3A_52 = tpu.memref_slice %arg4[%add3A_10, %dma_wait3A] : memref<2560x128xi32, #tpu.memory_space<hbm>> -> memref<40x128xi32, #tpu.memory_space<hbm>>
      %dma_wait3A_53 = arith.constant 0 : i32
      %dma_wait3A_54 = tpu.memref_slice %arg4[%add3A_10, %dma_wait3A_53] : memref<2560x128xi32, #tpu.memory_space<hbm>> -> memref<40x128xi32, #tpu.memory_space<hbm>>
      tpu.wait_dma2 semaphore(%run_scoped3A : memref<!tpu.dma_semaphore, #tpu.memory_space<semaphore_mem>>) src(%dma_wait3A_54 : memref<40x128xi32, #tpu.memory_space<hbm>>) dst(%arg8 : memref<40x128xi32, #tpu.memory_space<vmem>>)
      tpu.yield
    }) : () -> ()
    %dma_start3A = arith.constant 0 : i32
    %dma_start3A_11 = arith.constant 0 : i32
    %dma_start3A_12 = tpu.memref_slice %arg7[%dma_start3A, %dma_start3A_11] : memref<40x128xi32, #tpu.memory_space<vmem>> -> memref<1x128xi32, #tpu.memory_space<vmem>>
    %dma_start3A_13 = tpu.memref_squeeze %dma_start3A_12 : memref<1x128xi32, #tpu.memory_space<vmem>> -> memref<128xi32, #tpu.memory_space<vmem>>
    %dma_start3A_14 = arith.constant 0 : i32
    %dma_start3A_15 = arith.constant 0 : i32
    %dma_start3A_16 = tpu.memref_slice %arg2[%dma_start3A_14, %dma_start3A_15] : memref<10240x128xf32, #tpu.memory_space<hbm>> -> memref<10240x128xf32, #tpu.memory_space<hbm>>
    tpu.enqueue_indirect_dma source(%dma_start3A_16 : memref<10240x128xf32, #tpu.memory_space<hbm>>) target(%arg9 : memref<128x128xf32, #tpu.memory_space<vmem>>) offsets(%dma_start3A_13 : memref<128xi32, #tpu.memory_space<vmem>>) semaphore(%arg12 : memref<!tpu.dma_semaphore, #tpu.memory_space<semaphore_mem>>)
    %scan3A = arith.constant 0 : i32
    %scan3A_17 = arith.constant 0 : i32
    %scan3A_18 = arith.constant 20 : i32
    %scan3A_19 = arith.addi %scan3A_17, %scan3A_18 : i32
    %scan3A_20 = arith.constant 1 : i32
    scf.for %scan3A_48 = %scan3A_17 to %scan3A_19 step %scan3A_20  : i32 {
      %mul3A_49 = arith.constant 2 : i32
      %mul3A_50 = arith.muli %mul3A_49, %scan3A_48 : i32
      %add3A_51 = arith.constant 1 : i32
      %add3A_52 = arith.addi %mul3A_50, %add3A_51 : i32
      %dma_start3A_53 = arith.constant 0 : i32
      %dma_start3A_54 = tpu.memref_slice %arg7[%add3A_52, %dma_start3A_53] : memref<40x128xi32, #tpu.memory_space<vmem>> -> memref<1x128xi32, #tpu.memory_space<vmem>>
      %dma_start3A_55 = tpu.memref_squeeze %dma_start3A_54 : memref<1x128xi32, #tpu.memory_space<vmem>> -> memref<128xi32, #tpu.memory_space<vmem>>
      %dma_start3A_56 = arith.constant 0 : i32
      %dma_start3A_57 = arith.constant 0 : i32
      %dma_start3A_58 = tpu.memref_slice %arg2[%dma_start3A_56, %dma_start3A_57] : memref<10240x128xf32, #tpu.memory_space<hbm>> -> memref<10240x128xf32, #tpu.memory_space<hbm>>
      tpu.enqueue_indirect_dma source(%dma_start3A_58 : memref<10240x128xf32, #tpu.memory_space<hbm>>) target(%arg10 : memref<128x128xf32, #tpu.memory_space<vmem>>) offsets(%dma_start3A_55 : memref<128xi32, #tpu.memory_space<vmem>>) semaphore(%arg13 : memref<!tpu.dma_semaphore, #tpu.memory_space<semaphore_mem>>)
      %dma_wait3A = arith.constant 0 : i32
      %dma_wait3A_59 = arith.constant 0 : i32
      %dma_wait3A_60 = tpu.memref_slice %arg7[%dma_wait3A, %dma_wait3A_59] : memref<40x128xi32, #tpu.memory_space<vmem>> -> memref<1x128xi32, #tpu.memory_space<vmem>>
      %dma_wait3A_61 = tpu.memref_squeeze %dma_wait3A_60 : memref<1x128xi32, #tpu.memory_space<vmem>> -> memref<128xi32, #tpu.memory_space<vmem>>
      %dma_wait3A_62 = arith.constant 0 : i32
      %dma_wait3A_63 = arith.constant 0 : i32
      %dma_wait3A_64 = tpu.memref_slice %arg2[%dma_wait3A_62, %dma_wait3A_63] : memref<10240x128xf32, #tpu.memory_space<hbm>> -> memref<10240x128xf32, #tpu.memory_space<hbm>>
      tpu.wait_indirect_dma semaphore(%arg12 : memref<!tpu.dma_semaphore, #tpu.memory_space<semaphore_mem>>) src(%dma_wait3A_64 : memref<10240x128xf32, #tpu.memory_space<hbm>>) dst(%arg9 : memref<128x128xf32, #tpu.memory_space<vmem>>)
      "tpu.region"() ({
        %run_scoped3A = tpu.sem_alloc : memref<!tpu.dma_semaphore, #tpu.memory_space<semaphore_mem>>
        %dma_start3A_76 = arith.constant 0 : i32
        %dma_start3A_77 = tpu.memref_slice %arg8[%mul3A_50, %dma_start3A_76] : memref<40x128xi32, #tpu.memory_space<vmem>> -> memref<1x128xi32, #tpu.memory_space<vmem>>
        %dma_start3A_78 = tpu.memref_squeeze %dma_start3A_77 : memref<1x128xi32, #tpu.memory_space<vmem>> -> memref<128xi32, #tpu.memory_space<vmem>>
        %dma_start3A_79 = arith.constant 0 : i32
        %dma_start3A_80 = arith.constant 0 : i32
        %dma_start3A_81 = tpu.memref_slice %arg11[%dma_start3A_79, %dma_start3A_80] : memref<10368x128xf32, #tpu.memory_space<vmem_shared>> -> memref<10368x128xf32, #tpu.memory_space<vmem_shared>>
        tpu.enqueue_indirect_dma source(%arg9 : memref<128x128xf32, #tpu.memory_space<vmem>>) target(%dma_start3A_81 : memref<10368x128xf32, #tpu.memory_space<vmem_shared>>) offsets(%dma_start3A_78 : memref<128xi32, #tpu.memory_space<vmem>>) semaphore(%run_scoped3A : memref<!tpu.dma_semaphore, #tpu.memory_space<semaphore_mem>>) {add = true}
        %dma_wait3A_82 = arith.constant 0 : i32
        %dma_wait3A_83 = tpu.memref_slice %arg8[%mul3A_50, %dma_wait3A_82] : memref<40x128xi32, #tpu.memory_space<vmem>> -> memref<1x128xi32, #tpu.memory_space<vmem>>
        %dma_wait3A_84 = tpu.memref_squeeze %dma_wait3A_83 : memref<1x128xi32, #tpu.memory_space<vmem>> -> memref<128xi32, #tpu.memory_space<vmem>>
        %dma_wait3A_85 = arith.constant 0 : i32
        %dma_wait3A_86 = arith.constant 0 : i32
        %dma_wait3A_87 = tpu.memref_slice %arg11[%dma_wait3A_85, %dma_wait3A_86] : memref<10368x128xf32, #tpu.memory_space<vmem_shared>> -> memref<10368x128xf32, #tpu.memory_space<vmem_shared>>
        tpu.wait_indirect_dma semaphore(%run_scoped3A : memref<!tpu.dma_semaphore, #tpu.memory_space<semaphore_mem>>) src(%arg9 : memref<128x128xf32, #tpu.memory_space<vmem>>) dst(%dma_wait3A_87 : memref<10368x128xf32, #tpu.memory_space<vmem_shared>>)
        tpu.yield
      }) : () -> ()
      %lt3A = arith.constant 19 : i32
      %lt3A_65 = arith.cmpi slt, %scan3A_48, %lt3A : i32
      %convert_element_type3A = arith.extui %lt3A_65 : i1 to i32
      %cond3A = arith.constant 0 : i32
      %cond3A_66 = arith.cmpi ne, %convert_element_type3A, %cond3A : i32
      scf.if %cond3A_66 {
        %add3A_76 = arith.constant 2 : i32
        %add3A_77 = arith.addi %mul3A_50, %add3A_76 : i32
        %dma_start3A_78 = arith.constant 0 : i32
        %dma_start3A_79 = tpu.memref_slice %arg7[%add3A_77, %dma_start3A_78] : memref<40x128xi32, #tpu.memory_space<vmem>> -> memref<1x128xi32, #tpu.memory_space<vmem>>
        %dma_start3A_80 = tpu.memref_squeeze %dma_start3A_79 : memref<1x128xi32, #tpu.memory_space<vmem>> -> memref<128xi32, #tpu.memory_space<vmem>>
        %dma_start3A_81 = arith.constant 0 : i32
        %dma_start3A_82 = arith.constant 0 : i32
        %dma_start3A_83 = tpu.memref_slice %arg2[%dma_start3A_81, %dma_start3A_82] : memref<10240x128xf32, #tpu.memory_space<hbm>> -> memref<10240x128xf32, #tpu.memory_space<hbm>>
        tpu.enqueue_indirect_dma source(%dma_start3A_83 : memref<10240x128xf32, #tpu.memory_space<hbm>>) target(%arg9 : memref<128x128xf32, #tpu.memory_space<vmem>>) offsets(%dma_start3A_80 : memref<128xi32, #tpu.memory_space<vmem>>) semaphore(%arg12 : memref<!tpu.dma_semaphore, #tpu.memory_space<semaphore_mem>>)
      } else {
      }
      %dma_wait3A_67 = arith.constant 0 : i32
      %dma_wait3A_68 = arith.constant 0 : i32
      %dma_wait3A_69 = tpu.memref_slice %arg7[%dma_wait3A_67, %dma_wait3A_68] : memref<40x128xi32, #tpu.memory_space<vmem>> -> memref<1x128xi32, #tpu.memory_space<vmem>>
      %dma_wait3A_70 = tpu.memref_squeeze %dma_wait3A_69 : memref<1x128xi32, #tpu.memory_space<vmem>> -> memref<128xi32, #tpu.memory_space<vmem>>
      %dma_wait3A_71 = arith.constant 0 : i32
      %dma_wait3A_72 = arith.constant 0 : i32
      %dma_wait3A_73 = tpu.memref_slice %arg2[%dma_wait3A_71, %dma_wait3A_72] : memref<10240x128xf32, #tpu.memory_space<hbm>> -> memref<10240x128xf32, #tpu.memory_space<hbm>>
      tpu.wait_indirect_dma semaphore(%arg13 : memref<!tpu.dma_semaphore, #tpu.memory_space<semaphore_mem>>) src(%dma_wait3A_73 : memref<10240x128xf32, #tpu.memory_space<hbm>>) dst(%arg10 : memref<128x128xf32, #tpu.memory_space<vmem>>)
      %add3A_74 = arith.constant 1 : i32
      %add3A_75 = arith.addi %mul3A_50, %add3A_74 : i32
      "tpu.region"() ({
        %run_scoped3A = tpu.sem_alloc : memref<!tpu.dma_semaphore, #tpu.memory_space<semaphore_mem>>
        %dma_start3A_76 = arith.constant 0 : i32
        %dma_start3A_77 = tpu.memref_slice %arg8[%add3A_75, %dma_start3A_76] : memref<40x128xi32, #tpu.memory_space<vmem>> -> memref<1x128xi32, #tpu.memory_space<vmem>>
        %dma_start3A_78 = tpu.memref_squeeze %dma_start3A_77 : memref<1x128xi32, #tpu.memory_space<vmem>> -> memref<128xi32, #tpu.memory_space<vmem>>
        %dma_start3A_79 = arith.constant 0 : i32
        %dma_start3A_80 = arith.constant 0 : i32
        %dma_start3A_81 = tpu.memref_slice %arg11[%dma_start3A_79, %dma_start3A_80] : memref<10368x128xf32, #tpu.memory_space<vmem_shared>> -> memref<10368x128xf32, #tpu.memory_space<vmem_shared>>
        tpu.enqueue_indirect_dma source(%arg10 : memref<128x128xf32, #tpu.memory_space<vmem>>) target(%dma_start3A_81 : memref<10368x128xf32, #tpu.memory_space<vmem_shared>>) offsets(%dma_start3A_78 : memref<128xi32, #tpu.memory_space<vmem>>) semaphore(%run_scoped3A : memref<!tpu.dma_semaphore, #tpu.memory_space<semaphore_mem>>) {add = true}
        %dma_wait3A_82 = arith.constant 0 : i32
        %dma_wait3A_83 = tpu.memref_slice %arg8[%add3A_75, %dma_wait3A_82] : memref<40x128xi32, #tpu.memory_space<vmem>> -> memref<1x128xi32, #tpu.memory_space<vmem>>
        %dma_wait3A_84 = tpu.memref_squeeze %dma_wait3A_83 : memref<1x128xi32, #tpu.memory_space<vmem>> -> memref<128xi32, #tpu.memory_space<vmem>>
        %dma_wait3A_85 = arith.constant 0 : i32
        %dma_wait3A_86 = arith.constant 0 : i32
        %dma_wait3A_87 = tpu.memref_slice %arg11[%dma_wait3A_85, %dma_wait3A_86] : memref<10368x128xf32, #tpu.memory_space<vmem_shared>> -> memref<10368x128xf32, #tpu.memory_space<vmem_shared>>
        tpu.wait_indirect_dma semaphore(%run_scoped3A : memref<!tpu.dma_semaphore, #tpu.memory_space<semaphore_mem>>) src(%arg10 : memref<128x128xf32, #tpu.memory_space<vmem>>) dst(%dma_wait3A_87 : memref<10368x128xf32, #tpu.memory_space<vmem_shared>>)
        tpu.yield
      }) : () -> ()
    }
    %scan3A_21 = arith.constant 20 : i32
    %mul3A_22 = arith.constant 80 : i32
    %mul3A_23 = arith.muli %add3A, %mul3A_22 : i32
    %add3A_24 = arith.constant 40 : i32
    %add3A_25 = arith.addi %mul3A_23, %add3A_24 : i32
    "tpu.region"() ({
      %run_scoped3A = tpu.sem_alloc : memref<!tpu.dma_semaphore, #tpu.memory_space<semaphore_mem>>
      %dma_start3A_48 = arith.constant 0 : i32
      %dma_start3A_49 = tpu.memref_slice %arg3[%add3A_25, %dma_start3A_48] : memref<2560x128xi32, #tpu.memory_space<hbm>> -> memref<40x128xi32, #tpu.memory_space<hbm>>
      %dma_start3A_50 = arith.constant 0 : i32
      %dma_start3A_51 = tpu.memref_slice %arg3[%add3A_25, %dma_start3A_50] : memref<2560x128xi32, #tpu.memory_space<hbm>> -> memref<40x128xi32, #tpu.memory_space<hbm>>
      tpu.enqueue_dma source(%dma_start3A_51 : memref<40x128xi32, #tpu.memory_space<hbm>>) target(%arg7 : memref<40x128xi32, #tpu.memory_space<vmem>>) target_semaphore(%run_scoped3A : memref<!tpu.dma_semaphore, #tpu.memory_space<semaphore_mem>>)
      %dma_wait3A = arith.constant 0 : i32
      %dma_wait3A_52 = tpu.memref_slice %arg3[%add3A_25, %dma_wait3A] : memref<2560x128xi32, #tpu.memory_space<hbm>> -> memref<40x128xi32, #tpu.memory_space<hbm>>
      %dma_wait3A_53 = arith.constant 0 : i32
      %dma_wait3A_54 = tpu.memref_slice %arg3[%add3A_25, %dma_wait3A_53] : memref<2560x128xi32, #tpu.memory_space<hbm>> -> memref<40x128xi32, #tpu.memory_space<hbm>>
      tpu.wait_dma2 semaphore(%run_scoped3A : memref<!tpu.dma_semaphore, #tpu.memory_space<semaphore_mem>>) src(%dma_wait3A_54 : memref<40x128xi32, #tpu.memory_space<hbm>>) dst(%arg7 : memref<40x128xi32, #tpu.memory_space<vmem>>)
      tpu.yield
    }) : () -> ()
    %mul3A_26 = arith.constant 80 : i32
    %mul3A_27 = arith.muli %add3A, %mul3A_26 : i32
    %add3A_28 = arith.constant 40 : i32
    %add3A_29 = arith.addi %mul3A_27, %add3A_28 : i32
    "tpu.region"() ({
      %run_scoped3A = tpu.sem_alloc : memref<!tpu.dma_semaphore, #tpu.memory_space<semaphore_mem>>
      %dma_start3A_48 = arith.constant 0 : i32
      %dma_start3A_49 = tpu.memref_slice %arg4[%add3A_29, %dma_start3A_48] : memref<2560x128xi32, #tpu.memory_space<hbm>> -> memref<40x128xi32, #tpu.memory_space<hbm>>
      %dma_start3A_50 = arith.constant 0 : i32
      %dma_start3A_51 = tpu.memref_slice %arg4[%add3A_29, %dma_start3A_50] : memref<2560x128xi32, #tpu.memory_space<hbm>> -> memref<40x128xi32, #tpu.memory_space<hbm>>
      tpu.enqueue_dma source(%dma_start3A_51 : memref<40x128xi32, #tpu.memory_space<hbm>>) target(%arg8 : memref<40x128xi32, #tpu.memory_space<vmem>>) target_semaphore(%run_scoped3A : memref<!tpu.dma_semaphore, #tpu.memory_space<semaphore_mem>>)
      %dma_wait3A = arith.constant 0 : i32
      %dma_wait3A_52 = tpu.memref_slice %arg4[%add3A_29, %dma_wait3A] : memref<2560x128xi32, #tpu.memory_space<hbm>> -> memref<40x128xi32, #tpu.memory_space<hbm>>
      %dma_wait3A_53 = arith.constant 0 : i32
      %dma_wait3A_54 = tpu.memref_slice %arg4[%add3A_29, %dma_wait3A_53] : memref<2560x128xi32, #tpu.memory_space<hbm>> -> memref<40x128xi32, #tpu.memory_space<hbm>>
      tpu.wait_dma2 semaphore(%run_scoped3A : memref<!tpu.dma_semaphore, #tpu.memory_space<semaphore_mem>>) src(%dma_wait3A_54 : memref<40x128xi32, #tpu.memory_space<hbm>>) dst(%arg8 : memref<40x128xi32, #tpu.memory_space<vmem>>)
      tpu.yield
    }) : () -> ()
    %dma_start3A_30 = arith.constant 0 : i32
    %dma_start3A_31 = arith.constant 0 : i32
    %dma_start3A_32 = tpu.memref_slice %arg7[%dma_start3A_30, %dma_start3A_31] : memref<40x128xi32, #tpu.memory_space<vmem>> -> memref<1x128xi32, #tpu.memory_space<vmem>>
    %dma_start3A_33 = tpu.memref_squeeze %dma_start3A_32 : memref<1x128xi32, #tpu.memory_space<vmem>> -> memref<128xi32, #tpu.memory_space<vmem>>
    %dma_start3A_34 = arith.constant 0 : i32
    %dma_start3A_35 = arith.constant 0 : i32
    %dma_start3A_36 = tpu.memref_slice %arg2[%dma_start3A_34, %dma_start3A_35] : memref<10240x128xf32, #tpu.memory_space<hbm>> -> memref<10240x128xf32, #tpu.memory_space<hbm>>
    tpu.enqueue_indirect_dma source(%dma_start3A_36 : memref<10240x128xf32, #tpu.memory_space<hbm>>) target(%arg9 : memref<128x128xf32, #tpu.memory_space<vmem>>) offsets(%dma_start3A_33 : memref<128xi32, #tpu.memory_space<vmem>>) semaphore(%arg12 : memref<!tpu.dma_semaphore, #tpu.memory_space<semaphore_mem>>)
    %scan3A_37 = arith.constant 0 : i32
    %scan3A_38 = arith.constant 0 : i32
    %scan3A_39 = arith.constant 20 : i32
    %scan3A_40 = arith.addi %scan3A_38, %scan3A_39 : i32
    %scan3A_41 = arith.constant 1 : i32
    scf.for %scan3A_48 = %scan3A_38 to %scan3A_40 step %scan3A_41  : i32 {
      %mul3A_49 = arith.constant 2 : i32
      %mul3A_50 = arith.muli %mul3A_49, %scan3A_48 : i32
      %add3A_51 = arith.constant 1 : i32
      %add3A_52 = arith.addi %mul3A_50, %add3A_51 : i32
      %dma_start3A_53 = arith.constant 0 : i32
      %dma_start3A_54 = tpu.memref_slice %arg7[%add3A_52, %dma_start3A_53] : memref<40x128xi32, #tpu.memory_space<vmem>> -> memref<1x128xi32, #tpu.memory_space<vmem>>
      %dma_start3A_55 = tpu.memref_squeeze %dma_start3A_54 : memref<1x128xi32, #tpu.memory_space<vmem>> -> memref<128xi32, #tpu.memory_space<vmem>>
      %dma_start3A_56 = arith.constant 0 : i32
      %dma_start3A_57 = arith.constant 0 : i32
      %dma_start3A_58 = tpu.memref_slice %arg2[%dma_start3A_56, %dma_start3A_57] : memref<10240x128xf32, #tpu.memory_space<hbm>> -> memref<10240x128xf32, #tpu.memory_space<hbm>>
      tpu.enqueue_indirect_dma source(%dma_start3A_58 : memref<10240x128xf32, #tpu.memory_space<hbm>>) target(%arg10 : memref<128x128xf32, #tpu.memory_space<vmem>>) offsets(%dma_start3A_55 : memref<128xi32, #tpu.memory_space<vmem>>) semaphore(%arg13 : memref<!tpu.dma_semaphore, #tpu.memory_space<semaphore_mem>>)
      %dma_wait3A = arith.constant 0 : i32
      %dma_wait3A_59 = arith.constant 0 : i32
      %dma_wait3A_60 = tpu.memref_slice %arg7[%dma_wait3A, %dma_wait3A_59] : memref<40x128xi32, #tpu.memory_space<vmem>> -> memref<1x128xi32, #tpu.memory_space<vmem>>
      %dma_wait3A_61 = tpu.memref_squeeze %dma_wait3A_60 : memref<1x128xi32, #tpu.memory_space<vmem>> -> memref<128xi32, #tpu.memory_space<vmem>>
      %dma_wait3A_62 = arith.constant 0 : i32
      %dma_wait3A_63 = arith.constant 0 : i32
      %dma_wait3A_64 = tpu.memref_slice %arg2[%dma_wait3A_62, %dma_wait3A_63] : memref<10240x128xf32, #tpu.memory_space<hbm>> -> memref<10240x128xf32, #tpu.memory_space<hbm>>
      tpu.wait_indirect_dma semaphore(%arg12 : memref<!tpu.dma_semaphore, #tpu.memory_space<semaphore_mem>>) src(%dma_wait3A_64 : memref<10240x128xf32, #tpu.memory_space<hbm>>) dst(%arg9 : memref<128x128xf32, #tpu.memory_space<vmem>>)
      "tpu.region"() ({
        %run_scoped3A = tpu.sem_alloc : memref<!tpu.dma_semaphore, #tpu.memory_space<semaphore_mem>>
        %dma_start3A_76 = arith.constant 0 : i32
        %dma_start3A_77 = tpu.memref_slice %arg8[%mul3A_50, %dma_start3A_76] : memref<40x128xi32, #tpu.memory_space<vmem>> -> memref<1x128xi32, #tpu.memory_space<vmem>>
        %dma_start3A_78 = tpu.memref_squeeze %dma_start3A_77 : memref<1x128xi32, #tpu.memory_space<vmem>> -> memref<128xi32, #tpu.memory_space<vmem>>
        %dma_start3A_79 = arith.constant 0 : i32
        %dma_start3A_80 = arith.constant 0 : i32
        %dma_start3A_81 = tpu.memref_slice %arg11[%dma_start3A_79, %dma_start3A_80] : memref<10368x128xf32, #tpu.memory_space<vmem_shared>> -> memref<10368x128xf32, #tpu.memory_space<vmem_shared>>
        tpu.enqueue_indirect_dma source(%arg9 : memref<128x128xf32, #tpu.memory_space<vmem>>) target(%dma_start3A_81 : memref<10368x128xf32, #tpu.memory_space<vmem_shared>>) offsets(%dma_start3A_78 : memref<128xi32, #tpu.memory_space<vmem>>) semaphore(%run_scoped3A : memref<!tpu.dma_semaphore, #tpu.memory_space<semaphore_mem>>) {add = true}
        %dma_wait3A_82 = arith.constant 0 : i32
        %dma_wait3A_83 = tpu.memref_slice %arg8[%mul3A_50, %dma_wait3A_82] : memref<40x128xi32, #tpu.memory_space<vmem>> -> memref<1x128xi32, #tpu.memory_space<vmem>>
        %dma_wait3A_84 = tpu.memref_squeeze %dma_wait3A_83 : memref<1x128xi32, #tpu.memory_space<vmem>> -> memref<128xi32, #tpu.memory_space<vmem>>
        %dma_wait3A_85 = arith.constant 0 : i32
        %dma_wait3A_86 = arith.constant 0 : i32
        %dma_wait3A_87 = tpu.memref_slice %arg11[%dma_wait3A_85, %dma_wait3A_86] : memref<10368x128xf32, #tpu.memory_space<vmem_shared>> -> memref<10368x128xf32, #tpu.memory_space<vmem_shared>>
        tpu.wait_indirect_dma semaphore(%run_scoped3A : memref<!tpu.dma_semaphore, #tpu.memory_space<semaphore_mem>>) src(%arg9 : memref<128x128xf32, #tpu.memory_space<vmem>>) dst(%dma_wait3A_87 : memref<10368x128xf32, #tpu.memory_space<vmem_shared>>)
        tpu.yield
      }) : () -> ()
      %lt3A = arith.constant 19 : i32
      %lt3A_65 = arith.cmpi slt, %scan3A_48, %lt3A : i32
      %convert_element_type3A = arith.extui %lt3A_65 : i1 to i32
      %cond3A = arith.constant 0 : i32
      %cond3A_66 = arith.cmpi ne, %convert_element_type3A, %cond3A : i32
      scf.if %cond3A_66 {
        %add3A_76 = arith.constant 2 : i32
        %add3A_77 = arith.addi %mul3A_50, %add3A_76 : i32
        %dma_start3A_78 = arith.constant 0 : i32
        %dma_start3A_79 = tpu.memref_slice %arg7[%add3A_77, %dma_start3A_78] : memref<40x128xi32, #tpu.memory_space<vmem>> -> memref<1x128xi32, #tpu.memory_space<vmem>>
        %dma_start3A_80 = tpu.memref_squeeze %dma_start3A_79 : memref<1x128xi32, #tpu.memory_space<vmem>> -> memref<128xi32, #tpu.memory_space<vmem>>
        %dma_start3A_81 = arith.constant 0 : i32
        %dma_start3A_82 = arith.constant 0 : i32
        %dma_start3A_83 = tpu.memref_slice %arg2[%dma_start3A_81, %dma_start3A_82] : memref<10240x128xf32, #tpu.memory_space<hbm>> -> memref<10240x128xf32, #tpu.memory_space<hbm>>
        tpu.enqueue_indirect_dma source(%dma_start3A_83 : memref<10240x128xf32, #tpu.memory_space<hbm>>) target(%arg9 : memref<128x128xf32, #tpu.memory_space<vmem>>) offsets(%dma_start3A_80 : memref<128xi32, #tpu.memory_space<vmem>>) semaphore(%arg12 : memref<!tpu.dma_semaphore, #tpu.memory_space<semaphore_mem>>)
      } else {
      }
      %dma_wait3A_67 = arith.constant 0 : i32
      %dma_wait3A_68 = arith.constant 0 : i32
      %dma_wait3A_69 = tpu.memref_slice %arg7[%dma_wait3A_67, %dma_wait3A_68] : memref<40x128xi32, #tpu.memory_space<vmem>> -> memref<1x128xi32, #tpu.memory_space<vmem>>
      %dma_wait3A_70 = tpu.memref_squeeze %dma_wait3A_69 : memref<1x128xi32, #tpu.memory_space<vmem>> -> memref<128xi32, #tpu.memory_space<vmem>>
      %dma_wait3A_71 = arith.constant 0 : i32
      %dma_wait3A_72 = arith.constant 0 : i32
      %dma_wait3A_73 = tpu.memref_slice %arg2[%dma_wait3A_71, %dma_wait3A_72] : memref<10240x128xf32, #tpu.memory_space<hbm>> -> memref<10240x128xf32, #tpu.memory_space<hbm>>
      tpu.wait_indirect_dma semaphore(%arg13 : memref<!tpu.dma_semaphore, #tpu.memory_space<semaphore_mem>>) src(%dma_wait3A_73 : memref<10240x128xf32, #tpu.memory_space<hbm>>) dst(%arg10 : memref<128x128xf32, #tpu.memory_space<vmem>>)
      %add3A_74 = arith.constant 1 : i32
      %add3A_75 = arith.addi %mul3A_50, %add3A_74 : i32
      "tpu.region"() ({
        %run_scoped3A = tpu.sem_alloc : memref<!tpu.dma_semaphore, #tpu.memory_space<semaphore_mem>>
        %dma_start3A_76 = arith.constant 0 : i32
        %dma_start3A_77 = tpu.memref_slice %arg8[%add3A_75, %dma_start3A_76] : memref<40x128xi32, #tpu.memory_space<vmem>> -> memref<1x128xi32, #tpu.memory_space<vmem>>
        %dma_start3A_78 = tpu.memref_squeeze %dma_start3A_77 : memref<1x128xi32, #tpu.memory_space<vmem>> -> memref<128xi32, #tpu.memory_space<vmem>>
        %dma_start3A_79 = arith.constant 0 : i32
        %dma_start3A_80 = arith.constant 0 : i32
        %dma_start3A_81 = tpu.memref_slice %arg11[%dma_start3A_79, %dma_start3A_80] : memref<10368x128xf32, #tpu.memory_space<vmem_shared>> -> memref<10368x128xf32, #tpu.memory_space<vmem_shared>>
        tpu.enqueue_indirect_dma source(%arg10 : memref<128x128xf32, #tpu.memory_space<vmem>>) target(%dma_start3A_81 : memref<10368x128xf32, #tpu.memory_space<vmem_shared>>) offsets(%dma_start3A_78 : memref<128xi32, #tpu.memory_space<vmem>>) semaphore(%run_scoped3A : memref<!tpu.dma_semaphore, #tpu.memory_space<semaphore_mem>>) {add = true}
        %dma_wait3A_82 = arith.constant 0 : i32
        %dma_wait3A_83 = tpu.memref_slice %arg8[%add3A_75, %dma_wait3A_82] : memref<40x128xi32, #tpu.memory_space<vmem>> -> memref<1x128xi32, #tpu.memory_space<vmem>>
        %dma_wait3A_84 = tpu.memref_squeeze %dma_wait3A_83 : memref<1x128xi32, #tpu.memory_space<vmem>> -> memref<128xi32, #tpu.memory_space<vmem>>
        %dma_wait3A_85 = arith.constant 0 : i32
        %dma_wait3A_86 = arith.constant 0 : i32
        %dma_wait3A_87 = tpu.memref_slice %arg11[%dma_wait3A_85, %dma_wait3A_86] : memref<10368x128xf32, #tpu.memory_space<vmem_shared>> -> memref<10368x128xf32, #tpu.memory_space<vmem_shared>>
        tpu.wait_indirect_dma semaphore(%run_scoped3A : memref<!tpu.dma_semaphore, #tpu.memory_space<semaphore_mem>>) src(%arg10 : memref<128x128xf32, #tpu.memory_space<vmem>>) dst(%dma_wait3A_87 : memref<10368x128xf32, #tpu.memory_space<vmem_shared>>)
        tpu.yield
      }) : () -> ()
    }
    %scan3A_42 = arith.constant 20 : i32
    %barrier3A_43 = arith.constant 0 : index
    tpu.barrier barrier_id(%barrier3A_43)
    %mul3A_44 = arith.constant 640 : i32
    %mul3A_45 = arith.muli %arg1, %mul3A_44 : i32
    %mul3A_46 = arith.constant 640 : i32
    %mul3A_47 = arith.muli %arg1, %mul3A_46 : i32
    "tpu.region"() ({
      %run_scoped3A = tpu.sem_alloc : memref<!tpu.dma_semaphore, #tpu.memory_space<semaphore_mem>>
      %dma_start3A_48 = arith.constant 0 : i32
      %dma_start3A_49 = tpu.memref_slice %arg6[%arg0, %mul3A_47, %dma_start3A_48] : memref<2x10240x128xf32, #tpu.memory_space<hbm>> -> memref<1x640x128xf32, #tpu.memory_space<hbm>>
      %dma_start3A_50 = tpu.memref_squeeze %dma_start3A_49 : memref<1x640x128xf32, #tpu.memory_space<hbm>> -> memref<640x128xf32, #tpu.memory_space<hbm>>
      %dma_start3A_51 = arith.constant 0 : i32
      %dma_start3A_52 = tpu.memref_slice %arg11[%mul3A_45, %dma_start3A_51] : memref<10368x128xf32, #tpu.memory_space<vmem_shared>> -> memref<640x128xf32, #tpu.memory_space<vmem_shared>>
      tpu.enqueue_dma source(%dma_start3A_52 : memref<640x128xf32, #tpu.memory_space<vmem_shared>>) target(%dma_start3A_50 : memref<640x128xf32, #tpu.memory_space<hbm>>) target_semaphore(%run_scoped3A : memref<!tpu.dma_semaphore, #tpu.memory_space<semaphore_mem>>)
      %dma_wait3A = arith.constant 0 : i32
      %dma_wait3A_53 = tpu.memref_slice %arg6[%arg0, %mul3A_47, %dma_wait3A] : memref<2x10240x128xf32, #tpu.memory_space<hbm>> -> memref<1x640x128xf32, #tpu.memory_space<hbm>>
      %dma_wait3A_54 = tpu.memref_squeeze %dma_wait3A_53 : memref<1x640x128xf32, #tpu.memory_space<hbm>> -> memref<640x128xf32, #tpu.memory_space<hbm>>
      %dma_wait3A_55 = arith.constant 0 : i32
      %dma_wait3A_56 = tpu.memref_slice %arg11[%mul3A_45, %dma_wait3A_55] : memref<10368x128xf32, #tpu.memory_space<vmem_shared>> -> memref<640x128xf32, #tpu.memory_space<vmem_shared>>
      tpu.wait_dma2 semaphore(%run_scoped3A : memref<!tpu.dma_semaphore, #tpu.memory_space<semaphore_mem>>) src(%dma_wait3A_56 : memref<640x128xf32, #tpu.memory_space<vmem_shared>>) dst(%dma_wait3A_54 : memref<640x128xf32, #tpu.memory_space<hbm>>)
      tpu.yield
    }) : () -> ()
    return
  }
}

#map = affine_map<(d0, d1) -> (0, 0)>
#map1 = affine_map<(d0, d1) -> (0, 0, 0)>
module attributes {stable_mosaic.version = 14 : i64} {
  func.func @_agg_kernel(%arg0: i32, %arg1: i32, %arg2: memref<10240x128xf32, #tpu.memory_space<hbm>>, %arg3: memref<2560x128xi32, #tpu.memory_space<hbm>>, %arg4: memref<2560x128xi32, #tpu.memory_space<hbm>>, %arg5: memref<648x128xf32, #tpu.memory_space<hbm>>, %arg6: memref<2x10240x128xf32, #tpu.memory_space<hbm>>, %arg7: memref<40x128xi32, #tpu.memory_space<vmem>>, %arg8: memref<40x128xi32, #tpu.memory_space<vmem>>, %arg9: memref<128x128xf32, #tpu.memory_space<vmem>>, %arg10: memref<128x128xf32, #tpu.memory_space<vmem>>, %arg11: memref<10368x128xf32, #tpu.memory_space<vmem_shared>>, %arg12: memref<!tpu.dma_semaphore, #tpu.memory_space<semaphore_mem>>, %arg13: memref<!tpu.dma_semaphore, #tpu.memory_space<semaphore_mem>>, %arg14: memref<!tpu.dma_semaphore, #tpu.memory_space<semaphore_mem>>, %arg15: memref<!tpu.dma_semaphore, #tpu.memory_space<semaphore_mem>>) attributes {dimension_semantics = [#tpu.dimension_semantics<core_parallel>, #tpu.dimension_semantics<subcore_parallel>], iteration_bounds = array<i64: 2, 16>, scalar_prefetch = 0 : i64, scratch_operands = 9 : i64, tpu.core_type = #tpu.core_type<sc_vector_subcore>, window_params = [{transform_indices = #map}, {transform_indices = #map}, {transform_indices = #map}, {transform_indices = #map}, {transform_indices = #map1}]} {
    %mul3A = arith.constant 16 : i32
    %mul3A_0 = arith.muli %arg0, %mul3A : i32
    %add3A = arith.addi %mul3A_0, %arg1 : i32
    %mul3A_1 = arith.constant 648 : i32
    %mul3A_2 = arith.muli %arg1, %mul3A_1 : i32
    "tpu.region"() ({
      %run_scoped3A = tpu.sem_alloc : memref<!tpu.dma_semaphore, #tpu.memory_space<semaphore_mem>>
      %dma_start3A_48 = arith.constant 0 : i32
      %dma_start3A_49 = tpu.memref_slice %arg11[%mul3A_2, %dma_start3A_48] : memref<10368x128xf32, #tpu.memory_space<vmem_shared>> -> memref<648x128xf32, #tpu.memory_space<vmem_shared>>
      tpu.enqueue_dma source(%arg5 : memref<648x128xf32, #tpu.memory_space<hbm>>) target(%dma_start3A_49 : memref<648x128xf32, #tpu.memory_space<vmem_shared>>) target_semaphore(%run_scoped3A : memref<!tpu.dma_semaphore, #tpu.memory_space<semaphore_mem>>)
      %dma_wait3A = arith.constant 0 : i32
      %dma_wait3A_50 = tpu.memref_slice %arg11[%mul3A_2, %dma_wait3A] : memref<10368x128xf32, #tpu.memory_space<vmem_shared>> -> memref<648x128xf32, #tpu.memory_space<vmem_shared>>
      tpu.wait_dma2 semaphore(%run_scoped3A : memref<!tpu.dma_semaphore, #tpu.memory_space<semaphore_mem>>) src(%arg5 : memref<648x128xf32, #tpu.memory_space<hbm>>) dst(%dma_wait3A_50 : memref<648x128xf32, #tpu.memory_space<vmem_shared>>)
      tpu.yield
    }) : () -> ()
    %barrier3A = arith.constant 0 : index
    tpu.barrier barrier_id(%barrier3A)
    %mul3A_3 = arith.constant 80 : i32
    %mul3A_4 = arith.muli %add3A, %mul3A_3 : i32
    %add3A_5 = arith.constant 0 : i32
    %add3A_6 = arith.addi %mul3A_4, %add3A_5 : i32
    "tpu.region"() ({
      %run_scoped3A = tpu.sem_alloc : memref<!tpu.dma_semaphore, #tpu.memory_space<semaphore_mem>>
      %dma_start3A_48 = arith.constant 0 : i32
      %dma_start3A_49 = tpu.memref_slice %arg3[%add3A_6, %dma_start3A_48] : memref<2560x128xi32, #tpu.memory_space<hbm>> -> memref<40x128xi32, #tpu.memory_space<hbm>>
      %dma_start3A_50 = arith.constant 0 : i32
      %dma_start3A_51 = tpu.memref_slice %arg3[%add3A_6, %dma_start3A_50] : memref<2560x128xi32, #tpu.memory_space<hbm>> -> memref<40x128xi32, #tpu.memory_space<hbm>>
      tpu.enqueue_dma source(%dma_start3A_51 : memref<40x128xi32, #tpu.memory_space<hbm>>) target(%arg7 : memref<40x128xi32, #tpu.memory_space<vmem>>) target_semaphore(%run_scoped3A : memref<!tpu.dma_semaphore, #tpu.memory_space<semaphore_mem>>)
      %dma_wait3A = arith.constant 0 : i32
      %dma_wait3A_52 = tpu.memref_slice %arg3[%add3A_6, %dma_wait3A] : memref<2560x128xi32, #tpu.memory_space<hbm>> -> memref<40x128xi32, #tpu.memory_space<hbm>>
      %dma_wait3A_53 = arith.constant 0 : i32
      %dma_wait3A_54 = tpu.memref_slice %arg3[%add3A_6, %dma_wait3A_53] : memref<2560x128xi32, #tpu.memory_space<hbm>> -> memref<40x128xi32, #tpu.memory_space<hbm>>
      tpu.wait_dma2 semaphore(%run_scoped3A : memref<!tpu.dma_semaphore, #tpu.memory_space<semaphore_mem>>) src(%dma_wait3A_54 : memref<40x128xi32, #tpu.memory_space<hbm>>) dst(%arg7 : memref<40x128xi32, #tpu.memory_space<vmem>>)
      tpu.yield
    }) : () -> ()
    %mul3A_7 = arith.constant 80 : i32
    %mul3A_8 = arith.muli %add3A, %mul3A_7 : i32
    %add3A_9 = arith.constant 0 : i32
    %add3A_10 = arith.addi %mul3A_8, %add3A_9 : i32
    "tpu.region"() ({
      %run_scoped3A = tpu.sem_alloc : memref<!tpu.dma_semaphore, #tpu.memory_space<semaphore_mem>>
      %dma_start3A_48 = arith.constant 0 : i32
      %dma_start3A_49 = tpu.memref_slice %arg4[%add3A_10, %dma_start3A_48] : memref<2560x128xi32, #tpu.memory_space<hbm>> -> memref<40x128xi32, #tpu.memory_space<hbm>>
      %dma_start3A_50 = arith.constant 0 : i32
      %dma_start3A_51 = tpu.memref_slice %arg4[%add3A_10, %dma_start3A_50] : memref<2560x128xi32, #tpu.memory_space<hbm>> -> memref<40x128xi32, #tpu.memory_space<hbm>>
      tpu.enqueue_dma source(%dma_start3A_51 : memref<40x128xi32, #tpu.memory_space<hbm>>) target(%arg8 : memref<40x128xi32, #tpu.memory_space<vmem>>) target_semaphore(%run_scoped3A : memref<!tpu.dma_semaphore, #tpu.memory_space<semaphore_mem>>)
      %dma_wait3A = arith.constant 0 : i32
      %dma_wait3A_52 = tpu.memref_slice %arg4[%add3A_10, %dma_wait3A] : memref<2560x128xi32, #tpu.memory_space<hbm>> -> memref<40x128xi32, #tpu.memory_space<hbm>>
      %dma_wait3A_53 = arith.constant 0 : i32
      %dma_wait3A_54 = tpu.memref_slice %arg4[%add3A_10, %dma_wait3A_53] : memref<2560x128xi32, #tpu.memory_space<hbm>> -> memref<40x128xi32, #tpu.memory_space<hbm>>
      tpu.wait_dma2 semaphore(%run_scoped3A : memref<!tpu.dma_semaphore, #tpu.memory_space<semaphore_mem>>) src(%dma_wait3A_54 : memref<40x128xi32, #tpu.memory_space<hbm>>) dst(%arg8 : memref<40x128xi32, #tpu.memory_space<vmem>>)
      tpu.yield
    }) : () -> ()
    %dma_start3A = arith.constant 0 : i32
    %dma_start3A_11 = arith.constant 0 : i32
    %dma_start3A_12 = tpu.memref_slice %arg7[%dma_start3A, %dma_start3A_11] : memref<40x128xi32, #tpu.memory_space<vmem>> -> memref<1x128xi32, #tpu.memory_space<vmem>>
    %dma_start3A_13 = tpu.memref_squeeze %dma_start3A_12 : memref<1x128xi32, #tpu.memory_space<vmem>> -> memref<128xi32, #tpu.memory_space<vmem>>
    %dma_start3A_14 = arith.constant 0 : i32
    %dma_start3A_15 = arith.constant 0 : i32
    %dma_start3A_16 = tpu.memref_slice %arg2[%dma_start3A_14, %dma_start3A_15] : memref<10240x128xf32, #tpu.memory_space<hbm>> -> memref<10240x128xf32, #tpu.memory_space<hbm>>
    tpu.enqueue_indirect_dma source(%dma_start3A_16 : memref<10240x128xf32, #tpu.memory_space<hbm>>) target(%arg9 : memref<128x128xf32, #tpu.memory_space<vmem>>) offsets(%dma_start3A_13 : memref<128xi32, #tpu.memory_space<vmem>>) semaphore(%arg12 : memref<!tpu.dma_semaphore, #tpu.memory_space<semaphore_mem>>)
    %scan3A = arith.constant 0 : i32
    %scan3A_17 = arith.constant 0 : i32
    %scan3A_18 = arith.constant 20 : i32
    %scan3A_19 = arith.addi %scan3A_17, %scan3A_18 : i32
    %scan3A_20 = arith.constant 1 : i32
    scf.for %scan3A_48 = %scan3A_17 to %scan3A_19 step %scan3A_20  : i32 {
      %mul3A_49 = arith.constant 2 : i32
      %mul3A_50 = arith.muli %mul3A_49, %scan3A_48 : i32
      %add3A_51 = arith.constant 1 : i32
      %add3A_52 = arith.addi %mul3A_50, %add3A_51 : i32
      %dma_start3A_53 = arith.constant 0 : i32
      %dma_start3A_54 = tpu.memref_slice %arg7[%add3A_52, %dma_start3A_53] : memref<40x128xi32, #tpu.memory_space<vmem>> -> memref<1x128xi32, #tpu.memory_space<vmem>>
      %dma_start3A_55 = tpu.memref_squeeze %dma_start3A_54 : memref<1x128xi32, #tpu.memory_space<vmem>> -> memref<128xi32, #tpu.memory_space<vmem>>
      %dma_start3A_56 = arith.constant 0 : i32
      %dma_start3A_57 = arith.constant 0 : i32
      %dma_start3A_58 = tpu.memref_slice %arg2[%dma_start3A_56, %dma_start3A_57] : memref<10240x128xf32, #tpu.memory_space<hbm>> -> memref<10240x128xf32, #tpu.memory_space<hbm>>
      tpu.enqueue_indirect_dma source(%dma_start3A_58 : memref<10240x128xf32, #tpu.memory_space<hbm>>) target(%arg10 : memref<128x128xf32, #tpu.memory_space<vmem>>) offsets(%dma_start3A_55 : memref<128xi32, #tpu.memory_space<vmem>>) semaphore(%arg13 : memref<!tpu.dma_semaphore, #tpu.memory_space<semaphore_mem>>)
      %dma_wait3A = arith.constant 0 : i32
      %dma_wait3A_59 = arith.constant 0 : i32
      %dma_wait3A_60 = tpu.memref_slice %arg7[%dma_wait3A, %dma_wait3A_59] : memref<40x128xi32, #tpu.memory_space<vmem>> -> memref<1x128xi32, #tpu.memory_space<vmem>>
      %dma_wait3A_61 = tpu.memref_squeeze %dma_wait3A_60 : memref<1x128xi32, #tpu.memory_space<vmem>> -> memref<128xi32, #tpu.memory_space<vmem>>
      %dma_wait3A_62 = arith.constant 0 : i32
      %dma_wait3A_63 = arith.constant 0 : i32
      %dma_wait3A_64 = tpu.memref_slice %arg2[%dma_wait3A_62, %dma_wait3A_63] : memref<10240x128xf32, #tpu.memory_space<hbm>> -> memref<10240x128xf32, #tpu.memory_space<hbm>>
      tpu.wait_indirect_dma semaphore(%arg12 : memref<!tpu.dma_semaphore, #tpu.memory_space<semaphore_mem>>) src(%dma_wait3A_64 : memref<10240x128xf32, #tpu.memory_space<hbm>>) dst(%arg9 : memref<128x128xf32, #tpu.memory_space<vmem>>)
      "tpu.region"() ({
        %run_scoped3A = tpu.sem_alloc : memref<!tpu.dma_semaphore, #tpu.memory_space<semaphore_mem>>
        %dma_start3A_76 = arith.constant 0 : i32
        %dma_start3A_77 = tpu.memref_slice %arg8[%mul3A_50, %dma_start3A_76] : memref<40x128xi32, #tpu.memory_space<vmem>> -> memref<1x128xi32, #tpu.memory_space<vmem>>
        %dma_start3A_78 = tpu.memref_squeeze %dma_start3A_77 : memref<1x128xi32, #tpu.memory_space<vmem>> -> memref<128xi32, #tpu.memory_space<vmem>>
        %dma_start3A_79 = arith.constant 0 : i32
        %dma_start3A_80 = arith.constant 0 : i32
        %dma_start3A_81 = tpu.memref_slice %arg11[%dma_start3A_79, %dma_start3A_80] : memref<10368x128xf32, #tpu.memory_space<vmem_shared>> -> memref<10368x128xf32, #tpu.memory_space<vmem_shared>>
        tpu.enqueue_indirect_dma source(%arg9 : memref<128x128xf32, #tpu.memory_space<vmem>>) target(%dma_start3A_81 : memref<10368x128xf32, #tpu.memory_space<vmem_shared>>) offsets(%dma_start3A_78 : memref<128xi32, #tpu.memory_space<vmem>>) semaphore(%run_scoped3A : memref<!tpu.dma_semaphore, #tpu.memory_space<semaphore_mem>>) {add = true}
        %dma_wait3A_82 = arith.constant 0 : i32
        %dma_wait3A_83 = tpu.memref_slice %arg8[%mul3A_50, %dma_wait3A_82] : memref<40x128xi32, #tpu.memory_space<vmem>> -> memref<1x128xi32, #tpu.memory_space<vmem>>
        %dma_wait3A_84 = tpu.memref_squeeze %dma_wait3A_83 : memref<1x128xi32, #tpu.memory_space<vmem>> -> memref<128xi32, #tpu.memory_space<vmem>>
        %dma_wait3A_85 = arith.constant 0 : i32
        %dma_wait3A_86 = arith.constant 0 : i32
        %dma_wait3A_87 = tpu.memref_slice %arg11[%dma_wait3A_85, %dma_wait3A_86] : memref<10368x128xf32, #tpu.memory_space<vmem_shared>> -> memref<10368x128xf32, #tpu.memory_space<vmem_shared>>
        tpu.wait_indirect_dma semaphore(%run_scoped3A : memref<!tpu.dma_semaphore, #tpu.memory_space<semaphore_mem>>) src(%arg9 : memref<128x128xf32, #tpu.memory_space<vmem>>) dst(%dma_wait3A_87 : memref<10368x128xf32, #tpu.memory_space<vmem_shared>>)
        tpu.yield
      }) : () -> ()
      %lt3A = arith.constant 19 : i32
      %lt3A_65 = arith.cmpi slt, %scan3A_48, %lt3A : i32
      %convert_element_type3A = arith.extui %lt3A_65 : i1 to i32
      %cond3A = arith.constant 0 : i32
      %cond3A_66 = arith.cmpi ne, %convert_element_type3A, %cond3A : i32
      scf.if %cond3A_66 {
        %add3A_76 = arith.constant 2 : i32
        %add3A_77 = arith.addi %mul3A_50, %add3A_76 : i32
        %dma_start3A_78 = arith.constant 0 : i32
        %dma_start3A_79 = tpu.memref_slice %arg7[%add3A_77, %dma_start3A_78] : memref<40x128xi32, #tpu.memory_space<vmem>> -> memref<1x128xi32, #tpu.memory_space<vmem>>
        %dma_start3A_80 = tpu.memref_squeeze %dma_start3A_79 : memref<1x128xi32, #tpu.memory_space<vmem>> -> memref<128xi32, #tpu.memory_space<vmem>>
        %dma_start3A_81 = arith.constant 0 : i32
        %dma_start3A_82 = arith.constant 0 : i32
        %dma_start3A_83 = tpu.memref_slice %arg2[%dma_start3A_81, %dma_start3A_82] : memref<10240x128xf32, #tpu.memory_space<hbm>> -> memref<10240x128xf32, #tpu.memory_space<hbm>>
        tpu.enqueue_indirect_dma source(%dma_start3A_83 : memref<10240x128xf32, #tpu.memory_space<hbm>>) target(%arg9 : memref<128x128xf32, #tpu.memory_space<vmem>>) offsets(%dma_start3A_80 : memref<128xi32, #tpu.memory_space<vmem>>) semaphore(%arg12 : memref<!tpu.dma_semaphore, #tpu.memory_space<semaphore_mem>>)
      } else {
      }
      %dma_wait3A_67 = arith.constant 0 : i32
      %dma_wait3A_68 = arith.constant 0 : i32
      %dma_wait3A_69 = tpu.memref_slice %arg7[%dma_wait3A_67, %dma_wait3A_68] : memref<40x128xi32, #tpu.memory_space<vmem>> -> memref<1x128xi32, #tpu.memory_space<vmem>>
      %dma_wait3A_70 = tpu.memref_squeeze %dma_wait3A_69 : memref<1x128xi32, #tpu.memory_space<vmem>> -> memref<128xi32, #tpu.memory_space<vmem>>
      %dma_wait3A_71 = arith.constant 0 : i32
      %dma_wait3A_72 = arith.constant 0 : i32
      %dma_wait3A_73 = tpu.memref_slice %arg2[%dma_wait3A_71, %dma_wait3A_72] : memref<10240x128xf32, #tpu.memory_space<hbm>> -> memref<10240x128xf32, #tpu.memory_space<hbm>>
      tpu.wait_indirect_dma semaphore(%arg13 : memref<!tpu.dma_semaphore, #tpu.memory_space<semaphore_mem>>) src(%dma_wait3A_73 : memref<10240x128xf32, #tpu.memory_space<hbm>>) dst(%arg10 : memref<128x128xf32, #tpu.memory_space<vmem>>)
      %add3A_74 = arith.constant 1 : i32
      %add3A_75 = arith.addi %mul3A_50, %add3A_74 : i32
      "tpu.region"() ({
        %run_scoped3A = tpu.sem_alloc : memref<!tpu.dma_semaphore, #tpu.memory_space<semaphore_mem>>
        %dma_start3A_76 = arith.constant 0 : i32
        %dma_start3A_77 = tpu.memref_slice %arg8[%add3A_75, %dma_start3A_76] : memref<40x128xi32, #tpu.memory_space<vmem>> -> memref<1x128xi32, #tpu.memory_space<vmem>>
        %dma_start3A_78 = tpu.memref_squeeze %dma_start3A_77 : memref<1x128xi32, #tpu.memory_space<vmem>> -> memref<128xi32, #tpu.memory_space<vmem>>
        %dma_start3A_79 = arith.constant 0 : i32
        %dma_start3A_80 = arith.constant 0 : i32
        %dma_start3A_81 = tpu.memref_slice %arg11[%dma_start3A_79, %dma_start3A_80] : memref<10368x128xf32, #tpu.memory_space<vmem_shared>> -> memref<10368x128xf32, #tpu.memory_space<vmem_shared>>
        tpu.enqueue_indirect_dma source(%arg10 : memref<128x128xf32, #tpu.memory_space<vmem>>) target(%dma_start3A_81 : memref<10368x128xf32, #tpu.memory_space<vmem_shared>>) offsets(%dma_start3A_78 : memref<128xi32, #tpu.memory_space<vmem>>) semaphore(%run_scoped3A : memref<!tpu.dma_semaphore, #tpu.memory_space<semaphore_mem>>) {add = true}
        %dma_wait3A_82 = arith.constant 0 : i32
        %dma_wait3A_83 = tpu.memref_slice %arg8[%add3A_75, %dma_wait3A_82] : memref<40x128xi32, #tpu.memory_space<vmem>> -> memref<1x128xi32, #tpu.memory_space<vmem>>
        %dma_wait3A_84 = tpu.memref_squeeze %dma_wait3A_83 : memref<1x128xi32, #tpu.memory_space<vmem>> -> memref<128xi32, #tpu.memory_space<vmem>>
        %dma_wait3A_85 = arith.constant 0 : i32
        %dma_wait3A_86 = arith.constant 0 : i32
        %dma_wait3A_87 = tpu.memref_slice %arg11[%dma_wait3A_85, %dma_wait3A_86] : memref<10368x128xf32, #tpu.memory_space<vmem_shared>> -> memref<10368x128xf32, #tpu.memory_space<vmem_shared>>
        tpu.wait_indirect_dma semaphore(%run_scoped3A : memref<!tpu.dma_semaphore, #tpu.memory_space<semaphore_mem>>) src(%arg10 : memref<128x128xf32, #tpu.memory_space<vmem>>) dst(%dma_wait3A_87 : memref<10368x128xf32, #tpu.memory_space<vmem_shared>>)
        tpu.yield
      }) : () -> ()
    }
    %scan3A_21 = arith.constant 20 : i32
    %mul3A_22 = arith.constant 80 : i32
    %mul3A_23 = arith.muli %add3A, %mul3A_22 : i32
    %add3A_24 = arith.constant 40 : i32
    %add3A_25 = arith.addi %mul3A_23, %add3A_24 : i32
    "tpu.region"() ({
      %run_scoped3A = tpu.sem_alloc : memref<!tpu.dma_semaphore, #tpu.memory_space<semaphore_mem>>
      %dma_start3A_48 = arith.constant 0 : i32
      %dma_start3A_49 = tpu.memref_slice %arg3[%add3A_25, %dma_start3A_48] : memref<2560x128xi32, #tpu.memory_space<hbm>> -> memref<40x128xi32, #tpu.memory_space<hbm>>
      %dma_start3A_50 = arith.constant 0 : i32
      %dma_start3A_51 = tpu.memref_slice %arg3[%add3A_25, %dma_start3A_50] : memref<2560x128xi32, #tpu.memory_space<hbm>> -> memref<40x128xi32, #tpu.memory_space<hbm>>
      tpu.enqueue_dma source(%dma_start3A_51 : memref<40x128xi32, #tpu.memory_space<hbm>>) target(%arg7 : memref<40x128xi32, #tpu.memory_space<vmem>>) target_semaphore(%run_scoped3A : memref<!tpu.dma_semaphore, #tpu.memory_space<semaphore_mem>>)
      %dma_wait3A = arith.constant 0 : i32
      %dma_wait3A_52 = tpu.memref_slice %arg3[%add3A_25, %dma_wait3A] : memref<2560x128xi32, #tpu.memory_space<hbm>> -> memref<40x128xi32, #tpu.memory_space<hbm>>
      %dma_wait3A_53 = arith.constant 0 : i32
      %dma_wait3A_54 = tpu.memref_slice %arg3[%add3A_25, %dma_wait3A_53] : memref<2560x128xi32, #tpu.memory_space<hbm>> -> memref<40x128xi32, #tpu.memory_space<hbm>>
      tpu.wait_dma2 semaphore(%run_scoped3A : memref<!tpu.dma_semaphore, #tpu.memory_space<semaphore_mem>>) src(%dma_wait3A_54 : memref<40x128xi32, #tpu.memory_space<hbm>>) dst(%arg7 : memref<40x128xi32, #tpu.memory_space<vmem>>)
      tpu.yield
    }) : () -> ()
    %mul3A_26 = arith.constant 80 : i32
    %mul3A_27 = arith.muli %add3A, %mul3A_26 : i32
    %add3A_28 = arith.constant 40 : i32
    %add3A_29 = arith.addi %mul3A_27, %add3A_28 : i32
    "tpu.region"() ({
      %run_scoped3A = tpu.sem_alloc : memref<!tpu.dma_semaphore, #tpu.memory_space<semaphore_mem>>
      %dma_start3A_48 = arith.constant 0 : i32
      %dma_start3A_49 = tpu.memref_slice %arg4[%add3A_29, %dma_start3A_48] : memref<2560x128xi32, #tpu.memory_space<hbm>> -> memref<40x128xi32, #tpu.memory_space<hbm>>
      %dma_start3A_50 = arith.constant 0 : i32
      %dma_start3A_51 = tpu.memref_slice %arg4[%add3A_29, %dma_start3A_50] : memref<2560x128xi32, #tpu.memory_space<hbm>> -> memref<40x128xi32, #tpu.memory_space<hbm>>
      tpu.enqueue_dma source(%dma_start3A_51 : memref<40x128xi32, #tpu.memory_space<hbm>>) target(%arg8 : memref<40x128xi32, #tpu.memory_space<vmem>>) target_semaphore(%run_scoped3A : memref<!tpu.dma_semaphore, #tpu.memory_space<semaphore_mem>>)
      %dma_wait3A = arith.constant 0 : i32
      %dma_wait3A_52 = tpu.memref_slice %arg4[%add3A_29, %dma_wait3A] : memref<2560x128xi32, #tpu.memory_space<hbm>> -> memref<40x128xi32, #tpu.memory_space<hbm>>
      %dma_wait3A_53 = arith.constant 0 : i32
      %dma_wait3A_54 = tpu.memref_slice %arg4[%add3A_29, %dma_wait3A_53] : memref<2560x128xi32, #tpu.memory_space<hbm>> -> memref<40x128xi32, #tpu.memory_space<hbm>>
      tpu.wait_dma2 semaphore(%run_scoped3A : memref<!tpu.dma_semaphore, #tpu.memory_space<semaphore_mem>>) src(%dma_wait3A_54 : memref<40x128xi32, #tpu.memory_space<hbm>>) dst(%arg8 : memref<40x128xi32, #tpu.memory_space<vmem>>)
      tpu.yield
    }) : () -> ()
    %dma_start3A_30 = arith.constant 0 : i32
    %dma_start3A_31 = arith.constant 0 : i32
    %dma_start3A_32 = tpu.memref_slice %arg7[%dma_start3A_30, %dma_start3A_31] : memref<40x128xi32, #tpu.memory_space<vmem>> -> memref<1x128xi32, #tpu.memory_space<vmem>>
    %dma_start3A_33 = tpu.memref_squeeze %dma_start3A_32 : memref<1x128xi32, #tpu.memory_space<vmem>> -> memref<128xi32, #tpu.memory_space<vmem>>
    %dma_start3A_34 = arith.constant 0 : i32
    %dma_start3A_35 = arith.constant 0 : i32
    %dma_start3A_36 = tpu.memref_slice %arg2[%dma_start3A_34, %dma_start3A_35] : memref<10240x128xf32, #tpu.memory_space<hbm>> -> memref<10240x128xf32, #tpu.memory_space<hbm>>
    tpu.enqueue_indirect_dma source(%dma_start3A_36 : memref<10240x128xf32, #tpu.memory_space<hbm>>) target(%arg9 : memref<128x128xf32, #tpu.memory_space<vmem>>) offsets(%dma_start3A_33 : memref<128xi32, #tpu.memory_space<vmem>>) semaphore(%arg12 : memref<!tpu.dma_semaphore, #tpu.memory_space<semaphore_mem>>)
    %scan3A_37 = arith.constant 0 : i32
    %scan3A_38 = arith.constant 0 : i32
    %scan3A_39 = arith.constant 20 : i32
    %scan3A_40 = arith.addi %scan3A_38, %scan3A_39 : i32
    %scan3A_41 = arith.constant 1 : i32
    scf.for %scan3A_48 = %scan3A_38 to %scan3A_40 step %scan3A_41  : i32 {
      %mul3A_49 = arith.constant 2 : i32
      %mul3A_50 = arith.muli %mul3A_49, %scan3A_48 : i32
      %add3A_51 = arith.constant 1 : i32
      %add3A_52 = arith.addi %mul3A_50, %add3A_51 : i32
      %dma_start3A_53 = arith.constant 0 : i32
      %dma_start3A_54 = tpu.memref_slice %arg7[%add3A_52, %dma_start3A_53] : memref<40x128xi32, #tpu.memory_space<vmem>> -> memref<1x128xi32, #tpu.memory_space<vmem>>
      %dma_start3A_55 = tpu.memref_squeeze %dma_start3A_54 : memref<1x128xi32, #tpu.memory_space<vmem>> -> memref<128xi32, #tpu.memory_space<vmem>>
      %dma_start3A_56 = arith.constant 0 : i32
      %dma_start3A_57 = arith.constant 0 : i32
      %dma_start3A_58 = tpu.memref_slice %arg2[%dma_start3A_56, %dma_start3A_57] : memref<10240x128xf32, #tpu.memory_space<hbm>> -> memref<10240x128xf32, #tpu.memory_space<hbm>>
      tpu.enqueue_indirect_dma source(%dma_start3A_58 : memref<10240x128xf32, #tpu.memory_space<hbm>>) target(%arg10 : memref<128x128xf32, #tpu.memory_space<vmem>>) offsets(%dma_start3A_55 : memref<128xi32, #tpu.memory_space<vmem>>) semaphore(%arg13 : memref<!tpu.dma_semaphore, #tpu.memory_space<semaphore_mem>>)
      %dma_wait3A = arith.constant 0 : i32
      %dma_wait3A_59 = arith.constant 0 : i32
      %dma_wait3A_60 = tpu.memref_slice %arg7[%dma_wait3A, %dma_wait3A_59] : memref<40x128xi32, #tpu.memory_space<vmem>> -> memref<1x128xi32, #tpu.memory_space<vmem>>
      %dma_wait3A_61 = tpu.memref_squeeze %dma_wait3A_60 : memref<1x128xi32, #tpu.memory_space<vmem>> -> memref<128xi32, #tpu.memory_space<vmem>>
      %dma_wait3A_62 = arith.constant 0 : i32
      %dma_wait3A_63 = arith.constant 0 : i32
      %dma_wait3A_64 = tpu.memref_slice %arg2[%dma_wait3A_62, %dma_wait3A_63] : memref<10240x128xf32, #tpu.memory_space<hbm>> -> memref<10240x128xf32, #tpu.memory_space<hbm>>
      tpu.wait_indirect_dma semaphore(%arg12 : memref<!tpu.dma_semaphore, #tpu.memory_space<semaphore_mem>>) src(%dma_wait3A_64 : memref<10240x128xf32, #tpu.memory_space<hbm>>) dst(%arg9 : memref<128x128xf32, #tpu.memory_space<vmem>>)
      "tpu.region"() ({
        %run_scoped3A = tpu.sem_alloc : memref<!tpu.dma_semaphore, #tpu.memory_space<semaphore_mem>>
        %dma_start3A_76 = arith.constant 0 : i32
        %dma_start3A_77 = tpu.memref_slice %arg8[%mul3A_50, %dma_start3A_76] : memref<40x128xi32, #tpu.memory_space<vmem>> -> memref<1x128xi32, #tpu.memory_space<vmem>>
        %dma_start3A_78 = tpu.memref_squeeze %dma_start3A_77 : memref<1x128xi32, #tpu.memory_space<vmem>> -> memref<128xi32, #tpu.memory_space<vmem>>
        %dma_start3A_79 = arith.constant 0 : i32
        %dma_start3A_80 = arith.constant 0 : i32
        %dma_start3A_81 = tpu.memref_slice %arg11[%dma_start3A_79, %dma_start3A_80] : memref<10368x128xf32, #tpu.memory_space<vmem_shared>> -> memref<10368x128xf32, #tpu.memory_space<vmem_shared>>
        tpu.enqueue_indirect_dma source(%arg9 : memref<128x128xf32, #tpu.memory_space<vmem>>) target(%dma_start3A_81 : memref<10368x128xf32, #tpu.memory_space<vmem_shared>>) offsets(%dma_start3A_78 : memref<128xi32, #tpu.memory_space<vmem>>) semaphore(%run_scoped3A : memref<!tpu.dma_semaphore, #tpu.memory_space<semaphore_mem>>) {add = true}
        %dma_wait3A_82 = arith.constant 0 : i32
        %dma_wait3A_83 = tpu.memref_slice %arg8[%mul3A_50, %dma_wait3A_82] : memref<40x128xi32, #tpu.memory_space<vmem>> -> memref<1x128xi32, #tpu.memory_space<vmem>>
        %dma_wait3A_84 = tpu.memref_squeeze %dma_wait3A_83 : memref<1x128xi32, #tpu.memory_space<vmem>> -> memref<128xi32, #tpu.memory_space<vmem>>
        %dma_wait3A_85 = arith.constant 0 : i32
        %dma_wait3A_86 = arith.constant 0 : i32
        %dma_wait3A_87 = tpu.memref_slice %arg11[%dma_wait3A_85, %dma_wait3A_86] : memref<10368x128xf32, #tpu.memory_space<vmem_shared>> -> memref<10368x128xf32, #tpu.memory_space<vmem_shared>>
        tpu.wait_indirect_dma semaphore(%run_scoped3A : memref<!tpu.dma_semaphore, #tpu.memory_space<semaphore_mem>>) src(%arg9 : memref<128x128xf32, #tpu.memory_space<vmem>>) dst(%dma_wait3A_87 : memref<10368x128xf32, #tpu.memory_space<vmem_shared>>)
        tpu.yield
      }) : () -> ()
      %lt3A = arith.constant 19 : i32
      %lt3A_65 = arith.cmpi slt, %scan3A_48, %lt3A : i32
      %convert_element_type3A = arith.extui %lt3A_65 : i1 to i32
      %cond3A = arith.constant 0 : i32
      %cond3A_66 = arith.cmpi ne, %convert_element_type3A, %cond3A : i32
      scf.if %cond3A_66 {
        %add3A_76 = arith.constant 2 : i32
        %add3A_77 = arith.addi %mul3A_50, %add3A_76 : i32
        %dma_start3A_78 = arith.constant 0 : i32
        %dma_start3A_79 = tpu.memref_slice %arg7[%add3A_77, %dma_start3A_78] : memref<40x128xi32, #tpu.memory_space<vmem>> -> memref<1x128xi32, #tpu.memory_space<vmem>>
        %dma_start3A_80 = tpu.memref_squeeze %dma_start3A_79 : memref<1x128xi32, #tpu.memory_space<vmem>> -> memref<128xi32, #tpu.memory_space<vmem>>
        %dma_start3A_81 = arith.constant 0 : i32
        %dma_start3A_82 = arith.constant 0 : i32
        %dma_start3A_83 = tpu.memref_slice %arg2[%dma_start3A_81, %dma_start3A_82] : memref<10240x128xf32, #tpu.memory_space<hbm>> -> memref<10240x128xf32, #tpu.memory_space<hbm>>
        tpu.enqueue_indirect_dma source(%dma_start3A_83 : memref<10240x128xf32, #tpu.memory_space<hbm>>) target(%arg9 : memref<128x128xf32, #tpu.memory_space<vmem>>) offsets(%dma_start3A_80 : memref<128xi32, #tpu.memory_space<vmem>>) semaphore(%arg12 : memref<!tpu.dma_semaphore, #tpu.memory_space<semaphore_mem>>)
      } else {
      }
      %dma_wait3A_67 = arith.constant 0 : i32
      %dma_wait3A_68 = arith.constant 0 : i32
      %dma_wait3A_69 = tpu.memref_slice %arg7[%dma_wait3A_67, %dma_wait3A_68] : memref<40x128xi32, #tpu.memory_space<vmem>> -> memref<1x128xi32, #tpu.memory_space<vmem>>
      %dma_wait3A_70 = tpu.memref_squeeze %dma_wait3A_69 : memref<1x128xi32, #tpu.memory_space<vmem>> -> memref<128xi32, #tpu.memory_space<vmem>>
      %dma_wait3A_71 = arith.constant 0 : i32
      %dma_wait3A_72 = arith.constant 0 : i32
      %dma_wait3A_73 = tpu.memref_slice %arg2[%dma_wait3A_71, %dma_wait3A_72] : memref<10240x128xf32, #tpu.memory_space<hbm>> -> memref<10240x128xf32, #tpu.memory_space<hbm>>
      tpu.wait_indirect_dma semaphore(%arg13 : memref<!tpu.dma_semaphore, #tpu.memory_space<semaphore_mem>>) src(%dma_wait3A_73 : memref<10240x128xf32, #tpu.memory_space<hbm>>) dst(%arg10 : memref<128x128xf32, #tpu.memory_space<vmem>>)
      %add3A_74 = arith.constant 1 : i32
      %add3A_75 = arith.addi %mul3A_50, %add3A_74 : i32
      "tpu.region"() ({
        %run_scoped3A = tpu.sem_alloc : memref<!tpu.dma_semaphore, #tpu.memory_space<semaphore_mem>>
        %dma_start3A_76 = arith.constant 0 : i32
        %dma_start3A_77 = tpu.memref_slice %arg8[%add3A_75, %dma_start3A_76] : memref<40x128xi32, #tpu.memory_space<vmem>> -> memref<1x128xi32, #tpu.memory_space<vmem>>
        %dma_start3A_78 = tpu.memref_squeeze %dma_start3A_77 : memref<1x128xi32, #tpu.memory_space<vmem>> -> memref<128xi32, #tpu.memory_space<vmem>>
        %dma_start3A_79 = arith.constant 0 : i32
        %dma_start3A_80 = arith.constant 0 : i32
        %dma_start3A_81 = tpu.memref_slice %arg11[%dma_start3A_79, %dma_start3A_80] : memref<10368x128xf32, #tpu.memory_space<vmem_shared>> -> memref<10368x128xf32, #tpu.memory_space<vmem_shared>>
        tpu.enqueue_indirect_dma source(%arg10 : memref<128x128xf32, #tpu.memory_space<vmem>>) target(%dma_start3A_81 : memref<10368x128xf32, #tpu.memory_space<vmem_shared>>) offsets(%dma_start3A_78 : memref<128xi32, #tpu.memory_space<vmem>>) semaphore(%run_scoped3A : memref<!tpu.dma_semaphore, #tpu.memory_space<semaphore_mem>>) {add = true}
        %dma_wait3A_82 = arith.constant 0 : i32
        %dma_wait3A_83 = tpu.memref_slice %arg8[%add3A_75, %dma_wait3A_82] : memref<40x128xi32, #tpu.memory_space<vmem>> -> memref<1x128xi32, #tpu.memory_space<vmem>>
        %dma_wait3A_84 = tpu.memref_squeeze %dma_wait3A_83 : memref<1x128xi32, #tpu.memory_space<vmem>> -> memref<128xi32, #tpu.memory_space<vmem>>
        %dma_wait3A_85 = arith.constant 0 : i32
        %dma_wait3A_86 = arith.constant 0 : i32
        %dma_wait3A_87 = tpu.memref_slice %arg11[%dma_wait3A_85, %dma_wait3A_86] : memref<10368x128xf32, #tpu.memory_space<vmem_shared>> -> memref<10368x128xf32, #tpu.memory_space<vmem_shared>>
        tpu.wait_indirect_dma semaphore(%run_scoped3A : memref<!tpu.dma_semaphore, #tpu.memory_space<semaphore_mem>>) src(%arg10 : memref<128x128xf32, #tpu.memory_space<vmem>>) dst(%dma_wait3A_87 : memref<10368x128xf32, #tpu.memory_space<vmem_shared>>)
        tpu.yield
      }) : () -> ()
    }
    %scan3A_42 = arith.constant 20 : i32
    %barrier3A_43 = arith.constant 0 : index
    tpu.barrier barrier_id(%barrier3A_43)
    %mul3A_44 = arith.constant 640 : i32
    %mul3A_45 = arith.muli %arg1, %mul3A_44 : i32
    %mul3A_46 = arith.constant 640 : i32
    %mul3A_47 = arith.muli %arg1, %mul3A_46 : i32
    "tpu.region"() ({
      %run_scoped3A = tpu.sem_alloc : memref<!tpu.dma_semaphore, #tpu.memory_space<semaphore_mem>>
      %dma_start3A_48 = arith.constant 0 : i32
      %dma_start3A_49 = tpu.memref_slice %arg6[%arg0, %mul3A_47, %dma_start3A_48] : memref<2x10240x128xf32, #tpu.memory_space<hbm>> -> memref<1x640x128xf32, #tpu.memory_space<hbm>>
      %dma_start3A_50 = tpu.memref_squeeze %dma_start3A_49 : memref<1x640x128xf32, #tpu.memory_space<hbm>> -> memref<640x128xf32, #tpu.memory_space<hbm>>
      %dma_start3A_51 = arith.constant 0 : i32
      %dma_start3A_52 = tpu.memref_slice %arg11[%mul3A_45, %dma_start3A_51] : memref<10368x128xf32, #tpu.memory_space<vmem_shared>> -> memref<640x128xf32, #tpu.memory_space<vmem_shared>>
      tpu.enqueue_dma source(%dma_start3A_52 : memref<640x128xf32, #tpu.memory_space<vmem_shared>>) target(%dma_start3A_50 : memref<640x128xf32, #tpu.memory_space<hbm>>) target_semaphore(%run_scoped3A : memref<!tpu.dma_semaphore, #tpu.memory_space<semaphore_mem>>)
      %dma_wait3A = arith.constant 0 : i32
      %dma_wait3A_53 = tpu.memref_slice %arg6[%arg0, %mul3A_47, %dma_wait3A] : memref<2x10240x128xf32, #tpu.memory_space<hbm>> -> memref<1x640x128xf32, #tpu.memory_space<hbm>>
      %dma_wait3A_54 = tpu.memref_squeeze %dma_wait3A_53 : memref<1x640x128xf32, #tpu.memory_space<hbm>> -> memref<640x128xf32, #tpu.memory_space<hbm>>
      %dma_wait3A_55 = arith.constant 0 : i32
      %dma_wait3A_56 = tpu.memref_slice %arg11[%mul3A_45, %dma_wait3A_55] : memref<10368x128xf32, #tpu.memory_space<vmem_shared>> -> memref<640x128xf32, #tpu.memory_space<vmem_shared>>
      tpu.wait_dma2 semaphore(%run_scoped3A : memref<!tpu.dma_semaphore, #tpu.memory_space<semaphore_mem>>) src(%dma_wait3A_56 : memref<640x128xf32, #tpu.memory_space<vmem_shared>>) dst(%dma_wait3A_54 : memref<640x128xf32, #tpu.memory_space<hbm>>)
      tpu.yield
    }) : () -> ()
    return
  }
}

module attributes {stable_mosaic.version = 14 : i64} {
  func.func @_prep_body(%arg0: i32, %arg1: memref<128x128xf32, #tpu.memory_space<vmem>>, %arg2: memref<2x128xf32, #tpu.memory_space<vmem>>, %arg3: memref<2x128xf32, #tpu.memory_space<vmem>>, %arg4: memref<128x128xf32, #tpu.memory_space<vmem>>, %arg5: memref<128x16xf32, #tpu.memory_space<vmem>>, %arg6: memref<128x16xf32, #tpu.memory_space<vmem>>) attributes {dimension_semantics = [#tpu.dimension_semantics<arbitrary>], iteration_bounds = array<i64: 80>, scalar_prefetch = 0 : i64, scratch_operands = 0 : i64, tpu.core_type = #tpu.core_type<tc>, window_params = [{transform_indices = @transform_0, window_bounds = array<i64: 128, 128>}, {transform_indices = @transform_1, window_bounds = array<i64: 2, 128>}, {transform_indices = @transform_2, window_bounds = array<i64: 2, 128>}, {transform_indices = @transform_3, window_bounds = array<i64: 128, 128>}, {transform_indices = @transform_4, window_bounds = array<i64: 128, 16>}, {transform_indices = @transform_5, window_bounds = array<i64: 128, 16>}]} {
    %get3A = arith.constant 0 : index
    %get3A_0 = arith.constant 0 : index
    %get3A_1 = vector.load %arg2[%get3A, %get3A_0] : memref<2x128xf32, #tpu.memory_space<vmem>>, vector<1x128xf32>
    %get3A_2 = vector.shape_cast %get3A_1 : vector<1x128xf32> to vector<128xf32>
    %get3A_3 = arith.constant 1 : index
    %get3A_4 = arith.constant 0 : index
    %get3A_5 = vector.load %arg2[%get3A_3, %get3A_4] : memref<2x128xf32, #tpu.memory_space<vmem>>, vector<1x128xf32>
    %get3A_6 = vector.shape_cast %get3A_5 : vector<1x128xf32> to vector<128xf32>
    %add3A = arith.addf %get3A_2, %get3A_6 : vector<128xf32>
    %get3A_7 = arith.constant 0 : index
    %get3A_8 = arith.constant 0 : index
    %get3A_9 = vector.load %arg3[%get3A_7, %get3A_8] : memref<2x128xf32, #tpu.memory_space<vmem>>, vector<1x128xf32>
    %get3A_10 = vector.shape_cast %get3A_9 : vector<1x128xf32> to vector<128xf32>
    %get3A_11 = arith.constant 1 : index
    %get3A_12 = arith.constant 0 : index
    %get3A_13 = vector.load %arg3[%get3A_11, %get3A_12] : memref<2x128xf32, #tpu.memory_space<vmem>>, vector<1x128xf32>
    %get3A_14 = vector.shape_cast %get3A_13 : vector<1x128xf32> to vector<128xf32>
    %add3A_15 = arith.addf %get3A_10, %get3A_14 : vector<128xf32>
    %max3A = arith.constant 1.000000e+00 : f32
    %max3A_16 = vector.broadcast %max3A : f32 to vector<128xf32>
    %max3A_17 = arith.maximumf %add3A, %max3A_16 : vector<128xf32>
    %rsqrt3A = math.rsqrt %max3A_17 : vector<128xf32>
    %max3A_18 = arith.constant 1.000000e+00 : f32
    %max3A_19 = vector.broadcast %max3A_18 : f32 to vector<128xf32>
    %max3A_20 = arith.maximumf %add3A_15, %max3A_19 : vector<128xf32>
    %rsqrt3A_21 = math.rsqrt %max3A_20 : vector<128xf32>
    %broadcast_in_dim3A = vector.shape_cast %rsqrt3A : vector<128xf32> to vector<128x1xf32>
    %broadcast_in_dim3A_22 = vector.shape_cast %broadcast_in_dim3A : vector<128x1xf32> to vector<128x1xf32>
    %broadcast_in_dim3A_23 = vector.broadcast %broadcast_in_dim3A_22 : vector<128x1xf32> to vector<128x16xf32>
    %swap3A = arith.constant 0 : index
    %swap3A_24 = arith.constant 0 : index
    %swap3A_25 = vector.load %arg5[%swap3A, %swap3A_24] : memref<128x16xf32, #tpu.memory_space<vmem>>, vector<128x16xf32>
    tpu.vector_store %arg5[%swap3A, %swap3A_24], %broadcast_in_dim3A_23 {strides = array<i32>} : memref<128x16xf32, #tpu.memory_space<vmem>>, vector<128x16xf32>,
    %broadcast_in_dim3A_26 = vector.shape_cast %rsqrt3A_21 : vector<128xf32> to vector<128x1xf32>
    %broadcast_in_dim3A_27 = vector.shape_cast %broadcast_in_dim3A_26 : vector<128x1xf32> to vector<128x1xf32>
    %broadcast_in_dim3A_28 = vector.broadcast %broadcast_in_dim3A_27 : vector<128x1xf32> to vector<128x16xf32>
    %swap3A_29 = arith.constant 0 : index
    %swap3A_30 = arith.constant 0 : index
    %swap3A_31 = vector.load %arg6[%swap3A_29, %swap3A_30] : memref<128x16xf32, #tpu.memory_space<vmem>>, vector<128x16xf32>
    tpu.vector_store %arg6[%swap3A_29, %swap3A_30], %broadcast_in_dim3A_28 {strides = array<i32>} : memref<128x16xf32, #tpu.memory_space<vmem>>, vector<128x16xf32>,
    %get3A_32 = arith.constant 0 : index
    %get3A_33 = arith.constant 0 : index
    %get3A_34 = vector.load %arg1[%get3A_32, %get3A_33] : memref<128x128xf32, #tpu.memory_space<vmem>>, vector<128x128xf32>
    %broadcast_in_dim3A_35 = vector.shape_cast %rsqrt3A : vector<128xf32> to vector<128x1xf32>
    %mul3A = vector.broadcast %broadcast_in_dim3A_35 : vector<128x1xf32> to vector<128x128xf32>
    %mul3A_36 = arith.mulf %get3A_34, %mul3A : vector<128x128xf32>
    %swap3A_37 = arith.constant 0 : index
    %swap3A_38 = arith.constant 0 : index
    %swap3A_39 = vector.load %arg4[%swap3A_37, %swap3A_38] : memref<128x128xf32, #tpu.memory_space<vmem>>, vector<128x128xf32>
    tpu.vector_store %arg4[%swap3A_37, %swap3A_38], %mul3A_36 {strides = array<i32>} : memref<128x128xf32, #tpu.memory_space<vmem>>, vector<128x128xf32>,
    return
  }
  func.func @transform_0(%arg0: i32) -> (i32, i32) {
    %c0_i32 = arith.constant 0 : i32
    %c0_i32_0 = arith.constant 0 : i32
    return %arg0, %c0_i32 : i32, i32
  }
  func.func @transform_1(%arg0: i32) -> (i32, i32) {
    %c0_i32 = arith.constant 0 : i32
    %c0_i32_0 = arith.constant 0 : i32
    return %c0_i32, %arg0 : i32, i32
  }
  func.func @transform_2(%arg0: i32) -> (i32, i32) {
    %c0_i32 = arith.constant 0 : i32
    %c0_i32_0 = arith.constant 0 : i32
    return %c0_i32, %arg0 : i32, i32
  }
  func.func @transform_3(%arg0: i32) -> (i32, i32) {
    %c0_i32 = arith.constant 0 : i32
    %c0_i32_0 = arith.constant 0 : i32
    return %arg0, %c0_i32 : i32, i32
  }
  func.func @transform_4(%arg0: i32) -> (i32, i32) {
    %c0_i32 = arith.constant 0 : i32
    %c0_i32_0 = arith.constant 0 : i32
    return %arg0, %c0_i32 : i32, i32
  }
  func.func @transform_5(%arg0: i32) -> (i32, i32) {
    %c0_i32 = arith.constant 0 : i32
    %c0_i32_0 = arith.constant 0 : i32
    return %arg0, %c0_i32 : i32, i32
  }
}

module attributes {stable_mosaic.version = 14 : i64} {
  func.func @_layer_body(%arg0: i32, %arg1: memref<2x128x128xf32, #tpu.memory_space<vmem>>, %arg2: memref<128x16xf32, #tpu.memory_space<vmem>>, %arg3: memref<128x16xf32, #tpu.memory_space<vmem>>, %arg4: memref<128x128xf32, #tpu.memory_space<vmem>>, %arg5: memref<1x128xf32, #tpu.memory_space<vmem>>, %arg6: memref<128x128xf32, #tpu.memory_space<vmem>>) attributes {dimension_semantics = [#tpu.dimension_semantics<arbitrary>], iteration_bounds = array<i64: 80>, scalar_prefetch = 0 : i64, scratch_operands = 0 : i64, tpu.core_type = #tpu.core_type<tc>, window_params = [{transform_indices = @transform_0, window_bounds = array<i64: 2, 128, 128>}, {transform_indices = @transform_1, window_bounds = array<i64: 128, 16>}, {transform_indices = @transform_2, window_bounds = array<i64: 128, 16>}, {pipeline_mode = #tpu.pipeline_mode<synchronous>, transform_indices = @transform_3, window_bounds = array<i64: 128, 128>}, {pipeline_mode = #tpu.pipeline_mode<synchronous>, transform_indices = @transform_4, window_bounds = array<i64: 1, 128>}, {transform_indices = @transform_5, window_bounds = array<i64: 128, 128>}]} {
    %get3A = arith.constant 0 : index
    %get3A_0 = arith.constant 0 : index
    %get3A_1 = arith.constant 0 : index
    %get3A_2 = vector.load %arg1[%get3A, %get3A_0, %get3A_1] : memref<2x128x128xf32, #tpu.memory_space<vmem>>, vector<1x128x128xf32>
    %get3A_3 = vector.shape_cast %get3A_2 : vector<1x128x128xf32> to vector<128x128xf32>
    %get3A_4 = arith.constant 1 : index
    %get3A_5 = arith.constant 0 : index
    %get3A_6 = arith.constant 0 : index
    %get3A_7 = vector.load %arg1[%get3A_4, %get3A_5, %get3A_6] : memref<2x128x128xf32, #tpu.memory_space<vmem>>, vector<1x128x128xf32>
    %get3A_8 = vector.shape_cast %get3A_7 : vector<1x128x128xf32> to vector<128x128xf32>
    %add3A = arith.addf %get3A_3, %get3A_8 : vector<128x128xf32>
    %get3A_9 = arith.constant 0 : index
    %get3A_10 = arith.constant 0 : index
    %get3A_11 = vector.load %arg2[%get3A_9, %get3A_10] : memref<128x16xf32, #tpu.memory_space<vmem>>, vector<128x1xf32>
    %mul3A = vector.broadcast %get3A_11 : vector<128x1xf32> to vector<128x128xf32>
    %mul3A_12 = arith.mulf %add3A, %mul3A : vector<128x128xf32>
    %get3A_13 = arith.constant 0 : index
    %get3A_14 = arith.constant 0 : index
    %get3A_15 = vector.load %arg4[%get3A_13, %get3A_14] : memref<128x128xf32, #tpu.memory_space<vmem>>, vector<128x128xf32>
    %dot_general3A = arith.constant dense<0.000000e+00> : vector<128x128xf32>
    %dot_general3A_16 = tpu.matmul %mul3A_12, %get3A_15, %dot_general3A {dimension_numbers = #tpu.dot_dimension_numbers<[1], [0], [0], [1], [0, 0, 1, 1], [], []>, precision = #tpu.contract_precision<fp32>, transpose_lhs_hint = false} : vector<128x128xf32>, vector<128x128xf32>, vector<128x128xf32> -> vector<128x128xf32>
    %get3A_17 = arith.constant 0 : index
    %get3A_18 = arith.constant 0 : index
    %get3A_19 = vector.load %arg5[%get3A_17, %get3A_18] : memref<1x128xf32, #tpu.memory_space<vmem>>, vector<1x128xf32>
    %add3A_20 = vector.broadcast %get3A_19 : vector<1x128xf32> to vector<128x128xf32>
    %add3A_21 = arith.addf %dot_general3A_16, %add3A_20 : vector<128x128xf32>
    %max3A = arith.constant 0.000000e+00 : f32
    %max3A_22 = vector.broadcast %max3A : f32 to vector<128x128xf32>
    %max3A_23 = arith.maximumf %add3A_21, %max3A_22 : vector<128x128xf32>
    %get3A_24 = arith.constant 0 : index
    %get3A_25 = arith.constant 0 : index
    %get3A_26 = vector.load %arg3[%get3A_24, %get3A_25] : memref<128x16xf32, #tpu.memory_space<vmem>>, vector<128x1xf32>
    %mul3A_27 = vector.broadcast %get3A_26 : vector<128x1xf32> to vector<128x128xf32>
    %mul3A_28 = arith.mulf %max3A_23, %mul3A_27 : vector<128x128xf32>
    %swap3A = arith.constant 0 : index
    %swap3A_29 = arith.constant 0 : index
    %swap3A_30 = vector.load %arg6[%swap3A, %swap3A_29] : memref<128x128xf32, #tpu.memory_space<vmem>>, vector<128x128xf32>
    tpu.vector_store %arg6[%swap3A, %swap3A_29], %mul3A_28 {strides = array<i32>} : memref<128x128xf32, #tpu.memory_space<vmem>>, vector<128x128xf32>,
    return
  }
  func.func @transform_0(%arg0: i32) -> (i32, i32, i32) {
    %c0_i32 = arith.constant 0 : i32
    %c0_i32_0 = arith.constant 0 : i32
    %c0_i32_1 = arith.constant 0 : i32
    return %c0_i32, %arg0, %c0_i32_0 : i32, i32, i32
  }
  func.func @transform_1(%arg0: i32) -> (i32, i32) {
    %c0_i32 = arith.constant 0 : i32
    %c0_i32_0 = arith.constant 0 : i32
    return %arg0, %c0_i32 : i32, i32
  }
  func.func @transform_2(%arg0: i32) -> (i32, i32) {
    %c0_i32 = arith.constant 0 : i32
    %c0_i32_0 = arith.constant 0 : i32
    return %arg0, %c0_i32 : i32, i32
  }
  func.func @transform_3(%arg0: i32) -> (i32, i32) {
    %c0_i32 = arith.constant 0 : i32
    %c0_i32_0 = arith.constant 0 : i32
    %c0_i32_1 = arith.constant 0 : i32
    return %c0_i32, %c0_i32_0 : i32, i32
  }
  func.func @transform_4(%arg0: i32) -> (i32, i32) {
    %c0_i32 = arith.constant 0 : i32
    %c0_i32_0 = arith.constant 0 : i32
    %c0_i32_1 = arith.constant 0 : i32
    return %c0_i32, %c0_i32_0 : i32, i32
  }
  func.func @transform_5(%arg0: i32) -> (i32, i32) {
    %c0_i32 = arith.constant 0 : i32
    %c0_i32_0 = arith.constant 0 : i32
    return %arg0, %c0_i32 : i32, i32
  }
}

module attributes {stable_mosaic.version = 14 : i64} {
  func.func @_layer_body(%arg0: i32, %arg1: memref<2x128x128xf32, #tpu.memory_space<vmem>>, %arg2: memref<128x16xf32, #tpu.memory_space<vmem>>, %arg3: memref<128x16xf32, #tpu.memory_space<vmem>>, %arg4: memref<128x128xf32, #tpu.memory_space<vmem>>, %arg5: memref<1x128xf32, #tpu.memory_space<vmem>>, %arg6: memref<128x128xf32, #tpu.memory_space<vmem>>) attributes {dimension_semantics = [#tpu.dimension_semantics<arbitrary>], iteration_bounds = array<i64: 80>, scalar_prefetch = 0 : i64, scratch_operands = 0 : i64, tpu.core_type = #tpu.core_type<tc>, window_params = [{transform_indices = @transform_0, window_bounds = array<i64: 2, 128, 128>}, {transform_indices = @transform_1, window_bounds = array<i64: 128, 16>}, {transform_indices = @transform_2, window_bounds = array<i64: 128, 16>}, {pipeline_mode = #tpu.pipeline_mode<synchronous>, transform_indices = @transform_3, window_bounds = array<i64: 128, 128>}, {pipeline_mode = #tpu.pipeline_mode<synchronous>, transform_indices = @transform_4, window_bounds = array<i64: 1, 128>}, {transform_indices = @transform_5, window_bounds = array<i64: 128, 128>}]} {
    %get3A = arith.constant 0 : index
    %get3A_0 = arith.constant 0 : index
    %get3A_1 = arith.constant 0 : index
    %get3A_2 = vector.load %arg1[%get3A, %get3A_0, %get3A_1] : memref<2x128x128xf32, #tpu.memory_space<vmem>>, vector<1x128x128xf32>
    %get3A_3 = vector.shape_cast %get3A_2 : vector<1x128x128xf32> to vector<128x128xf32>
    %get3A_4 = arith.constant 1 : index
    %get3A_5 = arith.constant 0 : index
    %get3A_6 = arith.constant 0 : index
    %get3A_7 = vector.load %arg1[%get3A_4, %get3A_5, %get3A_6] : memref<2x128x128xf32, #tpu.memory_space<vmem>>, vector<1x128x128xf32>
    %get3A_8 = vector.shape_cast %get3A_7 : vector<1x128x128xf32> to vector<128x128xf32>
    %add3A = arith.addf %get3A_3, %get3A_8 : vector<128x128xf32>
    %get3A_9 = arith.constant 0 : index
    %get3A_10 = arith.constant 0 : index
    %get3A_11 = vector.load %arg2[%get3A_9, %get3A_10] : memref<128x16xf32, #tpu.memory_space<vmem>>, vector<128x1xf32>
    %mul3A = vector.broadcast %get3A_11 : vector<128x1xf32> to vector<128x128xf32>
    %mul3A_12 = arith.mulf %add3A, %mul3A : vector<128x128xf32>
    %get3A_13 = arith.constant 0 : index
    %get3A_14 = arith.constant 0 : index
    %get3A_15 = vector.load %arg4[%get3A_13, %get3A_14] : memref<128x128xf32, #tpu.memory_space<vmem>>, vector<128x128xf32>
    %dot_general3A = arith.constant dense<0.000000e+00> : vector<128x128xf32>
    %dot_general3A_16 = tpu.matmul %mul3A_12, %get3A_15, %dot_general3A {dimension_numbers = #tpu.dot_dimension_numbers<[1], [0], [0], [1], [0, 0, 1, 1], [], []>, precision = #tpu.contract_precision<fp32>, transpose_lhs_hint = false} : vector<128x128xf32>, vector<128x128xf32>, vector<128x128xf32> -> vector<128x128xf32>
    %get3A_17 = arith.constant 0 : index
    %get3A_18 = arith.constant 0 : index
    %get3A_19 = vector.load %arg5[%get3A_17, %get3A_18] : memref<1x128xf32, #tpu.memory_space<vmem>>, vector<1x128xf32>
    %add3A_20 = vector.broadcast %get3A_19 : vector<1x128xf32> to vector<128x128xf32>
    %add3A_21 = arith.addf %dot_general3A_16, %add3A_20 : vector<128x128xf32>
    %max3A = arith.constant 0.000000e+00 : f32
    %max3A_22 = vector.broadcast %max3A : f32 to vector<128x128xf32>
    %max3A_23 = arith.maximumf %add3A_21, %max3A_22 : vector<128x128xf32>
    %swap3A = arith.constant 0 : index
    %swap3A_24 = arith.constant 0 : index
    %swap3A_25 = vector.load %arg6[%swap3A, %swap3A_24] : memref<128x128xf32, #tpu.memory_space<vmem>>, vector<128x128xf32>
    tpu.vector_store %arg6[%swap3A, %swap3A_24], %max3A_23 {strides = array<i32>} : memref<128x128xf32, #tpu.memory_space<vmem>>, vector<128x128xf32>,
    return
  }
  func.func @transform_0(%arg0: i32) -> (i32, i32, i32) {
    %c0_i32 = arith.constant 0 : i32
    %c0_i32_0 = arith.constant 0 : i32
    %c0_i32_1 = arith.constant 0 : i32
    return %c0_i32, %arg0, %c0_i32_0 : i32, i32, i32
  }
  func.func @transform_1(%arg0: i32) -> (i32, i32) {
    %c0_i32 = arith.constant 0 : i32
    %c0_i32_0 = arith.constant 0 : i32
    return %arg0, %c0_i32 : i32, i32
  }
  func.func @transform_2(%arg0: i32) -> (i32, i32) {
    %c0_i32 = arith.constant 0 : i32
    %c0_i32_0 = arith.constant 0 : i32
    return %arg0, %c0_i32 : i32, i32
  }
  func.func @transform_3(%arg0: i32) -> (i32, i32) {
    %c0_i32 = arith.constant 0 : i32
    %c0_i32_0 = arith.constant 0 : i32
    %c0_i32_1 = arith.constant 0 : i32
    return %c0_i32, %c0_i32_0 : i32, i32
  }
  func.func @transform_4(%arg0: i32) -> (i32, i32) {
    %c0_i32 = arith.constant 0 : i32
    %c0_i32_0 = arith.constant 0 : i32
    %c0_i32_1 = arith.constant 0 : i32
    return %c0_i32, %c0_i32_0 : i32, i32
  }
  func.func @transform_5(%arg0: i32) -> (i32, i32) {
    %c0_i32 = arith.constant 0 : i32
    %c0_i32_0 = arith.constant 0 : i32
    return %arg0, %c0_i32 : i32, i32
  }
}

</mosaic_0001>

<sc_bundles>
// kernel: kernel.14.cloned.1.call-start
scs
__scs_entry_jumppad:
0x0: {  	(pc) =	sbr.rel $0x88, $3  }
0x1: {  	(tag) =	ssettag $0x0;
	lr =	simm.s32 $0x1  }
0x2: {  	[smem:$0x3F95] =	sst lr;
	_ =	strace $0xD0000000  }
0x3: {  	_ = 	snop  }
0x4: {  	_ = 	snop  }
0x5: {  	_ = 	snop  }
0x6: {  	_ = 	snop  }
0x7: {  	_ = 	snop  }
__scs_overlays_trampoline_lowered:
0x8: {  	[smem:$0x3FA4] =	sst s0  }
0x9: {  	[smem:$0x3FA5] =	sst s1  }
0xa: {  	[smem:$0x3FA6] =	sst s2  }
0xb: {  	[smem:$0x3FA7] =	sst s3  }
0xc: {  	[smem:$0x3FA8] =	sst s4  }
0xd: {  	[smem:$0x3FA9] =	sst s5  }
0xe: {  	[smem:$0x3FAA] =	sst s6  }
0xf: {  	[smem:$0x3FAB] =	sst s7  }
0x10: {  	[smem:$0x3FAC] =	sst s8  }
0x11: {  	[smem:$0x3FAD] =	sst s9;
	s0 =	simm.s32 @!p0 $0x0  }
0x12: {  	s1 =	sld [smem:$0x3F93];
	s0 =	simm.s32 @p0 $0x1  }
0x13: {  	[smem:$0x3FAE] =	sst s0;
	s0 =	simm.s32 @!p1 $0x0  }
0x14: {  	s2 =	sld [smem:$0x3F92];
	s0 =	simm.s32 @p1 $0x1  }
0x15: {  	[smem:$0x3FAF] =	sst s0;
	s0 =	simm.s32 @!p2 $0x0  }
0x16: {  	s3 =	sld [smem:$0x3FDB];
	s0 =	simm.s32 @p2 $0x1  }
0x17: {  	s4 =	simm.s32 $0x1BF5;
	[smem:$0x3FB1] =	sst s0  }
0x18: {  	s0 =	sld [smem:$0x3F94];
	_ =	swait.ge [sflag:s4], $0x0  }
0x19: {  	s7 =	sld [smem:$0x3F95]  }
0x1a: {  	s8 =	sadd.s32 $0xFFFFE003, lr  }
0x1b: {  	s9 =	sadd.s32 $0xFFFFFEF7, lr;
	s5 =	simm.s32 $0xFFFFFFFF;
	p2 =	slt.u32 s8, $0xFFFFF086  }
0x1c: {  	p1 =	slt.u32 s9, $0xF7A;
	s5 =	simm.s32 @!p2 $0x0  }
0x1d: {  	s5 =	simm.s32 @p1 $0x1;
	p0 =	seq.s32 s7, s2  }
0x1e: {  	s7 =	smul.u32 @!p0 $0xF7A, s2;
	p2 =	seq.s32 @!p0 s5, $0x0  }
0x1f: {  	s9 =	smul.u32 $0xF7A, s1;
	s8 =	simm.s32 @!p0 $0x1BF5;
	p2 =	por !p2, p0  }
0x20: {  	[sflag:s8] =	ssyncset.s32 @!p0 $0xFFFFF086;
	s6 =	sadd.s32 @!p0 s3, s7;
	s7 =	simm.s32 @!p0 $0x108  }
0x21: {  	s3 =	sadd.s32 s3, s9;
	s6 =	sadd.s32 @!p0 $0x88, s6;
	s7 =	simm.s32 @p2 $0x1082  }
0x22: {  	[simem:s7], [sflag:s8] =	dma.local @!p0 [hbm:s6], $0xF7A  }
0x23: {  	s9 =	sor.u32 $0xD0000000, s2;
	s6 =	simm.s32 $0x108;
	_ =	swait.ge @!p0 [sflag:s8], $0x0  }
0x24: {  	s3 =	sadd.s32 $0x88, s3;
	s6 =	simm.s32 @!p1 $0x1082;
	[sflag:s4] =	ssyncset.s32 $0xFFFFF086  }
0x25: {  	[simem:s6], [sflag:s4] =	dma.local [hbm:s3], $0xF7A  }
0x26: {  	[smem:$0x3F95] =	sst s1;
	(tag) =	ssettag s2;
	_ =	strace s9  }
0x27: {  	s1 =	sld [smem:$0x3FA5]  }
0x28: {  	s2 =	sld [smem:$0x3FA6]  }
0x29: {  	s4 =	sld [smem:$0x3FA8]  }
0x2a: {  	p0 =	seq.s32 s5, $0x0;
	s5 =	sld [smem:$0x3FA9]  }
0x2b: {  	s6 =	sld [smem:$0x3FAA]  }
0x2c: {  	s7 =	sld [smem:$0x3FAB]  }
0x2d: {  	s3 =	simm.s32 $0x108;
	s8 =	sld [smem:$0x3FAC]  }
0x2e: {  	s3 =	simm.s32 @!p0 $0x1082;
	s9 =	sld [smem:$0x3FAD]  }
0x2f: {  	lr =	sadd.s32 s0, s3;
	s0 =	sld [smem:$0x3FA4]  }
0x30: {  	s3 =	sld [smem:$0x3FA7]  }
0x31: {  	[smem:$0x3FB0] =	sst s10  }
0x32: {  	s10 =	sld [smem:$0x3FAE];
	_ =	sdelay $0x3  }
0x33: {  	p0 =	seq.s32 s10, $0x1;
	s10 =	sld [smem:$0x3FB0];
	_ =	sdelay $0x3  }
0x34: {  	[smem:$0x3FB0] =	sst s10  }
0x35: {  	s10 =	sld [smem:$0x3FAF];
	_ =	sdelay $0x3  }
0x36: {  	p1 =	seq.s32 s10, $0x1;
	s10 =	sld [smem:$0x3FB0];
	_ =	sdelay $0x3  }
0x37: {  	[smem:$0x3FB0] =	sst s10  }
0x38: {  	s10 =	sld [smem:$0x3FB1]  }
0x39: {  	_ = 	snop;
	(pc) =	sbr.ind lr, $3  }
0x3a: {  	_ = 	snop  }
0x3b: {  	_ = 	snop  }
0x3c: {  	p2 =	seq.s32 s10, $0x1;
	s10 =	sld [smem:$0x3FB0]  }
0x3d: {  	_ =	shalt  }
0x3e: {  	_ =	shalt  }
0x3f: {  	_ =	shalt  }
0x40: {  	_ =	shalt  }
0x41: {  	_ =	shalt  }
0x42: {  	_ =	shalt  }
0x43: {  	_ =	shalt  }
0x44: {  	_ =	shalt  }
0x45: {  	_ =	shalt  }
0x46: {  	_ =	shalt  }
0x47: {  	_ =	shalt  }
0x48: {  	_ =	shalt  }
0x49: {  	_ =	shalt  }
0x4a: {  	_ =	shalt  }
0x4b: {  	_ =	shalt  }
0x4c: {  	_ =	shalt  }
0x4d: {  	_ =	shalt  }
0x4e: {  	_ =	shalt  }
0x4f: {  	_ =	shalt  }
0x50: {  	_ =	shalt  }
0x51: {  	_ =	shalt  }
0x52: {  	_ =	shalt  }
0x53: {  	_ =	shalt  }
0x54: {  	_ =	shalt  }
0x55: {  	_ =	shalt  }
0x56: {  	_ =	shalt  }
0x57: {  	_ =	shalt  }
0x58: {  	_ =	shalt  }
0x59: {  	_ =	shalt  }
0x5a: {  	_ =	shalt  }
0x5b: {  	_ =	shalt  }
0x5c: {  	_ =	shalt  }
0x5d: {  	_ =	shalt  }
0x5e: {  	_ =	shalt  }
0x5f: {  	_ =	shalt  }
0x60: {  	_ =	shalt  }
0x61: {  	_ =	shalt  }
0x62: {  	_ =	shalt  }
0x63: {  	_ =	shalt  }
0x64: {  	_ =	shalt  }
0x65: {  	_ =	shalt  }
0x66: {  	_ =	shalt  }
0x67: {  	_ =	shalt  }
0x68: {  	_ =	shalt  }
0x69: {  	_ =	shalt  }
0x6a: {  	_ =	shalt  }
0x6b: {  	_ =	shalt  }
0x6c: {  	_ =	shalt  }
0x6d: {  	_ =	shalt  }
0x6e: {  	_ =	shalt  }
0x6f: {  	_ =	shalt  }
0x70: {  	_ =	shalt  }
0x71: {  	_ =	shalt  }
0x72: {  	_ =	shalt  }
0x73: {  	_ =	shalt  }
0x74: {  	_ =	shalt  }
0x75: {  	_ =	shalt  }
0x76: {  	_ =	shalt  }
0x77: {  	_ =	shalt  }
0x78: {  	_ =	shalt  }
0x79: {  	_ =	shalt  }
0x7a: {  	_ =	shalt  }
0x7b: {  	_ =	shalt  }
0x7c: {  	_ =	shalt  }
0x7d: {  	_ =	shalt  }
0x7e: {  	_ =	shalt  }
0x7f: {  	_ =	shalt  }
0x80: {  	_ =	shalt  }
0x81: {  	_ =	shalt  }
0x82: {  	_ =	shalt  }
0x83: {  	_ =	shalt  }
0x84: {  	_ =	shalt  }
0x85: {  	_ =	shalt  }
0x86: {  	_ =	shalt  }
0x87: {  	_ =	shalt  }
.Lfunc_end0:
.L_simem_size_0:
called_computation_lowered:
.L_overlay_start_0:
0x88: {  	s2 =	sld [smem:$0x3FD9]  }
0x89: {  	s3 =	sld [smem:$0x3FFE];
	_ =	sdelay $0x1  }
0x8a: {  	s1 =	srdreg.scid  }
0x8b: {  	s0 =	sand.u32 $0x1, s1  }
0x8c: {  	s16 =	sshll.u32 s0, $0xA;
	s2 =	sadd.s32 s3, s2  }
0x8d: {  	s2 =	sadd.s32 s2, s16  }
0x8e: {  	[smem:$0x3FBC] =	sst s2  }
0x8f: {  	_ = 	snop  }
0x90: {  	(tm) =	ssettm $0x1  }
0x91: {  	s17 =	sld [smem:$0x3FFB];
	_ =	sdelay $0x3  }
0x92: {  	_ =	strace s17  }
0x93: {  	s2 =	sld [smem:$0x3FFC];
	_ =	sdelay $0x3  }
0x94: {  	_ =	strace s2  }
0x95: {  	s2 =	sld [smem:$0x3FFD];
	_ =	sdelay $0x3  }
0x96: {  	_ =	strace s2  }
0x97: {  	_ =	strace $0x8FFFFFFF  }
0x98: {  	s18 =	sld [smem:$0x3FDB];
	_ =	sdelay $0x1  }
0x99: {  	s19 =	simm.s32 $_scs_section_size  }
0x9a: {  	s4 =	simm.s32 $_size__tile_overlayer_lowered;
	s5 =	simm.s32 $_tile_overlayer_lowered  }
0x9b: {  	s22 =	simm.s32 $0x1BFF;
	s21 =	sshll.u32 s5, $0x1;
	s2 =	sadd.s32 s19, s18  }
0x9c: {  	s6 =	simm.s32 $0x0;
	s20 =	sshll.u32 s4, $0x1;
	s4 =	sadd.s32 s21, s2  }
0x9d: {  	[timem:s6], [sflag:s22] =	dma.local [hbm:s4], s20  }
0x9e: {  	_ =	swait.ge [sflag:s22], s20  }
0x9f: {  	s3 =	ssub.s32 $0x0, s20;
	[sflag:s22] =	ssyncset.done $0x0  }
0xa0: {  	[sflag:s22] =	ssyncadd.s32 s3;
	_ =	sdelay $0x1  }
0xa1: {  	s23 =	simm.s32 $0x1B8B  }
0xa2: {  	_ =	swait.ge [sflag:s23], $0x1  }
0xa3: {  	[sflag:s23] =	ssyncset.done $0x0  }
0xa4: {  	s25 =	simm.s32 $0x1B8E;
	s24 =	sld [smem:$0x3FFE];
	[sflag:s23] =	ssyncadd.s32 $0xFFFFFFFF  }
0xa5: {  	s26 =	simm.s32 $execute0_lowered;
	[smem:$0x3FD2] =	sst s25  }
0xa6: {  	s4 =	sshll.u32 s26, $0x1;
	_ =	strace $0x80000046;
	[dreg:$0x1] =	wrdreg $0xFFFFFFFF  }
0xa7: {  	s28 =	simm.s32 $_size_execute0_lowered;
	s2 =	sadd.s32 s2, s4;
	[dreg:$0x0] =	wrdreg $0x0  }
0xa8: {  	s4 =	sshll.u32 s28, $0x1;
	[dreg:$0x2] =	wrdreg s2  }
0xa9: {  	[dreg:$0x3] =	wrdreg s4  }
0xaa: {  	[dreg:$0x4] =	wrdreg $0xC0  }
0xab: {  	_ =	task [dreg:s6], $0x5FFFF  }
0xac: {  	[dreg:$0x1] =	wrdreg $0xFFFFFFFF  }
0xad: {  	[dreg:$0x0] =	wrdreg $0x60  }
0xae: {  	[dreg:$0x2] =	wrdreg s24  }
0xaf: {  	[dreg:$0x3] =	wrdreg $0x50800  }
0xb0: {  	[dreg:$0x4] =	wrdreg $0x53080  }
0xb1: {  	[dreg:$0x5] =	wrdreg $0x9  }
0xb2: {  	_ =	task.clear_ibuf [dreg:s6], $0x6FFFF;
	_ =	strace $0x90000046  }
0xb3: {  	s29 =	simm.s32 $0x9;
	_ =	strace $0x80000048  }
0xb4: {  	_ =	swait.ge [sflag:s29], $0x1  }
0xb5: {  	[sflag:s29] =	ssyncadd.s32 $0xFFFFFFFF  }
0xb6: {  	_ =	strace $0x90000048  }
0xb7: {  	_ =	sfence  }
0xb8: {  	s30 =	sld [smem:$0x0];
	_ =	sdelay $0x2  }
0xb9: {  	s31 =	sshll.u32 s1, $0xD;
	s1 =	sshrl.u32 s1, $0x2  }
0xba: {  	s3 =	sand.u32 $0x4000, s31;
	s1 =	sadd.s32 s1, s30  }
0xbb: {  	s0 =	sor.u32 s3, s0;
	s1 =	sshll.u32 s1, $0x11  }
0xbc: {  	s0 =	sor.u32 s1, s0  }
0xbd: {  	s0 =	sadd.s32 $0x8F2B, s0  }
0xbe: {  	[sflag:s0] =	ssyncadd.remote.s32 $0x1  }
0xbf: {  	_ =	sfence.sel $0xFFFF  }
0xc0: {  	[dreg:$0x0] =	wrdreg $0xFFFFFFFF;
	(pc) =	sbr.abs _section_cstart, $3  }
0xc1: {  	[dreg:$0x1] =	wrdreg $0xFFFFFFFF  }
0xc2: {  	_ =	task.clear_ibuf [dreg:s6], $0x2FFFF;
	_ =	strace $0x9FFFFFFF  }
0xc3: {  	(tm) =	ssettm $0x7FFFFFFF  }
tec
execute0_lowered:
.L_overlay_start_1:
0x0: {  	(tag) =	ssettag $0x1  }
0x1: {  	s0 =	srdreg.scid;
	s6 =	rddreg [dreg:$0x0]  }
0x2: {  	s12 =	stileid.u32;
	s1 =	rddreg [dreg:$0x1]  }
0x3: {  	s2 =	rddreg [dreg:$0x2];
	s3 =	simm.s32 $0x0;
	s18 =	simm.s32 $0x5000  }
0x4: {  	s19 =	simm.s32 $0x80;
	s20 =	simm.s32 $0x1;
	s21 =	simm.s32 $0x0  }
0x5: {  	s5 =	sand.u32 $0x1, s0;
	s7 =	smul.u32 $0x280, s12;
	[smem:$0x7FF] =	sst s3  }
0x6: {  	s31 =	sshll.u32 s12, $0x6;
	s16 =	sadd.s32 $0x2800, s1;
	s17 =	sadd.s32 $0x2800, s2  }
0x7: {  	p0 =	sne.s32 s12, $0x0;
	s0 =	sshll.u32 s5, $0x4;
	s8 =	smul.u32 $0x2800, s5  }
0x8: {  	s10 =	ssub.s32 $0x2, s5;
	s5 =	sadd.s32 $0x18000, s6;
	s0 =	sor.u32 s12, s0  }
0x9: {  	s11 =	sshrl.u32 s10, $0x1;
	s14 =	sadd.s32 s7, s1;
	s15 =	sadd.s32 s7, s2  }
0xa: {  	s4 =	smul.u32 $0x500, s0;
	s0 =	rddreg [dreg:$0x3];
	_ =	strace $0x80000047  }
0xb: {  	s8 =	sadd.s32 s7, s8;
	s11 =	ssub.s32 s10, s11;
	s12 =	sshrl.u32 s14, $0x3  }
0xc: {  	s14 =	sshrl.u32 s15, $0x3;
	s15 =	sshrl.u32 @!p0 s16, $0x3;
	s16 =	sshrl.u32 @!p0 s17, $0x3  }
0xd: {  	s17 =	simm.s32 $0x2800;
	s8 =	sshrl.u32 s8, $0x3;
	s11 =	smax.u32 s11, $0x1  }
0xe: {  	s9 =	sadd.s32 s4, s6;
	s4 =	sadd.s32 $0x17E00, s6;
	s13 =	sadd.s32 s8, s6  }
0xf: {  	s6 =	sor.u32 $0x1C02, s31;
	s7 =	sadd.s32 $0x3E00, s9;
	s8 =	sadd.s32 $0xDE00, s9  }
0x10: {  	s9 =	sadd.s32 $0x18200, s13;
	s10 =	sadd.s32 $0x18C00, s13;
	s13 =	simm.s32 $0x2  }
.LBB2_1:
0x11: {  	[spmem:s12], [sflag:s6] =	dma.local [hbm:s5], $0x50  }
0x12: {  	_ =	swait.ge [sflag:s13], $0x50  }
0x13: {  	[sflag:s13] =	ssyncset.done $0x0  }
0x14: {  	[sflag:s13] =	ssyncadd.s32 $0xFFFFFFB0  }
0x15: {  	[spmem:s14], [sflag:s6] =	dma.local [hbm:s5], $0x50  }
0x16: {  	_ =	swait.ge [sflag:s13], $0x50  }
0x17: {  	[sflag:s13] =	ssyncset.done $0x0  }
0x18: {  	s22 =	simm.s32 @!p0 $0x2;
	[sflag:s13] =	ssyncadd.s32 $0xFFFFFFB0  }
0x19: {  	[spmem:s15], [sflag:s6] =	dma.local @!p0 [hbm:s5], $0x10  }
0x1a: {  	_ =	swait.ge @!p0 [sflag:s22], $0x10  }
0x1b: {  	[sflag:s22] =	ssyncset.done @!p0 $0x0  }
0x1c: {  	[sflag:s22] =	ssyncadd.s32 @!p0 $0xFFFFFFF0  }
0x1d: {  	[spmem:s16], [sflag:s6] =	dma.local @!p0 [hbm:s5], $0x10  }
0x1e: {  	_ =	swait.ge @!p0 [sflag:s22], $0x10  }
0x1f: {  	[sflag:s22] =	ssyncset.done @!p0 $0x0  }
0x20: {  	[sflag:s22] =	ssyncadd.s32 @!p0 $0xFFFFFFF0  }
0x21: {  	[tilespmem:s3], [sflag:$0x2] =	stream.linear.gather [hbm4b:s7+s3], $0x2800, $0x38;
	[tilespmem:$0x5590] =	vst v63  }
0x22: {  	_ =	swait.ge [sflag:s13], $0x2800  }
0x23: {  	[sflag:s13] =	ssyncset.done $0x0  }
0x24: {  	[sflag:s13] =	ssyncadd.s32 $0xFFFFD800  }
0x25: {  	[tilespmem:s17], [sflag:$0x2] =	stream.linear.gather [hbm4b:s8+s3], $0x2800, $0x38;
	[tilespmem:$0x5590] =	vst v63  }
0x26: {  	_ =	swait.ge [sflag:s13], $0x2800  }
0x27: {  	[sflag:s13] =	ssyncset.done $0x0  }
0x28: {  	[sflag:s13] =	ssyncadd.s32 $0xFFFFD800  }
0x29: {  	[tilespmem:s18], [sflag:$0x2] =	stream.linear.gather [hbm4b:s4+s3], $0x80, $0x38;
	[tilespmem:$0x5590] =	vst v63  }
0x2a: {  	_ =	swait.ge [sflag:s13], $0x80  }
0x2b: {  	[sflag:s13] =	ssyncset.done $0x0  }
0x2c: {  	s31 =	simm.s32 $0x0;
	[sflag:s13] =	ssyncadd.s32 $0xFFFFFF80  }
0x2d: {  	s23 =	simm.s32 $0x2800;
	s22 =	simm.s32 $0x200;
	[bflag:$0x0] =	sbarrier.arrive $0xFFFF  }
0x2e: {  	[spmem:s1] =	stream.indirect.scatter.add.f32 [tilespmem:s18], [sflag:$0x1], $0x1, s31, s19, $0xb8;
	[tilespmem:$0x5590] =	vst v63  }
.LBB2_2:
0x2f: {  	[spmem:s2] =	stream.indirect.scatter.add.f32 [tilespmem:s18], [sflag:$0x1], $0x1, s23, s19, $0xb8;
	[tilespmem:$0x5590] =	vst v63  }
0x30: {  	s23 =	smov.u32 s22;
	p1 =	sne.s32 s22, $0x9E00  }
.Ltmp0:
0x31: {  	s22 =	sadd.s32 $0x200, s22;
	(pc) =	sbr.rel @p1 .LBB2_2-.Ltmp0, $4  }
0x32: {  	_ = 	snop  }
0x33: {  	s23 =	sshra.s32 s23, $0x2  }
0x34: {  	[spmem:s1] =	stream.indirect.scatter.add.f32 [tilespmem:s18], [sflag:$0x1], $0x1, s23, s19, $0xb8;
	[tilespmem:$0x5590] =	vst v63  }
0x35: {  	s23 =	sadd.s32 $0x2800, s23  }
0x36: {  	[spmem:s2] =	stream.indirect.scatter.add.f32 [tilespmem:s18], [sflag:$0x1], $0x1, s23, s19, $0xb8;
	[tilespmem:$0x5590] =	vst v63  }
0x37: {  	_ =	swait.ge [sflag:s20], $0x80  }
0x38: {  	[sflag:s20] =	ssyncset.done $0x0  }
0x39: {  	[sflag:s20] =	ssyncadd.s32 $0xFFFFFF80  }
0x3a: {  	_ =	swait.ge [sflag:s20], $0x80  }
0x3b: {  	s22 =	simm.s32 $0x4F;
	[sflag:s20] =	ssyncset.done $0x0  }
.LBB2_4:
0x3c: {  	p1 =	sne.s32 s22, $0x1;
	s22 =	sadd.s32 $0xFFFFFFFF, s22;
	[sflag:s20] =	ssyncadd.s32 $0xFFFFFF80  }
.Ltmp1:
0x3d: {  	_ =	swait.ge [sflag:s20], $0x80;
	(pc) =	sbr.rel @p1 .LBB2_4-.Ltmp1, $4  }
0x3e: {  	[sflag:s20] =	ssyncset.done $0x0  }
0x3f: {  	[sflag:s20] =	ssyncadd.s32 $0xFFFFFF80  }
0x40: {  	_ =	swait.ge [sflag:s20], $0x80  }
0x41: {  	[sflag:s20] =	ssyncset.done $0x0  }
0x42: {  	[sflag:s20] =	ssyncadd.s32 $0xFFFFFF80  }
0x43: {  	[bflag:$0x0] =	sbarrier.arrive $0xFFFF  }
0x44: {  	[hbm:s9], [sflag:s6] =	dma.local [spmem:s12], $0x50  }
0x45: {  	s21 =	sadd.s32 $0x1, s21;
	_ =	swait.ge [sflag:s13], $0x50  }
0x46: {  	p1 =	sne.s32 s21, s11;
	[sflag:s13] =	ssyncset.done $0x0  }
.Ltmp2:
0x47: {  	[sflag:s13] =	ssyncadd.s32 $0xFFFFFFB0;
	(pc) =	sbr.rel @p1 .LBB2_1-.Ltmp2, $4  }
0x48: {  	[hbm:s10], [sflag:s6] =	dma.local [spmem:s14], $0x50  }
0x49: {  	_ =	swait.ge [sflag:s13], $0x50  }
0x4a: {  	[sflag:s13] =	ssyncset.done $0x0  }
0x4b: {  	[sflag:s13] =	ssyncadd.s32 $0xFFFFFFB0  }
0x4c: {  	_ =	sfence.sel $0x180000  }
0x4d: {  	[bflag:$0x0] =	sbarrier.arrive $0xFFFF  }
0x4e: {  	_ =	strace $0x90000047  }
0x4f: {  	s0 =	sadd.s32 @!p0 $0x100000, s0;
	[bflag:$0x2] =	sbarrier.arrive $0xFFFF  }
0x50: {  	[sflag:s0] =	ssyncadd.tile.s32 @!p0 $0x1;
	_ =	shalt  }
.Lfunc_end2:
_tile_overlayer_lowered:
.L_overlay_start_2:
0x51: {  	(tag) =	ssettag $0x2  }
0x52: {  	s0 =	rddreg [dreg:$0x0];
	s2 =	stileid.u32  }
0x53: {  	s1 =	rddreg [dreg:$0x1];
	p0 =	sne.s32 s2, $0x0  }
0x54: {  	s3 =	rddreg [dreg:$0x2];
	[bflag:$0x3] =	sbarrier.arrive $0xFFFF;
	s2 =	simm.s32 @!p0 $0x1C02  }
0x55: {  	[timem:s3], [sflag:s2] =	dma.local @!p0 [hbm:s0], s1  }
0x56: {  	s0 =	simm.s32 @!p0 $0x2  }
0x57: {  	_ =	swait.ge @!p0 [sflag:s0], s1  }
0x58: {  	s1 =	ssub.s32 @!p0 $0x0, s1;
	[sflag:s0] =	ssyncset.done @!p0 $0x0  }
0x59: {  	[sflag:s0] =	ssyncadd.s32 @!p0 s1  }
0x5a: {  	[bflag:$0x3] =	sbarrier.arrive $0xFFFF  }
0x5b: {  	_ =	shalt  }

// kernel: kernel.17.cloned.1.call-start
scs
__scs_entry_jumppad:
0x0: {  	(pc) =	sbr.rel $0x88, $3  }
0x1: {  	(tag) =	ssettag $0x0;
	lr =	simm.s32 $0x1  }
0x2: {  	[smem:$0x3F95] =	sst lr;
	_ =	strace $0xD0000000  }
0x3: {  	_ = 	snop  }
0x4: {  	_ = 	snop  }
0x5: {  	_ = 	snop  }
0x6: {  	_ = 	snop  }
0x7: {  	_ = 	snop  }
__scs_overlays_trampoline_lowered:
0x8: {  	[smem:$0x3FA4] =	sst s0  }
0x9: {  	[smem:$0x3FA5] =	sst s1  }
0xa: {  	[smem:$0x3FA6] =	sst s2  }
0xb: {  	[smem:$0x3FA7] =	sst s3  }
0xc: {  	[smem:$0x3FA8] =	sst s4  }
0xd: {  	[smem:$0x3FA9] =	sst s5  }
0xe: {  	[smem:$0x3FAA] =	sst s6  }
0xf: {  	[smem:$0x3FAB] =	sst s7  }
0x10: {  	[smem:$0x3FAC] =	sst s8  }
0x11: {  	[smem:$0x3FAD] =	sst s9;
	s0 =	simm.s32 @!p0 $0x0  }
0x12: {  	s1 =	sld [smem:$0x3F93];
	s0 =	simm.s32 @p0 $0x1  }
0x13: {  	[smem:$0x3FAE] =	sst s0;
	s0 =	simm.s32 @!p1 $0x0  }
0x14: {  	s2 =	sld [smem:$0x3F92];
	s0 =	simm.s32 @p1 $0x1  }
0x15: {  	[smem:$0x3FAF] =	sst s0;
	s0 =	simm.s32 @!p2 $0x0  }
0x16: {  	s3 =	sld [smem:$0x3FDB];
	s0 =	simm.s32 @p2 $0x1  }
0x17: {  	s4 =	simm.s32 $0x1BF5;
	[smem:$0x3FB1] =	sst s0  }
0x18: {  	s0 =	sld [smem:$0x3F94];
	_ =	swait.ge [sflag:s4], $0x0  }
0x19: {  	s7 =	sld [smem:$0x3F95]  }
0x1a: {  	s8 =	sadd.s32 $0xFFFFE003, lr  }
0x1b: {  	s9 =	sadd.s32 $0xFFFFFEF7, lr;
	s5 =	simm.s32 $0xFFFFFFFF;
	p2 =	slt.u32 s8, $0xFFFFF086  }
0x1c: {  	p1 =	slt.u32 s9, $0xF7A;
	s5 =	simm.s32 @!p2 $0x0  }
0x1d: {  	s5 =	simm.s32 @p1 $0x1;
	p0 =	seq.s32 s7, s2  }
0x1e: {  	s7 =	smul.u32 @!p0 $0xF7A, s2;
	p2 =	seq.s32 @!p0 s5, $0x0  }
0x1f: {  	s9 =	smul.u32 $0xF7A, s1;
	s8 =	simm.s32 @!p0 $0x1BF5;
	p2 =	por !p2, p0  }
0x20: {  	[sflag:s8] =	ssyncset.s32 @!p0 $0xFFFFF086;
	s6 =	sadd.s32 @!p0 s3, s7;
	s7 =	simm.s32 @!p0 $0x108  }
0x21: {  	s3 =	sadd.s32 s3, s9;
	s6 =	sadd.s32 @!p0 $0x88, s6;
	s7 =	simm.s32 @p2 $0x1082  }
0x22: {  	[simem:s7], [sflag:s8] =	dma.local @!p0 [hbm:s6], $0xF7A  }
0x23: {  	s9 =	sor.u32 $0xD0000000, s2;
	s6 =	simm.s32 $0x108;
	_ =	swait.ge @!p0 [sflag:s8], $0x0  }
0x24: {  	s3 =	sadd.s32 $0x88, s3;
	s6 =	simm.s32 @!p1 $0x1082;
	[sflag:s4] =	ssyncset.s32 $0xFFFFF086  }
0x25: {  	[simem:s6], [sflag:s4] =	dma.local [hbm:s3], $0xF7A  }
0x26: {  	[smem:$0x3F95] =	sst s1;
	(tag) =	ssettag s2;
	_ =	strace s9  }
0x27: {  	s1 =	sld [smem:$0x3FA5]  }
0x28: {  	s2 =	sld [smem:$0x3FA6]  }
0x29: {  	s4 =	sld [smem:$0x3FA8]  }
0x2a: {  	p0 =	seq.s32 s5, $0x0;
	s5 =	sld [smem:$0x3FA9]  }
0x2b: {  	s6 =	sld [smem:$0x3FAA]  }
0x2c: {  	s7 =	sld [smem:$0x3FAB]  }
0x2d: {  	s3 =	simm.s32 $0x108;
	s8 =	sld [smem:$0x3FAC]  }
0x2e: {  	s3 =	simm.s32 @!p0 $0x1082;
	s9 =	sld [smem:$0x3FAD]  }
0x2f: {  	lr =	sadd.s32 s0, s3;
	s0 =	sld [smem:$0x3FA4]  }
0x30: {  	s3 =	sld [smem:$0x3FA7]  }
0x31: {  	[smem:$0x3FB0] =	sst s10  }
0x32: {  	s10 =	sld [smem:$0x3FAE];
	_ =	sdelay $0x3  }
0x33: {  	p0 =	seq.s32 s10, $0x1;
	s10 =	sld [smem:$0x3FB0];
	_ =	sdelay $0x3  }
0x34: {  	[smem:$0x3FB0] =	sst s10  }
0x35: {  	s10 =	sld [smem:$0x3FAF];
	_ =	sdelay $0x3  }
0x36: {  	p1 =	seq.s32 s10, $0x1;
	s10 =	sld [smem:$0x3FB0];
	_ =	sdelay $0x3  }
0x37: {  	[smem:$0x3FB0] =	sst s10  }
0x38: {  	s10 =	sld [smem:$0x3FB1]  }
0x39: {  	_ = 	snop;
	(pc) =	sbr.ind lr, $3  }
0x3a: {  	_ = 	snop  }
0x3b: {  	_ = 	snop  }
0x3c: {  	p2 =	seq.s32 s10, $0x1;
	s10 =	sld [smem:$0x3FB0]  }
0x3d: {  	_ =	shalt  }
0x3e: {  	_ =	shalt  }
0x3f: {  	_ =	shalt  }
0x40: {  	_ =	shalt  }
0x41: {  	_ =	shalt  }
0x42: {  	_ =	shalt  }
0x43: {  	_ =	shalt  }
0x44: {  	_ =	shalt  }
0x45: {  	_ =	shalt  }
0x46: {  	_ =	shalt  }
0x47: {  	_ =	shalt  }
0x48: {  	_ =	shalt  }
0x49: {  	_ =	shalt  }
0x4a: {  	_ =	shalt  }
0x4b: {  	_ =	shalt  }
0x4c: {  	_ =	shalt  }
0x4d: {  	_ =	shalt  }
0x4e: {  	_ =	shalt  }
0x4f: {  	_ =	shalt  }
0x50: {  	_ =	shalt  }
0x51: {  	_ =	shalt  }
0x52: {  	_ =	shalt  }
0x53: {  	_ =	shalt  }
0x54: {  	_ =	shalt  }
0x55: {  	_ =	shalt  }
0x56: {  	_ =	shalt  }
0x57: {  	_ =	shalt  }
0x58: {  	_ =	shalt  }
0x59: {  	_ =	shalt  }
0x5a: {  	_ =	shalt  }
0x5b: {  	_ =	shalt  }
0x5c: {  	_ =	shalt  }
0x5d: {  	_ =	shalt  }
0x5e: {  	_ =	shalt  }
0x5f: {  	_ =	shalt  }
0x60: {  	_ =	shalt  }
0x61: {  	_ =	shalt  }
0x62: {  	_ =	shalt  }
0x63: {  	_ =	shalt  }
0x64: {  	_ =	shalt  }
0x65: {  	_ =	shalt  }
0x66: {  	_ =	shalt  }
0x67: {  	_ =	shalt  }
0x68: {  	_ =	shalt  }
0x69: {  	_ =	shalt  }
0x6a: {  	_ =	shalt  }
0x6b: {  	_ =	shalt  }
0x6c: {  	_ =	shalt  }
0x6d: {  	_ =	shalt  }
0x6e: {  	_ =	shalt  }
0x6f: {  	_ =	shalt  }
0x70: {  	_ =	shalt  }
0x71: {  	_ =	shalt  }
0x72: {  	_ =	shalt  }
0x73: {  	_ =	shalt  }
0x74: {  	_ =	shalt  }
0x75: {  	_ =	shalt  }
0x76: {  	_ =	shalt  }
0x77: {  	_ =	shalt  }
0x78: {  	_ =	shalt  }
0x79: {  	_ =	shalt  }
0x7a: {  	_ =	shalt  }
0x7b: {  	_ =	shalt  }
0x7c: {  	_ =	shalt  }
0x7d: {  	_ =	shalt  }
0x7e: {  	_ =	shalt  }
0x7f: {  	_ =	shalt  }
0x80: {  	_ =	shalt  }
0x81: {  	_ =	shalt  }
0x82: {  	_ =	shalt  }
0x83: {  	_ =	shalt  }
0x84: {  	_ =	shalt  }
0x85: {  	_ =	shalt  }
0x86: {  	_ =	shalt  }
0x87: {  	_ =	shalt  }
.Lfunc_end0:
.L_simem_size_0:
called_computation.1_lowered:
.L_overlay_start_0:
0x88: {  	s2 =	sld [smem:$0x3FD9]  }
0x89: {  	s3 =	sld [smem:$0x3FFE];
	_ =	sdelay $0x1  }
0x8a: {  	s1 =	srdreg.scid  }
0x8b: {  	s0 =	sand.u32 $0x1, s1  }
0x8c: {  	s17 =	sshll.u32 s0, $0xA;
	s2 =	sadd.s32 s3, s2  }
0x8d: {  	s2 =	sadd.s32 s2, s17  }
0x8e: {  	[smem:$0x3FBC] =	sst s2  }
0x8f: {  	_ = 	snop  }
0x90: {  	s2 =	sld [smem:$0x3FD0];
	(tm) =	ssettm $0x1  }
0x91: {  	s18 =	sld [smem:$0x3FFB];
	_ =	sdelay $0x3  }
0x92: {  	_ =	strace s18  }
0x93: {  	s3 =	sld [smem:$0x3FFC];
	_ =	sdelay $0x3  }
0x94: {  	_ =	strace s3  }
0x95: {  	s3 =	sld [smem:$0x3FFD];
	_ =	sdelay $0x3  }
0x96: {  	_ =	strace s3  }
0x97: {  	_ =	strace $0x8FFFFFFF  }
0x98: {  	s19 =	sld [smem:$0x3FDB];
	_ =	sdelay $0x1  }
0x99: {  	s4 =	simm.s32 $_scs_section_size  }
0x9a: {  	s5 =	simm.s32 $_size__tile_overlayer_lowered;
	s6 =	simm.s32 $_tile_overlayer_lowered  }
0x9b: {  	s22 =	simm.s32 $0x1BFF;
	s21 =	sshll.u32 s6, $0x1;
	s3 =	sadd.s32 s4, s19  }
0x9c: {  	s7 =	simm.s32 $0x0;
	s20 =	sshll.u32 s5, $0x1;
	s5 =	sadd.s32 s21, s3  }
0x9d: {  	[timem:s7], [sflag:s22] =	dma.local [hbm:s5], s20  }
0x9e: {  	_ =	swait.ge [sflag:s22], s20  }
0x9f: {  	s4 =	ssub.s32 $0x0, s20;
	[sflag:s22] =	ssyncset.done $0x0  }
0xa0: {  	[sflag:s22] =	ssyncadd.s32 s4;
	_ =	sdelay $0x1  }
0xa1: {  	s23 =	simm.s32 $0x1B8B  }
0xa2: {  	_ =	swait.ge [sflag:s23], $0x1  }
0xa3: {  	[sflag:s23] =	ssyncset.done $0x0  }
0xa4: {  	s25 =	simm.s32 $0x1B8E;
	s24 =	sld [smem:$0x3FFE];
	[sflag:s23] =	ssyncadd.s32 $0xFFFFFFFF  }
0xa5: {  	s26 =	simm.s32 $execute0_lowered;
	[smem:$0x3FD2] =	sst s25  }
0xa6: {  	s5 =	sshll.u32 s26, $0x1;
	_ =	strace $0x80000049;
	[dreg:$0x1] =	wrdreg $0xFFFFFFFF  }
0xa7: {  	s28 =	simm.s32 $_size_execute0_lowered;
	s3 =	sadd.s32 s3, s5;
	[dreg:$0x0] =	wrdreg $0x0  }
0xa8: {  	s5 =	sshll.u32 s28, $0x1;
	[dreg:$0x2] =	wrdreg s3  }
0xa9: {  	[dreg:$0x3] =	wrdreg s5  }
0xaa: {  	[dreg:$0x4] =	wrdreg $0xC0  }
0xab: {  	_ =	task [dreg:s7], $0x5FFFF  }
0xac: {  	[dreg:$0x1] =	wrdreg $0xFFFFFFFF  }
0xad: {  	[dreg:$0x0] =	wrdreg $0x60  }
0xae: {  	[dreg:$0x2] =	wrdreg s24  }
0xaf: {  	[dreg:$0x3] =	wrdreg s2  }
0xb0: {  	[dreg:$0x4] =	wrdreg $0xA8000  }
0xb1: {  	[dreg:$0x5] =	wrdreg $0x9  }
0xb2: {  	_ =	task.clear_ibuf [dreg:s7], $0x6FFFF;
	_ =	strace $0x90000049  }
0xb3: {  	s29 =	simm.s32 $0x9;
	_ =	strace $0x8000004B  }
0xb4: {  	_ =	swait.ge [sflag:s29], $0x1  }
0xb5: {  	[sflag:s29] =	ssyncadd.s32 $0xFFFFFFFF  }
0xb6: {  	_ =	strace $0x9000004B  }
0xb7: {  	_ =	sfence  }
0xb8: {  	s30 =	sld [smem:$0x0];
	_ =	sdelay $0x2  }
0xb9: {  	s31 =	sshll.u32 s1, $0xD;
	s1 =	sshrl.u32 s1, $0x2  }
0xba: {  	s3 =	sand.u32 $0x4000, s31;
	s1 =	sadd.s32 s1, s30  }
0xbb: {  	s0 =	sor.u32 s3, s0;
	s1 =	sshll.u32 s1, $0x11  }
0xbc: {  	s0 =	sor.u32 s1, s0  }
0xbd: {  	s0 =	sadd.s32 $0x8F2B, s0  }
0xbe: {  	[sflag:s0] =	ssyncadd.remote.s32 $0x1  }
0xbf: {  	_ =	sfence.sel $0xFFFF  }
0xc0: {  	[dreg:$0x0] =	wrdreg $0xFFFFFFFF;
	(pc) =	sbr.abs _section_cstart, $3  }
0xc1: {  	[dreg:$0x1] =	wrdreg $0xFFFFFFFF  }
0xc2: {  	_ =	task.clear_ibuf [dreg:s7], $0x2FFFF;
	_ =	strace $0x9FFFFFFF  }
0xc3: {  	(tm) =	ssettm $0x7FFFFFFF  }
tec
execute0_lowered:
.L_overlay_start_1:
0x0: {  	(tag) =	ssettag $0x1  }
0x1: {  	s6 =	rddreg [dreg:$0x0]  }
0x2: {  	s9 =	rddreg [dreg:$0x1]  }
0x3: {  	s1 =	rddreg [dreg:$0x2]  }
0x4: {  	s0 =	rddreg [dreg:$0x3];
	s3 =	simm.s32 $0x0;
	s2 =	srdreg.scid  }
0x5: {  	s17 =	simm.s32 $0x2800;
	s18 =	simm.s32 $0x6800;
	s19 =	simm.s32 $0x1  }
0x6: {  	s20 =	simm.s32 $0x2;
	s21 =	simm.s32 $0x1380;
	s22 =	simm.s32 $0x2700  }
0x7: {  	s23 =	simm.s32 $0x2780;
	[smem:$0x7FF] =	sst s3;
	s7 =	sand.u32 $0x1, s2  }
0x8: {  	s2 =	stileid.u32;
	s4 =	sadd.s32 $0x17E00, s6;
	s8 =	smul.u32 $0x140000, s7  }
0x9: {  	s11 =	sadd.s32 $0xDE00, s6;
	s5 =	sadd.s32 $0x3E00, s6;
	s10 =	smul.u32 $0x14000, s2  }
0xa: {  	_ =	strace $0x8000004A;
	s25 =	sshll.u32 s7, $0x4;
	s12 =	smul.u32 $0x51000, s2  }
0xb: {  	s7 =	ssub.s32 $0x2, s7;
	s26 =	sshll.u32 s2, $0x6;
	s31 =	smul.u32 $0x50000, s2  }
0xc: {  	s13 =	sshrl.u32 s7, $0x1;
	s8 =	sadd.s32 s10, s8;
	s10 =	sor.u32 s2, s25  }
0xd: {  	s12 =	sshrl.u32 s12, $0x2;
	s13 =	ssub.s32 s7, s13;
	s25 =	simm.s32 $0x0  }
0xe: {  	s8 =	sshrl.u32 s8, $0x3;
	s14 =	smul.u32 $0x2800, s10;
	s16 =	sadd.s32 s12, s1  }
0xf: {  	s28 =	smul.u32 $0x500, s10;
	s12 =	sshrl.u32 s31, $0x2;
	s15 =	sadd.s32 s8, s6  }
0x10: {  	s6 =	sor.u32 $0x1C03, s26;
	s24 =	sadd.s32 s12, s1;
	s12 =	smax.u32 s13, $0x1  }
0x11: {  	s13 =	sshrl.u32 s16, $0x3;
	s16 =	simm.s32 $0x80;
	s29 =	sshrl.u32 s14, $0x3  }
0x12: {  	s7 =	sadd.s32 s9, s28;
	s8 =	sadd.s32 s11, s28;
	s30 =	sadd.s32 $0x280, s29  }
0x13: {  	s14 =	simm.s32 $0x3;
	s24 =	sshrl.u32 s24, $0x3;
	s9 =	sadd.s32 s9, s30  }
0x14: {  	s10 =	sadd.s32 s11, s30;
	s11 =	sadd.s32 $0x3FE00, s15;
	s15 =	simm.s32 $0x1400  }
.LBB2_1:
0x15: {  	[spmem:s13], [sflag:s6] =	dma.local [hbm:s5], $0x2880  }
0x16: {  	_ =	swait.ge [sflag:s14], $0x2880  }
0x17: {  	[sflag:s14] =	ssyncset.done $0x0  }
0x18: {  	[sflag:s14] =	ssyncadd.s32 $0xFFFFD780  }
0x19: {  	[bflag:$0x0] =	sbarrier.arrive $0xFFFF  }
0x1a: {  	[tilespmem:s3], [sflag:$0x3] =	stream.linear.gather [hbm4b:s7+s3], $0x1400, $0x38;
	[tilespmem:$0x1EC00] =	vst v63  }
0x1b: {  	_ =	swait.ge [sflag:s14], $0x1400  }
0x1c: {  	[sflag:s14] =	ssyncset.done $0x0  }
0x1d: {  	[sflag:s14] =	ssyncadd.s32 $0xFFFFEC00  }
0x1e: {  	[tilespmem:s15], [sflag:$0x3] =	stream.linear.gather [hbm4b:s8+s3], $0x1400, $0x38;
	[tilespmem:$0x1EC00] =	vst v63  }
0x1f: {  	_ =	swait.ge [sflag:s14], $0x1400  }
0x20: {  	[sflag:s14] =	ssyncset.done $0x0  }
0x21: {  	[sflag:s14] =	ssyncadd.s32 $0xFFFFEC00  }
0x22: {  	[tilespmem:s17], [sflag:$0x1] =	stream.indirect.gather [hbm4b:s4+s16], $0x80, s3, s16, $0xb8;
	[tilespmem:$0x1EC00] =	vst v63  }
0x23: {  	s26 =	simm.s32 $0x80  }
0x24: {  	[tilespmem:s18], [sflag:$0x2] =	stream.indirect.gather [hbm4b:s4+s16], $0x80, s26, s16, $0xb8;
	[tilespmem:$0x1EC00] =	vst v63  }
0x25: {  	_ =	swait.ge [sflag:s19], $0x4000  }
0x26: {  	[sflag:s19] =	ssyncset.done $0x0  }
0x27: {  	s29 =	simm.s32 $0x1400;
	[sflag:s19] =	ssyncadd.s32 $0xFFFFC000  }
0x28: {  	[spmem:s1] =	stream.indirect.scatter.add.f32 [tilespmem:s17], [sflag:$0x3], $0x80, s29, s16, $0xb8;
	[tilespmem:$0x1EC00] =	vst v63  }
0x29: {  	_ =	swait.ge [sflag:s14], $0x4000  }
0x2a: {  	[sflag:s14] =	ssyncset.done $0x0  }
0x2b: {  	s30 =	simm.s32 $0x100;
	[sflag:s14] =	ssyncadd.s32 $0xFFFFC000  }
0x2c: {  	[tilespmem:s17], [sflag:$0x1] =	stream.indirect.gather [hbm4b:s4+s16], $0x80, s30, s16, $0xb8;
	[tilespmem:$0x1EC00] =	vst v63  }
0x2d: {  	_ =	swait.ge [sflag:s20], $0x4000  }
0x2e: {  	[sflag:s20] =	ssyncset.done $0x0  }
0x2f: {  	s31 =	simm.s32 $0x1480;
	[sflag:s20] =	ssyncadd.s32 $0xFFFFC000  }
0x30: {  	[spmem:s1] =	stream.indirect.scatter.add.f32 [tilespmem:s18], [sflag:$0x3], $0x80, s31, s16, $0xb8;
	[tilespmem:$0x1EC00] =	vst v63  }
0x31: {  	_ =	swait.ge [sflag:s14], $0x4000  }
0x32: {  	s28 =	simm.s32 $0x800;
	s26 =	simm.s32 $0x100;
	[sflag:s14] =	ssyncset.done $0x0  }
.LBB2_2:
0x33: {  	s29 =	sadd.s32 $0x80, s26  }
0x34: {  	[sflag:s14] =	ssyncadd.s32 $0xFFFFC000;
	s30 =	smov.u32 s28;
	s31 =	sadd.s32 $0x400, s28  }
0x35: {  	[tilespmem:s18], [sflag:$0x2] =	stream.indirect.gather [hbm4b:s4+s16], $0x80, s29, s16, $0xb8;
	[tilespmem:$0x1EC00] =	vst v63  }
0x36: {  	p0 =	sne.s32 s28, $0x4800;
	_ =	swait.ge [sflag:s19], $0x4000  }
0x37: {  	[sflag:s19] =	ssyncset.done $0x0  }
0x38: {  	s28 =	sadd.s32 $0x1400, s26;
	[sflag:s19] =	ssyncadd.s32 $0xFFFFC000  }
0x39: {  	[spmem:s1] =	stream.indirect.scatter.add.f32 [tilespmem:s17], [sflag:$0x3], $0x80, s28, s16, $0xb8;
	[tilespmem:$0x1EC00] =	vst v63  }
0x3a: {  	_ =	swait.ge [sflag:s14], $0x4000  }
0x3b: {  	[sflag:s14] =	ssyncset.done $0x0  }
0x3c: {  	s28 =	sadd.s32 $0x100, s26;
	[sflag:s14] =	ssyncadd.s32 $0xFFFFC000  }
0x3d: {  	[tilespmem:s17], [sflag:$0x1] =	stream.indirect.gather [hbm4b:s4+s16], $0x80, s28, s16, $0xb8;
	[tilespmem:$0x1EC00] =	vst v63  }
0x3e: {  	_ =	swait.ge [sflag:s20], $0x4000  }
.Ltmp0:
0x3f: {  	[sflag:s20] =	ssyncset.done $0x0;
	(pc) =	sbr.rel @p0 .LBB2_2-.Ltmp0, $4  }
0x40: {  	s26 =	sadd.s32 $0x1480, s26;
	[sflag:s20] =	ssyncadd.s32 $0xFFFFC000  }
0x41: {  	[spmem:s1] =	stream.indirect.scatter.add.f32 [tilespmem:s18], [sflag:$0x3], $0x80, s26, s16, $0xb8;
	[tilespmem:$0x1EC00] =	vst v63  }
0x42: {  	_ =	swait.ge [sflag:s14], $0x4000  }
0x43: {  	s28 =	smov.u32 s31;
	s26 =	sshra.s32 s30, $0x2;
	[sflag:s14] =	ssyncset.done $0x0  }
0x44: {  	s28 =	sadd.s32 $0x80, s26;
	[sflag:s14] =	ssyncadd.s32 $0xFFFFC000  }
0x45: {  	[tilespmem:s18], [sflag:$0x2] =	stream.indirect.gather [hbm4b:s4+s16], $0x80, s28, s16, $0xb8;
	[tilespmem:$0x1EC00] =	vst v63  }
0x46: {  	_ =	swait.ge [sflag:s19], $0x4000  }
0x47: {  	[sflag:s19] =	ssyncset.done $0x0  }
0x48: {  	s28 =	sadd.s32 $0x1400, s26;
	[sflag:s19] =	ssyncadd.s32 $0xFFFFC000  }
0x49: {  	[spmem:s1] =	stream.indirect.scatter.add.f32 [tilespmem:s17], [sflag:$0x3], $0x80, s28, s16, $0xb8;
	[tilespmem:$0x1EC00] =	vst v63  }
0x4a: {  	_ =	swait.ge [sflag:s14], $0x4000  }
0x4b: {  	[sflag:s14] =	ssyncset.done $0x0  }
0x4c: {  	s28 =	sadd.s32 $0x100, s26;
	[sflag:s14] =	ssyncadd.s32 $0xFFFFC000  }
0x4d: {  	[tilespmem:s17], [sflag:$0x1] =	stream.indirect.gather [hbm4b:s4+s16], $0x80, s28, s16, $0xb8;
	[tilespmem:$0x1EC00] =	vst v63  }
0x4e: {  	_ =	swait.ge [sflag:s20], $0x4000  }
0x4f: {  	[sflag:s20] =	ssyncset.done $0x0  }
0x50: {  	s29 =	sadd.s32 $0x1480, s26;
	[sflag:s20] =	ssyncadd.s32 $0xFFFFC000  }
0x51: {  	[spmem:s1] =	stream.indirect.scatter.add.f32 [tilespmem:s18], [sflag:$0x3], $0x80, s29, s16, $0xb8;
	[tilespmem:$0x1EC00] =	vst v63  }
0x52: {  	_ =	swait.ge [sflag:s14], $0x4000  }
0x53: {  	[sflag:s14] =	ssyncset.done $0x0  }
0x54: {  	[sflag:s14] =	ssyncadd.s32 $0xFFFFC000  }
0x55: {  	[tilespmem:s18], [sflag:$0x2] =	stream.indirect.gather [hbm4b:s4+s16], $0x80, s21, s16, $0xb8;
	[tilespmem:$0x1EC00] =	vst v63  }
0x56: {  	_ =	swait.ge [sflag:s19], $0x4000  }
0x57: {  	[sflag:s19] =	ssyncset.done $0x0  }
0x58: {  	[sflag:s19] =	ssyncadd.s32 $0xFFFFC000  }
0x59: {  	[spmem:s1] =	stream.indirect.scatter.add.f32 [tilespmem:s17], [sflag:$0x3], $0x80, s22, s16, $0xb8;
	[tilespmem:$0x1EC00] =	vst v63  }
0x5a: {  	_ =	swait.ge [sflag:s14], $0x4000  }
0x5b: {  	[sflag:s14] =	ssyncset.done $0x0  }
0x5c: {  	[sflag:s14] =	ssyncadd.s32 $0xFFFFC000  }
0x5d: {  	_ =	swait.ge [sflag:s20], $0x4000  }
0x5e: {  	[sflag:s20] =	ssyncset.done $0x0  }
0x5f: {  	[sflag:s20] =	ssyncadd.s32 $0xFFFFC000  }
0x60: {  	[spmem:s1] =	stream.indirect.scatter.add.f32 [tilespmem:s18], [sflag:$0x3], $0x80, s23, s16, $0xb8;
	[tilespmem:$0x1EC00] =	vst v63  }
0x61: {  	_ =	swait.ge [sflag:s14], $0x4000  }
0x62: {  	[sflag:s14] =	ssyncset.done $0x0  }
0x63: {  	s30 =	simm.s32 $0x0;
	[sflag:s14] =	ssyncadd.s32 $0xFFFFC000  }
0x64: {  	[tilespmem:s30], [sflag:$0x3] =	stream.linear.gather [hbm4b:s9+s30], $0x1400, $0x38;
	[tilespmem:$0x1EC00] =	vst v63  }
0x65: {  	_ =	swait.ge [sflag:s14], $0x1400  }
0x66: {  	[sflag:s14] =	ssyncset.done $0x0  }
0x67: {  	[sflag:s14] =	ssyncadd.s32 $0xFFFFEC00  }
0x68: {  	[tilespmem:s15], [sflag:$0x3] =	stream.linear.gather [hbm4b:s10+s30], $0x1400, $0x38;
	[tilespmem:$0x1EC00] =	vst v63  }
0x69: {  	_ =	swait.ge [sflag:s14], $0x1400  }
0x6a: {  	[sflag:s14] =	ssyncset.done $0x0  }
0x6b: {  	[sflag:s14] =	ssyncadd.s32 $0xFFFFEC00  }
0x6c: {  	[tilespmem:s17], [sflag:$0x1] =	stream.indirect.gather [hbm4b:s4+s16], $0x80, s30, s16, $0xb8;
	[tilespmem:$0x1EC00] =	vst v63  }
0x6d: {  	s31 =	simm.s32 $0x80  }
0x6e: {  	[tilespmem:s18], [sflag:$0x2] =	stream.indirect.gather [hbm4b:s4+s16], $0x80, s31, s16, $0xb8;
	[tilespmem:$0x1EC00] =	vst v63  }
0x6f: {  	_ =	swait.ge [sflag:s19], $0x4000  }
0x70: {  	[sflag:s19] =	ssyncset.done $0x0  }
0x71: {  	s29 =	simm.s32 $0x1400;
	[sflag:s19] =	ssyncadd.s32 $0xFFFFC000  }
0x72: {  	[spmem:s1] =	stream.indirect.scatter.add.f32 [tilespmem:s17], [sflag:$0x3], $0x80, s29, s16, $0xb8;
	[tilespmem:$0x1EC00] =	vst v63  }
0x73: {  	_ =	swait.ge [sflag:s14], $0x4000  }
0x74: {  	[sflag:s14] =	ssyncset.done $0x0  }
0x75: {  	s30 =	simm.s32 $0x100;
	[sflag:s14] =	ssyncadd.s32 $0xFFFFC000  }
0x76: {  	[tilespmem:s17], [sflag:$0x1] =	stream.indirect.gather [hbm4b:s4+s16], $0x80, s30, s16, $0xb8;
	[tilespmem:$0x1EC00] =	vst v63  }
0x77: {  	_ =	swait.ge [sflag:s20], $0x4000  }
0x78: {  	[sflag:s20] =	ssyncset.done $0x0  }
0x79: {  	s31 =	simm.s32 $0x1480;
	[sflag:s20] =	ssyncadd.s32 $0xFFFFC000  }
0x7a: {  	[spmem:s1] =	stream.indirect.scatter.add.f32 [tilespmem:s18], [sflag:$0x3], $0x80, s31, s16, $0xb8;
	[tilespmem:$0x1EC00] =	vst v63  }
0x7b: {  	_ =	swait.ge [sflag:s14], $0x4000  }
0x7c: {  	s26 =	simm.s32 $0x100;
	s28 =	simm.s32 $0x800;
	[sflag:s14] =	ssyncset.done $0x0  }
.LBB2_4:
0x7d: {  	s29 =	sadd.s32 $0x80, s26  }
0x7e: {  	[sflag:s14] =	ssyncadd.s32 $0xFFFFC000;
	s30 =	smov.u32 s28;
	s31 =	sadd.s32 $0x400, s28  }
0x7f: {  	[tilespmem:s18], [sflag:$0x2] =	stream.indirect.gather [hbm4b:s4+s16], $0x80, s29, s16, $0xb8;
	[tilespmem:$0x1EC00] =	vst v63  }
0x80: {  	p0 =	sne.s32 s28, $0x4800;
	_ =	swait.ge [sflag:s19], $0x4000  }
0x81: {  	[sflag:s19] =	ssyncset.done $0x0  }
0x82: {  	s28 =	sadd.s32 $0x1400, s26;
	[sflag:s19] =	ssyncadd.s32 $0xFFFFC000  }
0x83: {  	[spmem:s1] =	stream.indirect.scatter.add.f32 [tilespmem:s17], [sflag:$0x3], $0x80, s28, s16, $0xb8;
	[tilespmem:$0x1EC00] =	vst v63  }
0x84: {  	_ =	swait.ge [sflag:s14], $0x4000  }
0x85: {  	[sflag:s14] =	ssyncset.done $0x0  }
0x86: {  	s28 =	sadd.s32 $0x100, s26;
	[sflag:s14] =	ssyncadd.s32 $0xFFFFC000  }
0x87: {  	[tilespmem:s17], [sflag:$0x1] =	stream.indirect.gather [hbm4b:s4+s16], $0x80, s28, s16, $0xb8;
	[tilespmem:$0x1EC00] =	vst v63  }
0x88: {  	_ =	swait.ge [sflag:s20], $0x4000  }
.Ltmp1:
0x89: {  	[sflag:s20] =	ssyncset.done $0x0;
	(pc) =	sbr.rel @p0 .LBB2_4-.Ltmp1, $4  }
0x8a: {  	s26 =	sadd.s32 $0x1480, s26;
	[sflag:s20] =	ssyncadd.s32 $0xFFFFC000  }
0x8b: {  	[spmem:s1] =	stream.indirect.scatter.add.f32 [tilespmem:s18], [sflag:$0x3], $0x80, s26, s16, $0xb8;
	[tilespmem:$0x1EC00] =	vst v63  }
0x8c: {  	_ =	swait.ge [sflag:s14], $0x4000  }
0x8d: {  	s28 =	smov.u32 s31;
	s26 =	sshra.s32 s30, $0x2;
	[sflag:s14] =	ssyncset.done $0x0  }
0x8e: {  	s28 =	sadd.s32 $0x80, s26;
	[sflag:s14] =	ssyncadd.s32 $0xFFFFC000  }
0x8f: {  	[tilespmem:s18], [sflag:$0x2] =	stream.indirect.gather [hbm4b:s4+s16], $0x80, s28, s16, $0xb8;
	[tilespmem:$0x1EC00] =	vst v63  }
0x90: {  	_ =	swait.ge [sflag:s19], $0x4000  }
0x91: {  	[sflag:s19] =	ssyncset.done $0x0  }
0x92: {  	s29 =	sadd.s32 $0x1400, s26;
	[sflag:s19] =	ssyncadd.s32 $0xFFFFC000  }
0x93: {  	[spmem:s1] =	stream.indirect.scatter.add.f32 [tilespmem:s17], [sflag:$0x3], $0x80, s29, s16, $0xb8;
	[tilespmem:$0x1EC00] =	vst v63  }
0x94: {  	_ =	swait.ge [sflag:s14], $0x4000  }
0x95: {  	[sflag:s14] =	ssyncset.done $0x0  }
0x96: {  	s30 =	sadd.s32 $0x100, s26;
	[sflag:s14] =	ssyncadd.s32 $0xFFFFC000  }
0x97: {  	[tilespmem:s17], [sflag:$0x1] =	stream.indirect.gather [hbm4b:s4+s16], $0x80, s30, s16, $0xb8;
	[tilespmem:$0x1EC00] =	vst v63  }
0x98: {  	_ =	swait.ge [sflag:s20], $0x4000  }
0x99: {  	[sflag:s20] =	ssyncset.done $0x0  }
0x9a: {  	s31 =	sadd.s32 $0x1480, s26;
	[sflag:s20] =	ssyncadd.s32 $0xFFFFC000  }
0x9b: {  	[spmem:s1] =	stream.indirect.scatter.add.f32 [tilespmem:s18], [sflag:$0x3], $0x80, s31, s16, $0xb8;
	[tilespmem:$0x1EC00] =	vst v63  }
0x9c: {  	_ =	swait.ge [sflag:s14], $0x4000  }
0x9d: {  	[sflag:s14] =	ssyncset.done $0x0  }
0x9e: {  	[sflag:s14] =	ssyncadd.s32 $0xFFFFC000  }
0x9f: {  	[tilespmem:s18], [sflag:$0x2] =	stream.indirect.gather [hbm4b:s4+s16], $0x80, s21, s16, $0xb8;
	[tilespmem:$0x1EC00] =	vst v63  }
0xa0: {  	_ =	swait.ge [sflag:s19], $0x4000  }
0xa1: {  	[sflag:s19] =	ssyncset.done $0x0  }
0xa2: {  	[sflag:s19] =	ssyncadd.s32 $0xFFFFC000  }
0xa3: {  	[spmem:s1] =	stream.indirect.scatter.add.f32 [tilespmem:s17], [sflag:$0x3], $0x80, s22, s16, $0xb8;
	[tilespmem:$0x1EC00] =	vst v63  }
0xa4: {  	_ =	swait.ge [sflag:s14], $0x4000  }
0xa5: {  	[sflag:s14] =	ssyncset.done $0x0  }
0xa6: {  	[sflag:s14] =	ssyncadd.s32 $0xFFFFC000  }
0xa7: {  	_ =	swait.ge [sflag:s20], $0x4000  }
0xa8: {  	[sflag:s20] =	ssyncset.done $0x0  }
0xa9: {  	[sflag:s20] =	ssyncadd.s32 $0xFFFFC000  }
0xaa: {  	[spmem:s1] =	stream.indirect.scatter.add.f32 [tilespmem:s18], [sflag:$0x3], $0x80, s23, s16, $0xb8;
	[tilespmem:$0x1EC00] =	vst v63  }
0xab: {  	_ =	swait.ge [sflag:s14], $0x4000  }
0xac: {  	s25 =	sadd.s32 $0x1, s25;
	[sflag:s14] =	ssyncset.done $0x0  }
0xad: {  	p0 =	sne.s32 s25, s12;
	[sflag:s14] =	ssyncadd.s32 $0xFFFFC000  }
.Ltmp2:
0xae: {  	[bflag:$0x0] =	sbarrier.arrive $0xFFFF;
	(pc) =	sbr.rel @p0 .LBB2_1-.Ltmp2, $4  }
0xaf: {  	[hbm:s11], [sflag:s6] =	dma.local [spmem:s24], $0x2800  }
0xb0: {  	_ =	swait.ge [sflag:s14], $0x2800  }
0xb1: {  	[sflag:s14] =	ssyncset.done $0x0  }
0xb2: {  	[sflag:s14] =	ssyncadd.s32 $0xFFFFD800  }
0xb3: {  	_ =	sfence.sel $0x180000  }
0xb4: {  	[bflag:$0x0] =	sbarrier.arrive $0xFFFF  }
0xb5: {  	p0 =	sne.s32 s2, $0x0;
	_ =	strace $0x9000004A  }
0xb6: {  	s0 =	sadd.s32 @!p0 $0x100000, s0;
	[bflag:$0x2] =	sbarrier.arrive $0xFFFF  }
0xb7: {  	[sflag:s0] =	ssyncadd.tile.s32 @!p0 $0x1;
	_ =	shalt  }
.Lfunc_end2:
_tile_overlayer_lowered:
.L_overlay_start_2:
0xb8: {  	(tag) =	ssettag $0x2  }
0xb9: {  	s0 =	rddreg [dreg:$0x0];
	s2 =	stileid.u32  }
0xba: {  	s1 =	rddreg [dreg:$0x1];
	p0 =	sne.s32 s2, $0x0  }
0xbb: {  	s3 =	rddreg [dreg:$0x2];
	[bflag:$0x3] =	sbarrier.arrive $0xFFFF;
	s2 =	simm.s32 @!p0 $0x1C03  }
0xbc: {  	[timem:s3], [sflag:s2] =	dma.local @!p0 [hbm:s0], s1  }
0xbd: {  	s0 =	simm.s32 @!p0 $0x3  }
0xbe: {  	_ =	swait.ge @!p0 [sflag:s0], s1  }
0xbf: {  	s1 =	ssub.s32 @!p0 $0x0, s1;
	[sflag:s0] =	ssyncset.done @!p0 $0x0  }
0xc0: {  	[sflag:s0] =	ssyncadd.s32 @!p0 s1  }
0xc1: {  	[bflag:$0x3] =	sbarrier.arrive $0xFFFF  }
0xc2: {  	_ =	shalt  }

// kernel: kernel.20.cloned.1.call-start
scs
__scs_entry_jumppad:
0x0: {  	(pc) =	sbr.rel $0x88, $3  }
0x1: {  	(tag) =	ssettag $0x0;
	lr =	simm.s32 $0x1  }
0x2: {  	[smem:$0x3F95] =	sst lr;
	_ =	strace $0xD0000000  }
0x3: {  	_ = 	snop  }
0x4: {  	_ = 	snop  }
0x5: {  	_ = 	snop  }
0x6: {  	_ = 	snop  }
0x7: {  	_ = 	snop  }
__scs_overlays_trampoline_lowered:
0x8: {  	[smem:$0x3FA4] =	sst s0  }
0x9: {  	[smem:$0x3FA5] =	sst s1  }
0xa: {  	[smem:$0x3FA6] =	sst s2  }
0xb: {  	[smem:$0x3FA7] =	sst s3  }
0xc: {  	[smem:$0x3FA8] =	sst s4  }
0xd: {  	[smem:$0x3FA9] =	sst s5  }
0xe: {  	[smem:$0x3FAA] =	sst s6  }
0xf: {  	[smem:$0x3FAB] =	sst s7  }
0x10: {  	[smem:$0x3FAC] =	sst s8  }
0x11: {  	[smem:$0x3FAD] =	sst s9;
	s0 =	simm.s32 @!p0 $0x0  }
0x12: {  	s1 =	sld [smem:$0x3F93];
	s0 =	simm.s32 @p0 $0x1  }
0x13: {  	[smem:$0x3FAE] =	sst s0;
	s0 =	simm.s32 @!p1 $0x0  }
0x14: {  	s2 =	sld [smem:$0x3F92];
	s0 =	simm.s32 @p1 $0x1  }
0x15: {  	[smem:$0x3FAF] =	sst s0;
	s0 =	simm.s32 @!p2 $0x0  }
0x16: {  	s3 =	sld [smem:$0x3FDB];
	s0 =	simm.s32 @p2 $0x1  }
0x17: {  	s4 =	simm.s32 $0x1BF5;
	[smem:$0x3FB1] =	sst s0  }
0x18: {  	s0 =	sld [smem:$0x3F94];
	_ =	swait.ge [sflag:s4], $0x0  }
0x19: {  	s7 =	sld [smem:$0x3F95]  }
0x1a: {  	s8 =	sadd.s32 $0xFFFFE003, lr  }
0x1b: {  	s9 =	sadd.s32 $0xFFFFFEF7, lr;
	s5 =	simm.s32 $0xFFFFFFFF;
	p2 =	slt.u32 s8, $0xFFFFF086  }
0x1c: {  	p1 =	slt.u32 s9, $0xF7A;
	s5 =	simm.s32 @!p2 $0x0  }
0x1d: {  	s5 =	simm.s32 @p1 $0x1;
	p0 =	seq.s32 s7, s2  }
0x1e: {  	s7 =	smul.u32 @!p0 $0xF7A, s2;
	p2 =	seq.s32 @!p0 s5, $0x0  }
0x1f: {  	s9 =	smul.u32 $0xF7A, s1;
	s8 =	simm.s32 @!p0 $0x1BF5;
	p2 =	por !p2, p0  }
0x20: {  	[sflag:s8] =	ssyncset.s32 @!p0 $0xFFFFF086;
	s6 =	sadd.s32 @!p0 s3, s7;
	s7 =	simm.s32 @!p0 $0x108  }
0x21: {  	s3 =	sadd.s32 s3, s9;
	s6 =	sadd.s32 @!p0 $0x88, s6;
	s7 =	simm.s32 @p2 $0x1082  }
0x22: {  	[simem:s7], [sflag:s8] =	dma.local @!p0 [hbm:s6], $0xF7A  }
0x23: {  	s9 =	sor.u32 $0xD0000000, s2;
	s6 =	simm.s32 $0x108;
	_ =	swait.ge @!p0 [sflag:s8], $0x0  }
0x24: {  	s3 =	sadd.s32 $0x88, s3;
	s6 =	simm.s32 @!p1 $0x1082;
	[sflag:s4] =	ssyncset.s32 $0xFFFFF086  }
0x25: {  	[simem:s6], [sflag:s4] =	dma.local [hbm:s3], $0xF7A  }
0x26: {  	[smem:$0x3F95] =	sst s1;
	(tag) =	ssettag s2;
	_ =	strace s9  }
0x27: {  	s1 =	sld [smem:$0x3FA5]  }
0x28: {  	s2 =	sld [smem:$0x3FA6]  }
0x29: {  	s4 =	sld [smem:$0x3FA8]  }
0x2a: {  	p0 =	seq.s32 s5, $0x0;
	s5 =	sld [smem:$0x3FA9]  }
0x2b: {  	s6 =	sld [smem:$0x3FAA]  }
0x2c: {  	s7 =	sld [smem:$0x3FAB]  }
0x2d: {  	s3 =	simm.s32 $0x108;
	s8 =	sld [smem:$0x3FAC]  }
0x2e: {  	s3 =	simm.s32 @!p0 $0x1082;
	s9 =	sld [smem:$0x3FAD]  }
0x2f: {  	lr =	sadd.s32 s0, s3;
	s0 =	sld [smem:$0x3FA4]  }
0x30: {  	s3 =	sld [smem:$0x3FA7]  }
0x31: {  	[smem:$0x3FB0] =	sst s10  }
0x32: {  	s10 =	sld [smem:$0x3FAE];
	_ =	sdelay $0x3  }
0x33: {  	p0 =	seq.s32 s10, $0x1;
	s10 =	sld [smem:$0x3FB0];
	_ =	sdelay $0x3  }
0x34: {  	[smem:$0x3FB0] =	sst s10  }
0x35: {  	s10 =	sld [smem:$0x3FAF];
	_ =	sdelay $0x3  }
0x36: {  	p1 =	seq.s32 s10, $0x1;
	s10 =	sld [smem:$0x3FB0];
	_ =	sdelay $0x3  }
0x37: {  	[smem:$0x3FB0] =	sst s10  }
0x38: {  	s10 =	sld [smem:$0x3FB1]  }
0x39: {  	_ = 	snop;
	(pc) =	sbr.ind lr, $3  }
0x3a: {  	_ = 	snop  }
0x3b: {  	_ = 	snop  }
0x3c: {  	p2 =	seq.s32 s10, $0x1;
	s10 =	sld [smem:$0x3FB0]  }
0x3d: {  	_ =	shalt  }
0x3e: {  	_ =	shalt  }
0x3f: {  	_ =	shalt  }
0x40: {  	_ =	shalt  }
0x41: {  	_ =	shalt  }
0x42: {  	_ =	shalt  }
0x43: {  	_ =	shalt  }
0x44: {  	_ =	shalt  }
0x45: {  	_ =	shalt  }
0x46: {  	_ =	shalt  }
0x47: {  	_ =	shalt  }
0x48: {  	_ =	shalt  }
0x49: {  	_ =	shalt  }
0x4a: {  	_ =	shalt  }
0x4b: {  	_ =	shalt  }
0x4c: {  	_ =	shalt  }
0x4d: {  	_ =	shalt  }
0x4e: {  	_ =	shalt  }
0x4f: {  	_ =	shalt  }
0x50: {  	_ =	shalt  }
0x51: {  	_ =	shalt  }
0x52: {  	_ =	shalt  }
0x53: {  	_ =	shalt  }
0x54: {  	_ =	shalt  }
0x55: {  	_ =	shalt  }
0x56: {  	_ =	shalt  }
0x57: {  	_ =	shalt  }
0x58: {  	_ =	shalt  }
0x59: {  	_ =	shalt  }
0x5a: {  	_ =	shalt  }
0x5b: {  	_ =	shalt  }
0x5c: {  	_ =	shalt  }
0x5d: {  	_ =	shalt  }
0x5e: {  	_ =	shalt  }
0x5f: {  	_ =	shalt  }
0x60: {  	_ =	shalt  }
0x61: {  	_ =	shalt  }
0x62: {  	_ =	shalt  }
0x63: {  	_ =	shalt  }
0x64: {  	_ =	shalt  }
0x65: {  	_ =	shalt  }
0x66: {  	_ =	shalt  }
0x67: {  	_ =	shalt  }
0x68: {  	_ =	shalt  }
0x69: {  	_ =	shalt  }
0x6a: {  	_ =	shalt  }
0x6b: {  	_ =	shalt  }
0x6c: {  	_ =	shalt  }
0x6d: {  	_ =	shalt  }
0x6e: {  	_ =	shalt  }
0x6f: {  	_ =	shalt  }
0x70: {  	_ =	shalt  }
0x71: {  	_ =	shalt  }
0x72: {  	_ =	shalt  }
0x73: {  	_ =	shalt  }
0x74: {  	_ =	shalt  }
0x75: {  	_ =	shalt  }
0x76: {  	_ =	shalt  }
0x77: {  	_ =	shalt  }
0x78: {  	_ =	shalt  }
0x79: {  	_ =	shalt  }
0x7a: {  	_ =	shalt  }
0x7b: {  	_ =	shalt  }
0x7c: {  	_ =	shalt  }
0x7d: {  	_ =	shalt  }
0x7e: {  	_ =	shalt  }
0x7f: {  	_ =	shalt  }
0x80: {  	_ =	shalt  }
0x81: {  	_ =	shalt  }
0x82: {  	_ =	shalt  }
0x83: {  	_ =	shalt  }
0x84: {  	_ =	shalt  }
0x85: {  	_ =	shalt  }
0x86: {  	_ =	shalt  }
0x87: {  	_ =	shalt  }
.Lfunc_end0:
.L_simem_size_0:
called_computation.2_lowered:
.L_overlay_start_0:
0x88: {  	s2 =	sld [smem:$0x3FD9]  }
0x89: {  	s3 =	sld [smem:$0x3FFE];
	_ =	sdelay $0x1  }
0x8a: {  	s1 =	srdreg.scid  }
0x8b: {  	s0 =	sand.u32 $0x1, s1  }
0x8c: {  	s17 =	sshll.u32 s0, $0xA;
	s2 =	sadd.s32 s3, s2  }
0x8d: {  	s2 =	sadd.s32 s2, s17  }
0x8e: {  	[smem:$0x3FBC] =	sst s2  }
0x8f: {  	_ = 	snop  }
0x90: {  	s2 =	sld [smem:$0x3FD0];
	(tm) =	ssettm $0x1  }
0x91: {  	s18 =	sld [smem:$0x3FFB];
	_ =	sdelay $0x3  }
0x92: {  	_ =	strace s18  }
0x93: {  	s3 =	sld [smem:$0x3FFC];
	_ =	sdelay $0x3  }
0x94: {  	_ =	strace s3  }
0x95: {  	s3 =	sld [smem:$0x3FFD];
	_ =	sdelay $0x3  }
0x96: {  	_ =	strace s3  }
0x97: {  	_ =	strace $0x8FFFFFFF  }
0x98: {  	s19 =	sld [smem:$0x3FDB];
	_ =	sdelay $0x1  }
0x99: {  	s4 =	simm.s32 $_scs_section_size  }
0x9a: {  	s5 =	simm.s32 $_size__tile_overlayer_lowered;
	s6 =	simm.s32 $_tile_overlayer_lowered  }
0x9b: {  	s22 =	simm.s32 $0x1BFF;
	s21 =	sshll.u32 s6, $0x1;
	s3 =	sadd.s32 s4, s19  }
0x9c: {  	s7 =	simm.s32 $0x0;
	s20 =	sshll.u32 s5, $0x1;
	s5 =	sadd.s32 s21, s3  }
0x9d: {  	[timem:s7], [sflag:s22] =	dma.local [hbm:s5], s20  }
0x9e: {  	_ =	swait.ge [sflag:s22], s20  }
0x9f: {  	s4 =	ssub.s32 $0x0, s20;
	[sflag:s22] =	ssyncset.done $0x0  }
0xa0: {  	[sflag:s22] =	ssyncadd.s32 s4;
	_ =	sdelay $0x1  }
0xa1: {  	s23 =	simm.s32 $0x1B8B  }
0xa2: {  	_ =	swait.ge [sflag:s23], $0x1  }
0xa3: {  	[sflag:s23] =	ssyncset.done $0x0  }
0xa4: {  	s25 =	simm.s32 $0x1B8E;
	s24 =	sld [smem:$0x3FFE];
	[sflag:s23] =	ssyncadd.s32 $0xFFFFFFFF  }
0xa5: {  	s26 =	simm.s32 $execute0_lowered;
	[smem:$0x3FD2] =	sst s25  }
0xa6: {  	s5 =	sshll.u32 s26, $0x1;
	_ =	strace $0x8000004C;
	[dreg:$0x1] =	wrdreg $0xFFFFFFFF  }
0xa7: {  	s28 =	simm.s32 $_size_execute0_lowered;
	s3 =	sadd.s32 s3, s5;
	[dreg:$0x0] =	wrdreg $0x0  }
0xa8: {  	s5 =	sshll.u32 s28, $0x1;
	[dreg:$0x2] =	wrdreg s3  }
0xa9: {  	[dreg:$0x3] =	wrdreg s5  }
0xaa: {  	[dreg:$0x4] =	wrdreg $0xC0  }
0xab: {  	_ =	task [dreg:s7], $0x5FFFF  }
0xac: {  	[dreg:$0x1] =	wrdreg $0xFFFFFFFF  }
0xad: {  	[dreg:$0x0] =	wrdreg $0x60  }
0xae: {  	[dreg:$0x2] =	wrdreg s24  }
0xaf: {  	[dreg:$0x3] =	wrdreg s2  }
0xb0: {  	[dreg:$0x4] =	wrdreg $0xA8000  }
0xb1: {  	[dreg:$0x5] =	wrdreg $0x9  }
0xb2: {  	_ =	task.clear_ibuf [dreg:s7], $0x6FFFF;
	_ =	strace $0x9000004C  }
0xb3: {  	s29 =	simm.s32 $0x9;
	_ =	strace $0x8000004E  }
0xb4: {  	_ =	swait.ge [sflag:s29], $0x1  }
0xb5: {  	[sflag:s29] =	ssyncadd.s32 $0xFFFFFFFF  }
0xb6: {  	_ =	strace $0x9000004E  }
0xb7: {  	_ =	sfence  }
0xb8: {  	s30 =	sld [smem:$0x0];
	_ =	sdelay $0x2  }
0xb9: {  	s31 =	sshll.u32 s1, $0xD;
	s1 =	sshrl.u32 s1, $0x2  }
0xba: {  	s3 =	sand.u32 $0x4000, s31;
	s1 =	sadd.s32 s1, s30  }
0xbb: {  	s0 =	sor.u32 s3, s0;
	s1 =	sshll.u32 s1, $0x11  }
0xbc: {  	s0 =	sor.u32 s1, s0  }
0xbd: {  	s0 =	sadd.s32 $0x8F2B, s0  }
0xbe: {  	[sflag:s0] =	ssyncadd.remote.s32 $0x1  }
0xbf: {  	_ =	sfence.sel $0xFFFF  }
0xc0: {  	[dreg:$0x0] =	wrdreg $0xFFFFFFFF;
	(pc) =	sbr.abs _section_cstart, $3  }
0xc1: {  	[dreg:$0x1] =	wrdreg $0xFFFFFFFF  }
0xc2: {  	_ =	task.clear_ibuf [dreg:s7], $0x2FFFF;
	_ =	strace $0x9FFFFFFF  }
0xc3: {  	(tm) =	ssettm $0x7FFFFFFF  }
tec
execute0_lowered:
.L_overlay_start_1:
0x0: {  	(tag) =	ssettag $0x1  }
0x1: {  	s6 =	rddreg [dreg:$0x0]  }
0x2: {  	s9 =	rddreg [dreg:$0x1]  }
0x3: {  	s1 =	rddreg [dreg:$0x2]  }
0x4: {  	s0 =	rddreg [dreg:$0x3];
	s3 =	simm.s32 $0x0;
	s2 =	srdreg.scid  }
0x5: {  	s17 =	simm.s32 $0x2800;
	s18 =	simm.s32 $0x6800;
	s19 =	simm.s32 $0x1  }
0x6: {  	s20 =	simm.s32 $0x2;
	s21 =	simm.s32 $0x1380;
	s22 =	simm.s32 $0x2700  }
0x7: {  	s23 =	simm.s32 $0x2780;
	[smem:$0x7FF] =	sst s3;
	s7 =	sand.u32 $0x1, s2  }
0x8: {  	s2 =	stileid.u32;
	s4 =	sadd.s32 $0x17E00, s6;
	s8 =	smul.u32 $0x140000, s7  }
0x9: {  	s11 =	sadd.s32 $0xDE00, s6;
	s5 =	sadd.s32 $0x3E00, s6;
	s10 =	smul.u32 $0x14000, s2  }
0xa: {  	_ =	strace $0x8000004D;
	s25 =	sshll.u32 s7, $0x4;
	s12 =	smul.u32 $0x51000, s2  }
0xb: {  	s7 =	ssub.s32 $0x2, s7;
	s26 =	sshll.u32 s2, $0x6;
	s31 =	smul.u32 $0x50000, s2  }
0xc: {  	s13 =	sshrl.u32 s7, $0x1;
	s8 =	sadd.s32 s10, s8;
	s10 =	sor.u32 s2, s25  }
0xd: {  	s12 =	sshrl.u32 s12, $0x2;
	s13 =	ssub.s32 s7, s13;
	s25 =	simm.s32 $0x0  }
0xe: {  	s8 =	sshrl.u32 s8, $0x3;
	s14 =	smul.u32 $0x2800, s10;
	s16 =	sadd.s32 s12, s1  }
0xf: {  	s28 =	smul.u32 $0x500, s10;
	s12 =	sshrl.u32 s31, $0x2;
	s15 =	sadd.s32 s8, s6  }
0x10: {  	s6 =	sor.u32 $0x1C03, s26;
	s24 =	sadd.s32 s12, s1;
	s12 =	smax.u32 s13, $0x1  }
0x11: {  	s13 =	sshrl.u32 s16, $0x3;
	s16 =	simm.s32 $0x80;
	s29 =	sshrl.u32 s14, $0x3  }
0x12: {  	s7 =	sadd.s32 s9, s28;
	s8 =	sadd.s32 s11, s28;
	s30 =	sadd.s32 $0x280, s29  }
0x13: {  	s14 =	simm.s32 $0x3;
	s24 =	sshrl.u32 s24, $0x3;
	s9 =	sadd.s32 s9, s30  }
0x14: {  	s10 =	sadd.s32 s11, s30;
	s11 =	sadd.s32 $0x3FE00, s15;
	s15 =	simm.s32 $0x1400  }
.LBB2_1:
0x15: {  	[spmem:s13], [sflag:s6] =	dma.local [hbm:s5], $0x2880  }
0x16: {  	_ =	swait.ge [sflag:s14], $0x2880  }
0x17: {  	[sflag:s14] =	ssyncset.done $0x0  }
0x18: {  	[sflag:s14] =	ssyncadd.s32 $0xFFFFD780  }
0x19: {  	[bflag:$0x0] =	sbarrier.arrive $0xFFFF  }
0x1a: {  	[tilespmem:s3], [sflag:$0x3] =	stream.linear.gather [hbm4b:s7+s3], $0x1400, $0x38;
	[tilespmem:$0x1EC00] =	vst v63  }
0x1b: {  	_ =	swait.ge [sflag:s14], $0x1400  }
0x1c: {  	[sflag:s14] =	ssyncset.done $0x0  }
0x1d: {  	[sflag:s14] =	ssyncadd.s32 $0xFFFFEC00  }
0x1e: {  	[tilespmem:s15], [sflag:$0x3] =	stream.linear.gather [hbm4b:s8+s3], $0x1400, $0x38;
	[tilespmem:$0x1EC00] =	vst v63  }
0x1f: {  	_ =	swait.ge [sflag:s14], $0x1400  }
0x20: {  	[sflag:s14] =	ssyncset.done $0x0  }
0x21: {  	[sflag:s14] =	ssyncadd.s32 $0xFFFFEC00  }
0x22: {  	[tilespmem:s17], [sflag:$0x1] =	stream.indirect.gather [hbm4b:s4+s16], $0x80, s3, s16, $0xb8;
	[tilespmem:$0x1EC00] =	vst v63  }
0x23: {  	s26 =	simm.s32 $0x80  }
0x24: {  	[tilespmem:s18], [sflag:$0x2] =	stream.indirect.gather [hbm4b:s4+s16], $0x80, s26, s16, $0xb8;
	[tilespmem:$0x1EC00] =	vst v63  }
0x25: {  	_ =	swait.ge [sflag:s19], $0x4000  }
0x26: {  	[sflag:s19] =	ssyncset.done $0x0  }
0x27: {  	s29 =	simm.s32 $0x1400;
	[sflag:s19] =	ssyncadd.s32 $0xFFFFC000  }
0x28: {  	[spmem:s1] =	stream.indirect.scatter.add.f32 [tilespmem:s17], [sflag:$0x3], $0x80, s29, s16, $0xb8;
	[tilespmem:$0x1EC00] =	vst v63  }
0x29: {  	_ =	swait.ge [sflag:s14], $0x4000  }
0x2a: {  	[sflag:s14] =	ssyncset.done $0x0  }
0x2b: {  	s30 =	simm.s32 $0x100;
	[sflag:s14] =	ssyncadd.s32 $0xFFFFC000  }
0x2c: {  	[tilespmem:s17], [sflag:$0x1] =	stream.indirect.gather [hbm4b:s4+s16], $0x80, s30, s16, $0xb8;
	[tilespmem:$0x1EC00] =	vst v63  }
0x2d: {  	_ =	swait.ge [sflag:s20], $0x4000  }
0x2e: {  	[sflag:s20] =	ssyncset.done $0x0  }
0x2f: {  	s31 =	simm.s32 $0x1480;
	[sflag:s20] =	ssyncadd.s32 $0xFFFFC000  }
0x30: {  	[spmem:s1] =	stream.indirect.scatter.add.f32 [tilespmem:s18], [sflag:$0x3], $0x80, s31, s16, $0xb8;
	[tilespmem:$0x1EC00] =	vst v63  }
0x31: {  	_ =	swait.ge [sflag:s14], $0x4000  }
0x32: {  	s28 =	simm.s32 $0x800;
	s26 =	simm.s32 $0x100;
	[sflag:s14] =	ssyncset.done $0x0  }
.LBB2_2:
0x33: {  	s29 =	sadd.s32 $0x80, s26  }
0x34: {  	[sflag:s14] =	ssyncadd.s32 $0xFFFFC000;
	s30 =	smov.u32 s28;
	s31 =	sadd.s32 $0x400, s28  }
0x35: {  	[tilespmem:s18], [sflag:$0x2] =	stream.indirect.gather [hbm4b:s4+s16], $0x80, s29, s16, $0xb8;
	[tilespmem:$0x1EC00] =	vst v63  }
0x36: {  	p0 =	sne.s32 s28, $0x4800;
	_ =	swait.ge [sflag:s19], $0x4000  }
0x37: {  	[sflag:s19] =	ssyncset.done $0x0  }
0x38: {  	s28 =	sadd.s32 $0x1400, s26;
	[sflag:s19] =	ssyncadd.s32 $0xFFFFC000  }
0x39: {  	[spmem:s1] =	stream.indirect.scatter.add.f32 [tilespmem:s17], [sflag:$0x3], $0x80, s28, s16, $0xb8;
	[tilespmem:$0x1EC00] =	vst v63  }
0x3a: {  	_ =	swait.ge [sflag:s14], $0x4000  }
0x3b: {  	[sflag:s14] =	ssyncset.done $0x0  }
0x3c: {  	s28 =	sadd.s32 $0x100, s26;
	[sflag:s14] =	ssyncadd.s32 $0xFFFFC000  }
0x3d: {  	[tilespmem:s17], [sflag:$0x1] =	stream.indirect.gather [hbm4b:s4+s16], $0x80, s28, s16, $0xb8;
	[tilespmem:$0x1EC00] =	vst v63  }
0x3e: {  	_ =	swait.ge [sflag:s20], $0x4000  }
.Ltmp0:
0x3f: {  	[sflag:s20] =	ssyncset.done $0x0;
	(pc) =	sbr.rel @p0 .LBB2_2-.Ltmp0, $4  }
0x40: {  	s26 =	sadd.s32 $0x1480, s26;
	[sflag:s20] =	ssyncadd.s32 $0xFFFFC000  }
0x41: {  	[spmem:s1] =	stream.indirect.scatter.add.f32 [tilespmem:s18], [sflag:$0x3], $0x80, s26, s16, $0xb8;
	[tilespmem:$0x1EC00] =	vst v63  }
0x42: {  	_ =	swait.ge [sflag:s14], $0x4000  }
0x43: {  	s28 =	smov.u32 s31;
	s26 =	sshra.s32 s30, $0x2;
	[sflag:s14] =	ssyncset.done $0x0  }
0x44: {  	s28 =	sadd.s32 $0x80, s26;
	[sflag:s14] =	ssyncadd.s32 $0xFFFFC000  }
0x45: {  	[tilespmem:s18], [sflag:$0x2] =	stream.indirect.gather [hbm4b:s4+s16], $0x80, s28, s16, $0xb8;
	[tilespmem:$0x1EC00] =	vst v63  }
0x46: {  	_ =	swait.ge [sflag:s19], $0x4000  }
0x47: {  	[sflag:s19] =	ssyncset.done $0x0  }
0x48: {  	s28 =	sadd.s32 $0x1400, s26;
	[sflag:s19] =	ssyncadd.s32 $0xFFFFC000  }
0x49: {  	[spmem:s1] =	stream.indirect.scatter.add.f32 [tilespmem:s17], [sflag:$0x3], $0x80, s28, s16, $0xb8;
	[tilespmem:$0x1EC00] =	vst v63  }
0x4a: {  	_ =	swait.ge [sflag:s14], $0x4000  }
0x4b: {  	[sflag:s14] =	ssyncset.done $0x0  }
0x4c: {  	s28 =	sadd.s32 $0x100, s26;
	[sflag:s14] =	ssyncadd.s32 $0xFFFFC000  }
0x4d: {  	[tilespmem:s17], [sflag:$0x1] =	stream.indirect.gather [hbm4b:s4+s16], $0x80, s28, s16, $0xb8;
	[tilespmem:$0x1EC00] =	vst v63  }
0x4e: {  	_ =	swait.ge [sflag:s20], $0x4000  }
0x4f: {  	[sflag:s20] =	ssyncset.done $0x0  }
0x50: {  	s29 =	sadd.s32 $0x1480, s26;
	[sflag:s20] =	ssyncadd.s32 $0xFFFFC000  }
0x51: {  	[spmem:s1] =	stream.indirect.scatter.add.f32 [tilespmem:s18], [sflag:$0x3], $0x80, s29, s16, $0xb8;
	[tilespmem:$0x1EC00] =	vst v63  }
0x52: {  	_ =	swait.ge [sflag:s14], $0x4000  }
0x53: {  	[sflag:s14] =	ssyncset.done $0x0  }
0x54: {  	[sflag:s14] =	ssyncadd.s32 $0xFFFFC000  }
0x55: {  	[tilespmem:s18], [sflag:$0x2] =	stream.indirect.gather [hbm4b:s4+s16], $0x80, s21, s16, $0xb8;
	[tilespmem:$0x1EC00] =	vst v63  }
0x56: {  	_ =	swait.ge [sflag:s19], $0x4000  }
0x57: {  	[sflag:s19] =	ssyncset.done $0x0  }
0x58: {  	[sflag:s19] =	ssyncadd.s32 $0xFFFFC000  }
0x59: {  	[spmem:s1] =	stream.indirect.scatter.add.f32 [tilespmem:s17], [sflag:$0x3], $0x80, s22, s16, $0xb8;
	[tilespmem:$0x1EC00] =	vst v63  }
0x5a: {  	_ =	swait.ge [sflag:s14], $0x4000  }
0x5b: {  	[sflag:s14] =	ssyncset.done $0x0  }
0x5c: {  	[sflag:s14] =	ssyncadd.s32 $0xFFFFC000  }
0x5d: {  	_ =	swait.ge [sflag:s20], $0x4000  }
0x5e: {  	[sflag:s20] =	ssyncset.done $0x0  }
0x5f: {  	[sflag:s20] =	ssyncadd.s32 $0xFFFFC000  }
0x60: {  	[spmem:s1] =	stream.indirect.scatter.add.f32 [tilespmem:s18], [sflag:$0x3], $0x80, s23, s16, $0xb8;
	[tilespmem:$0x1EC00] =	vst v63  }
0x61: {  	_ =	swait.ge [sflag:s14], $0x4000  }
0x62: {  	[sflag:s14] =	ssyncset.done $0x0  }
0x63: {  	s30 =	simm.s32 $0x0;
	[sflag:s14] =	ssyncadd.s32 $0xFFFFC000  }
0x64: {  	[tilespmem:s30], [sflag:$0x3] =	stream.linear.gather [hbm4b:s9+s30], $0x1400, $0x38;
	[tilespmem:$0x1EC00] =	vst v63  }
0x65: {  	_ =	swait.ge [sflag:s14], $0x1400  }
0x66: {  	[sflag:s14] =	ssyncset.done $0x0  }
0x67: {  	[sflag:s14] =	ssyncadd.s32 $0xFFFFEC00  }
0x68: {  	[tilespmem:s15], [sflag:$0x3] =	stream.linear.gather [hbm4b:s10+s30], $0x1400, $0x38;
	[tilespmem:$0x1EC00] =	vst v63  }
0x69: {  	_ =	swait.ge [sflag:s14], $0x1400  }
0x6a: {  	[sflag:s14] =	ssyncset.done $0x0  }
0x6b: {  	[sflag:s14] =	ssyncadd.s32 $0xFFFFEC00  }
0x6c: {  	[tilespmem:s17], [sflag:$0x1] =	stream.indirect.gather [hbm4b:s4+s16], $0x80, s30, s16, $0xb8;
	[tilespmem:$0x1EC00] =	vst v63  }
0x6d: {  	s31 =	simm.s32 $0x80  }
0x6e: {  	[tilespmem:s18], [sflag:$0x2] =	stream.indirect.gather [hbm4b:s4+s16], $0x80, s31, s16, $0xb8;
	[tilespmem:$0x1EC00] =	vst v63  }
0x6f: {  	_ =	swait.ge [sflag:s19], $0x4000  }
0x70: {  	[sflag:s19] =	ssyncset.done $0x0  }
0x71: {  	s29 =	simm.s32 $0x1400;
	[sflag:s19] =	ssyncadd.s32 $0xFFFFC000  }
0x72: {  	[spmem:s1] =	stream.indirect.scatter.add.f32 [tilespmem:s17], [sflag:$0x3], $0x80, s29, s16, $0xb8;
	[tilespmem:$0x1EC00] =	vst v63  }
0x73: {  	_ =	swait.ge [sflag:s14], $0x4000  }
0x74: {  	[sflag:s14] =	ssyncset.done $0x0  }
0x75: {  	s30 =	simm.s32 $0x100;
	[sflag:s14] =	ssyncadd.s32 $0xFFFFC000  }
0x76: {  	[tilespmem:s17], [sflag:$0x1] =	stream.indirect.gather [hbm4b:s4+s16], $0x80, s30, s16, $0xb8;
	[tilespmem:$0x1EC00] =	vst v63  }
0x77: {  	_ =	swait.ge [sflag:s20], $0x4000  }
0x78: {  	[sflag:s20] =	ssyncset.done $0x0  }
0x79: {  	s31 =	simm.s32 $0x1480;
	[sflag:s20] =	ssyncadd.s32 $0xFFFFC000  }
0x7a: {  	[spmem:s1] =	stream.indirect.scatter.add.f32 [tilespmem:s18], [sflag:$0x3], $0x80, s31, s16, $0xb8;
	[tilespmem:$0x1EC00] =	vst v63  }
0x7b: {  	_ =	swait.ge [sflag:s14], $0x4000  }
0x7c: {  	s26 =	simm.s32 $0x100;
	s28 =	simm.s32 $0x800;
	[sflag:s14] =	ssyncset.done $0x0  }
.LBB2_4:
0x7d: {  	s29 =	sadd.s32 $0x80, s26  }
0x7e: {  	[sflag:s14] =	ssyncadd.s32 $0xFFFFC000;
	s30 =	smov.u32 s28;
	s31 =	sadd.s32 $0x400, s28  }
0x7f: {  	[tilespmem:s18], [sflag:$0x2] =	stream.indirect.gather [hbm4b:s4+s16], $0x80, s29, s16, $0xb8;
	[tilespmem:$0x1EC00] =	vst v63  }
0x80: {  	p0 =	sne.s32 s28, $0x4800;
	_ =	swait.ge [sflag:s19], $0x4000  }
0x81: {  	[sflag:s19] =	ssyncset.done $0x0  }
0x82: {  	s28 =	sadd.s32 $0x1400, s26;
	[sflag:s19] =	ssyncadd.s32 $0xFFFFC000  }
0x83: {  	[spmem:s1] =	stream.indirect.scatter.add.f32 [tilespmem:s17], [sflag:$0x3], $0x80, s28, s16, $0xb8;
	[tilespmem:$0x1EC00] =	vst v63  }
0x84: {  	_ =	swait.ge [sflag:s14], $0x4000  }
0x85: {  	[sflag:s14] =	ssyncset.done $0x0  }
0x86: {  	s28 =	sadd.s32 $0x100, s26;
	[sflag:s14] =	ssyncadd.s32 $0xFFFFC000  }
0x87: {  	[tilespmem:s17], [sflag:$0x1] =	stream.indirect.gather [hbm4b:s4+s16], $0x80, s28, s16, $0xb8;
	[tilespmem:$0x1EC00] =	vst v63  }
0x88: {  	_ =	swait.ge [sflag:s20], $0x4000  }
.Ltmp1:
0x89: {  	[sflag:s20] =	ssyncset.done $0x0;
	(pc) =	sbr.rel @p0 .LBB2_4-.Ltmp1, $4  }
0x8a: {  	s26 =	sadd.s32 $0x1480, s26;
	[sflag:s20] =	ssyncadd.s32 $0xFFFFC000  }
0x8b: {  	[spmem:s1] =	stream.indirect.scatter.add.f32 [tilespmem:s18], [sflag:$0x3], $0x80, s26, s16, $0xb8;
	[tilespmem:$0x1EC00] =	vst v63  }
0x8c: {  	_ =	swait.ge [sflag:s14], $0x4000  }
0x8d: {  	s28 =	smov.u32 s31;
	s26 =	sshra.s32 s30, $0x2;
	[sflag:s14] =	ssyncset.done $0x0  }
0x8e: {  	s28 =	sadd.s32 $0x80, s26;
	[sflag:s14] =	ssyncadd.s32 $0xFFFFC000  }
0x8f: {  	[tilespmem:s18], [sflag:$0x2] =	stream.indirect.gather [hbm4b:s4+s16], $0x80, s28, s16, $0xb8;
	[tilespmem:$0x1EC00] =	vst v63  }
0x90: {  	_ =	swait.ge [sflag:s19], $0x4000  }
0x91: {  	[sflag:s19] =	ssyncset.done $0x0  }
0x92: {  	s29 =	sadd.s32 $0x1400, s26;
	[sflag:s19] =	ssyncadd.s32 $0xFFFFC000  }
0x93: {  	[spmem:s1] =	stream.indirect.scatter.add.f32 [tilespmem:s17], [sflag:$0x3], $0x80, s29, s16, $0xb8;
	[tilespmem:$0x1EC00] =	vst v63  }
0x94: {  	_ =	swait.ge [sflag:s14], $0x4000  }
0x95: {  	[sflag:s14] =	ssyncset.done $0x0  }
0x96: {  	s30 =	sadd.s32 $0x100, s26;
	[sflag:s14] =	ssyncadd.s32 $0xFFFFC000  }
0x97: {  	[tilespmem:s17], [sflag:$0x1] =	stream.indirect.gather [hbm4b:s4+s16], $0x80, s30, s16, $0xb8;
	[tilespmem:$0x1EC00] =	vst v63  }
0x98: {  	_ =	swait.ge [sflag:s20], $0x4000  }
0x99: {  	[sflag:s20] =	ssyncset.done $0x0  }
0x9a: {  	s31 =	sadd.s32 $0x1480, s26;
	[sflag:s20] =	ssyncadd.s32 $0xFFFFC000  }
0x9b: {  	[spmem:s1] =	stream.indirect.scatter.add.f32 [tilespmem:s18], [sflag:$0x3], $0x80, s31, s16, $0xb8;
	[tilespmem:$0x1EC00] =	vst v63  }
0x9c: {  	_ =	swait.ge [sflag:s14], $0x4000  }
0x9d: {  	[sflag:s14] =	ssyncset.done $0x0  }
0x9e: {  	[sflag:s14] =	ssyncadd.s32 $0xFFFFC000  }
0x9f: {  	[tilespmem:s18], [sflag:$0x2] =	stream.indirect.gather [hbm4b:s4+s16], $0x80, s21, s16, $0xb8;
	[tilespmem:$0x1EC00] =	vst v63  }
0xa0: {  	_ =	swait.ge [sflag:s19], $0x4000  }
0xa1: {  	[sflag:s19] =	ssyncset.done $0x0  }
0xa2: {  	[sflag:s19] =	ssyncadd.s32 $0xFFFFC000  }
0xa3: {  	[spmem:s1] =	stream.indirect.scatter.add.f32 [tilespmem:s17], [sflag:$0x3], $0x80, s22, s16, $0xb8;
	[tilespmem:$0x1EC00] =	vst v63  }
0xa4: {  	_ =	swait.ge [sflag:s14], $0x4000  }
0xa5: {  	[sflag:s14] =	ssyncset.done $0x0  }
0xa6: {  	[sflag:s14] =	ssyncadd.s32 $0xFFFFC000  }
0xa7: {  	_ =	swait.ge [sflag:s20], $0x4000  }
0xa8: {  	[sflag:s20] =	ssyncset.done $0x0  }
0xa9: {  	[sflag:s20] =	ssyncadd.s32 $0xFFFFC000  }
0xaa: {  	[spmem:s1] =	stream.indirect.scatter.add.f32 [tilespmem:s18], [sflag:$0x3], $0x80, s23, s16, $0xb8;
	[tilespmem:$0x1EC00] =	vst v63  }
0xab: {  	_ =	swait.ge [sflag:s14], $0x4000  }
0xac: {  	s25 =	sadd.s32 $0x1, s25;
	[sflag:s14] =	ssyncset.done $0x0  }
0xad: {  	p0 =	sne.s32 s25, s12;
	[sflag:s14] =	ssyncadd.s32 $0xFFFFC000  }
.Ltmp2:
0xae: {  	[bflag:$0x0] =	sbarrier.arrive $0xFFFF;
	(pc) =	sbr.rel @p0 .LBB2_1-.Ltmp2, $4  }
0xaf: {  	[hbm:s11], [sflag:s6] =	dma.local [spmem:s24], $0x2800  }
0xb0: {  	_ =	swait.ge [sflag:s14], $0x2800  }
0xb1: {  	[sflag:s14] =	ssyncset.done $0x0  }
0xb2: {  	[sflag:s14] =	ssyncadd.s32 $0xFFFFD800  }
0xb3: {  	_ =	sfence.sel $0x180000  }
0xb4: {  	[bflag:$0x0] =	sbarrier.arrive $0xFFFF  }
0xb5: {  	p0 =	sne.s32 s2, $0x0;
	_ =	strace $0x9000004D  }
0xb6: {  	s0 =	sadd.s32 @!p0 $0x100000, s0;
	[bflag:$0x2] =	sbarrier.arrive $0xFFFF  }
0xb7: {  	[sflag:s0] =	ssyncadd.tile.s32 @!p0 $0x1;
	_ =	shalt  }
.Lfunc_end2:
_tile_overlayer_lowered:
.L_overlay_start_2:
0xb8: {  	(tag) =	ssettag $0x2  }
0xb9: {  	s0 =	rddreg [dreg:$0x0];
	s2 =	stileid.u32  }
0xba: {  	s1 =	rddreg [dreg:$0x1];
	p0 =	sne.s32 s2, $0x0  }
0xbb: {  	s3 =	rddreg [dreg:$0x2];
	[bflag:$0x3] =	sbarrier.arrive $0xFFFF;
	s2 =	simm.s32 @!p0 $0x1C03  }
0xbc: {  	[timem:s3], [sflag:s2] =	dma.local @!p0 [hbm:s0], s1  }
0xbd: {  	s0 =	simm.s32 @!p0 $0x3  }
0xbe: {  	_ =	swait.ge @!p0 [sflag:s0], s1  }
0xbf: {  	s1 =	ssub.s32 @!p0 $0x0, s1;
	[sflag:s0] =	ssyncset.done @!p0 $0x0  }
0xc0: {  	[sflag:s0] =	ssyncadd.s32 @!p0 s1  }
0xc1: {  	[bflag:$0x3] =	sbarrier.arrive $0xFFFF  }
0xc2: {  	_ =	shalt  }

// kernel: kernel.23.cloned.1.call-start
scs
__scs_entry_jumppad:
0x0: {  	(pc) =	sbr.rel $0x88, $3  }
0x1: {  	(tag) =	ssettag $0x0;
	lr =	simm.s32 $0x1  }
0x2: {  	[smem:$0x3F95] =	sst lr;
	_ =	strace $0xD0000000  }
0x3: {  	_ = 	snop  }
0x4: {  	_ = 	snop  }
0x5: {  	_ = 	snop  }
0x6: {  	_ = 	snop  }
0x7: {  	_ = 	snop  }
__scs_overlays_trampoline_lowered:
0x8: {  	[smem:$0x3FA4] =	sst s0  }
0x9: {  	[smem:$0x3FA5] =	sst s1  }
0xa: {  	[smem:$0x3FA6] =	sst s2  }
0xb: {  	[smem:$0x3FA7] =	sst s3  }
0xc: {  	[smem:$0x3FA8] =	sst s4  }
0xd: {  	[smem:$0x3FA9] =	sst s5  }
0xe: {  	[smem:$0x3FAA] =	sst s6  }
0xf: {  	[smem:$0x3FAB] =	sst s7  }
0x10: {  	[smem:$0x3FAC] =	sst s8  }
0x11: {  	[smem:$0x3FAD] =	sst s9;
	s0 =	simm.s32 @!p0 $0x0  }
0x12: {  	s1 =	sld [smem:$0x3F93];
	s0 =	simm.s32 @p0 $0x1  }
0x13: {  	[smem:$0x3FAE] =	sst s0;
	s0 =	simm.s32 @!p1 $0x0  }
0x14: {  	s2 =	sld [smem:$0x3F92];
	s0 =	simm.s32 @p1 $0x1  }
0x15: {  	[smem:$0x3FAF] =	sst s0;
	s0 =	simm.s32 @!p2 $0x0  }
0x16: {  	s3 =	sld [smem:$0x3FDB];
	s0 =	simm.s32 @p2 $0x1  }
0x17: {  	s4 =	simm.s32 $0x1BF5;
	[smem:$0x3FB1] =	sst s0  }
0x18: {  	s0 =	sld [smem:$0x3F94];
	_ =	swait.ge [sflag:s4], $0x0  }
0x19: {  	s7 =	sld [smem:$0x3F95]  }
0x1a: {  	s8 =	sadd.s32 $0xFFFFE003, lr  }
0x1b: {  	s9 =	sadd.s32 $0xFFFFFEF7, lr;
	s5 =	simm.s32 $0xFFFFFFFF;
	p2 =	slt.u32 s8, $0xFFFFF086  }
0x1c: {  	p1 =	slt.u32 s9, $0xF7A;
	s5 =	simm.s32 @!p2 $0x0  }
0x1d: {  	s5 =	simm.s32 @p1 $0x1;
	p0 =	seq.s32 s7, s2  }
0x1e: {  	s7 =	smul.u32 @!p0 $0xF7A, s2;
	p2 =	seq.s32 @!p0 s5, $0x0  }
0x1f: {  	s9 =	smul.u32 $0xF7A, s1;
	s8 =	simm.s32 @!p0 $0x1BF5;
	p2 =	por !p2, p0  }
0x20: {  	[sflag:s8] =	ssyncset.s32 @!p0 $0xFFFFF086;
	s6 =	sadd.s32 @!p0 s3, s7;
	s7 =	simm.s32 @!p0 $0x108  }
0x21: {  	s3 =	sadd.s32 s3, s9;
	s6 =	sadd.s32 @!p0 $0x88, s6;
	s7 =	simm.s32 @p2 $0x1082  }
0x22: {  	[simem:s7], [sflag:s8] =	dma.local @!p0 [hbm:s6], $0xF7A  }
0x23: {  	s9 =	sor.u32 $0xD0000000, s2;
	s6 =	simm.s32 $0x108;
	_ =	swait.ge @!p0 [sflag:s8], $0x0  }
0x24: {  	s3 =	sadd.s32 $0x88, s3;
	s6 =	simm.s32 @!p1 $0x1082;
	[sflag:s4] =	ssyncset.s32 $0xFFFFF086  }
0x25: {  	[simem:s6], [sflag:s4] =	dma.local [hbm:s3], $0xF7A  }
0x26: {  	[smem:$0x3F95] =	sst s1;
	(tag) =	ssettag s2;
	_ =	strace s9  }
0x27: {  	s1 =	sld [smem:$0x3FA5]  }
0x28: {  	s2 =	sld [smem:$0x3FA6]  }
0x29: {  	s4 =	sld [smem:$0x3FA8]  }
0x2a: {  	p0 =	seq.s32 s5, $0x0;
	s5 =	sld [smem:$0x3FA9]  }
0x2b: {  	s6 =	sld [smem:$0x3FAA]  }
0x2c: {  	s7 =	sld [smem:$0x3FAB]  }
0x2d: {  	s3 =	simm.s32 $0x108;
	s8 =	sld [smem:$0x3FAC]  }
0x2e: {  	s3 =	simm.s32 @!p0 $0x1082;
	s9 =	sld [smem:$0x3FAD]  }
0x2f: {  	lr =	sadd.s32 s0, s3;
	s0 =	sld [smem:$0x3FA4]  }
0x30: {  	s3 =	sld [smem:$0x3FA7]  }
0x31: {  	[smem:$0x3FB0] =	sst s10  }
0x32: {  	s10 =	sld [smem:$0x3FAE];
	_ =	sdelay $0x3  }
0x33: {  	p0 =	seq.s32 s10, $0x1;
	s10 =	sld [smem:$0x3FB0];
	_ =	sdelay $0x3  }
0x34: {  	[smem:$0x3FB0] =	sst s10  }
0x35: {  	s10 =	sld [smem:$0x3FAF];
	_ =	sdelay $0x3  }
0x36: {  	p1 =	seq.s32 s10, $0x1;
	s10 =	sld [smem:$0x3FB0];
	_ =	sdelay $0x3  }
0x37: {  	[smem:$0x3FB0] =	sst s10  }
0x38: {  	s10 =	sld [smem:$0x3FB1]  }
0x39: {  	_ = 	snop;
	(pc) =	sbr.ind lr, $3  }
0x3a: {  	_ = 	snop  }
0x3b: {  	_ = 	snop  }
0x3c: {  	p2 =	seq.s32 s10, $0x1;
	s10 =	sld [smem:$0x3FB0]  }
0x3d: {  	_ =	shalt  }
0x3e: {  	_ =	shalt  }
0x3f: {  	_ =	shalt  }
0x40: {  	_ =	shalt  }
0x41: {  	_ =	shalt  }
0x42: {  	_ =	shalt  }
0x43: {  	_ =	shalt  }
0x44: {  	_ =	shalt  }
0x45: {  	_ =	shalt  }
0x46: {  	_ =	shalt  }
0x47: {  	_ =	shalt  }
0x48: {  	_ =	shalt  }
0x49: {  	_ =	shalt  }
0x4a: {  	_ =	shalt  }
0x4b: {  	_ =	shalt  }
0x4c: {  	_ =	shalt  }
0x4d: {  	_ =	shalt  }
0x4e: {  	_ =	shalt  }
0x4f: {  	_ =	shalt  }
0x50: {  	_ =	shalt  }
0x51: {  	_ =	shalt  }
0x52: {  	_ =	shalt  }
0x53: {  	_ =	shalt  }
0x54: {  	_ =	shalt  }
0x55: {  	_ =	shalt  }
0x56: {  	_ =	shalt  }
0x57: {  	_ =	shalt  }
0x58: {  	_ =	shalt  }
0x59: {  	_ =	shalt  }
0x5a: {  	_ =	shalt  }
0x5b: {  	_ =	shalt  }
0x5c: {  	_ =	shalt  }
0x5d: {  	_ =	shalt  }
0x5e: {  	_ =	shalt  }
0x5f: {  	_ =	shalt  }
0x60: {  	_ =	shalt  }
0x61: {  	_ =	shalt  }
0x62: {  	_ =	shalt  }
0x63: {  	_ =	shalt  }
0x64: {  	_ =	shalt  }
0x65: {  	_ =	shalt  }
0x66: {  	_ =	shalt  }
0x67: {  	_ =	shalt  }
0x68: {  	_ =	shalt  }
0x69: {  	_ =	shalt  }
0x6a: {  	_ =	shalt  }
0x6b: {  	_ =	shalt  }
0x6c: {  	_ =	shalt  }
0x6d: {  	_ =	shalt  }
0x6e: {  	_ =	shalt  }
0x6f: {  	_ =	shalt  }
0x70: {  	_ =	shalt  }
0x71: {  	_ =	shalt  }
0x72: {  	_ =	shalt  }
0x73: {  	_ =	shalt  }
0x74: {  	_ =	shalt  }
0x75: {  	_ =	shalt  }
0x76: {  	_ =	shalt  }
0x77: {  	_ =	shalt  }
0x78: {  	_ =	shalt  }
0x79: {  	_ =	shalt  }
0x7a: {  	_ =	shalt  }
0x7b: {  	_ =	shalt  }
0x7c: {  	_ =	shalt  }
0x7d: {  	_ =	shalt  }
0x7e: {  	_ =	shalt  }
0x7f: {  	_ =	shalt  }
0x80: {  	_ =	shalt  }
0x81: {  	_ =	shalt  }
0x82: {  	_ =	shalt  }
0x83: {  	_ =	shalt  }
0x84: {  	_ =	shalt  }
0x85: {  	_ =	shalt  }
0x86: {  	_ =	shalt  }
0x87: {  	_ =	shalt  }
.Lfunc_end0:
.L_simem_size_0:
called_computation.3_lowered:
.L_overlay_start_0:
0x88: {  	s2 =	sld [smem:$0x3FD9]  }
0x89: {  	s3 =	sld [smem:$0x3FFE];
	_ =	sdelay $0x1  }
0x8a: {  	s1 =	srdreg.scid  }
0x8b: {  	s0 =	sand.u32 $0x1, s1  }
0x8c: {  	s17 =	sshll.u32 s0, $0xA;
	s2 =	sadd.s32 s3, s2  }
0x8d: {  	s2 =	sadd.s32 s2, s17  }
0x8e: {  	[smem:$0x3FBC] =	sst s2  }
0x8f: {  	_ = 	snop  }
0x90: {  	s2 =	sld [smem:$0x3FD0];
	(tm) =	ssettm $0x1  }
0x91: {  	s18 =	sld [smem:$0x3FFB];
	_ =	sdelay $0x3  }
0x92: {  	_ =	strace s18  }
0x93: {  	s3 =	sld [smem:$0x3FFC];
	_ =	sdelay $0x3  }
0x94: {  	_ =	strace s3  }
0x95: {  	s3 =	sld [smem:$0x3FFD];
	_ =	sdelay $0x3  }
0x96: {  	_ =	strace s3  }
0x97: {  	_ =	strace $0x8FFFFFFF  }
0x98: {  	s19 =	sld [smem:$0x3FDB];
	_ =	sdelay $0x1  }
0x99: {  	s4 =	simm.s32 $_scs_section_size  }
0x9a: {  	s5 =	simm.s32 $_size__tile_overlayer_lowered;
	s6 =	simm.s32 $_tile_overlayer_lowered  }
0x9b: {  	s22 =	simm.s32 $0x1BFF;
	s21 =	sshll.u32 s6, $0x1;
	s3 =	sadd.s32 s4, s19  }
0x9c: {  	s7 =	simm.s32 $0x0;
	s20 =	sshll.u32 s5, $0x1;
	s5 =	sadd.s32 s21, s3  }
0x9d: {  	[timem:s7], [sflag:s22] =	dma.local [hbm:s5], s20  }
0x9e: {  	_ =	swait.ge [sflag:s22], s20  }
0x9f: {  	s4 =	ssub.s32 $0x0, s20;
	[sflag:s22] =	ssyncset.done $0x0  }
0xa0: {  	[sflag:s22] =	ssyncadd.s32 s4;
	_ =	sdelay $0x1  }
0xa1: {  	s23 =	simm.s32 $0x1B8B  }
0xa2: {  	_ =	swait.ge [sflag:s23], $0x1  }
0xa3: {  	[sflag:s23] =	ssyncset.done $0x0  }
0xa4: {  	s25 =	simm.s32 $0x1B8E;
	s24 =	sld [smem:$0x3FFE];
	[sflag:s23] =	ssyncadd.s32 $0xFFFFFFFF  }
0xa5: {  	s26 =	simm.s32 $execute0_lowered;
	[smem:$0x3FD2] =	sst s25  }
0xa6: {  	s5 =	sshll.u32 s26, $0x1;
	_ =	strace $0x8000004F;
	[dreg:$0x1] =	wrdreg $0xFFFFFFFF  }
0xa7: {  	s28 =	simm.s32 $_size_execute0_lowered;
	s3 =	sadd.s32 s3, s5;
	[dreg:$0x0] =	wrdreg $0x0  }
0xa8: {  	s5 =	sshll.u32 s28, $0x1;
	[dreg:$0x2] =	wrdreg s3  }
0xa9: {  	[dreg:$0x3] =	wrdreg s5  }
0xaa: {  	[dreg:$0x4] =	wrdreg $0xC0  }
0xab: {  	_ =	task [dreg:s7], $0x5FFFF  }
0xac: {  	[dreg:$0x1] =	wrdreg $0xFFFFFFFF  }
0xad: {  	[dreg:$0x0] =	wrdreg $0x60  }
0xae: {  	[dreg:$0x2] =	wrdreg s24  }
0xaf: {  	[dreg:$0x3] =	wrdreg s2  }
0xb0: {  	[dreg:$0x4] =	wrdreg $0xA8000  }
0xb1: {  	[dreg:$0x5] =	wrdreg $0x9  }
0xb2: {  	_ =	task.clear_ibuf [dreg:s7], $0x6FFFF;
	_ =	strace $0x9000004F  }
0xb3: {  	s29 =	simm.s32 $0x9;
	_ =	strace $0x80000051  }
0xb4: {  	_ =	swait.ge [sflag:s29], $0x1  }
0xb5: {  	[sflag:s29] =	ssyncadd.s32 $0xFFFFFFFF  }
0xb6: {  	_ =	strace $0x90000051  }
0xb7: {  	_ =	sfence  }
0xb8: {  	s30 =	sld [smem:$0x0];
	_ =	sdelay $0x2  }
0xb9: {  	s31 =	sshll.u32 s1, $0xD;
	s1 =	sshrl.u32 s1, $0x2  }
0xba: {  	s3 =	sand.u32 $0x4000, s31;
	s1 =	sadd.s32 s1, s30  }
0xbb: {  	s0 =	sor.u32 s3, s0;
	s1 =	sshll.u32 s1, $0x11  }
0xbc: {  	s0 =	sor.u32 s1, s0  }
0xbd: {  	s0 =	sadd.s32 $0x8F2B, s0  }
0xbe: {  	[sflag:s0] =	ssyncadd.remote.s32 $0x1  }
0xbf: {  	_ =	sfence.sel $0xFFFF  }
0xc0: {  	[dreg:$0x0] =	wrdreg $0xFFFFFFFF;
	(pc) =	sbr.abs _section_cstart, $3  }
0xc1: {  	[dreg:$0x1] =	wrdreg $0xFFFFFFFF  }
0xc2: {  	_ =	task.clear_ibuf [dreg:s7], $0x2FFFF;
	_ =	strace $0x9FFFFFFF  }
0xc3: {  	(tm) =	ssettm $0x7FFFFFFF  }
tec
execute0_lowered:
.L_overlay_start_1:
0x0: {  	(tag) =	ssettag $0x1  }
0x1: {  	s6 =	rddreg [dreg:$0x0]  }
0x2: {  	s9 =	rddreg [dreg:$0x1]  }
0x3: {  	s1 =	rddreg [dreg:$0x2]  }
0x4: {  	s0 =	rddreg [dreg:$0x3];
	s3 =	simm.s32 $0x0;
	s2 =	srdreg.scid  }
0x5: {  	s17 =	simm.s32 $0x2800;
	s18 =	simm.s32 $0x6800;
	s19 =	simm.s32 $0x1  }
0x6: {  	s20 =	simm.s32 $0x2;
	s21 =	simm.s32 $0x1380;
	s22 =	simm.s32 $0x2700  }
0x7: {  	s23 =	simm.s32 $0x2780;
	[smem:$0x7FF] =	sst s3;
	s7 =	sand.u32 $0x1, s2  }
0x8: {  	s2 =	stileid.u32;
	s4 =	sadd.s32 $0x17E00, s6;
	s8 =	smul.u32 $0x140000, s7  }
0x9: {  	s11 =	sadd.s32 $0xDE00, s6;
	s5 =	sadd.s32 $0x3E00, s6;
	s10 =	smul.u32 $0x14000, s2  }
0xa: {  	_ =	strace $0x80000050;
	s25 =	sshll.u32 s7, $0x4;
	s12 =	smul.u32 $0x51000, s2  }
0xb: {  	s7 =	ssub.s32 $0x2, s7;
	s26 =	sshll.u32 s2, $0x6;
	s31 =	smul.u32 $0x50000, s2  }
0xc: {  	s13 =	sshrl.u32 s7, $0x1;
	s8 =	sadd.s32 s10, s8;
	s10 =	sor.u32 s2, s25  }
0xd: {  	s12 =	sshrl.u32 s12, $0x2;
	s13 =	ssub.s32 s7, s13;
	s25 =	simm.s32 $0x0  }
0xe: {  	s8 =	sshrl.u32 s8, $0x3;
	s14 =	smul.u32 $0x2800, s10;
	s16 =	sadd.s32 s12, s1  }
0xf: {  	s28 =	smul.u32 $0x500, s10;
	s12 =	sshrl.u32 s31, $0x2;
	s15 =	sadd.s32 s8, s6  }
0x10: {  	s6 =	sor.u32 $0x1C03, s26;
	s24 =	sadd.s32 s12, s1;
	s12 =	smax.u32 s13, $0x1  }
0x11: {  	s13 =	sshrl.u32 s16, $0x3;
	s16 =	simm.s32 $0x80;
	s29 =	sshrl.u32 s14, $0x3  }
0x12: {  	s7 =	sadd.s32 s9, s28;
	s8 =	sadd.s32 s11, s28;
	s30 =	sadd.s32 $0x280, s29  }
0x13: {  	s14 =	simm.s32 $0x3;
	s24 =	sshrl.u32 s24, $0x3;
	s9 =	sadd.s32 s9, s30  }
0x14: {  	s10 =	sadd.s32 s11, s30;
	s11 =	sadd.s32 $0x3FE00, s15;
	s15 =	simm.s32 $0x1400  }
.LBB2_1:
0x15: {  	[spmem:s13], [sflag:s6] =	dma.local [hbm:s5], $0x2880  }
0x16: {  	_ =	swait.ge [sflag:s14], $0x2880  }
0x17: {  	[sflag:s14] =	ssyncset.done $0x0  }
0x18: {  	[sflag:s14] =	ssyncadd.s32 $0xFFFFD780  }
0x19: {  	[bflag:$0x0] =	sbarrier.arrive $0xFFFF  }
0x1a: {  	[tilespmem:s3], [sflag:$0x3] =	stream.linear.gather [hbm4b:s7+s3], $0x1400, $0x38;
	[tilespmem:$0x1EC00] =	vst v63  }
0x1b: {  	_ =	swait.ge [sflag:s14], $0x1400  }
0x1c: {  	[sflag:s14] =	ssyncset.done $0x0  }
0x1d: {  	[sflag:s14] =	ssyncadd.s32 $0xFFFFEC00  }
0x1e: {  	[tilespmem:s15], [sflag:$0x3] =	stream.linear.gather [hbm4b:s8+s3], $0x1400, $0x38;
	[tilespmem:$0x1EC00] =	vst v63  }
0x1f: {  	_ =	swait.ge [sflag:s14], $0x1400  }
0x20: {  	[sflag:s14] =	ssyncset.done $0x0  }
0x21: {  	[sflag:s14] =	ssyncadd.s32 $0xFFFFEC00  }
0x22: {  	[tilespmem:s17], [sflag:$0x1] =	stream.indirect.gather [hbm4b:s4+s16], $0x80, s3, s16, $0xb8;
	[tilespmem:$0x1EC00] =	vst v63  }
0x23: {  	s26 =	simm.s32 $0x80  }
0x24: {  	[tilespmem:s18], [sflag:$0x2] =	stream.indirect.gather [hbm4b:s4+s16], $0x80, s26, s16, $0xb8;
	[tilespmem:$0x1EC00] =	vst v63  }
0x25: {  	_ =	swait.ge [sflag:s19], $0x4000  }
0x26: {  	[sflag:s19] =	ssyncset.done $0x0  }
0x27: {  	s29 =	simm.s32 $0x1400;
	[sflag:s19] =	ssyncadd.s32 $0xFFFFC000  }
0x28: {  	[spmem:s1] =	stream.indirect.scatter.add.f32 [tilespmem:s17], [sflag:$0x3], $0x80, s29, s16, $0xb8;
	[tilespmem:$0x1EC00] =	vst v63  }
0x29: {  	_ =	swait.ge [sflag:s14], $0x4000  }
0x2a: {  	[sflag:s14] =	ssyncset.done $0x0  }
0x2b: {  	s30 =	simm.s32 $0x100;
	[sflag:s14] =	ssyncadd.s32 $0xFFFFC000  }
0x2c: {  	[tilespmem:s17], [sflag:$0x1] =	stream.indirect.gather [hbm4b:s4+s16], $0x80, s30, s16, $0xb8;
	[tilespmem:$0x1EC00] =	vst v63  }
0x2d: {  	_ =	swait.ge [sflag:s20], $0x4000  }
0x2e: {  	[sflag:s20] =	ssyncset.done $0x0  }
0x2f: {  	s31 =	simm.s32 $0x1480;
	[sflag:s20] =	ssyncadd.s32 $0xFFFFC000  }
0x30: {  	[spmem:s1] =	stream.indirect.scatter.add.f32 [tilespmem:s18], [sflag:$0x3], $0x80, s31, s16, $0xb8;
	[tilespmem:$0x1EC00] =	vst v63  }
0x31: {  	_ =	swait.ge [sflag:s14], $0x4000  }
0x32: {  	s28 =	simm.s32 $0x800;
	s26 =	simm.s32 $0x100;
	[sflag:s14] =	ssyncset.done $0x0  }
.LBB2_2:
0x33: {  	s29 =	sadd.s32 $0x80, s26  }
0x34: {  	[sflag:s14] =	ssyncadd.s32 $0xFFFFC000;
	s30 =	smov.u32 s28;
	s31 =	sadd.s32 $0x400, s28  }
0x35: {  	[tilespmem:s18], [sflag:$0x2] =	stream.indirect.gather [hbm4b:s4+s16], $0x80, s29, s16, $0xb8;
	[tilespmem:$0x1EC00] =	vst v63  }
0x36: {  	p0 =	sne.s32 s28, $0x4800;
	_ =	swait.ge [sflag:s19], $0x4000  }
0x37: {  	[sflag:s19] =	ssyncset.done $0x0  }
0x38: {  	s28 =	sadd.s32 $0x1400, s26;
	[sflag:s19] =	ssyncadd.s32 $0xFFFFC000  }
0x39: {  	[spmem:s1] =	stream.indirect.scatter.add.f32 [tilespmem:s17], [sflag:$0x3], $0x80, s28, s16, $0xb8;
	[tilespmem:$0x1EC00] =	vst v63  }
0x3a: {  	_ =	swait.ge [sflag:s14], $0x4000  }
0x3b: {  	[sflag:s14] =	ssyncset.done $0x0  }
0x3c: {  	s28 =	sadd.s32 $0x100, s26;
	[sflag:s14] =	ssyncadd.s32 $0xFFFFC000  }
0x3d: {  	[tilespmem:s17], [sflag:$0x1] =	stream.indirect.gather [hbm4b:s4+s16], $0x80, s28, s16, $0xb8;
	[tilespmem:$0x1EC00] =	vst v63  }
0x3e: {  	_ =	swait.ge [sflag:s20], $0x4000  }
.Ltmp0:
0x3f: {  	[sflag:s20] =	ssyncset.done $0x0;
	(pc) =	sbr.rel @p0 .LBB2_2-.Ltmp0, $4  }
0x40: {  	s26 =	sadd.s32 $0x1480, s26;
	[sflag:s20] =	ssyncadd.s32 $0xFFFFC000  }
0x41: {  	[spmem:s1] =	stream.indirect.scatter.add.f32 [tilespmem:s18], [sflag:$0x3], $0x80, s26, s16, $0xb8;
	[tilespmem:$0x1EC00] =	vst v63  }
0x42: {  	_ =	swait.ge [sflag:s14], $0x4000  }
0x43: {  	s28 =	smov.u32 s31;
	s26 =	sshra.s32 s30, $0x2;
	[sflag:s14] =	ssyncset.done $0x0  }
0x44: {  	s28 =	sadd.s32 $0x80, s26;
	[sflag:s14] =	ssyncadd.s32 $0xFFFFC000  }
0x45: {  	[tilespmem:s18], [sflag:$0x2] =	stream.indirect.gather [hbm4b:s4+s16], $0x80, s28, s16, $0xb8;
	[tilespmem:$0x1EC00] =	vst v63  }
0x46: {  	_ =	swait.ge [sflag:s19], $0x4000  }
0x47: {  	[sflag:s19] =	ssyncset.done $0x0  }
0x48: {  	s28 =	sadd.s32 $0x1400, s26;
	[sflag:s19] =	ssyncadd.s32 $0xFFFFC000  }
0x49: {  	[spmem:s1] =	stream.indirect.scatter.add.f32 [tilespmem:s17], [sflag:$0x3], $0x80, s28, s16, $0xb8;
	[tilespmem:$0x1EC00] =	vst v63  }
0x4a: {  	_ =	swait.ge [sflag:s14], $0x4000  }
0x4b: {  	[sflag:s14] =	ssyncset.done $0x0  }
0x4c: {  	s28 =	sadd.s32 $0x100, s26;
	[sflag:s14] =	ssyncadd.s32 $0xFFFFC000  }
0x4d: {  	[tilespmem:s17], [sflag:$0x1] =	stream.indirect.gather [hbm4b:s4+s16], $0x80, s28, s16, $0xb8;
	[tilespmem:$0x1EC00] =	vst v63  }
0x4e: {  	_ =	swait.ge [sflag:s20], $0x4000  }
0x4f: {  	[sflag:s20] =	ssyncset.done $0x0  }
0x50: {  	s29 =	sadd.s32 $0x1480, s26;
	[sflag:s20] =	ssyncadd.s32 $0xFFFFC000  }
0x51: {  	[spmem:s1] =	stream.indirect.scatter.add.f32 [tilespmem:s18], [sflag:$0x3], $0x80, s29, s16, $0xb8;
	[tilespmem:$0x1EC00] =	vst v63  }
0x52: {  	_ =	swait.ge [sflag:s14], $0x4000  }
0x53: {  	[sflag:s14] =	ssyncset.done $0x0  }
0x54: {  	[sflag:s14] =	ssyncadd.s32 $0xFFFFC000  }
0x55: {  	[tilespmem:s18], [sflag:$0x2] =	stream.indirect.gather [hbm4b:s4+s16], $0x80, s21, s16, $0xb8;
	[tilespmem:$0x1EC00] =	vst v63  }
0x56: {  	_ =	swait.ge [sflag:s19], $0x4000  }
0x57: {  	[sflag:s19] =	ssyncset.done $0x0  }
0x58: {  	[sflag:s19] =	ssyncadd.s32 $0xFFFFC000  }
0x59: {  	[spmem:s1] =	stream.indirect.scatter.add.f32 [tilespmem:s17], [sflag:$0x3], $0x80, s22, s16, $0xb8;
	[tilespmem:$0x1EC00] =	vst v63  }
0x5a: {  	_ =	swait.ge [sflag:s14], $0x4000  }
0x5b: {  	[sflag:s14] =	ssyncset.done $0x0  }
0x5c: {  	[sflag:s14] =	ssyncadd.s32 $0xFFFFC000  }
0x5d: {  	_ =	swait.ge [sflag:s20], $0x4000  }
0x5e: {  	[sflag:s20] =	ssyncset.done $0x0  }
0x5f: {  	[sflag:s20] =	ssyncadd.s32 $0xFFFFC000  }
0x60: {  	[spmem:s1] =	stream.indirect.scatter.add.f32 [tilespmem:s18], [sflag:$0x3], $0x80, s23, s16, $0xb8;
	[tilespmem:$0x1EC00] =	vst v63  }
0x61: {  	_ =	swait.ge [sflag:s14], $0x4000  }
0x62: {  	[sflag:s14] =	ssyncset.done $0x0  }
0x63: {  	s30 =	simm.s32 $0x0;
	[sflag:s14] =	ssyncadd.s32 $0xFFFFC000  }
0x64: {  	[tilespmem:s30], [sflag:$0x3] =	stream.linear.gather [hbm4b:s9+s30], $0x1400, $0x38;
	[tilespmem:$0x1EC00] =	vst v63  }
0x65: {  	_ =	swait.ge [sflag:s14], $0x1400  }
0x66: {  	[sflag:s14] =	ssyncset.done $0x0  }
0x67: {  	[sflag:s14] =	ssyncadd.s32 $0xFFFFEC00  }
0x68: {  	[tilespmem:s15], [sflag:$0x3] =	stream.linear.gather [hbm4b:s10+s30], $0x1400, $0x38;
	[tilespmem:$0x1EC00] =	vst v63  }
0x69: {  	_ =	swait.ge [sflag:s14], $0x1400  }
0x6a: {  	[sflag:s14] =	ssyncset.done $0x0  }
0x6b: {  	[sflag:s14] =	ssyncadd.s32 $0xFFFFEC00  }
0x6c: {  	[tilespmem:s17], [sflag:$0x1] =	stream.indirect.gather [hbm4b:s4+s16], $0x80, s30, s16, $0xb8;
	[tilespmem:$0x1EC00] =	vst v63  }
0x6d: {  	s31 =	simm.s32 $0x80  }
0x6e: {  	[tilespmem:s18], [sflag:$0x2] =	stream.indirect.gather [hbm4b:s4+s16], $0x80, s31, s16, $0xb8;
	[tilespmem:$0x1EC00] =	vst v63  }
0x6f: {  	_ =	swait.ge [sflag:s19], $0x4000  }
0x70: {  	[sflag:s19] =	ssyncset.done $0x0  }
0x71: {  	s29 =	simm.s32 $0x1400;
	[sflag:s19] =	ssyncadd.s32 $0xFFFFC000  }
0x72: {  	[spmem:s1] =	stream.indirect.scatter.add.f32 [tilespmem:s17], [sflag:$0x3], $0x80, s29, s16, $0xb8;
	[tilespmem:$0x1EC00] =	vst v63  }
0x73: {  	_ =	swait.ge [sflag:s14], $0x4000  }
0x74: {  	[sflag:s14] =	ssyncset.done $0x0  }
0x75: {  	s30 =	simm.s32 $0x100;
	[sflag:s14] =	ssyncadd.s32 $0xFFFFC000  }
0x76: {  	[tilespmem:s17], [sflag:$0x1] =	stream.indirect.gather [hbm4b:s4+s16], $0x80, s30, s16, $0xb8;
	[tilespmem:$0x1EC00] =	vst v63  }
0x77: {  	_ =	swait.ge [sflag:s20], $0x4000  }
0x78: {  	[sflag:s20] =	ssyncset.done $0x0  }
0x79: {  	s31 =	simm.s32 $0x1480;
	[sflag:s20] =	ssyncadd.s32 $0xFFFFC000  }
0x7a: {  	[spmem:s1] =	stream.indirect.scatter.add.f32 [tilespmem:s18], [sflag:$0x3], $0x80, s31, s16, $0xb8;
	[tilespmem:$0x1EC00] =	vst v63  }
0x7b: {  	_ =	swait.ge [sflag:s14], $0x4000  }
0x7c: {  	s26 =	simm.s32 $0x100;
	s28 =	simm.s32 $0x800;
	[sflag:s14] =	ssyncset.done $0x0  }
.LBB2_4:
0x7d: {  	s29 =	sadd.s32 $0x80, s26  }
0x7e: {  	[sflag:s14] =	ssyncadd.s32 $0xFFFFC000;
	s30 =	smov.u32 s28;
	s31 =	sadd.s32 $0x400, s28  }
0x7f: {  	[tilespmem:s18], [sflag:$0x2] =	stream.indirect.gather [hbm4b:s4+s16], $0x80, s29, s16, $0xb8;
	[tilespmem:$0x1EC00] =	vst v63  }
0x80: {  	p0 =	sne.s32 s28, $0x4800;
	_ =	swait.ge [sflag:s19], $0x4000  }
0x81: {  	[sflag:s19] =	ssyncset.done $0x0  }
0x82: {  	s28 =	sadd.s32 $0x1400, s26;
	[sflag:s19] =	ssyncadd.s32 $0xFFFFC000  }
0x83: {  	[spmem:s1] =	stream.indirect.scatter.add.f32 [tilespmem:s17], [sflag:$0x3], $0x80, s28, s16, $0xb8;
	[tilespmem:$0x1EC00] =	vst v63  }
0x84: {  	_ =	swait.ge [sflag:s14], $0x4000  }
0x85: {  	[sflag:s14] =	ssyncset.done $0x0  }
0x86: {  	s28 =	sadd.s32 $0x100, s26;
	[sflag:s14] =	ssyncadd.s32 $0xFFFFC000  }
0x87: {  	[tilespmem:s17], [sflag:$0x1] =	stream.indirect.gather [hbm4b:s4+s16], $0x80, s28, s16, $0xb8;
	[tilespmem:$0x1EC00] =	vst v63  }
0x88: {  	_ =	swait.ge [sflag:s20], $0x4000  }
.Ltmp1:
0x89: {  	[sflag:s20] =	ssyncset.done $0x0;
	(pc) =	sbr.rel @p0 .LBB2_4-.Ltmp1, $4  }
0x8a: {  	s26 =	sadd.s32 $0x1480, s26;
	[sflag:s20] =	ssyncadd.s32 $0xFFFFC000  }
0x8b: {  	[spmem:s1] =	stream.indirect.scatter.add.f32 [tilespmem:s18], [sflag:$0x3], $0x80, s26, s16, $0xb8;
	[tilespmem:$0x1EC00] =	vst v63  }
0x8c: {  	_ =	swait.ge [sflag:s14], $0x4000  }
0x8d: {  	s28 =	smov.u32 s31;
	s26 =	sshra.s32 s30, $0x2;
	[sflag:s14] =	ssyncset.done $0x0  }
0x8e: {  	s28 =	sadd.s32 $0x80, s26;
	[sflag:s14] =	ssyncadd.s32 $0xFFFFC000  }
0x8f: {  	[tilespmem:s18], [sflag:$0x2] =	stream.indirect.gather [hbm4b:s4+s16], $0x80, s28, s16, $0xb8;
	[tilespmem:$0x1EC00] =	vst v63  }
0x90: {  	_ =	swait.ge [sflag:s19], $0x4000  }
0x91: {  	[sflag:s19] =	ssyncset.done $0x0  }
0x92: {  	s29 =	sadd.s32 $0x1400, s26;
	[sflag:s19] =	ssyncadd.s32 $0xFFFFC000  }
0x93: {  	[spmem:s1] =	stream.indirect.scatter.add.f32 [tilespmem:s17], [sflag:$0x3], $0x80, s29, s16, $0xb8;
	[tilespmem:$0x1EC00] =	vst v63  }
0x94: {  	_ =	swait.ge [sflag:s14], $0x4000  }
0x95: {  	[sflag:s14] =	ssyncset.done $0x0  }
0x96: {  	s30 =	sadd.s32 $0x100, s26;
	[sflag:s14] =	ssyncadd.s32 $0xFFFFC000  }
0x97: {  	[tilespmem:s17], [sflag:$0x1] =	stream.indirect.gather [hbm4b:s4+s16], $0x80, s30, s16, $0xb8;
	[tilespmem:$0x1EC00] =	vst v63  }
0x98: {  	_ =	swait.ge [sflag:s20], $0x4000  }
0x99: {  	[sflag:s20] =	ssyncset.done $0x0  }
0x9a: {  	s31 =	sadd.s32 $0x1480, s26;
	[sflag:s20] =	ssyncadd.s32 $0xFFFFC000  }
0x9b: {  	[spmem:s1] =	stream.indirect.scatter.add.f32 [tilespmem:s18], [sflag:$0x3], $0x80, s31, s16, $0xb8;
	[tilespmem:$0x1EC00] =	vst v63  }
0x9c: {  	_ =	swait.ge [sflag:s14], $0x4000  }
0x9d: {  	[sflag:s14] =	ssyncset.done $0x0  }
0x9e: {  	[sflag:s14] =	ssyncadd.s32 $0xFFFFC000  }
0x9f: {  	[tilespmem:s18], [sflag:$0x2] =	stream.indirect.gather [hbm4b:s4+s16], $0x80, s21, s16, $0xb8;
	[tilespmem:$0x1EC00] =	vst v63  }
0xa0: {  	_ =	swait.ge [sflag:s19], $0x4000  }
0xa1: {  	[sflag:s19] =	ssyncset.done $0x0  }
0xa2: {  	[sflag:s19] =	ssyncadd.s32 $0xFFFFC000  }
0xa3: {  	[spmem:s1] =	stream.indirect.scatter.add.f32 [tilespmem:s17], [sflag:$0x3], $0x80, s22, s16, $0xb8;
	[tilespmem:$0x1EC00] =	vst v63  }
0xa4: {  	_ =	swait.ge [sflag:s14], $0x4000  }
0xa5: {  	[sflag:s14] =	ssyncset.done $0x0  }
0xa6: {  	[sflag:s14] =	ssyncadd.s32 $0xFFFFC000  }
0xa7: {  	_ =	swait.ge [sflag:s20], $0x4000  }
0xa8: {  	[sflag:s20] =	ssyncset.done $0x0  }
0xa9: {  	[sflag:s20] =	ssyncadd.s32 $0xFFFFC000  }
0xaa: {  	[spmem:s1] =	stream.indirect.scatter.add.f32 [tilespmem:s18], [sflag:$0x3], $0x80, s23, s16, $0xb8;
	[tilespmem:$0x1EC00] =	vst v63  }
0xab: {  	_ =	swait.ge [sflag:s14], $0x4000  }
0xac: {  	s25 =	sadd.s32 $0x1, s25;
	[sflag:s14] =	ssyncset.done $0x0  }
0xad: {  	p0 =	sne.s32 s25, s12;
	[sflag:s14] =	ssyncadd.s32 $0xFFFFC000  }
.Ltmp2:
0xae: {  	[bflag:$0x0] =	sbarrier.arrive $0xFFFF;
	(pc) =	sbr.rel @p0 .LBB2_1-.Ltmp2, $4  }
0xaf: {  	[hbm:s11], [sflag:s6] =	dma.local [spmem:s24], $0x2800  }
0xb0: {  	_ =	swait.ge [sflag:s14], $0x2800  }
0xb1: {  	[sflag:s14] =	ssyncset.done $0x0  }
0xb2: {  	[sflag:s14] =	ssyncadd.s32 $0xFFFFD800  }
0xb3: {  	_ =	sfence.sel $0x180000  }
0xb4: {  	[bflag:$0x0] =	sbarrier.arrive $0xFFFF  }
0xb5: {  	p0 =	sne.s32 s2, $0x0;
	_ =	strace $0x90000050  }
0xb6: {  	s0 =	sadd.s32 @!p0 $0x100000, s0;
	[bflag:$0x2] =	sbarrier.arrive $0xFFFF  }
0xb7: {  	[sflag:s0] =	ssyncadd.tile.s32 @!p0 $0x1;
	_ =	shalt  }
.Lfunc_end2:
_tile_overlayer_lowered:
.L_overlay_start_2:
0xb8: {  	(tag) =	ssettag $0x2  }
0xb9: {  	s0 =	rddreg [dreg:$0x0];
	s2 =	stileid.u32  }
0xba: {  	s1 =	rddreg [dreg:$0x1];
	p0 =	sne.s32 s2, $0x0  }
0xbb: {  	s3 =	rddreg [dreg:$0x2];
	[bflag:$0x3] =	sbarrier.arrive $0xFFFF;
	s2 =	simm.s32 @!p0 $0x1C03  }
0xbc: {  	[timem:s3], [sflag:s2] =	dma.local @!p0 [hbm:s0], s1  }
0xbd: {  	s0 =	simm.s32 @!p0 $0x3  }
0xbe: {  	_ =	swait.ge @!p0 [sflag:s0], s1  }
0xbf: {  	s1 =	ssub.s32 @!p0 $0x0, s1;
	[sflag:s0] =	ssyncset.done @!p0 $0x0  }
0xc0: {  	[sflag:s0] =	ssyncadd.s32 @!p0 s1  }
0xc1: {  	[bflag:$0x3] =	sbarrier.arrive $0xFFFF  }
0xc2: {  	_ =	shalt  }

// kernel: kernel.26.cloned.1.call-start
scs
__scs_entry_jumppad:
0x0: {  	(pc) =	sbr.rel $0x88, $3  }
0x1: {  	(tag) =	ssettag $0x0;
	lr =	simm.s32 $0x1  }
0x2: {  	[smem:$0x3F95] =	sst lr;
	_ =	strace $0xD0000000  }
0x3: {  	_ = 	snop  }
0x4: {  	_ = 	snop  }
0x5: {  	_ = 	snop  }
0x6: {  	_ = 	snop  }
0x7: {  	_ = 	snop  }
__scs_overlays_trampoline_lowered:
0x8: {  	[smem:$0x3FA4] =	sst s0  }
0x9: {  	[smem:$0x3FA5] =	sst s1  }
0xa: {  	[smem:$0x3FA6] =	sst s2  }
0xb: {  	[smem:$0x3FA7] =	sst s3  }
0xc: {  	[smem:$0x3FA8] =	sst s4  }
0xd: {  	[smem:$0x3FA9] =	sst s5  }
0xe: {  	[smem:$0x3FAA] =	sst s6  }
0xf: {  	[smem:$0x3FAB] =	sst s7  }
0x10: {  	[smem:$0x3FAC] =	sst s8  }
0x11: {  	[smem:$0x3FAD] =	sst s9;
	s0 =	simm.s32 @!p0 $0x0  }
0x12: {  	s1 =	sld [smem:$0x3F93];
	s0 =	simm.s32 @p0 $0x1  }
0x13: {  	[smem:$0x3FAE] =	sst s0;
	s0 =	simm.s32 @!p1 $0x0  }
0x14: {  	s2 =	sld [smem:$0x3F92];
	s0 =	simm.s32 @p1 $0x1  }
0x15: {  	[smem:$0x3FAF] =	sst s0;
	s0 =	simm.s32 @!p2 $0x0  }
0x16: {  	s3 =	sld [smem:$0x3FDB];
	s0 =	simm.s32 @p2 $0x1  }
0x17: {  	s4 =	simm.s32 $0x1BF5;
	[smem:$0x3FB1] =	sst s0  }
0x18: {  	s0 =	sld [smem:$0x3F94];
	_ =	swait.ge [sflag:s4], $0x0  }
0x19: {  	s7 =	sld [smem:$0x3F95]  }
0x1a: {  	s8 =	sadd.s32 $0xFFFFE003, lr  }
0x1b: {  	s9 =	sadd.s32 $0xFFFFFEF7, lr;
	s5 =	simm.s32 $0xFFFFFFFF;
	p2 =	slt.u32 s8, $0xFFFFF086  }
0x1c: {  	p1 =	slt.u32 s9, $0xF7A;
	s5 =	simm.s32 @!p2 $0x0  }
0x1d: {  	s5 =	simm.s32 @p1 $0x1;
	p0 =	seq.s32 s7, s2  }
0x1e: {  	s7 =	smul.u32 @!p0 $0xF7A, s2;
	p2 =	seq.s32 @!p0 s5, $0x0  }
0x1f: {  	s9 =	smul.u32 $0xF7A, s1;
	s8 =	simm.s32 @!p0 $0x1BF5;
	p2 =	por !p2, p0  }
0x20: {  	[sflag:s8] =	ssyncset.s32 @!p0 $0xFFFFF086;
	s6 =	sadd.s32 @!p0 s3, s7;
	s7 =	simm.s32 @!p0 $0x108  }
0x21: {  	s3 =	sadd.s32 s3, s9;
	s6 =	sadd.s32 @!p0 $0x88, s6;
	s7 =	simm.s32 @p2 $0x1082  }
0x22: {  	[simem:s7], [sflag:s8] =	dma.local @!p0 [hbm:s6], $0xF7A  }
0x23: {  	s9 =	sor.u32 $0xD0000000, s2;
	s6 =	simm.s32 $0x108;
	_ =	swait.ge @!p0 [sflag:s8], $0x0  }
0x24: {  	s3 =	sadd.s32 $0x88, s3;
	s6 =	simm.s32 @!p1 $0x1082;
	[sflag:s4] =	ssyncset.s32 $0xFFFFF086  }
0x25: {  	[simem:s6], [sflag:s4] =	dma.local [hbm:s3], $0xF7A  }
0x26: {  	[smem:$0x3F95] =	sst s1;
	(tag) =	ssettag s2;
	_ =	strace s9  }
0x27: {  	s1 =	sld [smem:$0x3FA5]  }
0x28: {  	s2 =	sld [smem:$0x3FA6]  }
0x29: {  	s4 =	sld [smem:$0x3FA8]  }
0x2a: {  	p0 =	seq.s32 s5, $0x0;
	s5 =	sld [smem:$0x3FA9]  }
0x2b: {  	s6 =	sld [smem:$0x3FAA]  }
0x2c: {  	s7 =	sld [smem:$0x3FAB]  }
0x2d: {  	s3 =	simm.s32 $0x108;
	s8 =	sld [smem:$0x3FAC]  }
0x2e: {  	s3 =	simm.s32 @!p0 $0x1082;
	s9 =	sld [smem:$0x3FAD]  }
0x2f: {  	lr =	sadd.s32 s0, s3;
	s0 =	sld [smem:$0x3FA4]  }
0x30: {  	s3 =	sld [smem:$0x3FA7]  }
0x31: {  	[smem:$0x3FB0] =	sst s10  }
0x32: {  	s10 =	sld [smem:$0x3FAE];
	_ =	sdelay $0x3  }
0x33: {  	p0 =	seq.s32 s10, $0x1;
	s10 =	sld [smem:$0x3FB0];
	_ =	sdelay $0x3  }
0x34: {  	[smem:$0x3FB0] =	sst s10  }
0x35: {  	s10 =	sld [smem:$0x3FAF];
	_ =	sdelay $0x3  }
0x36: {  	p1 =	seq.s32 s10, $0x1;
	s10 =	sld [smem:$0x3FB0];
	_ =	sdelay $0x3  }
0x37: {  	[smem:$0x3FB0] =	sst s10  }
0x38: {  	s10 =	sld [smem:$0x3FB1]  }
0x39: {  	_ = 	snop;
	(pc) =	sbr.ind lr, $3  }
0x3a: {  	_ = 	snop  }
0x3b: {  	_ = 	snop  }
0x3c: {  	p2 =	seq.s32 s10, $0x1;
	s10 =	sld [smem:$0x3FB0]  }
0x3d: {  	_ =	shalt  }
0x3e: {  	_ =	shalt  }
0x3f: {  	_ =	shalt  }
0x40: {  	_ =	shalt  }
0x41: {  	_ =	shalt  }
0x42: {  	_ =	shalt  }
0x43: {  	_ =	shalt  }
0x44: {  	_ =	shalt  }
0x45: {  	_ =	shalt  }
0x46: {  	_ =	shalt  }
0x47: {  	_ =	shalt  }
0x48: {  	_ =	shalt  }
0x49: {  	_ =	shalt  }
0x4a: {  	_ =	shalt  }
0x4b: {  	_ =	shalt  }
0x4c: {  	_ =	shalt  }
0x4d: {  	_ =	shalt  }
0x4e: {  	_ =	shalt  }
0x4f: {  	_ =	shalt  }
0x50: {  	_ =	shalt  }
0x51: {  	_ =	shalt  }
0x52: {  	_ =	shalt  }
0x53: {  	_ =	shalt  }
0x54: {  	_ =	shalt  }
0x55: {  	_ =	shalt  }
0x56: {  	_ =	shalt  }
0x57: {  	_ =	shalt  }
0x58: {  	_ =	shalt  }
0x59: {  	_ =	shalt  }
0x5a: {  	_ =	shalt  }
0x5b: {  	_ =	shalt  }
0x5c: {  	_ =	shalt  }
0x5d: {  	_ =	shalt  }
0x5e: {  	_ =	shalt  }
0x5f: {  	_ =	shalt  }
0x60: {  	_ =	shalt  }
0x61: {  	_ =	shalt  }
0x62: {  	_ =	shalt  }
0x63: {  	_ =	shalt  }
0x64: {  	_ =	shalt  }
0x65: {  	_ =	shalt  }
0x66: {  	_ =	shalt  }
0x67: {  	_ =	shalt  }
0x68: {  	_ =	shalt  }
0x69: {  	_ =	shalt  }
0x6a: {  	_ =	shalt  }
0x6b: {  	_ =	shalt  }
0x6c: {  	_ =	shalt  }
0x6d: {  	_ =	shalt  }
0x6e: {  	_ =	shalt  }
0x6f: {  	_ =	shalt  }
0x70: {  	_ =	shalt  }
0x71: {  	_ =	shalt  }
0x72: {  	_ =	shalt  }
0x73: {  	_ =	shalt  }
0x74: {  	_ =	shalt  }
0x75: {  	_ =	shalt  }
0x76: {  	_ =	shalt  }
0x77: {  	_ =	shalt  }
0x78: {  	_ =	shalt  }
0x79: {  	_ =	shalt  }
0x7a: {  	_ =	shalt  }
0x7b: {  	_ =	shalt  }
0x7c: {  	_ =	shalt  }
0x7d: {  	_ =	shalt  }
0x7e: {  	_ =	shalt  }
0x7f: {  	_ =	shalt  }
0x80: {  	_ =	shalt  }
0x81: {  	_ =	shalt  }
0x82: {  	_ =	shalt  }
0x83: {  	_ =	shalt  }
0x84: {  	_ =	shalt  }
0x85: {  	_ =	shalt  }
0x86: {  	_ =	shalt  }
0x87: {  	_ =	shalt  }
.Lfunc_end0:
.L_simem_size_0:
called_computation.4_lowered:
.L_overlay_start_0:
0x88: {  	s2 =	sld [smem:$0x3FD9]  }
0x89: {  	s3 =	sld [smem:$0x3FFE];
	_ =	sdelay $0x1  }
0x8a: {  	s1 =	srdreg.scid  }
0x8b: {  	s0 =	sand.u32 $0x1, s1  }
0x8c: {  	s17 =	sshll.u32 s0, $0xA;
	s2 =	sadd.s32 s3, s2  }
0x8d: {  	s2 =	sadd.s32 s2, s17  }
0x8e: {  	[smem:$0x3FBC] =	sst s2  }
0x8f: {  	_ = 	snop  }
0x90: {  	s2 =	sld [smem:$0x3FD0];
	(tm) =	ssettm $0x1  }
0x91: {  	s18 =	sld [smem:$0x3FFB];
	_ =	sdelay $0x3  }
0x92: {  	_ =	strace s18  }
0x93: {  	s3 =	sld [smem:$0x3FFC];
	_ =	sdelay $0x3  }
0x94: {  	_ =	strace s3  }
0x95: {  	s3 =	sld [smem:$0x3FFD];
	_ =	sdelay $0x3  }
0x96: {  	_ =	strace s3  }
0x97: {  	_ =	strace $0x8FFFFFFF  }
0x98: {  	s19 =	sld [smem:$0x3FDB];
	_ =	sdelay $0x1  }
0x99: {  	s4 =	simm.s32 $_scs_section_size  }
0x9a: {  	s5 =	simm.s32 $_size__tile_overlayer_lowered;
	s6 =	simm.s32 $_tile_overlayer_lowered  }
0x9b: {  	s22 =	simm.s32 $0x1BFF;
	s21 =	sshll.u32 s6, $0x1;
	s3 =	sadd.s32 s4, s19  }
0x9c: {  	s7 =	simm.s32 $0x0;
	s20 =	sshll.u32 s5, $0x1;
	s5 =	sadd.s32 s21, s3  }
0x9d: {  	[timem:s7], [sflag:s22] =	dma.local [hbm:s5], s20  }
0x9e: {  	_ =	swait.ge [sflag:s22], s20  }
0x9f: {  	s4 =	ssub.s32 $0x0, s20;
	[sflag:s22] =	ssyncset.done $0x0  }
0xa0: {  	[sflag:s22] =	ssyncadd.s32 s4;
	_ =	sdelay $0x1  }
0xa1: {  	s23 =	simm.s32 $0x1B8B  }
0xa2: {  	_ =	swait.ge [sflag:s23], $0x1  }
0xa3: {  	[sflag:s23] =	ssyncset.done $0x0  }
0xa4: {  	s25 =	simm.s32 $0x1B8E;
	s24 =	sld [smem:$0x3FFE];
	[sflag:s23] =	ssyncadd.s32 $0xFFFFFFFF  }
0xa5: {  	s26 =	simm.s32 $execute0_lowered;
	[smem:$0x3FD2] =	sst s25  }
0xa6: {  	s5 =	sshll.u32 s26, $0x1;
	_ =	strace $0x80000052;
	[dreg:$0x1] =	wrdreg $0xFFFFFFFF  }
0xa7: {  	s28 =	simm.s32 $_size_execute0_lowered;
	s3 =	sadd.s32 s3, s5;
	[dreg:$0x0] =	wrdreg $0x0  }
0xa8: {  	s5 =	sshll.u32 s28, $0x1;
	[dreg:$0x2] =	wrdreg s3  }
0xa9: {  	[dreg:$0x3] =	wrdreg s5  }
0xaa: {  	[dreg:$0x4] =	wrdreg $0xC0  }
0xab: {  	_ =	task [dreg:s7], $0x5FFFF  }
0xac: {  	[dreg:$0x1] =	wrdreg $0xFFFFFFFF  }
0xad: {  	[dreg:$0x0] =	wrdreg $0x60  }
0xae: {  	[dreg:$0x2] =	wrdreg s24  }
0xaf: {  	[dreg:$0x3] =	wrdreg s2  }
0xb0: {  	[dreg:$0x4] =	wrdreg $0xA8000  }
0xb1: {  	[dreg:$0x5] =	wrdreg $0x9  }
0xb2: {  	_ =	task.clear_ibuf [dreg:s7], $0x6FFFF;
	_ =	strace $0x90000052  }
0xb3: {  	s29 =	simm.s32 $0x9;
	_ =	strace $0x80000054  }
0xb4: {  	_ =	swait.ge [sflag:s29], $0x1  }
0xb5: {  	[sflag:s29] =	ssyncadd.s32 $0xFFFFFFFF  }
0xb6: {  	_ =	strace $0x90000054  }
0xb7: {  	_ =	sfence  }
0xb8: {  	s30 =	sld [smem:$0x0];
	_ =	sdelay $0x2  }
0xb9: {  	s31 =	sshll.u32 s1, $0xD;
	s1 =	sshrl.u32 s1, $0x2  }
0xba: {  	s3 =	sand.u32 $0x4000, s31;
	s1 =	sadd.s32 s1, s30  }
0xbb: {  	s0 =	sor.u32 s3, s0;
	s1 =	sshll.u32 s1, $0x11  }
0xbc: {  	s0 =	sor.u32 s1, s0  }
0xbd: {  	s0 =	sadd.s32 $0x8F2B, s0  }
0xbe: {  	[sflag:s0] =	ssyncadd.remote.s32 $0x1  }
0xbf: {  	_ =	sfence.sel $0xFFFF  }
0xc0: {  	[dreg:$0x0] =	wrdreg $0xFFFFFFFF;
	(pc) =	sbr.abs _section_cstart, $3  }
0xc1: {  	[dreg:$0x1] =	wrdreg $0xFFFFFFFF  }
0xc2: {  	_ =	task.clear_ibuf [dreg:s7], $0x2FFFF;
	_ =	strace $0x9FFFFFFF  }
0xc3: {  	(tm) =	ssettm $0x7FFFFFFF  }
tec
execute0_lowered:
.L_overlay_start_1:
0x0: {  	(tag) =	ssettag $0x1  }
0x1: {  	s6 =	rddreg [dreg:$0x0]  }
0x2: {  	s9 =	rddreg [dreg:$0x1]  }
0x3: {  	s1 =	rddreg [dreg:$0x2]  }
0x4: {  	s0 =	rddreg [dreg:$0x3];
	s3 =	simm.s32 $0x0;
	s2 =	srdreg.scid  }
0x5: {  	s17 =	simm.s32 $0x2800;
	s18 =	simm.s32 $0x6800;
	s19 =	simm.s32 $0x1  }
0x6: {  	s20 =	simm.s32 $0x2;
	s21 =	simm.s32 $0x1380;
	s22 =	simm.s32 $0x2700  }
0x7: {  	s23 =	simm.s32 $0x2780;
	[smem:$0x7FF] =	sst s3;
	s7 =	sand.u32 $0x1, s2  }
0x8: {  	s2 =	stileid.u32;
	s4 =	sadd.s32 $0x17E00, s6;
	s8 =	smul.u32 $0x140000, s7  }
0x9: {  	s11 =	sadd.s32 $0xDE00, s6;
	s5 =	sadd.s32 $0x3E00, s6;
	s10 =	smul.u32 $0x14000, s2  }
0xa: {  	_ =	strace $0x80000053;
	s25 =	sshll.u32 s7, $0x4;
	s12 =	smul.u32 $0x51000, s2  }
0xb: {  	s7 =	ssub.s32 $0x2, s7;
	s26 =	sshll.u32 s2, $0x6;
	s31 =	smul.u32 $0x50000, s2  }
0xc: {  	s13 =	sshrl.u32 s7, $0x1;
	s8 =	sadd.s32 s10, s8;
	s10 =	sor.u32 s2, s25  }
0xd: {  	s12 =	sshrl.u32 s12, $0x2;
	s13 =	ssub.s32 s7, s13;
	s25 =	simm.s32 $0x0  }
0xe: {  	s8 =	sshrl.u32 s8, $0x3;
	s14 =	smul.u32 $0x2800, s10;
	s16 =	sadd.s32 s12, s1  }
0xf: {  	s28 =	smul.u32 $0x500, s10;
	s12 =	sshrl.u32 s31, $0x2;
	s15 =	sadd.s32 s8, s6  }
0x10: {  	s6 =	sor.u32 $0x1C03, s26;
	s24 =	sadd.s32 s12, s1;
	s12 =	smax.u32 s13, $0x1  }
0x11: {  	s13 =	sshrl.u32 s16, $0x3;
	s16 =	simm.s32 $0x80;
	s29 =	sshrl.u32 s14, $0x3  }
0x12: {  	s7 =	sadd.s32 s9, s28;
	s8 =	sadd.s32 s11, s28;
	s30 =	sadd.s32 $0x280, s29  }
0x13: {  	s14 =	simm.s32 $0x3;
	s24 =	sshrl.u32 s24, $0x3;
	s9 =	sadd.s32 s9, s30  }
0x14: {  	s10 =	sadd.s32 s11, s30;
	s11 =	sadd.s32 $0x3FE00, s15;
	s15 =	simm.s32 $0x1400  }
.LBB2_1:
0x15: {  	[spmem:s13], [sflag:s6] =	dma.local [hbm:s5], $0x2880  }
0x16: {  	_ =	swait.ge [sflag:s14], $0x2880  }
0x17: {  	[sflag:s14] =	ssyncset.done $0x0  }
0x18: {  	[sflag:s14] =	ssyncadd.s32 $0xFFFFD780  }
0x19: {  	[bflag:$0x0] =	sbarrier.arrive $0xFFFF  }
0x1a: {  	[tilespmem:s3], [sflag:$0x3] =	stream.linear.gather [hbm4b:s7+s3], $0x1400, $0x38;
	[tilespmem:$0x1EC00] =	vst v63  }
0x1b: {  	_ =	swait.ge [sflag:s14], $0x1400  }
0x1c: {  	[sflag:s14] =	ssyncset.done $0x0  }
0x1d: {  	[sflag:s14] =	ssyncadd.s32 $0xFFFFEC00  }
0x1e: {  	[tilespmem:s15], [sflag:$0x3] =	stream.linear.gather [hbm4b:s8+s3], $0x1400, $0x38;
	[tilespmem:$0x1EC00] =	vst v63  }
0x1f: {  	_ =	swait.ge [sflag:s14], $0x1400  }
0x20: {  	[sflag:s14] =	ssyncset.done $0x0  }
0x21: {  	[sflag:s14] =	ssyncadd.s32 $0xFFFFEC00  }
0x22: {  	[tilespmem:s17], [sflag:$0x1] =	stream.indirect.gather [hbm4b:s4+s16], $0x80, s3, s16, $0xb8;
	[tilespmem:$0x1EC00] =	vst v63  }
0x23: {  	s26 =	simm.s32 $0x80  }
0x24: {  	[tilespmem:s18], [sflag:$0x2] =	stream.indirect.gather [hbm4b:s4+s16], $0x80, s26, s16, $0xb8;
	[tilespmem:$0x1EC00] =	vst v63  }
0x25: {  	_ =	swait.ge [sflag:s19], $0x4000  }
0x26: {  	[sflag:s19] =	ssyncset.done $0x0  }
0x27: {  	s29 =	simm.s32 $0x1400;
	[sflag:s19] =	ssyncadd.s32 $0xFFFFC000  }
0x28: {  	[spmem:s1] =	stream.indirect.scatter.add.f32 [tilespmem:s17], [sflag:$0x3], $0x80, s29, s16, $0xb8;
	[tilespmem:$0x1EC00] =	vst v63  }
0x29: {  	_ =	swait.ge [sflag:s14], $0x4000  }
0x2a: {  	[sflag:s14] =	ssyncset.done $0x0  }
0x2b: {  	s30 =	simm.s32 $0x100;
	[sflag:s14] =	ssyncadd.s32 $0xFFFFC000  }
0x2c: {  	[tilespmem:s17], [sflag:$0x1] =	stream.indirect.gather [hbm4b:s4+s16], $0x80, s30, s16, $0xb8;
	[tilespmem:$0x1EC00] =	vst v63  }
0x2d: {  	_ =	swait.ge [sflag:s20], $0x4000  }
0x2e: {  	[sflag:s20] =	ssyncset.done $0x0  }
0x2f: {  	s31 =	simm.s32 $0x1480;
	[sflag:s20] =	ssyncadd.s32 $0xFFFFC000  }
0x30: {  	[spmem:s1] =	stream.indirect.scatter.add.f32 [tilespmem:s18], [sflag:$0x3], $0x80, s31, s16, $0xb8;
	[tilespmem:$0x1EC00] =	vst v63  }
0x31: {  	_ =	swait.ge [sflag:s14], $0x4000  }
0x32: {  	s28 =	simm.s32 $0x800;
	s26 =	simm.s32 $0x100;
	[sflag:s14] =	ssyncset.done $0x0  }
.LBB2_2:
0x33: {  	s29 =	sadd.s32 $0x80, s26  }
0x34: {  	[sflag:s14] =	ssyncadd.s32 $0xFFFFC000;
	s30 =	smov.u32 s28;
	s31 =	sadd.s32 $0x400, s28  }
0x35: {  	[tilespmem:s18], [sflag:$0x2] =	stream.indirect.gather [hbm4b:s4+s16], $0x80, s29, s16, $0xb8;
	[tilespmem:$0x1EC00] =	vst v63  }
0x36: {  	p0 =	sne.s32 s28, $0x4800;
	_ =	swait.ge [sflag:s19], $0x4000  }
0x37: {  	[sflag:s19] =	ssyncset.done $0x0  }
0x38: {  	s28 =	sadd.s32 $0x1400, s26;
	[sflag:s19] =	ssyncadd.s32 $0xFFFFC000  }
0x39: {  	[spmem:s1] =	stream.indirect.scatter.add.f32 [tilespmem:s17], [sflag:$0x3], $0x80, s28, s16, $0xb8;
	[tilespmem:$0x1EC00] =	vst v63  }
0x3a: {  	_ =	swait.ge [sflag:s14], $0x4000  }
0x3b: {  	[sflag:s14] =	ssyncset.done $0x0  }
0x3c: {  	s28 =	sadd.s32 $0x100, s26;
	[sflag:s14] =	ssyncadd.s32 $0xFFFFC000  }
0x3d: {  	[tilespmem:s17], [sflag:$0x1] =	stream.indirect.gather [hbm4b:s4+s16], $0x80, s28, s16, $0xb8;
	[tilespmem:$0x1EC00] =	vst v63  }
0x3e: {  	_ =	swait.ge [sflag:s20], $0x4000  }
.Ltmp0:
0x3f: {  	[sflag:s20] =	ssyncset.done $0x0;
	(pc) =	sbr.rel @p0 .LBB2_2-.Ltmp0, $4  }
0x40: {  	s26 =	sadd.s32 $0x1480, s26;
	[sflag:s20] =	ssyncadd.s32 $0xFFFFC000  }
0x41: {  	[spmem:s1] =	stream.indirect.scatter.add.f32 [tilespmem:s18], [sflag:$0x3], $0x80, s26, s16, $0xb8;
	[tilespmem:$0x1EC00] =	vst v63  }
0x42: {  	_ =	swait.ge [sflag:s14], $0x4000  }
0x43: {  	s28 =	smov.u32 s31;
	s26 =	sshra.s32 s30, $0x2;
	[sflag:s14] =	ssyncset.done $0x0  }
0x44: {  	s28 =	sadd.s32 $0x80, s26;
	[sflag:s14] =	ssyncadd.s32 $0xFFFFC000  }
0x45: {  	[tilespmem:s18], [sflag:$0x2] =	stream.indirect.gather [hbm4b:s4+s16], $0x80, s28, s16, $0xb8;
	[tilespmem:$0x1EC00] =	vst v63  }
0x46: {  	_ =	swait.ge [sflag:s19], $0x4000  }
0x47: {  	[sflag:s19] =	ssyncset.done $0x0  }
0x48: {  	s28 =	sadd.s32 $0x1400, s26;
	[sflag:s19] =	ssyncadd.s32 $0xFFFFC000  }
0x49: {  	[spmem:s1] =	stream.indirect.scatter.add.f32 [tilespmem:s17], [sflag:$0x3], $0x80, s28, s16, $0xb8;
	[tilespmem:$0x1EC00] =	vst v63  }
0x4a: {  	_ =	swait.ge [sflag:s14], $0x4000  }
0x4b: {  	[sflag:s14] =	ssyncset.done $0x0  }
0x4c: {  	s28 =	sadd.s32 $0x100, s26;
	[sflag:s14] =	ssyncadd.s32 $0xFFFFC000  }
0x4d: {  	[tilespmem:s17], [sflag:$0x1] =	stream.indirect.gather [hbm4b:s4+s16], $0x80, s28, s16, $0xb8;
	[tilespmem:$0x1EC00] =	vst v63  }
0x4e: {  	_ =	swait.ge [sflag:s20], $0x4000  }
0x4f: {  	[sflag:s20] =	ssyncset.done $0x0  }
0x50: {  	s29 =	sadd.s32 $0x1480, s26;
	[sflag:s20] =	ssyncadd.s32 $0xFFFFC000  }
0x51: {  	[spmem:s1] =	stream.indirect.scatter.add.f32 [tilespmem:s18], [sflag:$0x3], $0x80, s29, s16, $0xb8;
	[tilespmem:$0x1EC00] =	vst v63  }
0x52: {  	_ =	swait.ge [sflag:s14], $0x4000  }
0x53: {  	[sflag:s14] =	ssyncset.done $0x0  }
0x54: {  	[sflag:s14] =	ssyncadd.s32 $0xFFFFC000  }
0x55: {  	[tilespmem:s18], [sflag:$0x2] =	stream.indirect.gather [hbm4b:s4+s16], $0x80, s21, s16, $0xb8;
	[tilespmem:$0x1EC00] =	vst v63  }
0x56: {  	_ =	swait.ge [sflag:s19], $0x4000  }
0x57: {  	[sflag:s19] =	ssyncset.done $0x0  }
0x58: {  	[sflag:s19] =	ssyncadd.s32 $0xFFFFC000  }
0x59: {  	[spmem:s1] =	stream.indirect.scatter.add.f32 [tilespmem:s17], [sflag:$0x3], $0x80, s22, s16, $0xb8;
	[tilespmem:$0x1EC00] =	vst v63  }
0x5a: {  	_ =	swait.ge [sflag:s14], $0x4000  }
0x5b: {  	[sflag:s14] =	ssyncset.done $0x0  }
0x5c: {  	[sflag:s14] =	ssyncadd.s32 $0xFFFFC000  }
0x5d: {  	_ =	swait.ge [sflag:s20], $0x4000  }
0x5e: {  	[sflag:s20] =	ssyncset.done $0x0  }
0x5f: {  	[sflag:s20] =	ssyncadd.s32 $0xFFFFC000  }
0x60: {  	[spmem:s1] =	stream.indirect.scatter.add.f32 [tilespmem:s18], [sflag:$0x3], $0x80, s23, s16, $0xb8;
	[tilespmem:$0x1EC00] =	vst v63  }
0x61: {  	_ =	swait.ge [sflag:s14], $0x4000  }
0x62: {  	[sflag:s14] =	ssyncset.done $0x0  }
0x63: {  	s30 =	simm.s32 $0x0;
	[sflag:s14] =	ssyncadd.s32 $0xFFFFC000  }
0x64: {  	[tilespmem:s30], [sflag:$0x3] =	stream.linear.gather [hbm4b:s9+s30], $0x1400, $0x38;
	[tilespmem:$0x1EC00] =	vst v63  }
0x65: {  	_ =	swait.ge [sflag:s14], $0x1400  }
0x66: {  	[sflag:s14] =	ssyncset.done $0x0  }
0x67: {  	[sflag:s14] =	ssyncadd.s32 $0xFFFFEC00  }
0x68: {  	[tilespmem:s15], [sflag:$0x3] =	stream.linear.gather [hbm4b:s10+s30], $0x1400, $0x38;
	[tilespmem:$0x1EC00] =	vst v63  }
0x69: {  	_ =	swait.ge [sflag:s14], $0x1400  }
0x6a: {  	[sflag:s14] =	ssyncset.done $0x0  }
0x6b: {  	[sflag:s14] =	ssyncadd.s32 $0xFFFFEC00  }
0x6c: {  	[tilespmem:s17], [sflag:$0x1] =	stream.indirect.gather [hbm4b:s4+s16], $0x80, s30, s16, $0xb8;
	[tilespmem:$0x1EC00] =	vst v63  }
0x6d: {  	s31 =	simm.s32 $0x80  }
0x6e: {  	[tilespmem:s18], [sflag:$0x2] =	stream.indirect.gather [hbm4b:s4+s16], $0x80, s31, s16, $0xb8;
	[tilespmem:$0x1EC00] =	vst v63  }
0x6f: {  	_ =	swait.ge [sflag:s19], $0x4000  }
0x70: {  	[sflag:s19] =	ssyncset.done $0x0  }
0x71: {  	s29 =	simm.s32 $0x1400;
	[sflag:s19] =	ssyncadd.s32 $0xFFFFC000  }
0x72: {  	[spmem:s1] =	stream.indirect.scatter.add.f32 [tilespmem:s17], [sflag:$0x3], $0x80, s29, s16, $0xb8;
	[tilespmem:$0x1EC00] =	vst v63  }
0x73: {  	_ =	swait.ge [sflag:s14], $0x4000  }
0x74: {  	[sflag:s14] =	ssyncset.done $0x0  }
0x75: {  	s30 =	simm.s32 $0x100;
	[sflag:s14] =	ssyncadd.s32 $0xFFFFC000  }
0x76: {  	[tilespmem:s17], [sflag:$0x1] =	stream.indirect.gather [hbm4b:s4+s16], $0x80, s30, s16, $0xb8;
	[tilespmem:$0x1EC00] =	vst v63  }
0x77: {  	_ =	swait.ge [sflag:s20], $0x4000  }
0x78: {  	[sflag:s20] =	ssyncset.done $0x0  }
0x79: {  	s31 =	simm.s32 $0x1480;
	[sflag:s20] =	ssyncadd.s32 $0xFFFFC000  }
0x7a: {  	[spmem:s1] =	stream.indirect.scatter.add.f32 [tilespmem:s18], [sflag:$0x3], $0x80, s31, s16, $0xb8;
	[tilespmem:$0x1EC00] =	vst v63  }
0x7b: {  	_ =	swait.ge [sflag:s14], $0x4000  }
0x7c: {  	s26 =	simm.s32 $0x100;
	s28 =	simm.s32 $0x800;
	[sflag:s14] =	ssyncset.done $0x0  }
.LBB2_4:
0x7d: {  	s29 =	sadd.s32 $0x80, s26  }
0x7e: {  	[sflag:s14] =	ssyncadd.s32 $0xFFFFC000;
	s30 =	smov.u32 s28;
	s31 =	sadd.s32 $0x400, s28  }
0x7f: {  	[tilespmem:s18], [sflag:$0x2] =	stream.indirect.gather [hbm4b:s4+s16], $0x80, s29, s16, $0xb8;
	[tilespmem:$0x1EC00] =	vst v63  }
0x80: {  	p0 =	sne.s32 s28, $0x4800;
	_ =	swait.ge [sflag:s19], $0x4000  }
0x81: {  	[sflag:s19] =	ssyncset.done $0x0  }
0x82: {  	s28 =	sadd.s32 $0x1400, s26;
	[sflag:s19] =	ssyncadd.s32 $0xFFFFC000  }
0x83: {  	[spmem:s1] =	stream.indirect.scatter.add.f32 [tilespmem:s17], [sflag:$0x3], $0x80, s28, s16, $0xb8;
	[tilespmem:$0x1EC00] =	vst v63  }
0x84: {  	_ =	swait.ge [sflag:s14], $0x4000  }
0x85: {  	[sflag:s14] =	ssyncset.done $0x0  }
0x86: {  	s28 =	sadd.s32 $0x100, s26;
	[sflag:s14] =	ssyncadd.s32 $0xFFFFC000  }
0x87: {  	[tilespmem:s17], [sflag:$0x1] =	stream.indirect.gather [hbm4b:s4+s16], $0x80, s28, s16, $0xb8;
	[tilespmem:$0x1EC00] =	vst v63  }
0x88: {  	_ =	swait.ge [sflag:s20], $0x4000  }
.Ltmp1:
0x89: {  	[sflag:s20] =	ssyncset.done $0x0;
	(pc) =	sbr.rel @p0 .LBB2_4-.Ltmp1, $4  }
0x8a: {  	s26 =	sadd.s32 $0x1480, s26;
	[sflag:s20] =	ssyncadd.s32 $0xFFFFC000  }
0x8b: {  	[spmem:s1] =	stream.indirect.scatter.add.f32 [tilespmem:s18], [sflag:$0x3], $0x80, s26, s16, $0xb8;
	[tilespmem:$0x1EC00] =	vst v63  }
0x8c: {  	_ =	swait.ge [sflag:s14], $0x4000  }
0x8d: {  	s28 =	smov.u32 s31;
	s26 =	sshra.s32 s30, $0x2;
	[sflag:s14] =	ssyncset.done $0x0  }
0x8e: {  	s28 =	sadd.s32 $0x80, s26;
	[sflag:s14] =	ssyncadd.s32 $0xFFFFC000  }
0x8f: {  	[tilespmem:s18], [sflag:$0x2] =	stream.indirect.gather [hbm4b:s4+s16], $0x80, s28, s16, $0xb8;
	[tilespmem:$0x1EC00] =	vst v63  }
0x90: {  	_ =	swait.ge [sflag:s19], $0x4000  }
0x91: {  	[sflag:s19] =	ssyncset.done $0x0  }
0x92: {  	s29 =	sadd.s32 $0x1400, s26;
	[sflag:s19] =	ssyncadd.s32 $0xFFFFC000  }
0x93: {  	[spmem:s1] =	stream.indirect.scatter.add.f32 [tilespmem:s17], [sflag:$0x3], $0x80, s29, s16, $0xb8;
	[tilespmem:$0x1EC00] =	vst v63  }
0x94: {  	_ =	swait.ge [sflag:s14], $0x4000  }
0x95: {  	[sflag:s14] =	ssyncset.done $0x0  }
0x96: {  	s30 =	sadd.s32 $0x100, s26;
	[sflag:s14] =	ssyncadd.s32 $0xFFFFC000  }
0x97: {  	[tilespmem:s17], [sflag:$0x1] =	stream.indirect.gather [hbm4b:s4+s16], $0x80, s30, s16, $0xb8;
	[tilespmem:$0x1EC00] =	vst v63  }
0x98: {  	_ =	swait.ge [sflag:s20], $0x4000  }
0x99: {  	[sflag:s20] =	ssyncset.done $0x0  }
0x9a: {  	s31 =	sadd.s32 $0x1480, s26;
	[sflag:s20] =	ssyncadd.s32 $0xFFFFC000  }
0x9b: {  	[spmem:s1] =	stream.indirect.scatter.add.f32 [tilespmem:s18], [sflag:$0x3], $0x80, s31, s16, $0xb8;
	[tilespmem:$0x1EC00] =	vst v63  }
0x9c: {  	_ =	swait.ge [sflag:s14], $0x4000  }
0x9d: {  	[sflag:s14] =	ssyncset.done $0x0  }
0x9e: {  	[sflag:s14] =	ssyncadd.s32 $0xFFFFC000  }
0x9f: {  	[tilespmem:s18], [sflag:$0x2] =	stream.indirect.gather [hbm4b:s4+s16], $0x80, s21, s16, $0xb8;
	[tilespmem:$0x1EC00] =	vst v63  }
0xa0: {  	_ =	swait.ge [sflag:s19], $0x4000  }
0xa1: {  	[sflag:s19] =	ssyncset.done $0x0  }
0xa2: {  	[sflag:s19] =	ssyncadd.s32 $0xFFFFC000  }
0xa3: {  	[spmem:s1] =	stream.indirect.scatter.add.f32 [tilespmem:s17], [sflag:$0x3], $0x80, s22, s16, $0xb8;
	[tilespmem:$0x1EC00] =	vst v63  }
0xa4: {  	_ =	swait.ge [sflag:s14], $0x4000  }
0xa5: {  	[sflag:s14] =	ssyncset.done $0x0  }
0xa6: {  	[sflag:s14] =	ssyncadd.s32 $0xFFFFC000  }
0xa7: {  	_ =	swait.ge [sflag:s20], $0x4000  }
0xa8: {  	[sflag:s20] =	ssyncset.done $0x0  }
0xa9: {  	[sflag:s20] =	ssyncadd.s32 $0xFFFFC000  }
0xaa: {  	[spmem:s1] =	stream.indirect.scatter.add.f32 [tilespmem:s18], [sflag:$0x3], $0x80, s23, s16, $0xb8;
	[tilespmem:$0x1EC00] =	vst v63  }
0xab: {  	_ =	swait.ge [sflag:s14], $0x4000  }
0xac: {  	s25 =	sadd.s32 $0x1, s25;
	[sflag:s14] =	ssyncset.done $0x0  }
0xad: {  	p0 =	sne.s32 s25, s12;
	[sflag:s14] =	ssyncadd.s32 $0xFFFFC000  }
.Ltmp2:
0xae: {  	[bflag:$0x0] =	sbarrier.arrive $0xFFFF;
	(pc) =	sbr.rel @p0 .LBB2_1-.Ltmp2, $4  }
0xaf: {  	[hbm:s11], [sflag:s6] =	dma.local [spmem:s24], $0x2800  }
0xb0: {  	_ =	swait.ge [sflag:s14], $0x2800  }
0xb1: {  	[sflag:s14] =	ssyncset.done $0x0  }
0xb2: {  	[sflag:s14] =	ssyncadd.s32 $0xFFFFD800  }
0xb3: {  	_ =	sfence.sel $0x180000  }
0xb4: {  	[bflag:$0x0] =	sbarrier.arrive $0xFFFF  }
0xb5: {  	p0 =	sne.s32 s2, $0x0;
	_ =	strace $0x90000053  }
0xb6: {  	s0 =	sadd.s32 @!p0 $0x100000, s0;
	[bflag:$0x2] =	sbarrier.arrive $0xFFFF  }
0xb7: {  	[sflag:s0] =	ssyncadd.tile.s32 @!p0 $0x1;
	_ =	shalt  }
.Lfunc_end2:
_tile_overlayer_lowered:
.L_overlay_start_2:
0xb8: {  	(tag) =	ssettag $0x2  }
0xb9: {  	s0 =	rddreg [dreg:$0x0];
	s2 =	stileid.u32  }
0xba: {  	s1 =	rddreg [dreg:$0x1];
	p0 =	sne.s32 s2, $0x0  }
0xbb: {  	s3 =	rddreg [dreg:$0x2];
	[bflag:$0x3] =	sbarrier.arrive $0xFFFF;
	s2 =	simm.s32 @!p0 $0x1C03  }
0xbc: {  	[timem:s3], [sflag:s2] =	dma.local @!p0 [hbm:s0], s1  }
0xbd: {  	s0 =	simm.s32 @!p0 $0x3  }
0xbe: {  	_ =	swait.ge @!p0 [sflag:s0], s1  }
0xbf: {  	s1 =	ssub.s32 @!p0 $0x0, s1;
	[sflag:s0] =	ssyncset.done @!p0 $0x0  }
0xc0: {  	[sflag:s0] =	ssyncadd.s32 @!p0 s1  }
0xc1: {  	[bflag:$0x3] =	sbarrier.arrive $0xFFFF  }
0xc2: {  	_ =	shalt  }

// kernel: kernel.29.cloned.1.call-start
scs
__scs_entry_jumppad:
0x0: {  	(pc) =	sbr.rel $0x88, $3  }
0x1: {  	(tag) =	ssettag $0x0;
	lr =	simm.s32 $0x1  }
0x2: {  	[smem:$0x3F95] =	sst lr;
	_ =	strace $0xD0000000  }
0x3: {  	_ = 	snop  }
0x4: {  	_ = 	snop  }
0x5: {  	_ = 	snop  }
0x6: {  	_ = 	snop  }
0x7: {  	_ = 	snop  }
__scs_overlays_trampoline_lowered:
0x8: {  	[smem:$0x3FA4] =	sst s0  }
0x9: {  	[smem:$0x3FA5] =	sst s1  }
0xa: {  	[smem:$0x3FA6] =	sst s2  }
0xb: {  	[smem:$0x3FA7] =	sst s3  }
0xc: {  	[smem:$0x3FA8] =	sst s4  }
0xd: {  	[smem:$0x3FA9] =	sst s5  }
0xe: {  	[smem:$0x3FAA] =	sst s6  }
0xf: {  	[smem:$0x3FAB] =	sst s7  }
0x10: {  	[smem:$0x3FAC] =	sst s8  }
0x11: {  	[smem:$0x3FAD] =	sst s9;
	s0 =	simm.s32 @!p0 $0x0  }
0x12: {  	s1 =	sld [smem:$0x3F93];
	s0 =	simm.s32 @p0 $0x1  }
0x13: {  	[smem:$0x3FAE] =	sst s0;
	s0 =	simm.s32 @!p1 $0x0  }
0x14: {  	s2 =	sld [smem:$0x3F92];
	s0 =	simm.s32 @p1 $0x1  }
0x15: {  	[smem:$0x3FAF] =	sst s0;
	s0 =	simm.s32 @!p2 $0x0  }
0x16: {  	s3 =	sld [smem:$0x3FDB];
	s0 =	simm.s32 @p2 $0x1  }
0x17: {  	s4 =	simm.s32 $0x1BF5;
	[smem:$0x3FB1] =	sst s0  }
0x18: {  	s0 =	sld [smem:$0x3F94];
	_ =	swait.ge [sflag:s4], $0x0  }
0x19: {  	s7 =	sld [smem:$0x3F95]  }
0x1a: {  	s8 =	sadd.s32 $0xFFFFE003, lr  }
0x1b: {  	s9 =	sadd.s32 $0xFFFFFEF7, lr;
	s5 =	simm.s32 $0xFFFFFFFF;
	p2 =	slt.u32 s8, $0xFFFFF086  }
0x1c: {  	p1 =	slt.u32 s9, $0xF7A;
	s5 =	simm.s32 @!p2 $0x0  }
0x1d: {  	s5 =	simm.s32 @p1 $0x1;
	p0 =	seq.s32 s7, s2  }
0x1e: {  	s7 =	smul.u32 @!p0 $0xF7A, s2;
	p2 =	seq.s32 @!p0 s5, $0x0  }
0x1f: {  	s9 =	smul.u32 $0xF7A, s1;
	s8 =	simm.s32 @!p0 $0x1BF5;
	p2 =	por !p2, p0  }
0x20: {  	[sflag:s8] =	ssyncset.s32 @!p0 $0xFFFFF086;
	s6 =	sadd.s32 @!p0 s3, s7;
	s7 =	simm.s32 @!p0 $0x108  }
0x21: {  	s3 =	sadd.s32 s3, s9;
	s6 =	sadd.s32 @!p0 $0x88, s6;
	s7 =	simm.s32 @p2 $0x1082  }
0x22: {  	[simem:s7], [sflag:s8] =	dma.local @!p0 [hbm:s6], $0xF7A  }
0x23: {  	s9 =	sor.u32 $0xD0000000, s2;
	s6 =	simm.s32 $0x108;
	_ =	swait.ge @!p0 [sflag:s8], $0x0  }
0x24: {  	s3 =	sadd.s32 $0x88, s3;
	s6 =	simm.s32 @!p1 $0x1082;
	[sflag:s4] =	ssyncset.s32 $0xFFFFF086  }
0x25: {  	[simem:s6], [sflag:s4] =	dma.local [hbm:s3], $0xF7A  }
0x26: {  	[smem:$0x3F95] =	sst s1;
	(tag) =	ssettag s2;
	_ =	strace s9  }
0x27: {  	s1 =	sld [smem:$0x3FA5]  }
0x28: {  	s2 =	sld [smem:$0x3FA6]  }
0x29: {  	s4 =	sld [smem:$0x3FA8]  }
0x2a: {  	p0 =	seq.s32 s5, $0x0;
	s5 =	sld [smem:$0x3FA9]  }
0x2b: {  	s6 =	sld [smem:$0x3FAA]  }
0x2c: {  	s7 =	sld [smem:$0x3FAB]  }
0x2d: {  	s3 =	simm.s32 $0x108;
	s8 =	sld [smem:$0x3FAC]  }
0x2e: {  	s3 =	simm.s32 @!p0 $0x1082;
	s9 =	sld [smem:$0x3FAD]  }
0x2f: {  	lr =	sadd.s32 s0, s3;
	s0 =	sld [smem:$0x3FA4]  }
0x30: {  	s3 =	sld [smem:$0x3FA7]  }
0x31: {  	[smem:$0x3FB0] =	sst s10  }
0x32: {  	s10 =	sld [smem:$0x3FAE];
	_ =	sdelay $0x3  }
0x33: {  	p0 =	seq.s32 s10, $0x1;
	s10 =	sld [smem:$0x3FB0];
	_ =	sdelay $0x3  }
0x34: {  	[smem:$0x3FB0] =	sst s10  }
0x35: {  	s10 =	sld [smem:$0x3FAF];
	_ =	sdelay $0x3  }
0x36: {  	p1 =	seq.s32 s10, $0x1;
	s10 =	sld [smem:$0x3FB0];
	_ =	sdelay $0x3  }
0x37: {  	[smem:$0x3FB0] =	sst s10  }
0x38: {  	s10 =	sld [smem:$0x3FB1]  }
0x39: {  	_ = 	snop;
	(pc) =	sbr.ind lr, $3  }
0x3a: {  	_ = 	snop  }
0x3b: {  	_ = 	snop  }
0x3c: {  	p2 =	seq.s32 s10, $0x1;
	s10 =	sld [smem:$0x3FB0]  }
0x3d: {  	_ =	shalt  }
0x3e: {  	_ =	shalt  }
0x3f: {  	_ =	shalt  }
0x40: {  	_ =	shalt  }
0x41: {  	_ =	shalt  }
0x42: {  	_ =	shalt  }
0x43: {  	_ =	shalt  }
0x44: {  	_ =	shalt  }
0x45: {  	_ =	shalt  }
0x46: {  	_ =	shalt  }
0x47: {  	_ =	shalt  }
0x48: {  	_ =	shalt  }
0x49: {  	_ =	shalt  }
0x4a: {  	_ =	shalt  }
0x4b: {  	_ =	shalt  }
0x4c: {  	_ =	shalt  }
0x4d: {  	_ =	shalt  }
0x4e: {  	_ =	shalt  }
0x4f: {  	_ =	shalt  }
0x50: {  	_ =	shalt  }
0x51: {  	_ =	shalt  }
0x52: {  	_ =	shalt  }
0x53: {  	_ =	shalt  }
0x54: {  	_ =	shalt  }
0x55: {  	_ =	shalt  }
0x56: {  	_ =	shalt  }
0x57: {  	_ =	shalt  }
0x58: {  	_ =	shalt  }
0x59: {  	_ =	shalt  }
0x5a: {  	_ =	shalt  }
0x5b: {  	_ =	shalt  }
0x5c: {  	_ =	shalt  }
0x5d: {  	_ =	shalt  }
0x5e: {  	_ =	shalt  }
0x5f: {  	_ =	shalt  }
0x60: {  	_ =	shalt  }
0x61: {  	_ =	shalt  }
0x62: {  	_ =	shalt  }
0x63: {  	_ =	shalt  }
0x64: {  	_ =	shalt  }
0x65: {  	_ =	shalt  }
0x66: {  	_ =	shalt  }
0x67: {  	_ =	shalt  }
0x68: {  	_ =	shalt  }
0x69: {  	_ =	shalt  }
0x6a: {  	_ =	shalt  }
0x6b: {  	_ =	shalt  }
0x6c: {  	_ =	shalt  }
0x6d: {  	_ =	shalt  }
0x6e: {  	_ =	shalt  }
0x6f: {  	_ =	shalt  }
0x70: {  	_ =	shalt  }
0x71: {  	_ =	shalt  }
0x72: {  	_ =	shalt  }
0x73: {  	_ =	shalt  }
0x74: {  	_ =	shalt  }
0x75: {  	_ =	shalt  }
0x76: {  	_ =	shalt  }
0x77: {  	_ =	shalt  }
0x78: {  	_ =	shalt  }
0x79: {  	_ =	shalt  }
0x7a: {  	_ =	shalt  }
0x7b: {  	_ =	shalt  }
0x7c: {  	_ =	shalt  }
0x7d: {  	_ =	shalt  }
0x7e: {  	_ =	shalt  }
0x7f: {  	_ =	shalt  }
0x80: {  	_ =	shalt  }
0x81: {  	_ =	shalt  }
0x82: {  	_ =	shalt  }
0x83: {  	_ =	shalt  }
0x84: {  	_ =	shalt  }
0x85: {  	_ =	shalt  }
0x86: {  	_ =	shalt  }
0x87: {  	_ =	shalt  }
.Lfunc_end0:
.L_simem_size_0:
called_computation.5_lowered:
.L_overlay_start_0:
0x88: {  	s2 =	sld [smem:$0x3FD9]  }
0x89: {  	s3 =	sld [smem:$0x3FFE];
	_ =	sdelay $0x1  }
0x8a: {  	s1 =	srdreg.scid  }
0x8b: {  	s0 =	sand.u32 $0x1, s1  }
0x8c: {  	s17 =	sshll.u32 s0, $0xA;
	s2 =	sadd.s32 s3, s2  }
0x8d: {  	s2 =	sadd.s32 s2, s17  }
0x8e: {  	[smem:$0x3FBC] =	sst s2  }
0x8f: {  	_ = 	snop  }
0x90: {  	s2 =	sld [smem:$0x3FD0];
	(tm) =	ssettm $0x1  }
0x91: {  	s18 =	sld [smem:$0x3FFB];
	_ =	sdelay $0x3  }
0x92: {  	_ =	strace s18  }
0x93: {  	s3 =	sld [smem:$0x3FFC];
	_ =	sdelay $0x3  }
0x94: {  	_ =	strace s3  }
0x95: {  	s3 =	sld [smem:$0x3FFD];
	_ =	sdelay $0x3  }
0x96: {  	_ =	strace s3  }
0x97: {  	_ =	strace $0x8FFFFFFF  }
0x98: {  	s19 =	sld [smem:$0x3FDB];
	_ =	sdelay $0x1  }
0x99: {  	s4 =	simm.s32 $_scs_section_size  }
0x9a: {  	s5 =	simm.s32 $_size__tile_overlayer_lowered;
	s6 =	simm.s32 $_tile_overlayer_lowered  }
0x9b: {  	s22 =	simm.s32 $0x1BFF;
	s21 =	sshll.u32 s6, $0x1;
	s3 =	sadd.s32 s4, s19  }
0x9c: {  	s7 =	simm.s32 $0x0;
	s20 =	sshll.u32 s5, $0x1;
	s5 =	sadd.s32 s21, s3  }
0x9d: {  	[timem:s7], [sflag:s22] =	dma.local [hbm:s5], s20  }
0x9e: {  	_ =	swait.ge [sflag:s22], s20  }
0x9f: {  	s4 =	ssub.s32 $0x0, s20;
	[sflag:s22] =	ssyncset.done $0x0  }
0xa0: {  	[sflag:s22] =	ssyncadd.s32 s4;
	_ =	sdelay $0x1  }
0xa1: {  	s23 =	simm.s32 $0x1B8B  }
0xa2: {  	_ =	swait.ge [sflag:s23], $0x1  }
0xa3: {  	[sflag:s23] =	ssyncset.done $0x0  }
0xa4: {  	s25 =	simm.s32 $0x1B8E;
	s24 =	sld [smem:$0x3FFE];
	[sflag:s23] =	ssyncadd.s32 $0xFFFFFFFF  }
0xa5: {  	s26 =	simm.s32 $execute0_lowered;
	[smem:$0x3FD2] =	sst s25  }
0xa6: {  	s5 =	sshll.u32 s26, $0x1;
	_ =	strace $0x80000055;
	[dreg:$0x1] =	wrdreg $0xFFFFFFFF  }
0xa7: {  	s28 =	simm.s32 $_size_execute0_lowered;
	s3 =	sadd.s32 s3, s5;
	[dreg:$0x0] =	wrdreg $0x0  }
0xa8: {  	s5 =	sshll.u32 s28, $0x1;
	[dreg:$0x2] =	wrdreg s3  }
0xa9: {  	[dreg:$0x3] =	wrdreg s5  }
0xaa: {  	[dreg:$0x4] =	wrdreg $0xC0  }
0xab: {  	_ =	task [dreg:s7], $0x5FFFF  }
0xac: {  	[dreg:$0x1] =	wrdreg $0xFFFFFFFF  }
0xad: {  	[dreg:$0x0] =	wrdreg $0x60  }
0xae: {  	[dreg:$0x2] =	wrdreg s24  }
0xaf: {  	[dreg:$0x3] =	wrdreg s2  }
0xb0: {  	[dreg:$0x4] =	wrdreg $0xA8000  }
0xb1: {  	[dreg:$0x5] =	wrdreg $0x9  }
0xb2: {  	_ =	task.clear_ibuf [dreg:s7], $0x6FFFF;
	_ =	strace $0x90000055  }
0xb3: {  	s29 =	simm.s32 $0x9;
	_ =	strace $0x80000057  }
0xb4: {  	_ =	swait.ge [sflag:s29], $0x1  }
0xb5: {  	[sflag:s29] =	ssyncadd.s32 $0xFFFFFFFF  }
0xb6: {  	_ =	strace $0x90000057  }
0xb7: {  	_ =	sfence  }
0xb8: {  	s30 =	sld [smem:$0x0];
	_ =	sdelay $0x2  }
0xb9: {  	s31 =	sshll.u32 s1, $0xD;
	s1 =	sshrl.u32 s1, $0x2  }
0xba: {  	s3 =	sand.u32 $0x4000, s31;
	s1 =	sadd.s32 s1, s30  }
0xbb: {  	s0 =	sor.u32 s3, s0;
	s1 =	sshll.u32 s1, $0x11  }
0xbc: {  	s0 =	sor.u32 s1, s0  }
0xbd: {  	s0 =	sadd.s32 $0x8F2B, s0  }
0xbe: {  	[sflag:s0] =	ssyncadd.remote.s32 $0x1  }
0xbf: {  	_ =	sfence.sel $0xFFFF  }
0xc0: {  	[dreg:$0x0] =	wrdreg $0xFFFFFFFF;
	(pc) =	sbr.abs _section_cstart, $3  }
0xc1: {  	[dreg:$0x1] =	wrdreg $0xFFFFFFFF  }
0xc2: {  	_ =	task.clear_ibuf [dreg:s7], $0x2FFFF;
	_ =	strace $0x9FFFFFFF  }
0xc3: {  	(tm) =	ssettm $0x7FFFFFFF  }
tec
execute0_lowered:
.L_overlay_start_1:
0x0: {  	(tag) =	ssettag $0x1  }
0x1: {  	s6 =	rddreg [dreg:$0x0]  }
0x2: {  	s9 =	rddreg [dreg:$0x1]  }
0x3: {  	s1 =	rddreg [dreg:$0x2]  }
0x4: {  	s0 =	rddreg [dreg:$0x3];
	s3 =	simm.s32 $0x0;
	s2 =	srdreg.scid  }
0x5: {  	s17 =	simm.s32 $0x2800;
	s18 =	simm.s32 $0x6800;
	s19 =	simm.s32 $0x1  }
0x6: {  	s20 =	simm.s32 $0x2;
	s21 =	simm.s32 $0x1380;
	s22 =	simm.s32 $0x2700  }
0x7: {  	s23 =	simm.s32 $0x2780;
	[smem:$0x7FF] =	sst s3;
	s7 =	sand.u32 $0x1, s2  }
0x8: {  	s2 =	stileid.u32;
	s4 =	sadd.s32 $0x17E00, s6;
	s8 =	smul.u32 $0x140000, s7  }
0x9: {  	s11 =	sadd.s32 $0xDE00, s6;
	s5 =	sadd.s32 $0x3E00, s6;
	s10 =	smul.u32 $0x14000, s2  }
0xa: {  	_ =	strace $0x80000056;
	s25 =	sshll.u32 s7, $0x4;
	s12 =	smul.u32 $0x51000, s2  }
0xb: {  	s7 =	ssub.s32 $0x2, s7;
	s26 =	sshll.u32 s2, $0x6;
	s31 =	smul.u32 $0x50000, s2  }
0xc: {  	s13 =	sshrl.u32 s7, $0x1;
	s8 =	sadd.s32 s10, s8;
	s10 =	sor.u32 s2, s25  }
0xd: {  	s12 =	sshrl.u32 s12, $0x2;
	s13 =	ssub.s32 s7, s13;
	s25 =	simm.s32 $0x0  }
0xe: {  	s8 =	sshrl.u32 s8, $0x3;
	s14 =	smul.u32 $0x2800, s10;
	s16 =	sadd.s32 s12, s1  }
0xf: {  	s28 =	smul.u32 $0x500, s10;
	s12 =	sshrl.u32 s31, $0x2;
	s15 =	sadd.s32 s8, s6  }
0x10: {  	s6 =	sor.u32 $0x1C03, s26;
	s24 =	sadd.s32 s12, s1;
	s12 =	smax.u32 s13, $0x1  }
0x11: {  	s13 =	sshrl.u32 s16, $0x3;
	s16 =	simm.s32 $0x80;
	s29 =	sshrl.u32 s14, $0x3  }
0x12: {  	s7 =	sadd.s32 s9, s28;
	s8 =	sadd.s32 s11, s28;
	s30 =	sadd.s32 $0x280, s29  }
0x13: {  	s14 =	simm.s32 $0x3;
	s24 =	sshrl.u32 s24, $0x3;
	s9 =	sadd.s32 s9, s30  }
0x14: {  	s10 =	sadd.s32 s11, s30;
	s11 =	sadd.s32 $0x3FE00, s15;
	s15 =	simm.s32 $0x1400  }
.LBB2_1:
0x15: {  	[spmem:s13], [sflag:s6] =	dma.local [hbm:s5], $0x2880  }
0x16: {  	_ =	swait.ge [sflag:s14], $0x2880  }
0x17: {  	[sflag:s14] =	ssyncset.done $0x0  }
0x18: {  	[sflag:s14] =	ssyncadd.s32 $0xFFFFD780  }
0x19: {  	[bflag:$0x0] =	sbarrier.arrive $0xFFFF  }
0x1a: {  	[tilespmem:s3], [sflag:$0x3] =	stream.linear.gather [hbm4b:s7+s3], $0x1400, $0x38;
	[tilespmem:$0x1EC00] =	vst v63  }
0x1b: {  	_ =	swait.ge [sflag:s14], $0x1400  }
0x1c: {  	[sflag:s14] =	ssyncset.done $0x0  }
0x1d: {  	[sflag:s14] =	ssyncadd.s32 $0xFFFFEC00  }
0x1e: {  	[tilespmem:s15], [sflag:$0x3] =	stream.linear.gather [hbm4b:s8+s3], $0x1400, $0x38;
	[tilespmem:$0x1EC00] =	vst v63  }
0x1f: {  	_ =	swait.ge [sflag:s14], $0x1400  }
0x20: {  	[sflag:s14] =	ssyncset.done $0x0  }
0x21: {  	[sflag:s14] =	ssyncadd.s32 $0xFFFFEC00  }
0x22: {  	[tilespmem:s17], [sflag:$0x1] =	stream.indirect.gather [hbm4b:s4+s16], $0x80, s3, s16, $0xb8;
	[tilespmem:$0x1EC00] =	vst v63  }
0x23: {  	s26 =	simm.s32 $0x80  }
0x24: {  	[tilespmem:s18], [sflag:$0x2] =	stream.indirect.gather [hbm4b:s4+s16], $0x80, s26, s16, $0xb8;
	[tilespmem:$0x1EC00] =	vst v63  }
0x25: {  	_ =	swait.ge [sflag:s19], $0x4000  }
0x26: {  	[sflag:s19] =	ssyncset.done $0x0  }
0x27: {  	s29 =	simm.s32 $0x1400;
	[sflag:s19] =	ssyncadd.s32 $0xFFFFC000  }
0x28: {  	[spmem:s1] =	stream.indirect.scatter.add.f32 [tilespmem:s17], [sflag:$0x3], $0x80, s29, s16, $0xb8;
	[tilespmem:$0x1EC00] =	vst v63  }
0x29: {  	_ =	swait.ge [sflag:s14], $0x4000  }
0x2a: {  	[sflag:s14] =	ssyncset.done $0x0  }
0x2b: {  	s30 =	simm.s32 $0x100;
	[sflag:s14] =	ssyncadd.s32 $0xFFFFC000  }
0x2c: {  	[tilespmem:s17], [sflag:$0x1] =	stream.indirect.gather [hbm4b:s4+s16], $0x80, s30, s16, $0xb8;
	[tilespmem:$0x1EC00] =	vst v63  }
0x2d: {  	_ =	swait.ge [sflag:s20], $0x4000  }
0x2e: {  	[sflag:s20] =	ssyncset.done $0x0  }
0x2f: {  	s31 =	simm.s32 $0x1480;
	[sflag:s20] =	ssyncadd.s32 $0xFFFFC000  }
0x30: {  	[spmem:s1] =	stream.indirect.scatter.add.f32 [tilespmem:s18], [sflag:$0x3], $0x80, s31, s16, $0xb8;
	[tilespmem:$0x1EC00] =	vst v63  }
0x31: {  	_ =	swait.ge [sflag:s14], $0x4000  }
0x32: {  	s28 =	simm.s32 $0x800;
	s26 =	simm.s32 $0x100;
	[sflag:s14] =	ssyncset.done $0x0  }
.LBB2_2:
0x33: {  	s29 =	sadd.s32 $0x80, s26  }
0x34: {  	[sflag:s14] =	ssyncadd.s32 $0xFFFFC000;
	s30 =	smov.u32 s28;
	s31 =	sadd.s32 $0x400, s28  }
0x35: {  	[tilespmem:s18], [sflag:$0x2] =	stream.indirect.gather [hbm4b:s4+s16], $0x80, s29, s16, $0xb8;
	[tilespmem:$0x1EC00] =	vst v63  }
0x36: {  	p0 =	sne.s32 s28, $0x4800;
	_ =	swait.ge [sflag:s19], $0x4000  }
0x37: {  	[sflag:s19] =	ssyncset.done $0x0  }
0x38: {  	s28 =	sadd.s32 $0x1400, s26;
	[sflag:s19] =	ssyncadd.s32 $0xFFFFC000  }
0x39: {  	[spmem:s1] =	stream.indirect.scatter.add.f32 [tilespmem:s17], [sflag:$0x3], $0x80, s28, s16, $0xb8;
	[tilespmem:$0x1EC00] =	vst v63  }
0x3a: {  	_ =	swait.ge [sflag:s14], $0x4000  }
0x3b: {  	[sflag:s14] =	ssyncset.done $0x0  }
0x3c: {  	s28 =	sadd.s32 $0x100, s26;
	[sflag:s14] =	ssyncadd.s32 $0xFFFFC000  }
0x3d: {  	[tilespmem:s17], [sflag:$0x1] =	stream.indirect.gather [hbm4b:s4+s16], $0x80, s28, s16, $0xb8;
	[tilespmem:$0x1EC00] =	vst v63  }
0x3e: {  	_ =	swait.ge [sflag:s20], $0x4000  }
.Ltmp0:
0x3f: {  	[sflag:s20] =	ssyncset.done $0x0;
	(pc) =	sbr.rel @p0 .LBB2_2-.Ltmp0, $4  }
0x40: {  	s26 =	sadd.s32 $0x1480, s26;
	[sflag:s20] =	ssyncadd.s32 $0xFFFFC000  }
0x41: {  	[spmem:s1] =	stream.indirect.scatter.add.f32 [tilespmem:s18], [sflag:$0x3], $0x80, s26, s16, $0xb8;
	[tilespmem:$0x1EC00] =	vst v63  }
0x42: {  	_ =	swait.ge [sflag:s14], $0x4000  }
0x43: {  	s28 =	smov.u32 s31;
	s26 =	sshra.s32 s30, $0x2;
	[sflag:s14] =	ssyncset.done $0x0  }
0x44: {  	s28 =	sadd.s32 $0x80, s26;
	[sflag:s14] =	ssyncadd.s32 $0xFFFFC000  }
0x45: {  	[tilespmem:s18], [sflag:$0x2] =	stream.indirect.gather [hbm4b:s4+s16], $0x80, s28, s16, $0xb8;
	[tilespmem:$0x1EC00] =	vst v63  }
0x46: {  	_ =	swait.ge [sflag:s19], $0x4000  }
0x47: {  	[sflag:s19] =	ssyncset.done $0x0  }
0x48: {  	s28 =	sadd.s32 $0x1400, s26;
	[sflag:s19] =	ssyncadd.s32 $0xFFFFC000  }
0x49: {  	[spmem:s1] =	stream.indirect.scatter.add.f32 [tilespmem:s17], [sflag:$0x3], $0x80, s28, s16, $0xb8;
	[tilespmem:$0x1EC00] =	vst v63  }
0x4a: {  	_ =	swait.ge [sflag:s14], $0x4000  }
0x4b: {  	[sflag:s14] =	ssyncset.done $0x0  }
0x4c: {  	s28 =	sadd.s32 $0x100, s26;
	[sflag:s14] =	ssyncadd.s32 $0xFFFFC000  }
0x4d: {  	[tilespmem:s17], [sflag:$0x1] =	stream.indirect.gather [hbm4b:s4+s16], $0x80, s28, s16, $0xb8;
	[tilespmem:$0x1EC00] =	vst v63  }
0x4e: {  	_ =	swait.ge [sflag:s20], $0x4000  }
0x4f: {  	[sflag:s20] =	ssyncset.done $0x0  }
0x50: {  	s29 =	sadd.s32 $0x1480, s26;
	[sflag:s20] =	ssyncadd.s32 $0xFFFFC000  }
0x51: {  	[spmem:s1] =	stream.indirect.scatter.add.f32 [tilespmem:s18], [sflag:$0x3], $0x80, s29, s16, $0xb8;
	[tilespmem:$0x1EC00] =	vst v63  }
0x52: {  	_ =	swait.ge [sflag:s14], $0x4000  }
0x53: {  	[sflag:s14] =	ssyncset.done $0x0  }
0x54: {  	[sflag:s14] =	ssyncadd.s32 $0xFFFFC000  }
0x55: {  	[tilespmem:s18], [sflag:$0x2] =	stream.indirect.gather [hbm4b:s4+s16], $0x80, s21, s16, $0xb8;
	[tilespmem:$0x1EC00] =	vst v63  }
0x56: {  	_ =	swait.ge [sflag:s19], $0x4000  }
0x57: {  	[sflag:s19] =	ssyncset.done $0x0  }
0x58: {  	[sflag:s19] =	ssyncadd.s32 $0xFFFFC000  }
0x59: {  	[spmem:s1] =	stream.indirect.scatter.add.f32 [tilespmem:s17], [sflag:$0x3], $0x80, s22, s16, $0xb8;
	[tilespmem:$0x1EC00] =	vst v63  }
0x5a: {  	_ =	swait.ge [sflag:s14], $0x4000  }
0x5b: {  	[sflag:s14] =	ssyncset.done $0x0  }
0x5c: {  	[sflag:s14] =	ssyncadd.s32 $0xFFFFC000  }
0x5d: {  	_ =	swait.ge [sflag:s20], $0x4000  }
0x5e: {  	[sflag:s20] =	ssyncset.done $0x0  }
0x5f: {  	[sflag:s20] =	ssyncadd.s32 $0xFFFFC000  }
0x60: {  	[spmem:s1] =	stream.indirect.scatter.add.f32 [tilespmem:s18], [sflag:$0x3], $0x80, s23, s16, $0xb8;
	[tilespmem:$0x1EC00] =	vst v63  }
0x61: {  	_ =	swait.ge [sflag:s14], $0x4000  }
0x62: {  	[sflag:s14] =	ssyncset.done $0x0  }
0x63: {  	s30 =	simm.s32 $0x0;
	[sflag:s14] =	ssyncadd.s32 $0xFFFFC000  }
0x64: {  	[tilespmem:s30], [sflag:$0x3] =	stream.linear.gather [hbm4b:s9+s30], $0x1400, $0x38;
	[tilespmem:$0x1EC00] =	vst v63  }
0x65: {  	_ =	swait.ge [sflag:s14], $0x1400  }
0x66: {  	[sflag:s14] =	ssyncset.done $0x0  }
0x67: {  	[sflag:s14] =	ssyncadd.s32 $0xFFFFEC00  }
0x68: {  	[tilespmem:s15], [sflag:$0x3] =	stream.linear.gather [hbm4b:s10+s30], $0x1400, $0x38;
	[tilespmem:$0x1EC00] =	vst v63  }
0x69: {  	_ =	swait.ge [sflag:s14], $0x1400  }
0x6a: {  	[sflag:s14] =	ssyncset.done $0x0  }
0x6b: {  	[sflag:s14] =	ssyncadd.s32 $0xFFFFEC00  }
0x6c: {  	[tilespmem:s17], [sflag:$0x1] =	stream.indirect.gather [hbm4b:s4+s16], $0x80, s30, s16, $0xb8;
	[tilespmem:$0x1EC00] =	vst v63  }
0x6d: {  	s31 =	simm.s32 $0x80  }
0x6e: {  	[tilespmem:s18], [sflag:$0x2] =	stream.indirect.gather [hbm4b:s4+s16], $0x80, s31, s16, $0xb8;
	[tilespmem:$0x1EC00] =	vst v63  }
0x6f: {  	_ =	swait.ge [sflag:s19], $0x4000  }
0x70: {  	[sflag:s19] =	ssyncset.done $0x0  }
0x71: {  	s29 =	simm.s32 $0x1400;
	[sflag:s19] =	ssyncadd.s32 $0xFFFFC000  }
0x72: {  	[spmem:s1] =	stream.indirect.scatter.add.f32 [tilespmem:s17], [sflag:$0x3], $0x80, s29, s16, $0xb8;
	[tilespmem:$0x1EC00] =	vst v63  }
0x73: {  	_ =	swait.ge [sflag:s14], $0x4000  }
0x74: {  	[sflag:s14] =	ssyncset.done $0x0  }
0x75: {  	s30 =	simm.s32 $0x100;
	[sflag:s14] =	ssyncadd.s32 $0xFFFFC000  }
0x76: {  	[tilespmem:s17], [sflag:$0x1] =	stream.indirect.gather [hbm4b:s4+s16], $0x80, s30, s16, $0xb8;
	[tilespmem:$0x1EC00] =	vst v63  }
0x77: {  	_ =	swait.ge [sflag:s20], $0x4000  }
0x78: {  	[sflag:s20] =	ssyncset.done $0x0  }
0x79: {  	s31 =	simm.s32 $0x1480;
	[sflag:s20] =	ssyncadd.s32 $0xFFFFC000  }
0x7a: {  	[spmem:s1] =	stream.indirect.scatter.add.f32 [tilespmem:s18], [sflag:$0x3], $0x80, s31, s16, $0xb8;
	[tilespmem:$0x1EC00] =	vst v63  }
0x7b: {  	_ =	swait.ge [sflag:s14], $0x4000  }
0x7c: {  	s26 =	simm.s32 $0x100;
	s28 =	simm.s32 $0x800;
	[sflag:s14] =	ssyncset.done $0x0  }
.LBB2_4:
0x7d: {  	s29 =	sadd.s32 $0x80, s26  }
0x7e: {  	[sflag:s14] =	ssyncadd.s32 $0xFFFFC000;
	s30 =	smov.u32 s28;
	s31 =	sadd.s32 $0x400, s28  }
0x7f: {  	[tilespmem:s18], [sflag:$0x2] =	stream.indirect.gather [hbm4b:s4+s16], $0x80, s29, s16, $0xb8;
	[tilespmem:$0x1EC00] =	vst v63  }
0x80: {  	p0 =	sne.s32 s28, $0x4800;
	_ =	swait.ge [sflag:s19], $0x4000  }
0x81: {  	[sflag:s19] =	ssyncset.done $0x0  }
0x82: {  	s28 =	sadd.s32 $0x1400, s26;
	[sflag:s19] =	ssyncadd.s32 $0xFFFFC000  }
0x83: {  	[spmem:s1] =	stream.indirect.scatter.add.f32 [tilespmem:s17], [sflag:$0x3], $0x80, s28, s16, $0xb8;
	[tilespmem:$0x1EC00] =	vst v63  }
0x84: {  	_ =	swait.ge [sflag:s14], $0x4000  }
0x85: {  	[sflag:s14] =	ssyncset.done $0x0  }
0x86: {  	s28 =	sadd.s32 $0x100, s26;
	[sflag:s14] =	ssyncadd.s32 $0xFFFFC000  }
0x87: {  	[tilespmem:s17], [sflag:$0x1] =	stream.indirect.gather [hbm4b:s4+s16], $0x80, s28, s16, $0xb8;
	[tilespmem:$0x1EC00] =	vst v63  }
0x88: {  	_ =	swait.ge [sflag:s20], $0x4000  }
.Ltmp1:
0x89: {  	[sflag:s20] =	ssyncset.done $0x0;
	(pc) =	sbr.rel @p0 .LBB2_4-.Ltmp1, $4  }
0x8a: {  	s26 =	sadd.s32 $0x1480, s26;
	[sflag:s20] =	ssyncadd.s32 $0xFFFFC000  }
0x8b: {  	[spmem:s1] =	stream.indirect.scatter.add.f32 [tilespmem:s18], [sflag:$0x3], $0x80, s26, s16, $0xb8;
	[tilespmem:$0x1EC00] =	vst v63  }
0x8c: {  	_ =	swait.ge [sflag:s14], $0x4000  }
0x8d: {  	s28 =	smov.u32 s31;
	s26 =	sshra.s32 s30, $0x2;
	[sflag:s14] =	ssyncset.done $0x0  }
0x8e: {  	s28 =	sadd.s32 $0x80, s26;
	[sflag:s14] =	ssyncadd.s32 $0xFFFFC000  }
0x8f: {  	[tilespmem:s18], [sflag:$0x2] =	stream.indirect.gather [hbm4b:s4+s16], $0x80, s28, s16, $0xb8;
	[tilespmem:$0x1EC00] =	vst v63  }
0x90: {  	_ =	swait.ge [sflag:s19], $0x4000  }
0x91: {  	[sflag:s19] =	ssyncset.done $0x0  }
0x92: {  	s29 =	sadd.s32 $0x1400, s26;
	[sflag:s19] =	ssyncadd.s32 $0xFFFFC000  }
0x93: {  	[spmem:s1] =	stream.indirect.scatter.add.f32 [tilespmem:s17], [sflag:$0x3], $0x80, s29, s16, $0xb8;
	[tilespmem:$0x1EC00] =	vst v63  }
0x94: {  	_ =	swait.ge [sflag:s14], $0x4000  }
0x95: {  	[sflag:s14] =	ssyncset.done $0x0  }
0x96: {  	s30 =	sadd.s32 $0x100, s26;
	[sflag:s14] =	ssyncadd.s32 $0xFFFFC000  }
0x97: {  	[tilespmem:s17], [sflag:$0x1] =	stream.indirect.gather [hbm4b:s4+s16], $0x80, s30, s16, $0xb8;
	[tilespmem:$0x1EC00] =	vst v63  }
0x98: {  	_ =	swait.ge [sflag:s20], $0x4000  }
0x99: {  	[sflag:s20] =	ssyncset.done $0x0  }
0x9a: {  	s31 =	sadd.s32 $0x1480, s26;
	[sflag:s20] =	ssyncadd.s32 $0xFFFFC000  }
0x9b: {  	[spmem:s1] =	stream.indirect.scatter.add.f32 [tilespmem:s18], [sflag:$0x3], $0x80, s31, s16, $0xb8;
	[tilespmem:$0x1EC00] =	vst v63  }
0x9c: {  	_ =	swait.ge [sflag:s14], $0x4000  }
0x9d: {  	[sflag:s14] =	ssyncset.done $0x0  }
0x9e: {  	[sflag:s14] =	ssyncadd.s32 $0xFFFFC000  }
0x9f: {  	[tilespmem:s18], [sflag:$0x2] =	stream.indirect.gather [hbm4b:s4+s16], $0x80, s21, s16, $0xb8;
	[tilespmem:$0x1EC00] =	vst v63  }
0xa0: {  	_ =	swait.ge [sflag:s19], $0x4000  }
0xa1: {  	[sflag:s19] =	ssyncset.done $0x0  }
0xa2: {  	[sflag:s19] =	ssyncadd.s32 $0xFFFFC000  }
0xa3: {  	[spmem:s1] =	stream.indirect.scatter.add.f32 [tilespmem:s17], [sflag:$0x3], $0x80, s22, s16, $0xb8;
	[tilespmem:$0x1EC00] =	vst v63  }
0xa4: {  	_ =	swait.ge [sflag:s14], $0x4000  }
0xa5: {  	[sflag:s14] =	ssyncset.done $0x0  }
0xa6: {  	[sflag:s14] =	ssyncadd.s32 $0xFFFFC000  }
0xa7: {  	_ =	swait.ge [sflag:s20], $0x4000  }
0xa8: {  	[sflag:s20] =	ssyncset.done $0x0  }
0xa9: {  	[sflag:s20] =	ssyncadd.s32 $0xFFFFC000  }
0xaa: {  	[spmem:s1] =	stream.indirect.scatter.add.f32 [tilespmem:s18], [sflag:$0x3], $0x80, s23, s16, $0xb8;
	[tilespmem:$0x1EC00] =	vst v63  }
0xab: {  	_ =	swait.ge [sflag:s14], $0x4000  }
0xac: {  	s25 =	sadd.s32 $0x1, s25;
	[sflag:s14] =	ssyncset.done $0x0  }
0xad: {  	p0 =	sne.s32 s25, s12;
	[sflag:s14] =	ssyncadd.s32 $0xFFFFC000  }
.Ltmp2:
0xae: {  	[bflag:$0x0] =	sbarrier.arrive $0xFFFF;
	(pc) =	sbr.rel @p0 .LBB2_1-.Ltmp2, $4  }
0xaf: {  	[hbm:s11], [sflag:s6] =	dma.local [spmem:s24], $0x2800  }
0xb0: {  	_ =	swait.ge [sflag:s14], $0x2800  }
0xb1: {  	[sflag:s14] =	ssyncset.done $0x0  }
0xb2: {  	[sflag:s14] =	ssyncadd.s32 $0xFFFFD800  }
0xb3: {  	_ =	sfence.sel $0x180000  }
0xb4: {  	[bflag:$0x0] =	sbarrier.arrive $0xFFFF  }
0xb5: {  	p0 =	sne.s32 s2, $0x0;
	_ =	strace $0x90000056  }
0xb6: {  	s0 =	sadd.s32 @!p0 $0x100000, s0;
	[bflag:$0x2] =	sbarrier.arrive $0xFFFF  }
0xb7: {  	[sflag:s0] =	ssyncadd.tile.s32 @!p0 $0x1;
	_ =	shalt  }
.Lfunc_end2:
_tile_overlayer_lowered:
.L_overlay_start_2:
0xb8: {  	(tag) =	ssettag $0x2  }
0xb9: {  	s0 =	rddreg [dreg:$0x0];
	s2 =	stileid.u32  }
0xba: {  	s1 =	rddreg [dreg:$0x1];
	p0 =	sne.s32 s2, $0x0  }
0xbb: {  	s3 =	rddreg [dreg:$0x2];
	[bflag:$0x3] =	sbarrier.arrive $0xFFFF;
	s2 =	simm.s32 @!p0 $0x1C03  }
0xbc: {  	[timem:s3], [sflag:s2] =	dma.local @!p0 [hbm:s0], s1  }
0xbd: {  	s0 =	simm.s32 @!p0 $0x3  }
0xbe: {  	_ =	swait.ge @!p0 [sflag:s0], s1  }
0xbf: {  	s1 =	ssub.s32 @!p0 $0x0, s1;
	[sflag:s0] =	ssyncset.done @!p0 $0x0  }
0xc0: {  	[sflag:s0] =	ssyncadd.s32 @!p0 s1  }
0xc1: {  	[bflag:$0x3] =	sbarrier.arrive $0xFFFF  }
0xc2: {  	_ =	shalt  }

</sc_bundles>
